<compile_context>
chip_gen: v7x
topology: tpu7x:2x2x1
jax: 0.10.2.dev20260603
libtpu: 0.0.44.dev20260713+nightly
codegen_flags: <defaults>
</compile_context>

<pallas_src>
import functools

import jax
import jax.numpy as jnp
from jax import lax
from jax.experimental import pallas as pl
from jax.experimental.pallas import tpu as pltpu
from jax.experimental.pallas import tpu_sc as plsc

N = 10000
E = 320000
D = 128
NT = 16
CHUNK = 64
EPT = 20480
E_PAD = EPT * NT
NP = 10016
ROWS_PT = 632
LAST_R0 = 15 * ROWS_PT
LAST_ROWS = NP - LAST_R0
NCHUNK = EPT // CHUNK

_MESH = plsc.VectorSubcoreMesh(core_axis_name="c", subcore_axis_name="s")


def _copy_idx(src_ref, dst_ref):
    def body(i, _):
        sl = pl.ds(i * 16, 16)
        dst_ref[sl] = src_ref[sl]
        return 0
    lax.fori_loop(0, CHUNK // 16, body, 0, unroll=True)


def _s1_body(swap, xsrc, dste, srce, wre, wie, z128, out,
             acc,
             idx0, idx1, src0, src1, wr0, wr1, wi0, wi1, wa0, wa1,
             gr0, gr1, ms0, ms1, sx0, sx1,
             sl0, sl1, sg0, sg1, ss0, ss1):
    c = lax.axis_index("c")
    s = lax.axis_index("s")
    r0 = s * ROWS_PT

    @pl.when(s < NT - 1)
    def _():
        pltpu.sync_copy(z128.at[pl.ds(r0, ROWS_PT)], acc.at[pl.ds(r0, ROWS_PT)])

    @pl.when(s == NT - 1)
    def _():
        pltpu.sync_copy(z128.at[pl.ds(LAST_R0, LAST_ROWS)],
                        acc.at[pl.ds(LAST_R0, LAST_ROWS)])

    plsc.subcore_barrier()

    wr_core = 1 if swap else 0
    base0 = s * EPT
    idxv = [idx0, idx1]
    srcv = [src0, src1]
    wrv = [wr0, wr1]
    wiv = [wi0, wi1]
    wA = [wa0, wa1]
    grow = [gr0, gr1]
    msg = [ms0, ms1]
    scx = [sx0, sx1]
    sem_ld = [sl0, sl1]
    sem_g = [sg0, sg1]
    sem_s = [ss0, ss1]

    def loads(k, b):
        e0 = base0 + k * CHUNK
        pltpu.async_copy(dste.at[pl.ds(e0, CHUNK)], idxv[b], sem_ld[b])
        pltpu.async_copy(srce.at[pl.ds(e0, CHUNK)], srcv[b], sem_ld[b])
        pltpu.async_copy(wre.at[pl.ds(e0, CHUNK)], wrv[b], sem_ld[b])
        pltpu.async_copy(wie.at[pl.ds(e0, CHUNK)], wiv[b], sem_ld[b])

    def wait_loads(b):
        pltpu.make_async_copy(dste.at[pl.ds(0, CHUNK)], idxv[b], sem_ld[b]).wait()
        pltpu.make_async_copy(srce.at[pl.ds(0, CHUNK)], srcv[b], sem_ld[b]).wait()
        pltpu.make_async_copy(wre.at[pl.ds(0, CHUNK)], wrv[b], sem_ld[b]).wait()
        pltpu.make_async_copy(wie.at[pl.ds(0, CHUNK)], wiv[b], sem_ld[b]).wait()

    def issue_gather(b):
        pltpu.async_copy(xsrc.at[idxv[b]], grow[b], sem_g[b])

    def wait_gather(b):
        pltpu.make_async_copy(xsrc.at[idxv[b]], grow[b], sem_g[b]).wait()

    def compute(b):
        def selw(g, _):
            sl16 = pl.ds(g * 16, 16)
            wA[b][sl16] = jnp.where(c == wr_core, wrv[b][sl16], wiv[b][sl16])
            return 0
        lax.fori_loop(0, CHUNK // 16, selw, 0)

        @plsc.parallel_loop(0, CHUNK, unroll=4)
        def _edge(e):
            a = wA[b][pl.ds(e, 16)][0]
            for j in range(D // 16):
                sl = pl.ds(j * 16, 16)
                msg[b][e, sl] = a * grow[b][e, sl]

    def issue_scatter(b):
        _copy_idx(srcv[b], scx[b])
        pltpu.async_copy(msg[b], acc.at[scx[b]], sem_s[b], add=True)

    def wait_scatter(b):
        pltpu.make_async_copy(msg[b], acc.at[scx[b]], sem_s[b]).wait()

    loads(0, 0)
    loads(1, 1)
    wait_loads(0)
    issue_gather(0)

    @pl.loop(0, NCHUNK, step=2)
    def _pipeline(k):
        for b in (0, 1):
            o = 1 - b
            kk = k + b

            @pl.when(kk + 1 < NCHUNK)
            def _():
                wait_loads(o)
                issue_gather(o)

            @pl.when(kk >= 2)
            def _():
                wait_scatter(b)

            wait_gather(b)
            compute(b)
            issue_scatter(b)

            @pl.when(kk + 2 < NCHUNK)
            def _():
                loads(kk + 2, b)

    wait_scatter(0)
    wait_scatter(1)
    plsc.subcore_barrier()

    @pl.when(s < NT - 1)
    def _():
        pltpu.sync_copy(acc.at[pl.ds(r0, ROWS_PT)],
                        out.at[pl.ds(c * NP + r0, ROWS_PT)])

    @pl.when(s == NT - 1)
    def _():
        pltpu.sync_copy(acc.at[pl.ds(LAST_R0, LAST_ROWS)],
                        out.at[pl.ds(c * NP + LAST_R0, LAST_ROWS)])


def _s2_body(s1a, s1b, dste, srce, wre, wie, z128, out,
             acc,
             idx0, idx1, src0, src1, wr0, wr1, wi0, wi1,
             wa0, wa1, wb0, wb1,
             ga0, ga1, gb0, gb1, ms0, ms1, sx0, sx1,
             sl0, sl1, sg0, sg1, ss0, ss1):
    c = lax.axis_index("c")
    s = lax.axis_index("s")
    r0 = s * ROWS_PT

    @pl.when(s < NT - 1)
    def _():
        pltpu.sync_copy(z128.at[pl.ds(r0, ROWS_PT)], acc.at[pl.ds(r0, ROWS_PT)])

    @pl.when(s == NT - 1)
    def _():
        pltpu.sync_copy(z128.at[pl.ds(LAST_R0, LAST_ROWS)],
                        acc.at[pl.ds(LAST_R0, LAST_ROWS)])

    plsc.subcore_barrier()

    base0 = s * EPT
    goff = c * NP
    idxv = [idx0, idx1]
    srcv = [src0, src1]
    wrv = [wr0, wr1]
    wiv = [wi0, wi1]
    wA = [wa0, wa1]
    wB = [wb0, wb1]
    gA = [ga0, ga1]
    gB = [gb0, gb1]
    msg = [ms0, ms1]
    scx = [sx0, sx1]
    sem_ld = [sl0, sl1]
    sem_g = [sg0, sg1]
    sem_s = [ss0, ss1]

    def loads(k, b):
        e0 = base0 + k * CHUNK
        pltpu.async_copy(dste.at[pl.ds(e0, CHUNK)], idxv[b], sem_ld[b])
        pltpu.async_copy(srce.at[pl.ds(e0, CHUNK)], srcv[b], sem_ld[b])
        pltpu.async_copy(wre.at[pl.ds(e0, CHUNK)], wrv[b], sem_ld[b])
        pltpu.async_copy(wie.at[pl.ds(e0, CHUNK)], wiv[b], sem_ld[b])

    def wait_loads(b):
        pltpu.make_async_copy(dste.at[pl.ds(0, CHUNK)], idxv[b], sem_ld[b]).wait()
        pltpu.make_async_copy(srce.at[pl.ds(0, CHUNK)], srcv[b], sem_ld[b]).wait()
        pltpu.make_async_copy(wre.at[pl.ds(0, CHUNK)], wrv[b], sem_ld[b]).wait()
        pltpu.make_async_copy(wie.at[pl.ds(0, CHUNK)], wiv[b], sem_ld[b]).wait()

    def issue_gathers(b):
        def adjA(i, _):
            sl = pl.ds(i * 16, 16)
            idxv[b][sl] = idxv[b][sl] + goff
            return 0
        lax.fori_loop(0, CHUNK // 16, adjA, 0, unroll=True)
        pltpu.async_copy(s1a.at[idxv[b]], gA[b], sem_g[b])
        pltpu.async_copy(s1b.at[idxv[b]], gB[b], sem_g[b])

    def wait_gathers(b):
        pltpu.make_async_copy(s1a.at[idxv[b]], gA[b], sem_g[b]).wait()
        pltpu.make_async_copy(s1b.at[idxv[b]], gB[b], sem_g[b]).wait()

    def compute(b):
        def selw(g, _):
            sl16 = pl.ds(g * 16, 16)
            wr16 = wrv[b][sl16]
            wi16 = wiv[b][sl16]
            wA[b][sl16] = jnp.where(c == 0, wr16, wi16)
            wB[b][sl16] = jnp.where(c == 0, -wi16, wr16)
            return 0
        lax.fori_loop(0, CHUNK // 16, selw, 0)

        @plsc.parallel_loop(0, CHUNK, unroll=4)
        def _edge(e):
            a = wA[b][pl.ds(e, 16)][0]
            bb = wB[b][pl.ds(e, 16)][0]
            for j in range(D // 16):
                sl = pl.ds(j * 16, 16)
                msg[b][e, sl] = a * gA[b][e, sl] + bb * gB[b][e, sl]

    def issue_scatter(b):
        _copy_idx(srcv[b], scx[b])
        pltpu.async_copy(msg[b], acc.at[scx[b]], sem_s[b], add=True)

    def wait_scatter(b):
        pltpu.make_async_copy(msg[b], acc.at[scx[b]], sem_s[b]).wait()

    loads(0, 0)
    loads(1, 1)
    wait_loads(0)
    issue_gathers(0)

    @pl.loop(0, NCHUNK, step=2)
    def _pipeline(k):
        for b in (0, 1):
            o = 1 - b
            kk = k + b

            @pl.when(kk + 1 < NCHUNK)
            def _():
                wait_loads(o)
                issue_gathers(o)

            @pl.when(kk >= 2)
            def _():
                wait_scatter(b)

            wait_gathers(b)
            compute(b)
            issue_scatter(b)

            @pl.when(kk + 2 < NCHUNK)
            def _():
                loads(kk + 2, b)

    wait_scatter(0)
    wait_scatter(1)
    plsc.subcore_barrier()

    @pl.when(s < NT - 1)
    def _():
        pltpu.sync_copy(acc.at[pl.ds(r0, ROWS_PT)],
                        out.at[pl.ds(c * NP + r0, ROWS_PT)])

    @pl.when(s == NT - 1)
    def _():
        pltpu.sync_copy(acc.at[pl.ds(LAST_R0, LAST_ROWS)],
                        out.at[pl.ds(c * NP + LAST_R0, LAST_ROWS)])


def _tc_base_body(xr, xi, W, bias, baser, basei):
    W02 = W[0] - W[2]
    b = bias[0, :]
    dot = functools.partial(jnp.dot, preferred_element_type=jnp.float32)
    baser[...] = dot(xr[...], W02) + b
    basei[...] = dot(xi[...], W02) + b


def _tc_body(baser, basei, s1a, s1b, u2, W, outr, outi):
    W1 = W[1]
    W22 = 2.0 * W[2]

    rr = s1a[0]
    ri = s1a[1]
    ii = s1b[0]
    ir = s1b[1]

    dot = functools.partial(jnp.dot, preferred_element_type=jnp.float32)
    outr[...] = baser[...] + dot(ii - rr, W1) + dot(u2[0], W22)
    outi[...] = basei[...] - dot(ir + ri, W1) + dot(u2[1], W22)


def _sc_scratch_base():
    return [
        pltpu.VMEM_SHARED((NP, D), jnp.float32),
        pltpu.VMEM((CHUNK,), jnp.int32), pltpu.VMEM((CHUNK,), jnp.int32),
        pltpu.VMEM((CHUNK,), jnp.int32), pltpu.VMEM((CHUNK,), jnp.int32),
        pltpu.VMEM((CHUNK,), jnp.float32), pltpu.VMEM((CHUNK,), jnp.float32),
        pltpu.VMEM((CHUNK,), jnp.float32), pltpu.VMEM((CHUNK,), jnp.float32),
    ]


def _s1_scratch():
    return _sc_scratch_base() + [
        pltpu.VMEM((CHUNK + 16,), jnp.float32),
        pltpu.VMEM((CHUNK + 16,), jnp.float32),
        pltpu.VMEM((CHUNK, D), jnp.float32), pltpu.VMEM((CHUNK, D), jnp.float32),
        pltpu.VMEM((CHUNK, D), jnp.float32), pltpu.VMEM((CHUNK, D), jnp.float32),
        pltpu.VMEM((CHUNK,), jnp.int32), pltpu.VMEM((CHUNK,), jnp.int32),
    ] + [pltpu.SemaphoreType.DMA for _ in range(6)]


def _s2_scratch():
    return _sc_scratch_base() + [
        pltpu.VMEM((CHUNK + 16,), jnp.float32),
        pltpu.VMEM((CHUNK + 16,), jnp.float32),
        pltpu.VMEM((CHUNK + 16,), jnp.float32),
        pltpu.VMEM((CHUNK + 16,), jnp.float32),
        pltpu.VMEM((CHUNK, D), jnp.float32), pltpu.VMEM((CHUNK, D), jnp.float32),
        pltpu.VMEM((CHUNK, D), jnp.float32), pltpu.VMEM((CHUNK, D), jnp.float32),
        pltpu.VMEM((CHUNK, D), jnp.float32), pltpu.VMEM((CHUNK, D), jnp.float32),
        pltpu.VMEM((CHUNK,), jnp.int32), pltpu.VMEM((CHUNK,), jnp.int32),
    ] + [pltpu.SemaphoreType.DMA for _ in range(6)]


@jax.jit
def kernel(x_real, x_imag, edge_index, norm_real, norm_imag, W, bias):
    src = edge_index[0].astype(jnp.int32)
    dst = edge_index[1].astype(jnp.int32)
    wr = norm_real.astype(jnp.float32)
    wi = norm_imag.astype(jnp.float32)

    npad = E_PAD - E
    spread = (jnp.arange(npad, dtype=jnp.int32) * 61) % N
    dst_p = jnp.concatenate([dst, spread])
    src_p = jnp.concatenate([src, spread])
    zpad = jnp.zeros((npad,), jnp.float32)
    wr_p = jnp.concatenate([wr, zpad])
    wi_p = jnp.concatenate([wi, zpad])

    z128 = jnp.zeros((NP, D), jnp.float32)

    s1a = pl.kernel(
        functools.partial(_s1_body, False),
        out_type=jax.ShapeDtypeStruct((2 * NP, D), jnp.float32),
        mesh=_MESH, scratch_types=_s1_scratch(),
    )(x_real, dst_p, src_p, wr_p, wi_p, z128)
    s1b = pl.kernel(
        functools.partial(_s1_body, True),
        out_type=jax.ShapeDtypeStruct((2 * NP, D), jnp.float32),
        mesh=_MESH, scratch_types=_s1_scratch(),
    )(x_imag, dst_p, src_p, wr_p, wi_p, z128)

    u2 = pl.kernel(
        _s2_body,
        out_type=jax.ShapeDtypeStruct((2 * NP, D), jnp.float32),
        mesh=_MESH, scratch_types=_s2_scratch(),
    )(s1a, s1b, dst_p, src_p, wr_p, wi_p, z128)

    RB = 1000
    grid = N // RB
    base_r, base_i = pl.pallas_call(
        _tc_base_body,
        grid=(grid,),
        in_specs=[
            pl.BlockSpec((RB, D), lambda i: (i, 0)),
            pl.BlockSpec((RB, D), lambda i: (i, 0)),
            pl.BlockSpec((3, D, D), lambda i: (0, 0, 0)),
            pl.BlockSpec((1, D), lambda i: (0, 0)),
        ],
        out_specs=[
            pl.BlockSpec((RB, D), lambda i: (i, 0)),
            pl.BlockSpec((RB, D), lambda i: (i, 0)),
        ],
        out_shape=[
            jax.ShapeDtypeStruct((N, D), jnp.float32),
            jax.ShapeDtypeStruct((N, D), jnp.float32),
        ],
    )(x_real, x_imag, W, bias.reshape(1, D))

    out_real, out_imag = pl.pallas_call(
        _tc_body,
        grid=(grid,),
        in_specs=[
            pl.BlockSpec((RB, D), lambda i: (i, 0)),
            pl.BlockSpec((RB, D), lambda i: (i, 0)),
            pl.BlockSpec((2, RB, D), lambda i: (0, i, 0)),
            pl.BlockSpec((2, RB, D), lambda i: (0, i, 0)),
            pl.BlockSpec((2, RB, D), lambda i: (0, i, 0)),
            pl.BlockSpec((3, D, D), lambda i: (0, 0, 0)),
        ],
        out_specs=[
            pl.BlockSpec((RB, D), lambda i: (i, 0)),
            pl.BlockSpec((RB, D), lambda i: (i, 0)),
        ],
        out_shape=[
            jax.ShapeDtypeStruct((N, D), jnp.float32),
            jax.ShapeDtypeStruct((N, D), jnp.float32),
        ],
    )(base_r, base_i,
      s1a.reshape(2, NP, D), s1b.reshape(2, NP, D),
      u2.reshape(2, NP, D), W)

    return out_real, out_imag

# --- scband reference (transcript-rebuilt; emitter-appended) ---
"""Pipeline reference for scband-sig-ma-net-link-prediction-one-laplacian-71373766525110 (READ-ONLY COPY).

The authoritative reference and input builder live on the scoring server;
editing this copy changes nothing except your own understanding.
"""

import jax, jax.numpy as jnp
import numpy as np

N_NODES = 10000
N_EDGES = 320000
D_IN = 128
D_OUT = 128
K = 2


def setup_inputs(seed: int = 0) -> dict:
    key = jax.random.key(seed)
    ks = jax.random.split(key, 8)
    x_real = jax.random.normal(ks[0], (N_NODES, D_IN), dtype=jnp.float32)
    x_imag = jax.random.normal(ks[1], (N_NODES, D_IN), dtype=jnp.float32)
    edge_index = jax.random.randint(ks[2], (2, N_EDGES), 0, N_NODES, dtype=jnp.int64)
    norm_real = jax.random.uniform(ks[3], (N_EDGES,), dtype=jnp.float32)
    norm_imag = jax.random.uniform(ks[4], (N_EDGES,), dtype=jnp.float32)
    # glorot init for weight [K+1, D_IN, D_OUT]
    limit = float(np.sqrt(6.0 / (D_IN + D_OUT)))
    W = jax.random.uniform(ks[5], (K + 1, D_IN, D_OUT), dtype=jnp.float32, minval=-limit, maxval=limit)
    bias = jnp.zeros((D_OUT,), dtype=jnp.float32)
    return {"x_real": x_real, "x_imag": x_imag, "edge_index": edge_index,
            "norm_real": norm_real, "norm_imag": norm_imag, "W": W, "bias": bias}


def _propagate(x, norm, src, dst, n_nodes):
    # PyG flow='target_to_source', aggr='add': out[src] += norm_e * x[dst]
    msgs = norm[:, None] * jnp.take(x, dst, axis=0)
    return jax.ops.segment_sum(msgs, src, num_segments=n_nodes)


def reference(x_real, x_imag, edge_index, norm_real, norm_imag, W, bias):
    n = x_real.shape[0]
    src = edge_index[0]
    dst = edge_index[1]
    # follow_math=True negates the norms
    nr = -norm_real
    ni = -norm_imag
    # i_complex=False: i_real = I, i_imag = 0
    Tx0_rr = x_real
    out_rr = jnp.matmul(Tx0_rr, W[0])
    Tx0_ii = jnp.zeros_like(x_imag)
    out_ii = jnp.zeros((n, W.shape[2]), dtype=x_real.dtype)
    Tx0_ir = x_imag
    out_ir = jnp.matmul(Tx0_ir, W[0])
    Tx0_ri = jnp.zeros_like(x_real)
    out_ri = jnp.zeros((n, W.shape[2]), dtype=x_real.dtype)
    # order-1 term
    Tx1_rr = _propagate(x_real, nr, src, dst, n)
    out_rr = out_rr + jnp.matmul(Tx1_rr, W[1])
    Tx1_ii = _propagate(x_imag, ni, src, dst, n)
    out_ii = out_ii + jnp.matmul(Tx1_ii, W[1])
    Tx1_ir = _propagate(x_imag, nr, src, dst, n)
    out_ir = out_ir + jnp.matmul(Tx1_ir, W[1])
    Tx1_ri = _propagate(x_real, ni, src, dst, n)
    out_ri = out_ri + jnp.matmul(Tx1_ri, W[1])
    # Chebyshev recurrence for k >= 2
    for k in range(2, W.shape[0]):
        Tx2_rr = 2.0 * _propagate(Tx1_rr, nr, src, dst, n) - Tx0_rr
        out_rr = out_rr + jnp.matmul(Tx2_rr, W[k])
        Tx0_rr, Tx1_rr = Tx1_rr, Tx2_rr
        Tx2_ii = 2.0 * _propagate(Tx1_ii, ni, src, dst, n) - Tx0_ii
        out_ii = out_ii + jnp.matmul(Tx2_ii, W[k])
        Tx0_ii, Tx1_ii = Tx1_ii, Tx2_ii
        Tx2_ir = 2.0 * _propagate(Tx1_ir, nr, src, dst, n) - Tx0_ir
        out_ir = out_ir + jnp.matmul(Tx2_ir, W[k])
        Tx0_ir, Tx1_ir = Tx1_ir, Tx2_ir
        Tx2_ri = 2.0 * _propagate(Tx1_ri, ni, src, dst, n) - Tx0_ri
        out_ri = out_ri + jnp.matmul(Tx2_ri, W[k])
        Tx0_ri, Tx1_ri = Tx1_ri, Tx2_ri
    # complex combine: (L x)_real = L_r x_r - L_i x_i ; (L x)_imag = L_r x_i + L_i x_r
    out_real = out_rr - out_ii + bias
    out_imag = out_ir + out_ri + bias
    return out_real, out_imag

if __name__ == "__main__":
    import jax
    _d = setup_inputs()
    print(jax.jit(kernel)(*tuple(_d.values())))

</pallas_src>

<mosaic_0001>
#map = affine_map<(d0, d1) -> (0, 0)>
#map1 = affine_map<(d0, d1) -> (0)>
module attributes {stable_mosaic.version = 14 : i64} {
  func.func @_s1_body(%arg0: i32, %arg1: i32, %arg2: memref<10000x128xf32, #tpu.memory_space<hbm>>, %arg3: memref<327680xi32, #tpu.memory_space<hbm>>, %arg4: memref<327680xi32, #tpu.memory_space<hbm>>, %arg5: memref<327680xf32, #tpu.memory_space<hbm>>, %arg6: memref<327680xf32, #tpu.memory_space<hbm>>, %arg7: memref<10016x128xf32, #tpu.memory_space<hbm>>, %arg8: memref<20032x128xf32, #tpu.memory_space<hbm>>, %arg9: memref<10016x128xf32, #tpu.memory_space<vmem_shared>>, %arg10: memref<64xi32, #tpu.memory_space<vmem>>, %arg11: memref<64xi32, #tpu.memory_space<vmem>>, %arg12: memref<64xi32, #tpu.memory_space<vmem>>, %arg13: memref<64xi32, #tpu.memory_space<vmem>>, %arg14: memref<64xf32, #tpu.memory_space<vmem>>, %arg15: memref<64xf32, #tpu.memory_space<vmem>>, %arg16: memref<64xf32, #tpu.memory_space<vmem>>, %arg17: memref<64xf32, #tpu.memory_space<vmem>>, %arg18: memref<80xf32, #tpu.memory_space<vmem>>, %arg19: memref<80xf32, #tpu.memory_space<vmem>>, %arg20: memref<64x128xf32, #tpu.memory_space<vmem>>, %arg21: memref<64x128xf32, #tpu.memory_space<vmem>>, %arg22: memref<64x128xf32, #tpu.memory_space<vmem>>, %arg23: memref<64x128xf32, #tpu.memory_space<vmem>>, %arg24: memref<64xi32, #tpu.memory_space<vmem>>, %arg25: memref<64xi32, #tpu.memory_space<vmem>>, %arg26: memref<!tpu.dma_semaphore, #tpu.memory_space<semaphore_mem>>, %arg27: memref<!tpu.dma_semaphore, #tpu.memory_space<semaphore_mem>>, %arg28: memref<!tpu.dma_semaphore, #tpu.memory_space<semaphore_mem>>, %arg29: memref<!tpu.dma_semaphore, #tpu.memory_space<semaphore_mem>>, %arg30: memref<!tpu.dma_semaphore, #tpu.memory_space<semaphore_mem>>, %arg31: memref<!tpu.dma_semaphore, #tpu.memory_space<semaphore_mem>>) attributes {dimension_semantics = [#tpu.dimension_semantics<core_parallel>, #tpu.dimension_semantics<subcore_parallel>], iteration_bounds = array<i64: 2, 16>, scalar_prefetch = 0 : i64, scratch_operands = 23 : i64, tpu.core_type = #tpu.core_type<sc_vector_subcore>, window_params = [{transform_indices = #map}, {transform_indices = #map1}, {transform_indices = #map1}, {transform_indices = #map1}, {transform_indices = #map1}, {transform_indices = #map}, {transform_indices = #map}]} {
    %mul3A = arith.constant 632 : i32
    %mul3A_0 = arith.muli %arg1, %mul3A : i32
    %lt3A = arith.constant 15 : i32
    %lt3A_1 = arith.cmpi slt, %arg1, %lt3A : i32
    %convert_element_type3A = arith.extui %lt3A_1 : i1 to i32
    %cond3A = arith.constant 0 : i32
    %cond3A_2 = arith.cmpi ne, %convert_element_type3A, %cond3A : i32
    scf.if %cond3A_2 {
      "tpu.region"() ({
        %run_scoped3A = tpu.sem_alloc : memref<!tpu.dma_semaphore, #tpu.memory_space<semaphore_mem>>
        %dma_start3A_66 = arith.constant 0 : i32
        %dma_start3A_67 = tpu.memref_slice %arg9[%mul3A_0, %dma_start3A_66] : memref<10016x128xf32, #tpu.memory_space<vmem_shared>> -> memref<632x128xf32, #tpu.memory_space<vmem_shared>>
        %dma_start3A_68 = arith.constant 0 : i32
        %dma_start3A_69 = tpu.memref_slice %arg7[%mul3A_0, %dma_start3A_68] : memref<10016x128xf32, #tpu.memory_space<hbm>> -> memref<632x128xf32, #tpu.memory_space<hbm>>
        tpu.enqueue_dma source(%dma_start3A_69 : memref<632x128xf32, #tpu.memory_space<hbm>>) target(%dma_start3A_67 : memref<632x128xf32, #tpu.memory_space<vmem_shared>>) target_semaphore(%run_scoped3A : memref<!tpu.dma_semaphore, #tpu.memory_space<semaphore_mem>>)
        %dma_wait3A_70 = arith.constant 0 : i32
        %dma_wait3A_71 = tpu.memref_slice %arg9[%mul3A_0, %dma_wait3A_70] : memref<10016x128xf32, #tpu.memory_space<vmem_shared>> -> memref<632x128xf32, #tpu.memory_space<vmem_shared>>
        %dma_wait3A_72 = arith.constant 0 : i32
        %dma_wait3A_73 = tpu.memref_slice %arg7[%mul3A_0, %dma_wait3A_72] : memref<10016x128xf32, #tpu.memory_space<hbm>> -> memref<632x128xf32, #tpu.memory_space<hbm>>
        tpu.wait_dma2 semaphore(%run_scoped3A : memref<!tpu.dma_semaphore, #tpu.memory_space<semaphore_mem>>) src(%dma_wait3A_73 : memref<632x128xf32, #tpu.memory_space<hbm>>) dst(%dma_wait3A_71 : memref<632x128xf32, #tpu.memory_space<vmem_shared>>)
        tpu.yield
      }) : () -> ()
    } else {
    }
    %eq3A = arith.constant 15 : i32
    %eq3A_3 = arith.cmpi eq, %arg1, %eq3A : i32
    %convert_element_type3A_4 = arith.extui %eq3A_3 : i1 to i32
    %cond3A_5 = arith.constant 0 : i32
    %cond3A_6 = arith.cmpi ne, %convert_element_type3A_4, %cond3A_5 : i32
    scf.if %cond3A_6 {
      "tpu.region"() ({
        %run_scoped3A = tpu.sem_alloc : memref<!tpu.dma_semaphore, #tpu.memory_space<semaphore_mem>>
        %dma_start3A_66 = arith.constant 9480 : i32
        %dma_start3A_67 = arith.constant 0 : i32
        %dma_start3A_68 = tpu.memref_slice %arg9[%dma_start3A_66, %dma_start3A_67] : memref<10016x128xf32, #tpu.memory_space<vmem_shared>> -> memref<536x128xf32, #tpu.memory_space<vmem_shared>>
        %dma_start3A_69 = arith.constant 9480 : i32
        %dma_start3A_70 = arith.constant 0 : i32
        %dma_start3A_71 = tpu.memref_slice %arg7[%dma_start3A_69, %dma_start3A_70] : memref<10016x128xf32, #tpu.memory_space<hbm>> -> memref<536x128xf32, #tpu.memory_space<hbm>>
        tpu.enqueue_dma source(%dma_start3A_71 : memref<536x128xf32, #tpu.memory_space<hbm>>) target(%dma_start3A_68 : memref<536x128xf32, #tpu.memory_space<vmem_shared>>) target_semaphore(%run_scoped3A : memref<!tpu.dma_semaphore, #tpu.memory_space<semaphore_mem>>)
        %dma_wait3A_72 = arith.constant 9480 : i32
        %dma_wait3A_73 = arith.constant 0 : i32
        %dma_wait3A_74 = tpu.memref_slice %arg9[%dma_wait3A_72, %dma_wait3A_73] : memref<10016x128xf32, #tpu.memory_space<vmem_shared>> -> memref<536x128xf32, #tpu.memory_space<vmem_shared>>
        %dma_wait3A_75 = arith.constant 9480 : i32
        %dma_wait3A_76 = arith.constant 0 : i32
        %dma_wait3A_77 = tpu.memref_slice %arg7[%dma_wait3A_75, %dma_wait3A_76] : memref<10016x128xf32, #tpu.memory_space<hbm>> -> memref<536x128xf32, #tpu.memory_space<hbm>>
        tpu.wait_dma2 semaphore(%run_scoped3A : memref<!tpu.dma_semaphore, #tpu.memory_space<semaphore_mem>>) src(%dma_wait3A_77 : memref<536x128xf32, #tpu.memory_space<hbm>>) dst(%dma_wait3A_74 : memref<536x128xf32, #tpu.memory_space<vmem_shared>>)
        tpu.yield
      }) : () -> ()
    } else {
    }
    %barrier3A = arith.constant 0 : index
    tpu.barrier barrier_id(%barrier3A)
    %mul3A_7 = arith.constant 20480 : i32
    %mul3A_8 = arith.muli %arg1, %mul3A_7 : i32
    %add3A = arith.constant 0 : i32
    %add3A_9 = arith.addi %mul3A_8, %add3A : i32
    %dma_start3A = tpu.memref_slice %arg3[%add3A_9] : memref<327680xi32, #tpu.memory_space<hbm>> -> memref<64xi32, #tpu.memory_space<hbm>>
    %dma_start3A_10 = tpu.memref_slice %arg3[%add3A_9] : memref<327680xi32, #tpu.memory_space<hbm>> -> memref<64xi32, #tpu.memory_space<hbm>>
    tpu.enqueue_dma source(%dma_start3A_10 : memref<64xi32, #tpu.memory_space<hbm>>) target(%arg10 : memref<64xi32, #tpu.memory_space<vmem>>) target_semaphore(%arg26 : memref<!tpu.dma_semaphore, #tpu.memory_space<semaphore_mem>>)
    %dma_start3A_11 = tpu.memref_slice %arg4[%add3A_9] : memref<327680xi32, #tpu.memory_space<hbm>> -> memref<64xi32, #tpu.memory_space<hbm>>
    %dma_start3A_12 = tpu.memref_slice %arg4[%add3A_9] : memref<327680xi32, #tpu.memory_space<hbm>> -> memref<64xi32, #tpu.memory_space<hbm>>
    tpu.enqueue_dma source(%dma_start3A_12 : memref<64xi32, #tpu.memory_space<hbm>>) target(%arg12 : memref<64xi32, #tpu.memory_space<vmem>>) target_semaphore(%arg26 : memref<!tpu.dma_semaphore, #tpu.memory_space<semaphore_mem>>)
    %dma_start3A_13 = tpu.memref_slice %arg5[%add3A_9] : memref<327680xf32, #tpu.memory_space<hbm>> -> memref<64xf32, #tpu.memory_space<hbm>>
    %dma_start3A_14 = tpu.memref_slice %arg5[%add3A_9] : memref<327680xf32, #tpu.memory_space<hbm>> -> memref<64xf32, #tpu.memory_space<hbm>>
    tpu.enqueue_dma source(%dma_start3A_14 : memref<64xf32, #tpu.memory_space<hbm>>) target(%arg14 : memref<64xf32, #tpu.memory_space<vmem>>) target_semaphore(%arg26 : memref<!tpu.dma_semaphore, #tpu.memory_space<semaphore_mem>>)
    %dma_start3A_15 = tpu.memref_slice %arg6[%add3A_9] : memref<327680xf32, #tpu.memory_space<hbm>> -> memref<64xf32, #tpu.memory_space<hbm>>
    %dma_start3A_16 = tpu.memref_slice %arg6[%add3A_9] : memref<327680xf32, #tpu.memory_space<hbm>> -> memref<64xf32, #tpu.memory_space<hbm>>
    tpu.enqueue_dma source(%dma_start3A_16 : memref<64xf32, #tpu.memory_space<hbm>>) target(%arg16 : memref<64xf32, #tpu.memory_space<vmem>>) target_semaphore(%arg26 : memref<!tpu.dma_semaphore, #tpu.memory_space<semaphore_mem>>)
    %add3A_17 = arith.constant 64 : i32
    %add3A_18 = arith.addi %mul3A_8, %add3A_17 : i32
    %dma_start3A_19 = tpu.memref_slice %arg3[%add3A_18] : memref<327680xi32, #tpu.memory_space<hbm>> -> memref<64xi32, #tpu.memory_space<hbm>>
    %dma_start3A_20 = tpu.memref_slice %arg3[%add3A_18] : memref<327680xi32, #tpu.memory_space<hbm>> -> memref<64xi32, #tpu.memory_space<hbm>>
    tpu.enqueue_dma source(%dma_start3A_20 : memref<64xi32, #tpu.memory_space<hbm>>) target(%arg11 : memref<64xi32, #tpu.memory_space<vmem>>) target_semaphore(%arg27 : memref<!tpu.dma_semaphore, #tpu.memory_space<semaphore_mem>>)
    %dma_start3A_21 = tpu.memref_slice %arg4[%add3A_18] : memref<327680xi32, #tpu.memory_space<hbm>> -> memref<64xi32, #tpu.memory_space<hbm>>
    %dma_start3A_22 = tpu.memref_slice %arg4[%add3A_18] : memref<327680xi32, #tpu.memory_space<hbm>> -> memref<64xi32, #tpu.memory_space<hbm>>
    tpu.enqueue_dma source(%dma_start3A_22 : memref<64xi32, #tpu.memory_space<hbm>>) target(%arg13 : memref<64xi32, #tpu.memory_space<vmem>>) target_semaphore(%arg27 : memref<!tpu.dma_semaphore, #tpu.memory_space<semaphore_mem>>)
    %dma_start3A_23 = tpu.memref_slice %arg5[%add3A_18] : memref<327680xf32, #tpu.memory_space<hbm>> -> memref<64xf32, #tpu.memory_space<hbm>>
    %dma_start3A_24 = tpu.memref_slice %arg5[%add3A_18] : memref<327680xf32, #tpu.memory_space<hbm>> -> memref<64xf32, #tpu.memory_space<hbm>>
    tpu.enqueue_dma source(%dma_start3A_24 : memref<64xf32, #tpu.memory_space<hbm>>) target(%arg15 : memref<64xf32, #tpu.memory_space<vmem>>) target_semaphore(%arg27 : memref<!tpu.dma_semaphore, #tpu.memory_space<semaphore_mem>>)
    %dma_start3A_25 = tpu.memref_slice %arg6[%add3A_18] : memref<327680xf32, #tpu.memory_space<hbm>> -> memref<64xf32, #tpu.memory_space<hbm>>
    %dma_start3A_26 = tpu.memref_slice %arg6[%add3A_18] : memref<327680xf32, #tpu.memory_space<hbm>> -> memref<64xf32, #tpu.memory_space<hbm>>
    tpu.enqueue_dma source(%dma_start3A_26 : memref<64xf32, #tpu.memory_space<hbm>>) target(%arg17 : memref<64xf32, #tpu.memory_space<vmem>>) target_semaphore(%arg27 : memref<!tpu.dma_semaphore, #tpu.memory_space<semaphore_mem>>)
    %dma_wait3A = arith.constant 0 : i32
    %dma_wait3A_27 = tpu.memref_slice %arg3[%dma_wait3A] : memref<327680xi32, #tpu.memory_space<hbm>> -> memref<64xi32, #tpu.memory_space<hbm>>
    %dma_wait3A_28 = arith.constant 0 : i32
    %dma_wait3A_29 = tpu.memref_slice %arg3[%dma_wait3A_28] : memref<327680xi32, #tpu.memory_space<hbm>> -> memref<64xi32, #tpu.memory_space<hbm>>
    tpu.wait_dma2 semaphore(%arg26 : memref<!tpu.dma_semaphore, #tpu.memory_space<semaphore_mem>>) src(%dma_wait3A_29 : memref<64xi32, #tpu.memory_space<hbm>>) dst(%arg10 : memref<64xi32, #tpu.memory_space<vmem>>)
    %dma_wait3A_30 = arith.constant 0 : i32
    %dma_wait3A_31 = tpu.memref_slice %arg4[%dma_wait3A_30] : memref<327680xi32, #tpu.memory_space<hbm>> -> memref<64xi32, #tpu.memory_space<hbm>>
    %dma_wait3A_32 = arith.constant 0 : i32
    %dma_wait3A_33 = tpu.memref_slice %arg4[%dma_wait3A_32] : memref<327680xi32, #tpu.memory_space<hbm>> -> memref<64xi32, #tpu.memory_space<hbm>>
    tpu.wait_dma2 semaphore(%arg26 : memref<!tpu.dma_semaphore, #tpu.memory_space<semaphore_mem>>) src(%dma_wait3A_33 : memref<64xi32, #tpu.memory_space<hbm>>) dst(%arg12 : memref<64xi32, #tpu.memory_space<vmem>>)
    %dma_wait3A_34 = arith.constant 0 : i32
    %dma_wait3A_35 = tpu.memref_slice %arg5[%dma_wait3A_34] : memref<327680xf32, #tpu.memory_space<hbm>> -> memref<64xf32, #tpu.memory_space<hbm>>
    %dma_wait3A_36 = arith.constant 0 : i32
    %dma_wait3A_37 = tpu.memref_slice %arg5[%dma_wait3A_36] : memref<327680xf32, #tpu.memory_space<hbm>> -> memref<64xf32, #tpu.memory_space<hbm>>
    tpu.wait_dma2 semaphore(%arg26 : memref<!tpu.dma_semaphore, #tpu.memory_space<semaphore_mem>>) src(%dma_wait3A_37 : memref<64xf32, #tpu.memory_space<hbm>>) dst(%arg14 : memref<64xf32, #tpu.memory_space<vmem>>)
    %dma_wait3A_38 = arith.constant 0 : i32
    %dma_wait3A_39 = tpu.memref_slice %arg6[%dma_wait3A_38] : memref<327680xf32, #tpu.memory_space<hbm>> -> memref<64xf32, #tpu.memory_space<hbm>>
    %dma_wait3A_40 = arith.constant 0 : i32
    %dma_wait3A_41 = tpu.memref_slice %arg6[%dma_wait3A_40] : memref<327680xf32, #tpu.memory_space<hbm>> -> memref<64xf32, #tpu.memory_space<hbm>>
    tpu.wait_dma2 semaphore(%arg26 : memref<!tpu.dma_semaphore, #tpu.memory_space<semaphore_mem>>) src(%dma_wait3A_41 : memref<64xf32, #tpu.memory_space<hbm>>) dst(%arg16 : memref<64xf32, #tpu.memory_space<vmem>>)
    %dma_start3A_42 = arith.constant 0 : i32
    %dma_start3A_43 = arith.constant 0 : i32
    %dma_start3A_44 = tpu.memref_slice %arg2[%dma_start3A_42, %dma_start3A_43] : memref<10000x128xf32, #tpu.memory_space<hbm>> -> memref<10000x128xf32, #tpu.memory_space<hbm>>
    tpu.enqueue_indirect_dma source(%dma_start3A_44 : memref<10000x128xf32, #tpu.memory_space<hbm>>) target(%arg20 : memref<64x128xf32, #tpu.memory_space<vmem>>) offsets(%arg10 : memref<64xi32, #tpu.memory_space<vmem>>) semaphore(%arg28 : memref<!tpu.dma_semaphore, #tpu.memory_space<semaphore_mem>>)
    %scan3A = arith.constant 0 : i32
    %scan3A_45 = arith.constant 160 : i32
    %scan3A_46 = arith.addi %scan3A, %scan3A_45 : i32
    %scan3A_47 = arith.constant 1 : i32
    scf.for %scan3A_66 = %scan3A to %scan3A_46 step %scan3A_47  : i32 {
      %mul3A_67 = arith.constant 2 : i32
      %mul3A_68 = arith.muli %scan3A_66, %mul3A_67 : i32
      %add3A_69 = arith.constant 0 : i32
      %add3A_70 = arith.addi %add3A_69, %mul3A_68 : i32
      %add3A_71 = arith.constant 0 : i32
      %add3A_72 = arith.addi %add3A_70, %add3A_71 : i32
      %add3A_73 = arith.constant 1 : i32
      %add3A_74 = arith.addi %add3A_72, %add3A_73 : i32
      %lt3A_75 = arith.constant 320 : i32
      %lt3A_76 = arith.cmpi slt, %add3A_74, %lt3A_75 : i32
      %convert_element_type3A_77 = arith.extui %lt3A_76 : i1 to i32
      %cond3A_78 = arith.constant 0 : i32
      %cond3A_79 = arith.cmpi ne, %convert_element_type3A_77, %cond3A_78 : i32
      scf.if %cond3A_79 {
        %dma_wait3A_233 = arith.constant 0 : i32
        %dma_wait3A_234 = tpu.memref_slice %arg3[%dma_wait3A_233] : memref<327680xi32, #tpu.memory_space<hbm>> -> memref<64xi32, #tpu.memory_space<hbm>>
        %dma_wait3A_235 = arith.constant 0 : i32
        %dma_wait3A_236 = tpu.memref_slice %arg3[%dma_wait3A_235] : memref<327680xi32, #tpu.memory_space<hbm>> -> memref<64xi32, #tpu.memory_space<hbm>>
        tpu.wait_dma2 semaphore(%arg27 : memref<!tpu.dma_semaphore, #tpu.memory_space<semaphore_mem>>) src(%dma_wait3A_236 : memref<64xi32, #tpu.memory_space<hbm>>) dst(%arg11 : memref<64xi32, #tpu.memory_space<vmem>>)
        %dma_wait3A_237 = arith.constant 0 : i32
        %dma_wait3A_238 = tpu.memref_slice %arg4[%dma_wait3A_237] : memref<327680xi32, #tpu.memory_space<hbm>> -> memref<64xi32, #tpu.memory_space<hbm>>
        %dma_wait3A_239 = arith.constant 0 : i32
        %dma_wait3A_240 = tpu.memref_slice %arg4[%dma_wait3A_239] : memref<327680xi32, #tpu.memory_space<hbm>> -> memref<64xi32, #tpu.memory_space<hbm>>
        tpu.wait_dma2 semaphore(%arg27 : memref<!tpu.dma_semaphore, #tpu.memory_space<semaphore_mem>>) src(%dma_wait3A_240 : memref<64xi32, #tpu.memory_space<hbm>>) dst(%arg13 : memref<64xi32, #tpu.memory_space<vmem>>)
        %dma_wait3A_241 = arith.constant 0 : i32
        %dma_wait3A_242 = tpu.memref_slice %arg5[%dma_wait3A_241] : memref<327680xf32, #tpu.memory_space<hbm>> -> memref<64xf32, #tpu.memory_space<hbm>>
        %dma_wait3A_243 = arith.constant 0 : i32
        %dma_wait3A_244 = tpu.memref_slice %arg5[%dma_wait3A_243] : memref<327680xf32, #tpu.memory_space<hbm>> -> memref<64xf32, #tpu.memory_space<hbm>>
        tpu.wait_dma2 semaphore(%arg27 : memref<!tpu.dma_semaphore, #tpu.memory_space<semaphore_mem>>) src(%dma_wait3A_244 : memref<64xf32, #tpu.memory_space<hbm>>) dst(%arg15 : memref<64xf32, #tpu.memory_space<vmem>>)
        %dma_wait3A_245 = arith.constant 0 : i32
        %dma_wait3A_246 = tpu.memref_slice %arg6[%dma_wait3A_245] : memref<327680xf32, #tpu.memory_space<hbm>> -> memref<64xf32, #tpu.memory_space<hbm>>
        %dma_wait3A_247 = arith.constant 0 : i32
        %dma_wait3A_248 = tpu.memref_slice %arg6[%dma_wait3A_247] : memref<327680xf32, #tpu.memory_space<hbm>> -> memref<64xf32, #tpu.memory_space<hbm>>
        tpu.wait_dma2 semaphore(%arg27 : memref<!tpu.dma_semaphore, #tpu.memory_space<semaphore_mem>>) src(%dma_wait3A_248 : memref<64xf32, #tpu.memory_space<hbm>>) dst(%arg17 : memref<64xf32, #tpu.memory_space<vmem>>)
        %dma_start3A_249 = arith.constant 0 : i32
        %dma_start3A_250 = arith.constant 0 : i32
        %dma_start3A_251 = tpu.memref_slice %arg2[%dma_start3A_249, %dma_start3A_250] : memref<10000x128xf32, #tpu.memory_space<hbm>> -> memref<10000x128xf32, #tpu.memory_space<hbm>>
        tpu.enqueue_indirect_dma source(%dma_start3A_251 : memref<10000x128xf32, #tpu.memory_space<hbm>>) target(%arg21 : memref<64x128xf32, #tpu.memory_space<vmem>>) offsets(%arg11 : memref<64xi32, #tpu.memory_space<vmem>>) semaphore(%arg29 : memref<!tpu.dma_semaphore, #tpu.memory_space<semaphore_mem>>)
      } else {
      }
      %ge3A = arith.constant 2 : i32
      %ge3A_80 = arith.cmpi sge, %add3A_72, %ge3A : i32
      %convert_element_type3A_81 = arith.extui %ge3A_80 : i1 to i32
      %cond3A_82 = arith.constant 0 : i32
      %cond3A_83 = arith.cmpi ne, %convert_element_type3A_81, %cond3A_82 : i32
      scf.if %cond3A_83 {
        %dma_wait3A_233 = arith.constant 0 : i32
        %dma_wait3A_234 = arith.constant 0 : i32
        %dma_wait3A_235 = tpu.memref_slice %arg9[%dma_wait3A_233, %dma_wait3A_234] : memref<10016x128xf32, #tpu.memory_space<vmem_shared>> -> memref<10016x128xf32, #tpu.memory_space<vmem_shared>>
        tpu.wait_indirect_dma semaphore(%arg30 : memref<!tpu.dma_semaphore, #tpu.memory_space<semaphore_mem>>) src(%arg22 : memref<64x128xf32, #tpu.memory_space<vmem>>) dst(%dma_wait3A_235 : memref<10016x128xf32, #tpu.memory_space<vmem_shared>>)
      } else {
      }
      %dma_wait3A_84 = arith.constant 0 : i32
      %dma_wait3A_85 = arith.constant 0 : i32
      %dma_wait3A_86 = tpu.memref_slice %arg2[%dma_wait3A_84, %dma_wait3A_85] : memref<10000x128xf32, #tpu.memory_space<hbm>> -> memref<10000x128xf32, #tpu.memory_space<hbm>>
      tpu.wait_indirect_dma semaphore(%arg28 : memref<!tpu.dma_semaphore, #tpu.memory_space<semaphore_mem>>) src(%dma_wait3A_86 : memref<10000x128xf32, #tpu.memory_space<hbm>>) dst(%arg20 : memref<64x128xf32, #tpu.memory_space<vmem>>)
      %scan3A_87 = arith.constant 0 : i32
      %scan3A_88 = arith.constant 0 : i32
      %scan3A_89 = arith.constant 4 : i32
      %scan3A_90 = arith.addi %scan3A_88, %scan3A_89 : i32
      %scan3A_91 = arith.constant 1 : i32
      %scan3A_92 = scf.for %scan3A_233 = %scan3A_88 to %scan3A_90 step %scan3A_91 iter_args(%scan3A_234 = %scan3A_87) -> (i32)  : i32 {
        %mul3A_235 = arith.constant 16 : i32
        %mul3A_236 = arith.muli %scan3A_233, %mul3A_235 : i32
        %eq3A_237 = arith.constant 1 : i32
        %eq3A_238 = arith.cmpi eq, %arg0, %eq3A_237 : i32
        %get3A_239 = arith.index_cast %mul3A_236 : i32 to index
        %get3A_240 = tpu.vector_load %arg14[%get3A_239] {strides = array<i32>} : memref<64xf32, #tpu.memory_space<vmem>>, vector<16xf32>,
        %get3A_241 = vector.shape_cast %get3A_240 : vector<16xf32> to vector<16xf32>
        %get3A_242 = arith.index_cast %mul3A_236 : i32 to index
        %get3A_243 = tpu.vector_load %arg16[%get3A_242] {strides = array<i32>} : memref<64xf32, #tpu.memory_space<vmem>>, vector<16xf32>,
        %get3A_244 = vector.shape_cast %get3A_243 : vector<16xf32> to vector<16xf32>
        %select_n3A = arith.select %eq3A_238, %get3A_241, %get3A_244 : vector<16xf32>
        %swap3A_245 = arith.index_cast %mul3A_236 : i32 to index
        %swap3A_246 = tpu.vector_load %arg18[%swap3A_245] {strides = array<i32>} : memref<80xf32, #tpu.memory_space<vmem>>, vector<16xf32>,
        %swap3A_247 = vector.shape_cast %swap3A_246 : vector<16xf32> to vector<16xf32>
        %swap3A_248 = vector.shape_cast %select_n3A : vector<16xf32> to vector<16xf32>
        tpu.vector_store %arg18[%swap3A_245], %swap3A_248 {strides = array<i32>} : memref<80xf32, #tpu.memory_space<vmem>>, vector<16xf32>,
        %scan3A_249 = arith.constant 0 : i32
        scf.yield %scan3A_249 : i32
      }
      %scan3A_93 = arith.constant 4 : i32
      %parallel_loop3A = arith.constant 0 : i32
      %parallel_loop3A_94 = arith.constant 64 : i32
      %parallel_loop3A_95 = arith.constant 1 : i32
      scf.for %parallel_loop3A_233 = %parallel_loop3A to %parallel_loop3A_94 step %parallel_loop3A_95  : i32 {
        %parallel_loop3A_234 = arith.index_cast %parallel_loop3A_233 : i32 to index
        %parallel_loop3A_235 = tpu.vector_load %arg18[%parallel_loop3A_234] {strides = array<i32>} : memref<80xf32, #tpu.memory_space<vmem>>, vector<16xf32>,
        %parallel_loop3A_236 = vector.shape_cast %parallel_loop3A_235 : vector<16xf32> to vector<16xf32>
        %parallel_loop3A_237 = vector.extract_strided_slice %parallel_loop3A_236 {offsets = [0], sizes = [1], strides = [1]} : vector<16xf32> to vector<1xf32>
        %parallel_loop3A_238 = vector.extract %parallel_loop3A_237[0] : f32 from vector<1xf32>
        %parallel_loop3A_239 = arith.index_cast %parallel_loop3A_233 : i32 to index
        %parallel_loop3A_240 = arith.constant 0 : index
        %parallel_loop3A_241 = tpu.vector_load %arg20[%parallel_loop3A_239, %parallel_loop3A_240] {strides = array<i32>} : memref<64x128xf32, #tpu.memory_space<vmem>>, vector<1x16xf32>,
        %parallel_loop3A_242 = vector.shape_cast %parallel_loop3A_241 : vector<1x16xf32> to vector<16xf32>
        %parallel_loop3A_243 = vector.broadcast %parallel_loop3A_238 : f32 to vector<16xf32>
        %parallel_loop3A_244 = arith.mulf %parallel_loop3A_243, %parallel_loop3A_242 : vector<16xf32>
        %parallel_loop3A_245 = arith.index_cast %parallel_loop3A_233 : i32 to index
        %parallel_loop3A_246 = arith.constant 0 : index
        %parallel_loop3A_247 = tpu.vector_load %arg22[%parallel_loop3A_245, %parallel_loop3A_246] {strides = array<i32>} : memref<64x128xf32, #tpu.memory_space<vmem>>, vector<1x16xf32>,
        %parallel_loop3A_248 = vector.shape_cast %parallel_loop3A_247 : vector<1x16xf32> to vector<16xf32>
        %parallel_loop3A_249 = vector.shape_cast %parallel_loop3A_244 : vector<16xf32> to vector<1x16xf32>
        tpu.vector_store %arg22[%parallel_loop3A_245, %parallel_loop3A_246], %parallel_loop3A_249 {strides = array<i32>} : memref<64x128xf32, #tpu.memory_space<vmem>>, vector<1x16xf32>,
        %parallel_loop3A_250 = arith.index_cast %parallel_loop3A_233 : i32 to index
        %parallel_loop3A_251 = arith.constant 16 : index
        %parallel_loop3A_252 = tpu.vector_load %arg20[%parallel_loop3A_250, %parallel_loop3A_251] {strides = array<i32>} : memref<64x128xf32, #tpu.memory_space<vmem>>, vector<1x16xf32>,
        %parallel_loop3A_253 = vector.shape_cast %parallel_loop3A_252 : vector<1x16xf32> to vector<16xf32>
        %parallel_loop3A_254 = vector.broadcast %parallel_loop3A_238 : f32 to vector<16xf32>
        %parallel_loop3A_255 = arith.mulf %parallel_loop3A_254, %parallel_loop3A_253 : vector<16xf32>
        %parallel_loop3A_256 = arith.index_cast %parallel_loop3A_233 : i32 to index
        %parallel_loop3A_257 = arith.constant 16 : index
        %parallel_loop3A_258 = tpu.vector_load %arg22[%parallel_loop3A_256, %parallel_loop3A_257] {strides = array<i32>} : memref<64x128xf32, #tpu.memory_space<vmem>>, vector<1x16xf32>,
        %parallel_loop3A_259 = vector.shape_cast %parallel_loop3A_258 : vector<1x16xf32> to vector<16xf32>
        %parallel_loop3A_260 = vector.shape_cast %parallel_loop3A_255 : vector<16xf32> to vector<1x16xf32>
        tpu.vector_store %arg22[%parallel_loop3A_256, %parallel_loop3A_257], %parallel_loop3A_260 {strides = array<i32>} : memref<64x128xf32, #tpu.memory_space<vmem>>, vector<1x16xf32>,
        %parallel_loop3A_261 = arith.index_cast %parallel_loop3A_233 : i32 to index
        %parallel_loop3A_262 = arith.constant 32 : index
        %parallel_loop3A_263 = tpu.vector_load %arg20[%parallel_loop3A_261, %parallel_loop3A_262] {strides = array<i32>} : memref<64x128xf32, #tpu.memory_space<vmem>>, vector<1x16xf32>,
        %parallel_loop3A_264 = vector.shape_cast %parallel_loop3A_263 : vector<1x16xf32> to vector<16xf32>
        %parallel_loop3A_265 = vector.broadcast %parallel_loop3A_238 : f32 to vector<16xf32>
        %parallel_loop3A_266 = arith.mulf %parallel_loop3A_265, %parallel_loop3A_264 : vector<16xf32>
        %parallel_loop3A_267 = arith.index_cast %parallel_loop3A_233 : i32 to index
        %parallel_loop3A_268 = arith.constant 32 : index
        %parallel_loop3A_269 = tpu.vector_load %arg22[%parallel_loop3A_267, %parallel_loop3A_268] {strides = array<i32>} : memref<64x128xf32, #tpu.memory_space<vmem>>, vector<1x16xf32>,
        %parallel_loop3A_270 = vector.shape_cast %parallel_loop3A_269 : vector<1x16xf32> to vector<16xf32>
        %parallel_loop3A_271 = vector.shape_cast %parallel_loop3A_266 : vector<16xf32> to vector<1x16xf32>
        tpu.vector_store %arg22[%parallel_loop3A_267, %parallel_loop3A_268], %parallel_loop3A_271 {strides = array<i32>} : memref<64x128xf32, #tpu.memory_space<vmem>>, vector<1x16xf32>,
        %parallel_loop3A_272 = arith.index_cast %parallel_loop3A_233 : i32 to index
        %parallel_loop3A_273 = arith.constant 48 : index
        %parallel_loop3A_274 = tpu.vector_load %arg20[%parallel_loop3A_272, %parallel_loop3A_273] {strides = array<i32>} : memref<64x128xf32, #tpu.memory_space<vmem>>, vector<1x16xf32>,
        %parallel_loop3A_275 = vector.shape_cast %parallel_loop3A_274 : vector<1x16xf32> to vector<16xf32>
        %parallel_loop3A_276 = vector.broadcast %parallel_loop3A_238 : f32 to vector<16xf32>
        %parallel_loop3A_277 = arith.mulf %parallel_loop3A_276, %parallel_loop3A_275 : vector<16xf32>
        %parallel_loop3A_278 = arith.index_cast %parallel_loop3A_233 : i32 to index
        %parallel_loop3A_279 = arith.constant 48 : index
        %parallel_loop3A_280 = tpu.vector_load %arg22[%parallel_loop3A_278, %parallel_loop3A_279] {strides = array<i32>} : memref<64x128xf32, #tpu.memory_space<vmem>>, vector<1x16xf32>,
        %parallel_loop3A_281 = vector.shape_cast %parallel_loop3A_280 : vector<1x16xf32> to vector<16xf32>
        %parallel_loop3A_282 = vector.shape_cast %parallel_loop3A_277 : vector<16xf32> to vector<1x16xf32>
        tpu.vector_store %arg22[%parallel_loop3A_278, %parallel_loop3A_279], %parallel_loop3A_282 {strides = array<i32>} : memref<64x128xf32, #tpu.memory_space<vmem>>, vector<1x16xf32>,
        %parallel_loop3A_283 = arith.index_cast %parallel_loop3A_233 : i32 to index
        %parallel_loop3A_284 = arith.constant 64 : index
        %parallel_loop3A_285 = tpu.vector_load %arg20[%parallel_loop3A_283, %parallel_loop3A_284] {strides = array<i32>} : memref<64x128xf32, #tpu.memory_space<vmem>>, vector<1x16xf32>,
        %parallel_loop3A_286 = vector.shape_cast %parallel_loop3A_285 : vector<1x16xf32> to vector<16xf32>
        %parallel_loop3A_287 = vector.broadcast %parallel_loop3A_238 : f32 to vector<16xf32>
        %parallel_loop3A_288 = arith.mulf %parallel_loop3A_287, %parallel_loop3A_286 : vector<16xf32>
        %parallel_loop3A_289 = arith.index_cast %parallel_loop3A_233 : i32 to index
        %parallel_loop3A_290 = arith.constant 64 : index
        %parallel_loop3A_291 = tpu.vector_load %arg22[%parallel_loop3A_289, %parallel_loop3A_290] {strides = array<i32>} : memref<64x128xf32, #tpu.memory_space<vmem>>, vector<1x16xf32>,
        %parallel_loop3A_292 = vector.shape_cast %parallel_loop3A_291 : vector<1x16xf32> to vector<16xf32>
        %parallel_loop3A_293 = vector.shape_cast %parallel_loop3A_288 : vector<16xf32> to vector<1x16xf32>
        tpu.vector_store %arg22[%parallel_loop3A_289, %parallel_loop3A_290], %parallel_loop3A_293 {strides = array<i32>} : memref<64x128xf32, #tpu.memory_space<vmem>>, vector<1x16xf32>,
        %parallel_loop3A_294 = arith.index_cast %parallel_loop3A_233 : i32 to index
        %parallel_loop3A_295 = arith.constant 80 : index
        %parallel_loop3A_296 = tpu.vector_load %arg20[%parallel_loop3A_294, %parallel_loop3A_295] {strides = array<i32>} : memref<64x128xf32, #tpu.memory_space<vmem>>, vector<1x16xf32>,
        %parallel_loop3A_297 = vector.shape_cast %parallel_loop3A_296 : vector<1x16xf32> to vector<16xf32>
        %parallel_loop3A_298 = vector.broadcast %parallel_loop3A_238 : f32 to vector<16xf32>
        %parallel_loop3A_299 = arith.mulf %parallel_loop3A_298, %parallel_loop3A_297 : vector<16xf32>
        %parallel_loop3A_300 = arith.index_cast %parallel_loop3A_233 : i32 to index
        %parallel_loop3A_301 = arith.constant 80 : index
        %parallel_loop3A_302 = tpu.vector_load %arg22[%parallel_loop3A_300, %parallel_loop3A_301] {strides = array<i32>} : memref<64x128xf32, #tpu.memory_space<vmem>>, vector<1x16xf32>,
        %parallel_loop3A_303 = vector.shape_cast %parallel_loop3A_302 : vector<1x16xf32> to vector<16xf32>
        %parallel_loop3A_304 = vector.shape_cast %parallel_loop3A_299 : vector<16xf32> to vector<1x16xf32>
        tpu.vector_store %arg22[%parallel_loop3A_300, %parallel_loop3A_301], %parallel_loop3A_304 {strides = array<i32>} : memref<64x128xf32, #tpu.memory_space<vmem>>, vector<1x16xf32>,
        %parallel_loop3A_305 = arith.index_cast %parallel_loop3A_233 : i32 to index
        %parallel_loop3A_306 = arith.constant 96 : index
        %parallel_loop3A_307 = tpu.vector_load %arg20[%parallel_loop3A_305, %parallel_loop3A_306] {strides = array<i32>} : memref<64x128xf32, #tpu.memory_space<vmem>>, vector<1x16xf32>,
        %parallel_loop3A_308 = vector.shape_cast %parallel_loop3A_307 : vector<1x16xf32> to vector<16xf32>
        %parallel_loop3A_309 = vector.broadcast %parallel_loop3A_238 : f32 to vector<16xf32>
        %parallel_loop3A_310 = arith.mulf %parallel_loop3A_309, %parallel_loop3A_308 : vector<16xf32>
        %parallel_loop3A_311 = arith.index_cast %parallel_loop3A_233 : i32 to index
        %parallel_loop3A_312 = arith.constant 96 : index
        %parallel_loop3A_313 = tpu.vector_load %arg22[%parallel_loop3A_311, %parallel_loop3A_312] {strides = array<i32>} : memref<64x128xf32, #tpu.memory_space<vmem>>, vector<1x16xf32>,
        %parallel_loop3A_314 = vector.shape_cast %parallel_loop3A_313 : vector<1x16xf32> to vector<16xf32>
        %parallel_loop3A_315 = vector.shape_cast %parallel_loop3A_310 : vector<16xf32> to vector<1x16xf32>
        tpu.vector_store %arg22[%parallel_loop3A_311, %parallel_loop3A_312], %parallel_loop3A_315 {strides = array<i32>} : memref<64x128xf32, #tpu.memory_space<vmem>>, vector<1x16xf32>,
        %parallel_loop3A_316 = arith.index_cast %parallel_loop3A_233 : i32 to index
        %parallel_loop3A_317 = arith.constant 112 : index
        %parallel_loop3A_318 = tpu.vector_load %arg20[%parallel_loop3A_316, %parallel_loop3A_317] {strides = array<i32>} : memref<64x128xf32, #tpu.memory_space<vmem>>, vector<1x16xf32>,
        %parallel_loop3A_319 = vector.shape_cast %parallel_loop3A_318 : vector<1x16xf32> to vector<16xf32>
        %parallel_loop3A_320 = vector.broadcast %parallel_loop3A_238 : f32 to vector<16xf32>
        %parallel_loop3A_321 = arith.mulf %parallel_loop3A_320, %parallel_loop3A_319 : vector<16xf32>
        %parallel_loop3A_322 = arith.index_cast %parallel_loop3A_233 : i32 to index
        %parallel_loop3A_323 = arith.constant 112 : index
        %parallel_loop3A_324 = tpu.vector_load %arg22[%parallel_loop3A_322, %parallel_loop3A_323] {strides = array<i32>} : memref<64x128xf32, #tpu.memory_space<vmem>>, vector<1x16xf32>,
        %parallel_loop3A_325 = vector.shape_cast %parallel_loop3A_324 : vector<1x16xf32> to vector<16xf32>
        %parallel_loop3A_326 = vector.shape_cast %parallel_loop3A_321 : vector<16xf32> to vector<1x16xf32>
        tpu.vector_store %arg22[%parallel_loop3A_322, %parallel_loop3A_323], %parallel_loop3A_326 {strides = array<i32>} : memref<64x128xf32, #tpu.memory_space<vmem>>, vector<1x16xf32>,
      } {sc.loop_unroll_factor = 4 : i64, sc.parallel_access}
      %scan3A_96 = arith.constant 0 : i32
      %scan3A_97 = arith.constant 0 : i32
      %mul3A_98 = arith.constant 16 : i32
      %mul3A_99 = arith.muli %scan3A_97, %mul3A_98 : i32
      %get3A = arith.index_cast %mul3A_99 : i32 to index
      %get3A_100 = tpu.vector_load %arg12[%get3A] {strides = array<i32>} : memref<64xi32, #tpu.memory_space<vmem>>, vector<16xi32>,
      %get3A_101 = vector.shape_cast %get3A_100 : vector<16xi32> to vector<16xi32>
      %swap3A = arith.index_cast %mul3A_99 : i32 to index
      %swap3A_102 = tpu.vector_load %arg24[%swap3A] {strides = array<i32>} : memref<64xi32, #tpu.memory_space<vmem>>, vector<16xi32>,
      %swap3A_103 = vector.shape_cast %swap3A_102 : vector<16xi32> to vector<16xi32>
      %swap3A_104 = vector.shape_cast %get3A_101 : vector<16xi32> to vector<16xi32>
      tpu.vector_store %arg24[%swap3A], %swap3A_104 {strides = array<i32>} : memref<64xi32, #tpu.memory_space<vmem>>, vector<16xi32>,
      %scan3A_105 = arith.constant 0 : i32
      %scan3A_106 = arith.constant 1 : i32
      %mul3A_107 = arith.constant 16 : i32
      %mul3A_108 = arith.muli %scan3A_106, %mul3A_107 : i32
      %get3A_109 = arith.index_cast %mul3A_108 : i32 to index
      %get3A_110 = tpu.vector_load %arg12[%get3A_109] {strides = array<i32>} : memref<64xi32, #tpu.memory_space<vmem>>, vector<16xi32>,
      %get3A_111 = vector.shape_cast %get3A_110 : vector<16xi32> to vector<16xi32>
      %swap3A_112 = arith.index_cast %mul3A_108 : i32 to index
      %swap3A_113 = tpu.vector_load %arg24[%swap3A_112] {strides = array<i32>} : memref<64xi32, #tpu.memory_space<vmem>>, vector<16xi32>,
      %swap3A_114 = vector.shape_cast %swap3A_113 : vector<16xi32> to vector<16xi32>
      %swap3A_115 = vector.shape_cast %get3A_111 : vector<16xi32> to vector<16xi32>
      tpu.vector_store %arg24[%swap3A_112], %swap3A_115 {strides = array<i32>} : memref<64xi32, #tpu.memory_space<vmem>>, vector<16xi32>,
      %scan3A_116 = arith.constant 0 : i32
      %scan3A_117 = arith.constant 2 : i32
      %mul3A_118 = arith.constant 16 : i32
      %mul3A_119 = arith.muli %scan3A_117, %mul3A_118 : i32
      %get3A_120 = arith.index_cast %mul3A_119 : i32 to index
      %get3A_121 = tpu.vector_load %arg12[%get3A_120] {strides = array<i32>} : memref<64xi32, #tpu.memory_space<vmem>>, vector<16xi32>,
      %get3A_122 = vector.shape_cast %get3A_121 : vector<16xi32> to vector<16xi32>
      %swap3A_123 = arith.index_cast %mul3A_119 : i32 to index
      %swap3A_124 = tpu.vector_load %arg24[%swap3A_123] {strides = array<i32>} : memref<64xi32, #tpu.memory_space<vmem>>, vector<16xi32>,
      %swap3A_125 = vector.shape_cast %swap3A_124 : vector<16xi32> to vector<16xi32>
      %swap3A_126 = vector.shape_cast %get3A_122 : vector<16xi32> to vector<16xi32>
      tpu.vector_store %arg24[%swap3A_123], %swap3A_126 {strides = array<i32>} : memref<64xi32, #tpu.memory_space<vmem>>, vector<16xi32>,
      %scan3A_127 = arith.constant 0 : i32
      %scan3A_128 = arith.constant 3 : i32
      %mul3A_129 = arith.constant 16 : i32
      %mul3A_130 = arith.muli %scan3A_128, %mul3A_129 : i32
      %get3A_131 = arith.index_cast %mul3A_130 : i32 to index
      %get3A_132 = tpu.vector_load %arg12[%get3A_131] {strides = array<i32>} : memref<64xi32, #tpu.memory_space<vmem>>, vector<16xi32>,
      %get3A_133 = vector.shape_cast %get3A_132 : vector<16xi32> to vector<16xi32>
      %swap3A_134 = arith.index_cast %mul3A_130 : i32 to index
      %swap3A_135 = tpu.vector_load %arg24[%swap3A_134] {strides = array<i32>} : memref<64xi32, #tpu.memory_space<vmem>>, vector<16xi32>,
      %swap3A_136 = vector.shape_cast %swap3A_135 : vector<16xi32> to vector<16xi32>
      %swap3A_137 = vector.shape_cast %get3A_133 : vector<16xi32> to vector<16xi32>
      tpu.vector_store %arg24[%swap3A_134], %swap3A_137 {strides = array<i32>} : memref<64xi32, #tpu.memory_space<vmem>>, vector<16xi32>,
      %scan3A_138 = arith.constant 0 : i32
      %scan3A_139 = arith.constant 4 : i32
      %dma_start3A_140 = arith.constant 0 : i32
      %dma_start3A_141 = arith.constant 0 : i32
      %dma_start3A_142 = tpu.memref_slice %arg9[%dma_start3A_140, %dma_start3A_141] : memref<10016x128xf32, #tpu.memory_space<vmem_shared>> -> memref<10016x128xf32, #tpu.memory_space<vmem_shared>>
      tpu.enqueue_indirect_dma source(%arg22 : memref<64x128xf32, #tpu.memory_space<vmem>>) target(%dma_start3A_142 : memref<10016x128xf32, #tpu.memory_space<vmem_shared>>) offsets(%arg24 : memref<64xi32, #tpu.memory_space<vmem>>) semaphore(%arg30 : memref<!tpu.dma_semaphore, #tpu.memory_space<semaphore_mem>>) {add = true}
      %add3A_143 = arith.constant 2 : i32
      %add3A_144 = arith.addi %add3A_72, %add3A_143 : i32
      %lt3A_145 = arith.constant 320 : i32
      %lt3A_146 = arith.cmpi slt, %add3A_144, %lt3A_145 : i32
      %convert_element_type3A_147 = arith.extui %lt3A_146 : i1 to i32
      %cond3A_148 = arith.constant 0 : i32
      %cond3A_149 = arith.cmpi ne, %convert_element_type3A_147, %cond3A_148 : i32
      scf.if %cond3A_149 {
        %add3A_233 = arith.constant 2 : i32
        %add3A_234 = arith.addi %add3A_72, %add3A_233 : i32
        %mul3A_235 = arith.constant 64 : i32
        %mul3A_236 = arith.muli %add3A_234, %mul3A_235 : i32
        %add3A_237 = arith.addi %mul3A_8, %mul3A_236 : i32
        %dma_start3A_238 = tpu.memref_slice %arg3[%add3A_237] : memref<327680xi32, #tpu.memory_space<hbm>> -> memref<64xi32, #tpu.memory_space<hbm>>
        %dma_start3A_239 = tpu.memref_slice %arg3[%add3A_237] : memref<327680xi32, #tpu.memory_space<hbm>> -> memref<64xi32, #tpu.memory_space<hbm>>
        tpu.enqueue_dma source(%dma_start3A_239 : memref<64xi32, #tpu.memory_space<hbm>>) target(%arg10 : memref<64xi32, #tpu.memory_space<vmem>>) target_semaphore(%arg26 : memref<!tpu.dma_semaphore, #tpu.memory_space<semaphore_mem>>)
        %dma_start3A_240 = tpu.memref_slice %arg4[%add3A_237] : memref<327680xi32, #tpu.memory_space<hbm>> -> memref<64xi32, #tpu.memory_space<hbm>>
        %dma_start3A_241 = tpu.memref_slice %arg4[%add3A_237] : memref<327680xi32, #tpu.memory_space<hbm>> -> memref<64xi32, #tpu.memory_space<hbm>>
        tpu.enqueue_dma source(%dma_start3A_241 : memref<64xi32, #tpu.memory_space<hbm>>) target(%arg12 : memref<64xi32, #tpu.memory_space<vmem>>) target_semaphore(%arg26 : memref<!tpu.dma_semaphore, #tpu.memory_space<semaphore_mem>>)
        %dma_start3A_242 = tpu.memref_slice %arg5[%add3A_237] : memref<327680xf32, #tpu.memory_space<hbm>> -> memref<64xf32, #tpu.memory_space<hbm>>
        %dma_start3A_243 = tpu.memref_slice %arg5[%add3A_237] : memref<327680xf32, #tpu.memory_space<hbm>> -> memref<64xf32, #tpu.memory_space<hbm>>
        tpu.enqueue_dma source(%dma_start3A_243 : memref<64xf32, #tpu.memory_space<hbm>>) target(%arg14 : memref<64xf32, #tpu.memory_space<vmem>>) target_semaphore(%arg26 : memref<!tpu.dma_semaphore, #tpu.memory_space<semaphore_mem>>)
        %dma_start3A_244 = tpu.memref_slice %arg6[%add3A_237] : memref<327680xf32, #tpu.memory_space<hbm>> -> memref<64xf32, #tpu.memory_space<hbm>>
        %dma_start3A_245 = tpu.memref_slice %arg6[%add3A_237] : memref<327680xf32, #tpu.memory_space<hbm>> -> memref<64xf32, #tpu.memory_space<hbm>>
        tpu.enqueue_dma source(%dma_start3A_245 : memref<64xf32, #tpu.memory_space<hbm>>) target(%arg16 : memref<64xf32, #tpu.memory_space<vmem>>) target_semaphore(%arg26 : memref<!tpu.dma_semaphore, #tpu.memory_space<semaphore_mem>>)
      } else {
      }
      %add3A_150 = arith.constant 1 : i32
      %add3A_151 = arith.addi %add3A_70, %add3A_150 : i32
      %add3A_152 = arith.constant 1 : i32
      %add3A_153 = arith.addi %add3A_151, %add3A_152 : i32
      %lt3A_154 = arith.constant 320 : i32
      %lt3A_155 = arith.cmpi slt, %add3A_153, %lt3A_154 : i32
      %convert_element_type3A_156 = arith.extui %lt3A_155 : i1 to i32
      %cond3A_157 = arith.constant 0 : i32
      %cond3A_158 = arith.cmpi ne, %convert_element_type3A_156, %cond3A_157 : i32
      scf.if %cond3A_158 {
        %dma_wait3A_233 = arith.constant 0 : i32
        %dma_wait3A_234 = tpu.memref_slice %arg3[%dma_wait3A_233] : memref<327680xi32, #tpu.memory_space<hbm>> -> memref<64xi32, #tpu.memory_space<hbm>>
        %dma_wait3A_235 = arith.constant 0 : i32
        %dma_wait3A_236 = tpu.memref_slice %arg3[%dma_wait3A_235] : memref<327680xi32, #tpu.memory_space<hbm>> -> memref<64xi32, #tpu.memory_space<hbm>>
        tpu.wait_dma2 semaphore(%arg26 : memref<!tpu.dma_semaphore, #tpu.memory_space<semaphore_mem>>) src(%dma_wait3A_236 : memref<64xi32, #tpu.memory_space<hbm>>) dst(%arg10 : memref<64xi32, #tpu.memory_space<vmem>>)
        %dma_wait3A_237 = arith.constant 0 : i32
        %dma_wait3A_238 = tpu.memref_slice %arg4[%dma_wait3A_237] : memref<327680xi32, #tpu.memory_space<hbm>> -> memref<64xi32, #tpu.memory_space<hbm>>
        %dma_wait3A_239 = arith.constant 0 : i32
        %dma_wait3A_240 = tpu.memref_slice %arg4[%dma_wait3A_239] : memref<327680xi32, #tpu.memory_space<hbm>> -> memref<64xi32, #tpu.memory_space<hbm>>
        tpu.wait_dma2 semaphore(%arg26 : memref<!tpu.dma_semaphore, #tpu.memory_space<semaphore_mem>>) src(%dma_wait3A_240 : memref<64xi32, #tpu.memory_space<hbm>>) dst(%arg12 : memref<64xi32, #tpu.memory_space<vmem>>)
        %dma_wait3A_241 = arith.constant 0 : i32
        %dma_wait3A_242 = tpu.memref_slice %arg5[%dma_wait3A_241] : memref<327680xf32, #tpu.memory_space<hbm>> -> memref<64xf32, #tpu.memory_space<hbm>>
        %dma_wait3A_243 = arith.constant 0 : i32
        %dma_wait3A_244 = tpu.memref_slice %arg5[%dma_wait3A_243] : memref<327680xf32, #tpu.memory_space<hbm>> -> memref<64xf32, #tpu.memory_space<hbm>>
        tpu.wait_dma2 semaphore(%arg26 : memref<!tpu.dma_semaphore, #tpu.memory_space<semaphore_mem>>) src(%dma_wait3A_244 : memref<64xf32, #tpu.memory_space<hbm>>) dst(%arg14 : memref<64xf32, #tpu.memory_space<vmem>>)
        %dma_wait3A_245 = arith.constant 0 : i32
        %dma_wait3A_246 = tpu.memref_slice %arg6[%dma_wait3A_245] : memref<327680xf32, #tpu.memory_space<hbm>> -> memref<64xf32, #tpu.memory_space<hbm>>
        %dma_wait3A_247 = arith.constant 0 : i32
        %dma_wait3A_248 = tpu.memref_slice %arg6[%dma_wait3A_247] : memref<327680xf32, #tpu.memory_space<hbm>> -> memref<64xf32, #tpu.memory_space<hbm>>
        tpu.wait_dma2 semaphore(%arg26 : memref<!tpu.dma_semaphore, #tpu.memory_space<semaphore_mem>>) src(%dma_wait3A_248 : memref<64xf32, #tpu.memory_space<hbm>>) dst(%arg16 : memref<64xf32, #tpu.memory_space<vmem>>)
        %dma_start3A_249 = arith.constant 0 : i32
        %dma_start3A_250 = arith.constant 0 : i32
        %dma_start3A_251 = tpu.memref_slice %arg2[%dma_start3A_249, %dma_start3A_250] : memref<10000x128xf32, #tpu.memory_space<hbm>> -> memref<10000x128xf32, #tpu.memory_space<hbm>>
        tpu.enqueue_indirect_dma source(%dma_start3A_251 : memref<10000x128xf32, #tpu.memory_space<hbm>>) target(%arg20 : memref<64x128xf32, #tpu.memory_space<vmem>>) offsets(%arg10 : memref<64xi32, #tpu.memory_space<vmem>>) semaphore(%arg28 : memref<!tpu.dma_semaphore, #tpu.memory_space<semaphore_mem>>)
      } else {
      }
      %ge3A_159 = arith.constant 2 : i32
      %ge3A_160 = arith.cmpi sge, %add3A_151, %ge3A_159 : i32
      %convert_element_type3A_161 = arith.extui %ge3A_160 : i1 to i32
      %cond3A_162 = arith.constant 0 : i32
      %cond3A_163 = arith.cmpi ne, %convert_element_type3A_161, %cond3A_162 : i32
      scf.if %cond3A_163 {
        %dma_wait3A_233 = arith.constant 0 : i32
        %dma_wait3A_234 = arith.constant 0 : i32
        %dma_wait3A_235 = tpu.memref_slice %arg9[%dma_wait3A_233, %dma_wait3A_234] : memref<10016x128xf32, #tpu.memory_space<vmem_shared>> -> memref<10016x128xf32, #tpu.memory_space<vmem_shared>>
        tpu.wait_indirect_dma semaphore(%arg31 : memref<!tpu.dma_semaphore, #tpu.memory_space<semaphore_mem>>) src(%arg23 : memref<64x128xf32, #tpu.memory_space<vmem>>) dst(%dma_wait3A_235 : memref<10016x128xf32, #tpu.memory_space<vmem_shared>>)
      } else {
      }
      %dma_wait3A_164 = arith.constant 0 : i32
      %dma_wait3A_165 = arith.constant 0 : i32
      %dma_wait3A_166 = tpu.memref_slice %arg2[%dma_wait3A_164, %dma_wait3A_165] : memref<10000x128xf32, #tpu.memory_space<hbm>> -> memref<10000x128xf32, #tpu.memory_space<hbm>>
      tpu.wait_indirect_dma semaphore(%arg29 : memref<!tpu.dma_semaphore, #tpu.memory_space<semaphore_mem>>) src(%dma_wait3A_166 : memref<10000x128xf32, #tpu.memory_space<hbm>>) dst(%arg21 : memref<64x128xf32, #tpu.memory_space<vmem>>)
      %scan3A_167 = arith.constant 0 : i32
      %scan3A_168 = arith.constant 0 : i32
      %scan3A_169 = arith.constant 4 : i32
      %scan3A_170 = arith.addi %scan3A_168, %scan3A_169 : i32
      %scan3A_171 = arith.constant 1 : i32
      %scan3A_172 = scf.for %scan3A_233 = %scan3A_168 to %scan3A_170 step %scan3A_171 iter_args(%scan3A_234 = %scan3A_167) -> (i32)  : i32 {
        %mul3A_235 = arith.constant 16 : i32
        %mul3A_236 = arith.muli %scan3A_233, %mul3A_235 : i32
        %eq3A_237 = arith.constant 1 : i32
        %eq3A_238 = arith.cmpi eq, %arg0, %eq3A_237 : i32
        %get3A_239 = arith.index_cast %mul3A_236 : i32 to index
        %get3A_240 = tpu.vector_load %arg15[%get3A_239] {strides = array<i32>} : memref<64xf32, #tpu.memory_space<vmem>>, vector<16xf32>,
        %get3A_241 = vector.shape_cast %get3A_240 : vector<16xf32> to vector<16xf32>
        %get3A_242 = arith.index_cast %mul3A_236 : i32 to index
        %get3A_243 = tpu.vector_load %arg17[%get3A_242] {strides = array<i32>} : memref<64xf32, #tpu.memory_space<vmem>>, vector<16xf32>,
        %get3A_244 = vector.shape_cast %get3A_243 : vector<16xf32> to vector<16xf32>
        %select_n3A = arith.select %eq3A_238, %get3A_241, %get3A_244 : vector<16xf32>
        %swap3A_245 = arith.index_cast %mul3A_236 : i32 to index
        %swap3A_246 = tpu.vector_load %arg19[%swap3A_245] {strides = array<i32>} : memref<80xf32, #tpu.memory_space<vmem>>, vector<16xf32>,
        %swap3A_247 = vector.shape_cast %swap3A_246 : vector<16xf32> to vector<16xf32>
        %swap3A_248 = vector.shape_cast %select_n3A : vector<16xf32> to vector<16xf32>
        tpu.vector_store %arg19[%swap3A_245], %swap3A_248 {strides = array<i32>} : memref<80xf32, #tpu.memory_space<vmem>>, vector<16xf32>,
        %scan3A_249 = arith.constant 0 : i32
        scf.yield %scan3A_249 : i32
      }
      %scan3A_173 = arith.constant 4 : i32
      %parallel_loop3A_174 = arith.constant 0 : i32
      %parallel_loop3A_175 = arith.constant 64 : i32
      %parallel_loop3A_176 = arith.constant 1 : i32
      scf.for %parallel_loop3A_233 = %parallel_loop3A_174 to %parallel_loop3A_175 step %parallel_loop3A_176  : i32 {
        %parallel_loop3A_234 = arith.index_cast %parallel_loop3A_233 : i32 to index
        %parallel_loop3A_235 = tpu.vector_load %arg19[%parallel_loop3A_234] {strides = array<i32>} : memref<80xf32, #tpu.memory_space<vmem>>, vector<16xf32>,
        %parallel_loop3A_236 = vector.shape_cast %parallel_loop3A_235 : vector<16xf32> to vector<16xf32>
        %parallel_loop3A_237 = vector.extract_strided_slice %parallel_loop3A_236 {offsets = [0], sizes = [1], strides = [1]} : vector<16xf32> to vector<1xf32>
        %parallel_loop3A_238 = vector.extract %parallel_loop3A_237[0] : f32 from vector<1xf32>
        %parallel_loop3A_239 = arith.index_cast %parallel_loop3A_233 : i32 to index
        %parallel_loop3A_240 = arith.constant 0 : index
        %parallel_loop3A_241 = tpu.vector_load %arg21[%parallel_loop3A_239, %parallel_loop3A_240] {strides = array<i32>} : memref<64x128xf32, #tpu.memory_space<vmem>>, vector<1x16xf32>,
        %parallel_loop3A_242 = vector.shape_cast %parallel_loop3A_241 : vector<1x16xf32> to vector<16xf32>
        %parallel_loop3A_243 = vector.broadcast %parallel_loop3A_238 : f32 to vector<16xf32>
        %parallel_loop3A_244 = arith.mulf %parallel_loop3A_243, %parallel_loop3A_242 : vector<16xf32>
        %parallel_loop3A_245 = arith.index_cast %parallel_loop3A_233 : i32 to index
        %parallel_loop3A_246 = arith.constant 0 : index
        %parallel_loop3A_247 = tpu.vector_load %arg23[%parallel_loop3A_245, %parallel_loop3A_246] {strides = array<i32>} : memref<64x128xf32, #tpu.memory_space<vmem>>, vector<1x16xf32>,
        %parallel_loop3A_248 = vector.shape_cast %parallel_loop3A_247 : vector<1x16xf32> to vector<16xf32>
        %parallel_loop3A_249 = vector.shape_cast %parallel_loop3A_244 : vector<16xf32> to vector<1x16xf32>
        tpu.vector_store %arg23[%parallel_loop3A_245, %parallel_loop3A_246], %parallel_loop3A_249 {strides = array<i32>} : memref<64x128xf32, #tpu.memory_space<vmem>>, vector<1x16xf32>,
        %parallel_loop3A_250 = arith.index_cast %parallel_loop3A_233 : i32 to index
        %parallel_loop3A_251 = arith.constant 16 : index
        %parallel_loop3A_252 = tpu.vector_load %arg21[%parallel_loop3A_250, %parallel_loop3A_251] {strides = array<i32>} : memref<64x128xf32, #tpu.memory_space<vmem>>, vector<1x16xf32>,
        %parallel_loop3A_253 = vector.shape_cast %parallel_loop3A_252 : vector<1x16xf32> to vector<16xf32>
        %parallel_loop3A_254 = vector.broadcast %parallel_loop3A_238 : f32 to vector<16xf32>
        %parallel_loop3A_255 = arith.mulf %parallel_loop3A_254, %parallel_loop3A_253 : vector<16xf32>
        %parallel_loop3A_256 = arith.index_cast %parallel_loop3A_233 : i32 to index
        %parallel_loop3A_257 = arith.constant 16 : index
        %parallel_loop3A_258 = tpu.vector_load %arg23[%parallel_loop3A_256, %parallel_loop3A_257] {strides = array<i32>} : memref<64x128xf32, #tpu.memory_space<vmem>>, vector<1x16xf32>,
        %parallel_loop3A_259 = vector.shape_cast %parallel_loop3A_258 : vector<1x16xf32> to vector<16xf32>
        %parallel_loop3A_260 = vector.shape_cast %parallel_loop3A_255 : vector<16xf32> to vector<1x16xf32>
        tpu.vector_store %arg23[%parallel_loop3A_256, %parallel_loop3A_257], %parallel_loop3A_260 {strides = array<i32>} : memref<64x128xf32, #tpu.memory_space<vmem>>, vector<1x16xf32>,
        %parallel_loop3A_261 = arith.index_cast %parallel_loop3A_233 : i32 to index
        %parallel_loop3A_262 = arith.constant 32 : index
        %parallel_loop3A_263 = tpu.vector_load %arg21[%parallel_loop3A_261, %parallel_loop3A_262] {strides = array<i32>} : memref<64x128xf32, #tpu.memory_space<vmem>>, vector<1x16xf32>,
        %parallel_loop3A_264 = vector.shape_cast %parallel_loop3A_263 : vector<1x16xf32> to vector<16xf32>
        %parallel_loop3A_265 = vector.broadcast %parallel_loop3A_238 : f32 to vector<16xf32>
        %parallel_loop3A_266 = arith.mulf %parallel_loop3A_265, %parallel_loop3A_264 : vector<16xf32>
        %parallel_loop3A_267 = arith.index_cast %parallel_loop3A_233 : i32 to index
        %parallel_loop3A_268 = arith.constant 32 : index
        %parallel_loop3A_269 = tpu.vector_load %arg23[%parallel_loop3A_267, %parallel_loop3A_268] {strides = array<i32>} : memref<64x128xf32, #tpu.memory_space<vmem>>, vector<1x16xf32>,
        %parallel_loop3A_270 = vector.shape_cast %parallel_loop3A_269 : vector<1x16xf32> to vector<16xf32>
        %parallel_loop3A_271 = vector.shape_cast %parallel_loop3A_266 : vector<16xf32> to vector<1x16xf32>
        tpu.vector_store %arg23[%parallel_loop3A_267, %parallel_loop3A_268], %parallel_loop3A_271 {strides = array<i32>} : memref<64x128xf32, #tpu.memory_space<vmem>>, vector<1x16xf32>,
        %parallel_loop3A_272 = arith.index_cast %parallel_loop3A_233 : i32 to index
        %parallel_loop3A_273 = arith.constant 48 : index
        %parallel_loop3A_274 = tpu.vector_load %arg21[%parallel_loop3A_272, %parallel_loop3A_273] {strides = array<i32>} : memref<64x128xf32, #tpu.memory_space<vmem>>, vector<1x16xf32>,
        %parallel_loop3A_275 = vector.shape_cast %parallel_loop3A_274 : vector<1x16xf32> to vector<16xf32>
        %parallel_loop3A_276 = vector.broadcast %parallel_loop3A_238 : f32 to vector<16xf32>
        %parallel_loop3A_277 = arith.mulf %parallel_loop3A_276, %parallel_loop3A_275 : vector<16xf32>
        %parallel_loop3A_278 = arith.index_cast %parallel_loop3A_233 : i32 to index
        %parallel_loop3A_279 = arith.constant 48 : index
        %parallel_loop3A_280 = tpu.vector_load %arg23[%parallel_loop3A_278, %parallel_loop3A_279] {strides = array<i32>} : memref<64x128xf32, #tpu.memory_space<vmem>>, vector<1x16xf32>,
        %parallel_loop3A_281 = vector.shape_cast %parallel_loop3A_280 : vector<1x16xf32> to vector<16xf32>
        %parallel_loop3A_282 = vector.shape_cast %parallel_loop3A_277 : vector<16xf32> to vector<1x16xf32>
        tpu.vector_store %arg23[%parallel_loop3A_278, %parallel_loop3A_279], %parallel_loop3A_282 {strides = array<i32>} : memref<64x128xf32, #tpu.memory_space<vmem>>, vector<1x16xf32>,
        %parallel_loop3A_283 = arith.index_cast %parallel_loop3A_233 : i32 to index
        %parallel_loop3A_284 = arith.constant 64 : index
        %parallel_loop3A_285 = tpu.vector_load %arg21[%parallel_loop3A_283, %parallel_loop3A_284] {strides = array<i32>} : memref<64x128xf32, #tpu.memory_space<vmem>>, vector<1x16xf32>,
        %parallel_loop3A_286 = vector.shape_cast %parallel_loop3A_285 : vector<1x16xf32> to vector<16xf32>
        %parallel_loop3A_287 = vector.broadcast %parallel_loop3A_238 : f32 to vector<16xf32>
        %parallel_loop3A_288 = arith.mulf %parallel_loop3A_287, %parallel_loop3A_286 : vector<16xf32>
        %parallel_loop3A_289 = arith.index_cast %parallel_loop3A_233 : i32 to index
        %parallel_loop3A_290 = arith.constant 64 : index
        %parallel_loop3A_291 = tpu.vector_load %arg23[%parallel_loop3A_289, %parallel_loop3A_290] {strides = array<i32>} : memref<64x128xf32, #tpu.memory_space<vmem>>, vector<1x16xf32>,
        %parallel_loop3A_292 = vector.shape_cast %parallel_loop3A_291 : vector<1x16xf32> to vector<16xf32>
        %parallel_loop3A_293 = vector.shape_cast %parallel_loop3A_288 : vector<16xf32> to vector<1x16xf32>
        tpu.vector_store %arg23[%parallel_loop3A_289, %parallel_loop3A_290], %parallel_loop3A_293 {strides = array<i32>} : memref<64x128xf32, #tpu.memory_space<vmem>>, vector<1x16xf32>,
        %parallel_loop3A_294 = arith.index_cast %parallel_loop3A_233 : i32 to index
        %parallel_loop3A_295 = arith.constant 80 : index
        %parallel_loop3A_296 = tpu.vector_load %arg21[%parallel_loop3A_294, %parallel_loop3A_295] {strides = array<i32>} : memref<64x128xf32, #tpu.memory_space<vmem>>, vector<1x16xf32>,
        %parallel_loop3A_297 = vector.shape_cast %parallel_loop3A_296 : vector<1x16xf32> to vector<16xf32>
        %parallel_loop3A_298 = vector.broadcast %parallel_loop3A_238 : f32 to vector<16xf32>
        %parallel_loop3A_299 = arith.mulf %parallel_loop3A_298, %parallel_loop3A_297 : vector<16xf32>
        %parallel_loop3A_300 = arith.index_cast %parallel_loop3A_233 : i32 to index
        %parallel_loop3A_301 = arith.constant 80 : index
        %parallel_loop3A_302 = tpu.vector_load %arg23[%parallel_loop3A_300, %parallel_loop3A_301] {strides = array<i32>} : memref<64x128xf32, #tpu.memory_space<vmem>>, vector<1x16xf32>,
        %parallel_loop3A_303 = vector.shape_cast %parallel_loop3A_302 : vector<1x16xf32> to vector<16xf32>
        %parallel_loop3A_304 = vector.shape_cast %parallel_loop3A_299 : vector<16xf32> to vector<1x16xf32>
        tpu.vector_store %arg23[%parallel_loop3A_300, %parallel_loop3A_301], %parallel_loop3A_304 {strides = array<i32>} : memref<64x128xf32, #tpu.memory_space<vmem>>, vector<1x16xf32>,
        %parallel_loop3A_305 = arith.index_cast %parallel_loop3A_233 : i32 to index
        %parallel_loop3A_306 = arith.constant 96 : index
        %parallel_loop3A_307 = tpu.vector_load %arg21[%parallel_loop3A_305, %parallel_loop3A_306] {strides = array<i32>} : memref<64x128xf32, #tpu.memory_space<vmem>>, vector<1x16xf32>,
        %parallel_loop3A_308 = vector.shape_cast %parallel_loop3A_307 : vector<1x16xf32> to vector<16xf32>
        %parallel_loop3A_309 = vector.broadcast %parallel_loop3A_238 : f32 to vector<16xf32>
        %parallel_loop3A_310 = arith.mulf %parallel_loop3A_309, %parallel_loop3A_308 : vector<16xf32>
        %parallel_loop3A_311 = arith.index_cast %parallel_loop3A_233 : i32 to index
        %parallel_loop3A_312 = arith.constant 96 : index
        %parallel_loop3A_313 = tpu.vector_load %arg23[%parallel_loop3A_311, %parallel_loop3A_312] {strides = array<i32>} : memref<64x128xf32, #tpu.memory_space<vmem>>, vector<1x16xf32>,
        %parallel_loop3A_314 = vector.shape_cast %parallel_loop3A_313 : vector<1x16xf32> to vector<16xf32>
        %parallel_loop3A_315 = vector.shape_cast %parallel_loop3A_310 : vector<16xf32> to vector<1x16xf32>
        tpu.vector_store %arg23[%parallel_loop3A_311, %parallel_loop3A_312], %parallel_loop3A_315 {strides = array<i32>} : memref<64x128xf32, #tpu.memory_space<vmem>>, vector<1x16xf32>,
        %parallel_loop3A_316 = arith.index_cast %parallel_loop3A_233 : i32 to index
        %parallel_loop3A_317 = arith.constant 112 : index
        %parallel_loop3A_318 = tpu.vector_load %arg21[%parallel_loop3A_316, %parallel_loop3A_317] {strides = array<i32>} : memref<64x128xf32, #tpu.memory_space<vmem>>, vector<1x16xf32>,
        %parallel_loop3A_319 = vector.shape_cast %parallel_loop3A_318 : vector<1x16xf32> to vector<16xf32>
        %parallel_loop3A_320 = vector.broadcast %parallel_loop3A_238 : f32 to vector<16xf32>
        %parallel_loop3A_321 = arith.mulf %parallel_loop3A_320, %parallel_loop3A_319 : vector<16xf32>
        %parallel_loop3A_322 = arith.index_cast %parallel_loop3A_233 : i32 to index
        %parallel_loop3A_323 = arith.constant 112 : index
        %parallel_loop3A_324 = tpu.vector_load %arg23[%parallel_loop3A_322, %parallel_loop3A_323] {strides = array<i32>} : memref<64x128xf32, #tpu.memory_space<vmem>>, vector<1x16xf32>,
        %parallel_loop3A_325 = vector.shape_cast %parallel_loop3A_324 : vector<1x16xf32> to vector<16xf32>
        %parallel_loop3A_326 = vector.shape_cast %parallel_loop3A_321 : vector<16xf32> to vector<1x16xf32>
        tpu.vector_store %arg23[%parallel_loop3A_322, %parallel_loop3A_323], %parallel_loop3A_326 {strides = array<i32>} : memref<64x128xf32, #tpu.memory_space<vmem>>, vector<1x16xf32>,
      } {sc.loop_unroll_factor = 4 : i64, sc.parallel_access}
      %scan3A_177 = arith.constant 0 : i32
      %scan3A_178 = arith.constant 0 : i32
      %mul3A_179 = arith.constant 16 : i32
      %mul3A_180 = arith.muli %scan3A_178, %mul3A_179 : i32
      %get3A_181 = arith.index_cast %mul3A_180 : i32 to index
      %get3A_182 = tpu.vector_load %arg13[%get3A_181] {strides = array<i32>} : memref<64xi32, #tpu.memory_space<vmem>>, vector<16xi32>,
      %get3A_183 = vector.shape_cast %get3A_182 : vector<16xi32> to vector<16xi32>
      %swap3A_184 = arith.index_cast %mul3A_180 : i32 to index
      %swap3A_185 = tpu.vector_load %arg25[%swap3A_184] {strides = array<i32>} : memref<64xi32, #tpu.memory_space<vmem>>, vector<16xi32>,
      %swap3A_186 = vector.shape_cast %swap3A_185 : vector<16xi32> to vector<16xi32>
      %swap3A_187 = vector.shape_cast %get3A_183 : vector<16xi32> to vector<16xi32>
      tpu.vector_store %arg25[%swap3A_184], %swap3A_187 {strides = array<i32>} : memref<64xi32, #tpu.memory_space<vmem>>, vector<16xi32>,
      %scan3A_188 = arith.constant 0 : i32
      %scan3A_189 = arith.constant 1 : i32
      %mul3A_190 = arith.constant 16 : i32
      %mul3A_191 = arith.muli %scan3A_189, %mul3A_190 : i32
      %get3A_192 = arith.index_cast %mul3A_191 : i32 to index
      %get3A_193 = tpu.vector_load %arg13[%get3A_192] {strides = array<i32>} : memref<64xi32, #tpu.memory_space<vmem>>, vector<16xi32>,
      %get3A_194 = vector.shape_cast %get3A_193 : vector<16xi32> to vector<16xi32>
      %swap3A_195 = arith.index_cast %mul3A_191 : i32 to index
      %swap3A_196 = tpu.vector_load %arg25[%swap3A_195] {strides = array<i32>} : memref<64xi32, #tpu.memory_space<vmem>>, vector<16xi32>,
      %swap3A_197 = vector.shape_cast %swap3A_196 : vector<16xi32> to vector<16xi32>
      %swap3A_198 = vector.shape_cast %get3A_194 : vector<16xi32> to vector<16xi32>
      tpu.vector_store %arg25[%swap3A_195], %swap3A_198 {strides = array<i32>} : memref<64xi32, #tpu.memory_space<vmem>>, vector<16xi32>,
      %scan3A_199 = arith.constant 0 : i32
      %scan3A_200 = arith.constant 2 : i32
      %mul3A_201 = arith.constant 16 : i32
      %mul3A_202 = arith.muli %scan3A_200, %mul3A_201 : i32
      %get3A_203 = arith.index_cast %mul3A_202 : i32 to index
      %get3A_204 = tpu.vector_load %arg13[%get3A_203] {strides = array<i32>} : memref<64xi32, #tpu.memory_space<vmem>>, vector<16xi32>,
      %get3A_205 = vector.shape_cast %get3A_204 : vector<16xi32> to vector<16xi32>
      %swap3A_206 = arith.index_cast %mul3A_202 : i32 to index
      %swap3A_207 = tpu.vector_load %arg25[%swap3A_206] {strides = array<i32>} : memref<64xi32, #tpu.memory_space<vmem>>, vector<16xi32>,
      %swap3A_208 = vector.shape_cast %swap3A_207 : vector<16xi32> to vector<16xi32>
      %swap3A_209 = vector.shape_cast %get3A_205 : vector<16xi32> to vector<16xi32>
      tpu.vector_store %arg25[%swap3A_206], %swap3A_209 {strides = array<i32>} : memref<64xi32, #tpu.memory_space<vmem>>, vector<16xi32>,
      %scan3A_210 = arith.constant 0 : i32
      %scan3A_211 = arith.constant 3 : i32
      %mul3A_212 = arith.constant 16 : i32
      %mul3A_213 = arith.muli %scan3A_211, %mul3A_212 : i32
      %get3A_214 = arith.index_cast %mul3A_213 : i32 to index
      %get3A_215 = tpu.vector_load %arg13[%get3A_214] {strides = array<i32>} : memref<64xi32, #tpu.memory_space<vmem>>, vector<16xi32>,
      %get3A_216 = vector.shape_cast %get3A_215 : vector<16xi32> to vector<16xi32>
      %swap3A_217 = arith.index_cast %mul3A_213 : i32 to index
      %swap3A_218 = tpu.vector_load %arg25[%swap3A_217] {strides = array<i32>} : memref<64xi32, #tpu.memory_space<vmem>>, vector<16xi32>,
      %swap3A_219 = vector.shape_cast %swap3A_218 : vector<16xi32> to vector<16xi32>
      %swap3A_220 = vector.shape_cast %get3A_216 : vector<16xi32> to vector<16xi32>
      tpu.vector_store %arg25[%swap3A_217], %swap3A_220 {strides = array<i32>} : memref<64xi32, #tpu.memory_space<vmem>>, vector<16xi32>,
      %scan3A_221 = arith.constant 0 : i32
      %scan3A_222 = arith.constant 4 : i32
      %dma_start3A_223 = arith.constant 0 : i32
      %dma_start3A_224 = arith.constant 0 : i32
      %dma_start3A_225 = tpu.memref_slice %arg9[%dma_start3A_223, %dma_start3A_224] : memref<10016x128xf32, #tpu.memory_space<vmem_shared>> -> memref<10016x128xf32, #tpu.memory_space<vmem_shared>>
      tpu.enqueue_indirect_dma source(%arg23 : memref<64x128xf32, #tpu.memory_space<vmem>>) target(%dma_start3A_225 : memref<10016x128xf32, #tpu.memory_space<vmem_shared>>) offsets(%arg25 : memref<64xi32, #tpu.memory_space<vmem>>) semaphore(%arg31 : memref<!tpu.dma_semaphore, #tpu.memory_space<semaphore_mem>>) {add = true}
      %add3A_226 = arith.constant 2 : i32
      %add3A_227 = arith.addi %add3A_151, %add3A_226 : i32
      %lt3A_228 = arith.constant 320 : i32
      %lt3A_229 = arith.cmpi slt, %add3A_227, %lt3A_228 : i32
      %convert_element_type3A_230 = arith.extui %lt3A_229 : i1 to i32
      %cond3A_231 = arith.constant 0 : i32
      %cond3A_232 = arith.cmpi ne, %convert_element_type3A_230, %cond3A_231 : i32
      scf.if %cond3A_232 {
        %add3A_233 = arith.constant 2 : i32
        %add3A_234 = arith.addi %add3A_151, %add3A_233 : i32
        %mul3A_235 = arith.constant 64 : i32
        %mul3A_236 = arith.muli %add3A_234, %mul3A_235 : i32
        %add3A_237 = arith.addi %mul3A_8, %mul3A_236 : i32
        %dma_start3A_238 = tpu.memref_slice %arg3[%add3A_237] : memref<327680xi32, #tpu.memory_space<hbm>> -> memref<64xi32, #tpu.memory_space<hbm>>
        %dma_start3A_239 = tpu.memref_slice %arg3[%add3A_237] : memref<327680xi32, #tpu.memory_space<hbm>> -> memref<64xi32, #tpu.memory_space<hbm>>
        tpu.enqueue_dma source(%dma_start3A_239 : memref<64xi32, #tpu.memory_space<hbm>>) target(%arg11 : memref<64xi32, #tpu.memory_space<vmem>>) target_semaphore(%arg27 : memref<!tpu.dma_semaphore, #tpu.memory_space<semaphore_mem>>)
        %dma_start3A_240 = tpu.memref_slice %arg4[%add3A_237] : memref<327680xi32, #tpu.memory_space<hbm>> -> memref<64xi32, #tpu.memory_space<hbm>>
        %dma_start3A_241 = tpu.memref_slice %arg4[%add3A_237] : memref<327680xi32, #tpu.memory_space<hbm>> -> memref<64xi32, #tpu.memory_space<hbm>>
        tpu.enqueue_dma source(%dma_start3A_241 : memref<64xi32, #tpu.memory_space<hbm>>) target(%arg13 : memref<64xi32, #tpu.memory_space<vmem>>) target_semaphore(%arg27 : memref<!tpu.dma_semaphore, #tpu.memory_space<semaphore_mem>>)
        %dma_start3A_242 = tpu.memref_slice %arg5[%add3A_237] : memref<327680xf32, #tpu.memory_space<hbm>> -> memref<64xf32, #tpu.memory_space<hbm>>
        %dma_start3A_243 = tpu.memref_slice %arg5[%add3A_237] : memref<327680xf32, #tpu.memory_space<hbm>> -> memref<64xf32, #tpu.memory_space<hbm>>
        tpu.enqueue_dma source(%dma_start3A_243 : memref<64xf32, #tpu.memory_space<hbm>>) target(%arg15 : memref<64xf32, #tpu.memory_space<vmem>>) target_semaphore(%arg27 : memref<!tpu.dma_semaphore, #tpu.memory_space<semaphore_mem>>)
        %dma_start3A_244 = tpu.memref_slice %arg6[%add3A_237] : memref<327680xf32, #tpu.memory_space<hbm>> -> memref<64xf32, #tpu.memory_space<hbm>>
        %dma_start3A_245 = tpu.memref_slice %arg6[%add3A_237] : memref<327680xf32, #tpu.memory_space<hbm>> -> memref<64xf32, #tpu.memory_space<hbm>>
        tpu.enqueue_dma source(%dma_start3A_245 : memref<64xf32, #tpu.memory_space<hbm>>) target(%arg17 : memref<64xf32, #tpu.memory_space<vmem>>) target_semaphore(%arg27 : memref<!tpu.dma_semaphore, #tpu.memory_space<semaphore_mem>>)
      } else {
      }
    }
    %scan3A_48 = arith.constant 160 : i32
    %dma_wait3A_49 = arith.constant 0 : i32
    %dma_wait3A_50 = arith.constant 0 : i32
    %dma_wait3A_51 = tpu.memref_slice %arg9[%dma_wait3A_49, %dma_wait3A_50] : memref<10016x128xf32, #tpu.memory_space<vmem_shared>> -> memref<10016x128xf32, #tpu.memory_space<vmem_shared>>
    tpu.wait_indirect_dma semaphore(%arg30 : memref<!tpu.dma_semaphore, #tpu.memory_space<semaphore_mem>>) src(%arg22 : memref<64x128xf32, #tpu.memory_space<vmem>>) dst(%dma_wait3A_51 : memref<10016x128xf32, #tpu.memory_space<vmem_shared>>)
    %dma_wait3A_52 = arith.constant 0 : i32
    %dma_wait3A_53 = arith.constant 0 : i32
    %dma_wait3A_54 = tpu.memref_slice %arg9[%dma_wait3A_52, %dma_wait3A_53] : memref<10016x128xf32, #tpu.memory_space<vmem_shared>> -> memref<10016x128xf32, #tpu.memory_space<vmem_shared>>
    tpu.wait_indirect_dma semaphore(%arg31 : memref<!tpu.dma_semaphore, #tpu.memory_space<semaphore_mem>>) src(%arg23 : memref<64x128xf32, #tpu.memory_space<vmem>>) dst(%dma_wait3A_54 : memref<10016x128xf32, #tpu.memory_space<vmem_shared>>)
    %barrier3A_55 = arith.constant 0 : index
    tpu.barrier barrier_id(%barrier3A_55)
    %lt3A_56 = arith.constant 15 : i32
    %lt3A_57 = arith.cmpi slt, %arg1, %lt3A_56 : i32
    %convert_element_type3A_58 = arith.extui %lt3A_57 : i1 to i32
    %cond3A_59 = arith.constant 0 : i32
    %cond3A_60 = arith.cmpi ne, %convert_element_type3A_58, %cond3A_59 : i32
    scf.if %cond3A_60 {
      %mul3A_66 = arith.constant 10016 : i32
      %mul3A_67 = arith.muli %arg0, %mul3A_66 : i32
      %add3A_68 = arith.addi %mul3A_67, %mul3A_0 : i32
      "tpu.region"() ({
        %run_scoped3A = tpu.sem_alloc : memref<!tpu.dma_semaphore, #tpu.memory_space<semaphore_mem>>
        %dma_start3A_69 = arith.constant 0 : i32
        %dma_start3A_70 = tpu.memref_slice %arg8[%add3A_68, %dma_start3A_69] : memref<20032x128xf32, #tpu.memory_space<hbm>> -> memref<632x128xf32, #tpu.memory_space<hbm>>
        %dma_start3A_71 = arith.constant 0 : i32
        %dma_start3A_72 = tpu.memref_slice %arg9[%mul3A_0, %dma_start3A_71] : memref<10016x128xf32, #tpu.memory_space<vmem_shared>> -> memref<632x128xf32, #tpu.memory_space<vmem_shared>>
        tpu.enqueue_dma source(%dma_start3A_72 : memref<632x128xf32, #tpu.memory_space<vmem_shared>>) target(%dma_start3A_70 : memref<632x128xf32, #tpu.memory_space<hbm>>) target_semaphore(%run_scoped3A : memref<!tpu.dma_semaphore, #tpu.memory_space<semaphore_mem>>)
        %dma_wait3A_73 = arith.constant 0 : i32
        %dma_wait3A_74 = tpu.memref_slice %arg8[%add3A_68, %dma_wait3A_73] : memref<20032x128xf32, #tpu.memory_space<hbm>> -> memref<632x128xf32, #tpu.memory_space<hbm>>
        %dma_wait3A_75 = arith.constant 0 : i32
        %dma_wait3A_76 = tpu.memref_slice %arg9[%mul3A_0, %dma_wait3A_75] : memref<10016x128xf32, #tpu.memory_space<vmem_shared>> -> memref<632x128xf32, #tpu.memory_space<vmem_shared>>
        tpu.wait_dma2 semaphore(%run_scoped3A : memref<!tpu.dma_semaphore, #tpu.memory_space<semaphore_mem>>) src(%dma_wait3A_76 : memref<632x128xf32, #tpu.memory_space<vmem_shared>>) dst(%dma_wait3A_74 : memref<632x128xf32, #tpu.memory_space<hbm>>)
        tpu.yield
      }) : () -> ()
    } else {
    }
    %eq3A_61 = arith.constant 15 : i32
    %eq3A_62 = arith.cmpi eq, %arg1, %eq3A_61 : i32
    %convert_element_type3A_63 = arith.extui %eq3A_62 : i1 to i32
    %cond3A_64 = arith.constant 0 : i32
    %cond3A_65 = arith.cmpi ne, %convert_element_type3A_63, %cond3A_64 : i32
    scf.if %cond3A_65 {
      %mul3A_66 = arith.constant 10016 : i32
      %mul3A_67 = arith.muli %arg0, %mul3A_66 : i32
      %add3A_68 = arith.constant 9480 : i32
      %add3A_69 = arith.addi %mul3A_67, %add3A_68 : i32
      "tpu.region"() ({
        %run_scoped3A = tpu.sem_alloc : memref<!tpu.dma_semaphore, #tpu.memory_space<semaphore_mem>>
        %dma_start3A_70 = arith.constant 0 : i32
        %dma_start3A_71 = tpu.memref_slice %arg8[%add3A_69, %dma_start3A_70] : memref<20032x128xf32, #tpu.memory_space<hbm>> -> memref<536x128xf32, #tpu.memory_space<hbm>>
        %dma_start3A_72 = arith.constant 9480 : i32
        %dma_start3A_73 = arith.constant 0 : i32
        %dma_start3A_74 = tpu.memref_slice %arg9[%dma_start3A_72, %dma_start3A_73] : memref<10016x128xf32, #tpu.memory_space<vmem_shared>> -> memref<536x128xf32, #tpu.memory_space<vmem_shared>>
        tpu.enqueue_dma source(%dma_start3A_74 : memref<536x128xf32, #tpu.memory_space<vmem_shared>>) target(%dma_start3A_71 : memref<536x128xf32, #tpu.memory_space<hbm>>) target_semaphore(%run_scoped3A : memref<!tpu.dma_semaphore, #tpu.memory_space<semaphore_mem>>)
        %dma_wait3A_75 = arith.constant 0 : i32
        %dma_wait3A_76 = tpu.memref_slice %arg8[%add3A_69, %dma_wait3A_75] : memref<20032x128xf32, #tpu.memory_space<hbm>> -> memref<536x128xf32, #tpu.memory_space<hbm>>
        %dma_wait3A_77 = arith.constant 9480 : i32
        %dma_wait3A_78 = arith.constant 0 : i32
        %dma_wait3A_79 = tpu.memref_slice %arg9[%dma_wait3A_77, %dma_wait3A_78] : memref<10016x128xf32, #tpu.memory_space<vmem_shared>> -> memref<536x128xf32, #tpu.memory_space<vmem_shared>>
        tpu.wait_dma2 semaphore(%run_scoped3A : memref<!tpu.dma_semaphore, #tpu.memory_space<semaphore_mem>>) src(%dma_wait3A_79 : memref<536x128xf32, #tpu.memory_space<vmem_shared>>) dst(%dma_wait3A_76 : memref<536x128xf32, #tpu.memory_space<hbm>>)
        tpu.yield
      }) : () -> ()
    } else {
    }
    return
  }
}

#map = affine_map<(d0, d1) -> (0, 0)>
#map1 = affine_map<(d0, d1) -> (0)>
module attributes {stable_mosaic.version = 14 : i64} {
  func.func @_s2_body(%arg0: i32, %arg1: i32, %arg2: memref<20032x128xf32, #tpu.memory_space<hbm>>, %arg3: memref<20032x128xf32, #tpu.memory_space<hbm>>, %arg4: memref<327680xi32, #tpu.memory_space<hbm>>, %arg5: memref<327680xi32, #tpu.memory_space<hbm>>, %arg6: memref<327680xf32, #tpu.memory_space<hbm>>, %arg7: memref<327680xf32, #tpu.memory_space<hbm>>, %arg8: memref<10016x128xf32, #tpu.memory_space<hbm>>, %arg9: memref<20032x128xf32, #tpu.memory_space<hbm>>, %arg10: memref<10016x128xf32, #tpu.memory_space<vmem_shared>>, %arg11: memref<64xi32, #tpu.memory_space<vmem>>, %arg12: memref<64xi32, #tpu.memory_space<vmem>>, %arg13: memref<64xi32, #tpu.memory_space<vmem>>, %arg14: memref<64xi32, #tpu.memory_space<vmem>>, %arg15: memref<64xf32, #tpu.memory_space<vmem>>, %arg16: memref<64xf32, #tpu.memory_space<vmem>>, %arg17: memref<64xf32, #tpu.memory_space<vmem>>, %arg18: memref<64xf32, #tpu.memory_space<vmem>>, %arg19: memref<80xf32, #tpu.memory_space<vmem>>, %arg20: memref<80xf32, #tpu.memory_space<vmem>>, %arg21: memref<80xf32, #tpu.memory_space<vmem>>, %arg22: memref<80xf32, #tpu.memory_space<vmem>>, %arg23: memref<64x128xf32, #tpu.memory_space<vmem>>, %arg24: memref<64x128xf32, #tpu.memory_space<vmem>>, %arg25: memref<64x128xf32, #tpu.memory_space<vmem>>, %arg26: memref<64x128xf32, #tpu.memory_space<vmem>>, %arg27: memref<64x128xf32, #tpu.memory_space<vmem>>, %arg28: memref<64x128xf32, #tpu.memory_space<vmem>>, %arg29: memref<64xi32, #tpu.memory_space<vmem>>, %arg30: memref<64xi32, #tpu.memory_space<vmem>>, %arg31: memref<!tpu.dma_semaphore, #tpu.memory_space<semaphore_mem>>, %arg32: memref<!tpu.dma_semaphore, #tpu.memory_space<semaphore_mem>>, %arg33: memref<!tpu.dma_semaphore, #tpu.memory_space<semaphore_mem>>, %arg34: memref<!tpu.dma_semaphore, #tpu.memory_space<semaphore_mem>>, %arg35: memref<!tpu.dma_semaphore, #tpu.memory_space<semaphore_mem>>, %arg36: memref<!tpu.dma_semaphore, #tpu.memory_space<semaphore_mem>>) attributes {dimension_semantics = [#tpu.dimension_semantics<core_parallel>, #tpu.dimension_semantics<subcore_parallel>], iteration_bounds = array<i64: 2, 16>, scalar_prefetch = 0 : i64, scratch_operands = 27 : i64, tpu.core_type = #tpu.core_type<sc_vector_subcore>, window_params = [{transform_indices = #map}, {transform_indices = #map}, {transform_indices = #map1}, {transform_indices = #map1}, {transform_indices = #map1}, {transform_indices = #map1}, {transform_indices = #map}, {transform_indices = #map}]} {
    %mul3A = arith.constant 632 : i32
    %mul3A_0 = arith.muli %arg1, %mul3A : i32
    %lt3A = arith.constant 15 : i32
    %lt3A_1 = arith.cmpi slt, %arg1, %lt3A : i32
    %convert_element_type3A = arith.extui %lt3A_1 : i1 to i32
    %cond3A = arith.constant 0 : i32
    %cond3A_2 = arith.cmpi ne, %convert_element_type3A, %cond3A : i32
    scf.if %cond3A_2 {
      "tpu.region"() ({
        %run_scoped3A = tpu.sem_alloc : memref<!tpu.dma_semaphore, #tpu.memory_space<semaphore_mem>>
        %dma_start3A_123 = arith.constant 0 : i32
        %dma_start3A_124 = tpu.memref_slice %arg10[%mul3A_0, %dma_start3A_123] : memref<10016x128xf32, #tpu.memory_space<vmem_shared>> -> memref<632x128xf32, #tpu.memory_space<vmem_shared>>
        %dma_start3A_125 = arith.constant 0 : i32
        %dma_start3A_126 = tpu.memref_slice %arg8[%mul3A_0, %dma_start3A_125] : memref<10016x128xf32, #tpu.memory_space<hbm>> -> memref<632x128xf32, #tpu.memory_space<hbm>>
        tpu.enqueue_dma source(%dma_start3A_126 : memref<632x128xf32, #tpu.memory_space<hbm>>) target(%dma_start3A_124 : memref<632x128xf32, #tpu.memory_space<vmem_shared>>) target_semaphore(%run_scoped3A : memref<!tpu.dma_semaphore, #tpu.memory_space<semaphore_mem>>)
        %dma_wait3A_127 = arith.constant 0 : i32
        %dma_wait3A_128 = tpu.memref_slice %arg10[%mul3A_0, %dma_wait3A_127] : memref<10016x128xf32, #tpu.memory_space<vmem_shared>> -> memref<632x128xf32, #tpu.memory_space<vmem_shared>>
        %dma_wait3A_129 = arith.constant 0 : i32
        %dma_wait3A_130 = tpu.memref_slice %arg8[%mul3A_0, %dma_wait3A_129] : memref<10016x128xf32, #tpu.memory_space<hbm>> -> memref<632x128xf32, #tpu.memory_space<hbm>>
        tpu.wait_dma2 semaphore(%run_scoped3A : memref<!tpu.dma_semaphore, #tpu.memory_space<semaphore_mem>>) src(%dma_wait3A_130 : memref<632x128xf32, #tpu.memory_space<hbm>>) dst(%dma_wait3A_128 : memref<632x128xf32, #tpu.memory_space<vmem_shared>>)
        tpu.yield
      }) : () -> ()
    } else {
    }
    %eq3A = arith.constant 15 : i32
    %eq3A_3 = arith.cmpi eq, %arg1, %eq3A : i32
    %convert_element_type3A_4 = arith.extui %eq3A_3 : i1 to i32
    %cond3A_5 = arith.constant 0 : i32
    %cond3A_6 = arith.cmpi ne, %convert_element_type3A_4, %cond3A_5 : i32
    scf.if %cond3A_6 {
      "tpu.region"() ({
        %run_scoped3A = tpu.sem_alloc : memref<!tpu.dma_semaphore, #tpu.memory_space<semaphore_mem>>
        %dma_start3A_123 = arith.constant 9480 : i32
        %dma_start3A_124 = arith.constant 0 : i32
        %dma_start3A_125 = tpu.memref_slice %arg10[%dma_start3A_123, %dma_start3A_124] : memref<10016x128xf32, #tpu.memory_space<vmem_shared>> -> memref<536x128xf32, #tpu.memory_space<vmem_shared>>
        %dma_start3A_126 = arith.constant 9480 : i32
        %dma_start3A_127 = arith.constant 0 : i32
        %dma_start3A_128 = tpu.memref_slice %arg8[%dma_start3A_126, %dma_start3A_127] : memref<10016x128xf32, #tpu.memory_space<hbm>> -> memref<536x128xf32, #tpu.memory_space<hbm>>
        tpu.enqueue_dma source(%dma_start3A_128 : memref<536x128xf32, #tpu.memory_space<hbm>>) target(%dma_start3A_125 : memref<536x128xf32, #tpu.memory_space<vmem_shared>>) target_semaphore(%run_scoped3A : memref<!tpu.dma_semaphore, #tpu.memory_space<semaphore_mem>>)
        %dma_wait3A_129 = arith.constant 9480 : i32
        %dma_wait3A_130 = arith.constant 0 : i32
        %dma_wait3A_131 = tpu.memref_slice %arg10[%dma_wait3A_129, %dma_wait3A_130] : memref<10016x128xf32, #tpu.memory_space<vmem_shared>> -> memref<536x128xf32, #tpu.memory_space<vmem_shared>>
        %dma_wait3A_132 = arith.constant 9480 : i32
        %dma_wait3A_133 = arith.constant 0 : i32
        %dma_wait3A_134 = tpu.memref_slice %arg8[%dma_wait3A_132, %dma_wait3A_133] : memref<10016x128xf32, #tpu.memory_space<hbm>> -> memref<536x128xf32, #tpu.memory_space<hbm>>
        tpu.wait_dma2 semaphore(%run_scoped3A : memref<!tpu.dma_semaphore, #tpu.memory_space<semaphore_mem>>) src(%dma_wait3A_134 : memref<536x128xf32, #tpu.memory_space<hbm>>) dst(%dma_wait3A_131 : memref<536x128xf32, #tpu.memory_space<vmem_shared>>)
        tpu.yield
      }) : () -> ()
    } else {
    }
    %barrier3A = arith.constant 0 : index
    tpu.barrier barrier_id(%barrier3A)
    %mul3A_7 = arith.constant 20480 : i32
    %mul3A_8 = arith.muli %arg1, %mul3A_7 : i32
    %mul3A_9 = arith.constant 10016 : i32
    %mul3A_10 = arith.muli %arg0, %mul3A_9 : i32
    %add3A = arith.constant 0 : i32
    %add3A_11 = arith.addi %mul3A_8, %add3A : i32
    %dma_start3A = tpu.memref_slice %arg4[%add3A_11] : memref<327680xi32, #tpu.memory_space<hbm>> -> memref<64xi32, #tpu.memory_space<hbm>>
    %dma_start3A_12 = tpu.memref_slice %arg4[%add3A_11] : memref<327680xi32, #tpu.memory_space<hbm>> -> memref<64xi32, #tpu.memory_space<hbm>>
    tpu.enqueue_dma source(%dma_start3A_12 : memref<64xi32, #tpu.memory_space<hbm>>) target(%arg11 : memref<64xi32, #tpu.memory_space<vmem>>) target_semaphore(%arg31 : memref<!tpu.dma_semaphore, #tpu.memory_space<semaphore_mem>>)
    %dma_start3A_13 = tpu.memref_slice %arg5[%add3A_11] : memref<327680xi32, #tpu.memory_space<hbm>> -> memref<64xi32, #tpu.memory_space<hbm>>
    %dma_start3A_14 = tpu.memref_slice %arg5[%add3A_11] : memref<327680xi32, #tpu.memory_space<hbm>> -> memref<64xi32, #tpu.memory_space<hbm>>
    tpu.enqueue_dma source(%dma_start3A_14 : memref<64xi32, #tpu.memory_space<hbm>>) target(%arg13 : memref<64xi32, #tpu.memory_space<vmem>>) target_semaphore(%arg31 : memref<!tpu.dma_semaphore, #tpu.memory_space<semaphore_mem>>)
    %dma_start3A_15 = tpu.memref_slice %arg6[%add3A_11] : memref<327680xf32, #tpu.memory_space<hbm>> -> memref<64xf32, #tpu.memory_space<hbm>>
    %dma_start3A_16 = tpu.memref_slice %arg6[%add3A_11] : memref<327680xf32, #tpu.memory_space<hbm>> -> memref<64xf32, #tpu.memory_space<hbm>>
    tpu.enqueue_dma source(%dma_start3A_16 : memref<64xf32, #tpu.memory_space<hbm>>) target(%arg15 : memref<64xf32, #tpu.memory_space<vmem>>) target_semaphore(%arg31 : memref<!tpu.dma_semaphore, #tpu.memory_space<semaphore_mem>>)
    %dma_start3A_17 = tpu.memref_slice %arg7[%add3A_11] : memref<327680xf32, #tpu.memory_space<hbm>> -> memref<64xf32, #tpu.memory_space<hbm>>
    %dma_start3A_18 = tpu.memref_slice %arg7[%add3A_11] : memref<327680xf32, #tpu.memory_space<hbm>> -> memref<64xf32, #tpu.memory_space<hbm>>
    tpu.enqueue_dma source(%dma_start3A_18 : memref<64xf32, #tpu.memory_space<hbm>>) target(%arg17 : memref<64xf32, #tpu.memory_space<vmem>>) target_semaphore(%arg31 : memref<!tpu.dma_semaphore, #tpu.memory_space<semaphore_mem>>)
    %add3A_19 = arith.constant 64 : i32
    %add3A_20 = arith.addi %mul3A_8, %add3A_19 : i32
    %dma_start3A_21 = tpu.memref_slice %arg4[%add3A_20] : memref<327680xi32, #tpu.memory_space<hbm>> -> memref<64xi32, #tpu.memory_space<hbm>>
    %dma_start3A_22 = tpu.memref_slice %arg4[%add3A_20] : memref<327680xi32, #tpu.memory_space<hbm>> -> memref<64xi32, #tpu.memory_space<hbm>>
    tpu.enqueue_dma source(%dma_start3A_22 : memref<64xi32, #tpu.memory_space<hbm>>) target(%arg12 : memref<64xi32, #tpu.memory_space<vmem>>) target_semaphore(%arg32 : memref<!tpu.dma_semaphore, #tpu.memory_space<semaphore_mem>>)
    %dma_start3A_23 = tpu.memref_slice %arg5[%add3A_20] : memref<327680xi32, #tpu.memory_space<hbm>> -> memref<64xi32, #tpu.memory_space<hbm>>
    %dma_start3A_24 = tpu.memref_slice %arg5[%add3A_20] : memref<327680xi32, #tpu.memory_space<hbm>> -> memref<64xi32, #tpu.memory_space<hbm>>
    tpu.enqueue_dma source(%dma_start3A_24 : memref<64xi32, #tpu.memory_space<hbm>>) target(%arg14 : memref<64xi32, #tpu.memory_space<vmem>>) target_semaphore(%arg32 : memref<!tpu.dma_semaphore, #tpu.memory_space<semaphore_mem>>)
    %dma_start3A_25 = tpu.memref_slice %arg6[%add3A_20] : memref<327680xf32, #tpu.memory_space<hbm>> -> memref<64xf32, #tpu.memory_space<hbm>>
    %dma_start3A_26 = tpu.memref_slice %arg6[%add3A_20] : memref<327680xf32, #tpu.memory_space<hbm>> -> memref<64xf32, #tpu.memory_space<hbm>>
    tpu.enqueue_dma source(%dma_start3A_26 : memref<64xf32, #tpu.memory_space<hbm>>) target(%arg16 : memref<64xf32, #tpu.memory_space<vmem>>) target_semaphore(%arg32 : memref<!tpu.dma_semaphore, #tpu.memory_space<semaphore_mem>>)
    %dma_start3A_27 = tpu.memref_slice %arg7[%add3A_20] : memref<327680xf32, #tpu.memory_space<hbm>> -> memref<64xf32, #tpu.memory_space<hbm>>
    %dma_start3A_28 = tpu.memref_slice %arg7[%add3A_20] : memref<327680xf32, #tpu.memory_space<hbm>> -> memref<64xf32, #tpu.memory_space<hbm>>
    tpu.enqueue_dma source(%dma_start3A_28 : memref<64xf32, #tpu.memory_space<hbm>>) target(%arg18 : memref<64xf32, #tpu.memory_space<vmem>>) target_semaphore(%arg32 : memref<!tpu.dma_semaphore, #tpu.memory_space<semaphore_mem>>)
    %dma_wait3A = arith.constant 0 : i32
    %dma_wait3A_29 = tpu.memref_slice %arg4[%dma_wait3A] : memref<327680xi32, #tpu.memory_space<hbm>> -> memref<64xi32, #tpu.memory_space<hbm>>
    %dma_wait3A_30 = arith.constant 0 : i32
    %dma_wait3A_31 = tpu.memref_slice %arg4[%dma_wait3A_30] : memref<327680xi32, #tpu.memory_space<hbm>> -> memref<64xi32, #tpu.memory_space<hbm>>
    tpu.wait_dma2 semaphore(%arg31 : memref<!tpu.dma_semaphore, #tpu.memory_space<semaphore_mem>>) src(%dma_wait3A_31 : memref<64xi32, #tpu.memory_space<hbm>>) dst(%arg11 : memref<64xi32, #tpu.memory_space<vmem>>)
    %dma_wait3A_32 = arith.constant 0 : i32
    %dma_wait3A_33 = tpu.memref_slice %arg5[%dma_wait3A_32] : memref<327680xi32, #tpu.memory_space<hbm>> -> memref<64xi32, #tpu.memory_space<hbm>>
    %dma_wait3A_34 = arith.constant 0 : i32
    %dma_wait3A_35 = tpu.memref_slice %arg5[%dma_wait3A_34] : memref<327680xi32, #tpu.memory_space<hbm>> -> memref<64xi32, #tpu.memory_space<hbm>>
    tpu.wait_dma2 semaphore(%arg31 : memref<!tpu.dma_semaphore, #tpu.memory_space<semaphore_mem>>) src(%dma_wait3A_35 : memref<64xi32, #tpu.memory_space<hbm>>) dst(%arg13 : memref<64xi32, #tpu.memory_space<vmem>>)
    %dma_wait3A_36 = arith.constant 0 : i32
    %dma_wait3A_37 = tpu.memref_slice %arg6[%dma_wait3A_36] : memref<327680xf32, #tpu.memory_space<hbm>> -> memref<64xf32, #tpu.memory_space<hbm>>
    %dma_wait3A_38 = arith.constant 0 : i32
    %dma_wait3A_39 = tpu.memref_slice %arg6[%dma_wait3A_38] : memref<327680xf32, #tpu.memory_space<hbm>> -> memref<64xf32, #tpu.memory_space<hbm>>
    tpu.wait_dma2 semaphore(%arg31 : memref<!tpu.dma_semaphore, #tpu.memory_space<semaphore_mem>>) src(%dma_wait3A_39 : memref<64xf32, #tpu.memory_space<hbm>>) dst(%arg15 : memref<64xf32, #tpu.memory_space<vmem>>)
    %dma_wait3A_40 = arith.constant 0 : i32
    %dma_wait3A_41 = tpu.memref_slice %arg7[%dma_wait3A_40] : memref<327680xf32, #tpu.memory_space<hbm>> -> memref<64xf32, #tpu.memory_space<hbm>>
    %dma_wait3A_42 = arith.constant 0 : i32
    %dma_wait3A_43 = tpu.memref_slice %arg7[%dma_wait3A_42] : memref<327680xf32, #tpu.memory_space<hbm>> -> memref<64xf32, #tpu.memory_space<hbm>>
    tpu.wait_dma2 semaphore(%arg31 : memref<!tpu.dma_semaphore, #tpu.memory_space<semaphore_mem>>) src(%dma_wait3A_43 : memref<64xf32, #tpu.memory_space<hbm>>) dst(%arg17 : memref<64xf32, #tpu.memory_space<vmem>>)
    %scan3A = arith.constant 0 : i32
    %scan3A_44 = arith.constant 0 : i32
    %mul3A_45 = arith.constant 16 : i32
    %mul3A_46 = arith.muli %scan3A_44, %mul3A_45 : i32
    %get3A = arith.index_cast %mul3A_46 : i32 to index
    %get3A_47 = tpu.vector_load %arg11[%get3A] {strides = array<i32>} : memref<64xi32, #tpu.memory_space<vmem>>, vector<16xi32>,
    %get3A_48 = vector.shape_cast %get3A_47 : vector<16xi32> to vector<16xi32>
    %add3A_49 = vector.broadcast %mul3A_10 : i32 to vector<16xi32>
    %add3A_50 = arith.addi %get3A_48, %add3A_49 : vector<16xi32>
    %swap3A = arith.index_cast %mul3A_46 : i32 to index
    %swap3A_51 = tpu.vector_load %arg11[%swap3A] {strides = array<i32>} : memref<64xi32, #tpu.memory_space<vmem>>, vector<16xi32>,
    %swap3A_52 = vector.shape_cast %swap3A_51 : vector<16xi32> to vector<16xi32>
    %swap3A_53 = vector.shape_cast %add3A_50 : vector<16xi32> to vector<16xi32>
    tpu.vector_store %arg11[%swap3A], %swap3A_53 {strides = array<i32>} : memref<64xi32, #tpu.memory_space<vmem>>, vector<16xi32>,
    %scan3A_54 = arith.constant 0 : i32
    %scan3A_55 = arith.constant 1 : i32
    %mul3A_56 = arith.constant 16 : i32
    %mul3A_57 = arith.muli %scan3A_55, %mul3A_56 : i32
    %get3A_58 = arith.index_cast %mul3A_57 : i32 to index
    %get3A_59 = tpu.vector_load %arg11[%get3A_58] {strides = array<i32>} : memref<64xi32, #tpu.memory_space<vmem>>, vector<16xi32>,
    %get3A_60 = vector.shape_cast %get3A_59 : vector<16xi32> to vector<16xi32>
    %add3A_61 = vector.broadcast %mul3A_10 : i32 to vector<16xi32>
    %add3A_62 = arith.addi %get3A_60, %add3A_61 : vector<16xi32>
    %swap3A_63 = arith.index_cast %mul3A_57 : i32 to index
    %swap3A_64 = tpu.vector_load %arg11[%swap3A_63] {strides = array<i32>} : memref<64xi32, #tpu.memory_space<vmem>>, vector<16xi32>,
    %swap3A_65 = vector.shape_cast %swap3A_64 : vector<16xi32> to vector<16xi32>
    %swap3A_66 = vector.shape_cast %add3A_62 : vector<16xi32> to vector<16xi32>
    tpu.vector_store %arg11[%swap3A_63], %swap3A_66 {strides = array<i32>} : memref<64xi32, #tpu.memory_space<vmem>>, vector<16xi32>,
    %scan3A_67 = arith.constant 0 : i32
    %scan3A_68 = arith.constant 2 : i32
    %mul3A_69 = arith.constant 16 : i32
    %mul3A_70 = arith.muli %scan3A_68, %mul3A_69 : i32
    %get3A_71 = arith.index_cast %mul3A_70 : i32 to index
    %get3A_72 = tpu.vector_load %arg11[%get3A_71] {strides = array<i32>} : memref<64xi32, #tpu.memory_space<vmem>>, vector<16xi32>,
    %get3A_73 = vector.shape_cast %get3A_72 : vector<16xi32> to vector<16xi32>
    %add3A_74 = vector.broadcast %mul3A_10 : i32 to vector<16xi32>
    %add3A_75 = arith.addi %get3A_73, %add3A_74 : vector<16xi32>
    %swap3A_76 = arith.index_cast %mul3A_70 : i32 to index
    %swap3A_77 = tpu.vector_load %arg11[%swap3A_76] {strides = array<i32>} : memref<64xi32, #tpu.memory_space<vmem>>, vector<16xi32>,
    %swap3A_78 = vector.shape_cast %swap3A_77 : vector<16xi32> to vector<16xi32>
    %swap3A_79 = vector.shape_cast %add3A_75 : vector<16xi32> to vector<16xi32>
    tpu.vector_store %arg11[%swap3A_76], %swap3A_79 {strides = array<i32>} : memref<64xi32, #tpu.memory_space<vmem>>, vector<16xi32>,
    %scan3A_80 = arith.constant 0 : i32
    %scan3A_81 = arith.constant 3 : i32
    %mul3A_82 = arith.constant 16 : i32
    %mul3A_83 = arith.muli %scan3A_81, %mul3A_82 : i32
    %get3A_84 = arith.index_cast %mul3A_83 : i32 to index
    %get3A_85 = tpu.vector_load %arg11[%get3A_84] {strides = array<i32>} : memref<64xi32, #tpu.memory_space<vmem>>, vector<16xi32>,
    %get3A_86 = vector.shape_cast %get3A_85 : vector<16xi32> to vector<16xi32>
    %add3A_87 = vector.broadcast %mul3A_10 : i32 to vector<16xi32>
    %add3A_88 = arith.addi %get3A_86, %add3A_87 : vector<16xi32>
    %swap3A_89 = arith.index_cast %mul3A_83 : i32 to index
    %swap3A_90 = tpu.vector_load %arg11[%swap3A_89] {strides = array<i32>} : memref<64xi32, #tpu.memory_space<vmem>>, vector<16xi32>,
    %swap3A_91 = vector.shape_cast %swap3A_90 : vector<16xi32> to vector<16xi32>
    %swap3A_92 = vector.shape_cast %add3A_88 : vector<16xi32> to vector<16xi32>
    tpu.vector_store %arg11[%swap3A_89], %swap3A_92 {strides = array<i32>} : memref<64xi32, #tpu.memory_space<vmem>>, vector<16xi32>,
    %scan3A_93 = arith.constant 0 : i32
    %scan3A_94 = arith.constant 4 : i32
    %dma_start3A_95 = arith.constant 0 : i32
    %dma_start3A_96 = arith.constant 0 : i32
    %dma_start3A_97 = tpu.memref_slice %arg2[%dma_start3A_95, %dma_start3A_96] : memref<20032x128xf32, #tpu.memory_space<hbm>> -> memref<20032x128xf32, #tpu.memory_space<hbm>>
    tpu.enqueue_indirect_dma source(%dma_start3A_97 : memref<20032x128xf32, #tpu.memory_space<hbm>>) target(%arg23 : memref<64x128xf32, #tpu.memory_space<vmem>>) offsets(%arg11 : memref<64xi32, #tpu.memory_space<vmem>>) semaphore(%arg33 : memref<!tpu.dma_semaphore, #tpu.memory_space<semaphore_mem>>)
    %dma_start3A_98 = arith.constant 0 : i32
    %dma_start3A_99 = arith.constant 0 : i32
    %dma_start3A_100 = tpu.memref_slice %arg3[%dma_start3A_98, %dma_start3A_99] : memref<20032x128xf32, #tpu.memory_space<hbm>> -> memref<20032x128xf32, #tpu.memory_space<hbm>>
    tpu.enqueue_indirect_dma source(%dma_start3A_100 : memref<20032x128xf32, #tpu.memory_space<hbm>>) target(%arg25 : memref<64x128xf32, #tpu.memory_space<vmem>>) offsets(%arg11 : memref<64xi32, #tpu.memory_space<vmem>>) semaphore(%arg33 : memref<!tpu.dma_semaphore, #tpu.memory_space<semaphore_mem>>)
    %scan3A_101 = arith.constant 0 : i32
    %scan3A_102 = arith.constant 160 : i32
    %scan3A_103 = arith.addi %scan3A_101, %scan3A_102 : i32
    %scan3A_104 = arith.constant 1 : i32
    scf.for %scan3A_123 = %scan3A_101 to %scan3A_103 step %scan3A_104  : i32 {
      %mul3A_124 = arith.constant 2 : i32
      %mul3A_125 = arith.muli %scan3A_123, %mul3A_124 : i32
      %add3A_126 = arith.constant 0 : i32
      %add3A_127 = arith.addi %add3A_126, %mul3A_125 : i32
      %add3A_128 = arith.constant 0 : i32
      %add3A_129 = arith.addi %add3A_127, %add3A_128 : i32
      %add3A_130 = arith.constant 1 : i32
      %add3A_131 = arith.addi %add3A_129, %add3A_130 : i32
      %lt3A_132 = arith.constant 320 : i32
      %lt3A_133 = arith.cmpi slt, %add3A_131, %lt3A_132 : i32
      %convert_element_type3A_134 = arith.extui %lt3A_133 : i1 to i32
      %cond3A_135 = arith.constant 0 : i32
      %cond3A_136 = arith.cmpi ne, %convert_element_type3A_134, %cond3A_135 : i32
      scf.if %cond3A_136 {
        %dma_wait3A_298 = arith.constant 0 : i32
        %dma_wait3A_299 = tpu.memref_slice %arg4[%dma_wait3A_298] : memref<327680xi32, #tpu.memory_space<hbm>> -> memref<64xi32, #tpu.memory_space<hbm>>
        %dma_wait3A_300 = arith.constant 0 : i32
        %dma_wait3A_301 = tpu.memref_slice %arg4[%dma_wait3A_300] : memref<327680xi32, #tpu.memory_space<hbm>> -> memref<64xi32, #tpu.memory_space<hbm>>
        tpu.wait_dma2 semaphore(%arg32 : memref<!tpu.dma_semaphore, #tpu.memory_space<semaphore_mem>>) src(%dma_wait3A_301 : memref<64xi32, #tpu.memory_space<hbm>>) dst(%arg12 : memref<64xi32, #tpu.memory_space<vmem>>)
        %dma_wait3A_302 = arith.constant 0 : i32
        %dma_wait3A_303 = tpu.memref_slice %arg5[%dma_wait3A_302] : memref<327680xi32, #tpu.memory_space<hbm>> -> memref<64xi32, #tpu.memory_space<hbm>>
        %dma_wait3A_304 = arith.constant 0 : i32
        %dma_wait3A_305 = tpu.memref_slice %arg5[%dma_wait3A_304] : memref<327680xi32, #tpu.memory_space<hbm>> -> memref<64xi32, #tpu.memory_space<hbm>>
        tpu.wait_dma2 semaphore(%arg32 : memref<!tpu.dma_semaphore, #tpu.memory_space<semaphore_mem>>) src(%dma_wait3A_305 : memref<64xi32, #tpu.memory_space<hbm>>) dst(%arg14 : memref<64xi32, #tpu.memory_space<vmem>>)
        %dma_wait3A_306 = arith.constant 0 : i32
        %dma_wait3A_307 = tpu.memref_slice %arg6[%dma_wait3A_306] : memref<327680xf32, #tpu.memory_space<hbm>> -> memref<64xf32, #tpu.memory_space<hbm>>
        %dma_wait3A_308 = arith.constant 0 : i32
        %dma_wait3A_309 = tpu.memref_slice %arg6[%dma_wait3A_308] : memref<327680xf32, #tpu.memory_space<hbm>> -> memref<64xf32, #tpu.memory_space<hbm>>
        tpu.wait_dma2 semaphore(%arg32 : memref<!tpu.dma_semaphore, #tpu.memory_space<semaphore_mem>>) src(%dma_wait3A_309 : memref<64xf32, #tpu.memory_space<hbm>>) dst(%arg16 : memref<64xf32, #tpu.memory_space<vmem>>)
        %dma_wait3A_310 = arith.constant 0 : i32
        %dma_wait3A_311 = tpu.memref_slice %arg7[%dma_wait3A_310] : memref<327680xf32, #tpu.memory_space<hbm>> -> memref<64xf32, #tpu.memory_space<hbm>>
        %dma_wait3A_312 = arith.constant 0 : i32
        %dma_wait3A_313 = tpu.memref_slice %arg7[%dma_wait3A_312] : memref<327680xf32, #tpu.memory_space<hbm>> -> memref<64xf32, #tpu.memory_space<hbm>>
        tpu.wait_dma2 semaphore(%arg32 : memref<!tpu.dma_semaphore, #tpu.memory_space<semaphore_mem>>) src(%dma_wait3A_313 : memref<64xf32, #tpu.memory_space<hbm>>) dst(%arg18 : memref<64xf32, #tpu.memory_space<vmem>>)
        %scan3A_314 = arith.constant 0 : i32
        %scan3A_315 = arith.constant 0 : i32
        %mul3A_316 = arith.constant 16 : i32
        %mul3A_317 = arith.muli %scan3A_315, %mul3A_316 : i32
        %get3A_318 = arith.index_cast %mul3A_317 : i32 to index
        %get3A_319 = tpu.vector_load %arg12[%get3A_318] {strides = array<i32>} : memref<64xi32, #tpu.memory_space<vmem>>, vector<16xi32>,
        %get3A_320 = vector.shape_cast %get3A_319 : vector<16xi32> to vector<16xi32>
        %add3A_321 = vector.broadcast %mul3A_10 : i32 to vector<16xi32>
        %add3A_322 = arith.addi %get3A_320, %add3A_321 : vector<16xi32>
        %swap3A_323 = arith.index_cast %mul3A_317 : i32 to index
        %swap3A_324 = tpu.vector_load %arg12[%swap3A_323] {strides = array<i32>} : memref<64xi32, #tpu.memory_space<vmem>>, vector<16xi32>,
        %swap3A_325 = vector.shape_cast %swap3A_324 : vector<16xi32> to vector<16xi32>
        %swap3A_326 = vector.shape_cast %add3A_322 : vector<16xi32> to vector<16xi32>
        tpu.vector_store %arg12[%swap3A_323], %swap3A_326 {strides = array<i32>} : memref<64xi32, #tpu.memory_space<vmem>>, vector<16xi32>,
        %scan3A_327 = arith.constant 0 : i32
        %scan3A_328 = arith.constant 1 : i32
        %mul3A_329 = arith.constant 16 : i32
        %mul3A_330 = arith.muli %scan3A_328, %mul3A_329 : i32
        %get3A_331 = arith.index_cast %mul3A_330 : i32 to index
        %get3A_332 = tpu.vector_load %arg12[%get3A_331] {strides = array<i32>} : memref<64xi32, #tpu.memory_space<vmem>>, vector<16xi32>,
        %get3A_333 = vector.shape_cast %get3A_332 : vector<16xi32> to vector<16xi32>
        %add3A_334 = vector.broadcast %mul3A_10 : i32 to vector<16xi32>
        %add3A_335 = arith.addi %get3A_333, %add3A_334 : vector<16xi32>
        %swap3A_336 = arith.index_cast %mul3A_330 : i32 to index
        %swap3A_337 = tpu.vector_load %arg12[%swap3A_336] {strides = array<i32>} : memref<64xi32, #tpu.memory_space<vmem>>, vector<16xi32>,
        %swap3A_338 = vector.shape_cast %swap3A_337 : vector<16xi32> to vector<16xi32>
        %swap3A_339 = vector.shape_cast %add3A_335 : vector<16xi32> to vector<16xi32>
        tpu.vector_store %arg12[%swap3A_336], %swap3A_339 {strides = array<i32>} : memref<64xi32, #tpu.memory_space<vmem>>, vector<16xi32>,
        %scan3A_340 = arith.constant 0 : i32
        %scan3A_341 = arith.constant 2 : i32
        %mul3A_342 = arith.constant 16 : i32
        %mul3A_343 = arith.muli %scan3A_341, %mul3A_342 : i32
        %get3A_344 = arith.index_cast %mul3A_343 : i32 to index
        %get3A_345 = tpu.vector_load %arg12[%get3A_344] {strides = array<i32>} : memref<64xi32, #tpu.memory_space<vmem>>, vector<16xi32>,
        %get3A_346 = vector.shape_cast %get3A_345 : vector<16xi32> to vector<16xi32>
        %add3A_347 = vector.broadcast %mul3A_10 : i32 to vector<16xi32>
        %add3A_348 = arith.addi %get3A_346, %add3A_347 : vector<16xi32>
        %swap3A_349 = arith.index_cast %mul3A_343 : i32 to index
        %swap3A_350 = tpu.vector_load %arg12[%swap3A_349] {strides = array<i32>} : memref<64xi32, #tpu.memory_space<vmem>>, vector<16xi32>,
        %swap3A_351 = vector.shape_cast %swap3A_350 : vector<16xi32> to vector<16xi32>
        %swap3A_352 = vector.shape_cast %add3A_348 : vector<16xi32> to vector<16xi32>
        tpu.vector_store %arg12[%swap3A_349], %swap3A_352 {strides = array<i32>} : memref<64xi32, #tpu.memory_space<vmem>>, vector<16xi32>,
        %scan3A_353 = arith.constant 0 : i32
        %scan3A_354 = arith.constant 3 : i32
        %mul3A_355 = arith.constant 16 : i32
        %mul3A_356 = arith.muli %scan3A_354, %mul3A_355 : i32
        %get3A_357 = arith.index_cast %mul3A_356 : i32 to index
        %get3A_358 = tpu.vector_load %arg12[%get3A_357] {strides = array<i32>} : memref<64xi32, #tpu.memory_space<vmem>>, vector<16xi32>,
        %get3A_359 = vector.shape_cast %get3A_358 : vector<16xi32> to vector<16xi32>
        %add3A_360 = vector.broadcast %mul3A_10 : i32 to vector<16xi32>
        %add3A_361 = arith.addi %get3A_359, %add3A_360 : vector<16xi32>
        %swap3A_362 = arith.index_cast %mul3A_356 : i32 to index
        %swap3A_363 = tpu.vector_load %arg12[%swap3A_362] {strides = array<i32>} : memref<64xi32, #tpu.memory_space<vmem>>, vector<16xi32>,
        %swap3A_364 = vector.shape_cast %swap3A_363 : vector<16xi32> to vector<16xi32>
        %swap3A_365 = vector.shape_cast %add3A_361 : vector<16xi32> to vector<16xi32>
        tpu.vector_store %arg12[%swap3A_362], %swap3A_365 {strides = array<i32>} : memref<64xi32, #tpu.memory_space<vmem>>, vector<16xi32>,
        %scan3A_366 = arith.constant 0 : i32
        %scan3A_367 = arith.constant 4 : i32
        %dma_start3A_368 = arith.constant 0 : i32
        %dma_start3A_369 = arith.constant 0 : i32
        %dma_start3A_370 = tpu.memref_slice %arg2[%dma_start3A_368, %dma_start3A_369] : memref<20032x128xf32, #tpu.memory_space<hbm>> -> memref<20032x128xf32, #tpu.memory_space<hbm>>
        tpu.enqueue_indirect_dma source(%dma_start3A_370 : memref<20032x128xf32, #tpu.memory_space<hbm>>) target(%arg24 : memref<64x128xf32, #tpu.memory_space<vmem>>) offsets(%arg12 : memref<64xi32, #tpu.memory_space<vmem>>) semaphore(%arg34 : memref<!tpu.dma_semaphore, #tpu.memory_space<semaphore_mem>>)
        %dma_start3A_371 = arith.constant 0 : i32
        %dma_start3A_372 = arith.constant 0 : i32
        %dma_start3A_373 = tpu.memref_slice %arg3[%dma_start3A_371, %dma_start3A_372] : memref<20032x128xf32, #tpu.memory_space<hbm>> -> memref<20032x128xf32, #tpu.memory_space<hbm>>
        tpu.enqueue_indirect_dma source(%dma_start3A_373 : memref<20032x128xf32, #tpu.memory_space<hbm>>) target(%arg26 : memref<64x128xf32, #tpu.memory_space<vmem>>) offsets(%arg12 : memref<64xi32, #tpu.memory_space<vmem>>) semaphore(%arg34 : memref<!tpu.dma_semaphore, #tpu.memory_space<semaphore_mem>>)
      } else {
      }
      %ge3A = arith.constant 2 : i32
      %ge3A_137 = arith.cmpi sge, %add3A_129, %ge3A : i32
      %convert_element_type3A_138 = arith.extui %ge3A_137 : i1 to i32
      %cond3A_139 = arith.constant 0 : i32
      %cond3A_140 = arith.cmpi ne, %convert_element_type3A_138, %cond3A_139 : i32
      scf.if %cond3A_140 {
        %dma_wait3A_298 = arith.constant 0 : i32
        %dma_wait3A_299 = arith.constant 0 : i32
        %dma_wait3A_300 = tpu.memref_slice %arg10[%dma_wait3A_298, %dma_wait3A_299] : memref<10016x128xf32, #tpu.memory_space<vmem_shared>> -> memref<10016x128xf32, #tpu.memory_space<vmem_shared>>
        tpu.wait_indirect_dma semaphore(%arg35 : memref<!tpu.dma_semaphore, #tpu.memory_space<semaphore_mem>>) src(%arg27 : memref<64x128xf32, #tpu.memory_space<vmem>>) dst(%dma_wait3A_300 : memref<10016x128xf32, #tpu.memory_space<vmem_shared>>)
      } else {
      }
      %dma_wait3A_141 = arith.constant 0 : i32
      %dma_wait3A_142 = arith.constant 0 : i32
      %dma_wait3A_143 = tpu.memref_slice %arg2[%dma_wait3A_141, %dma_wait3A_142] : memref<20032x128xf32, #tpu.memory_space<hbm>> -> memref<20032x128xf32, #tpu.memory_space<hbm>>
      tpu.wait_indirect_dma semaphore(%arg33 : memref<!tpu.dma_semaphore, #tpu.memory_space<semaphore_mem>>) src(%dma_wait3A_143 : memref<20032x128xf32, #tpu.memory_space<hbm>>) dst(%arg23 : memref<64x128xf32, #tpu.memory_space<vmem>>)
      %dma_wait3A_144 = arith.constant 0 : i32
      %dma_wait3A_145 = arith.constant 0 : i32
      %dma_wait3A_146 = tpu.memref_slice %arg3[%dma_wait3A_144, %dma_wait3A_145] : memref<20032x128xf32, #tpu.memory_space<hbm>> -> memref<20032x128xf32, #tpu.memory_space<hbm>>
      tpu.wait_indirect_dma semaphore(%arg33 : memref<!tpu.dma_semaphore, #tpu.memory_space<semaphore_mem>>) src(%dma_wait3A_146 : memref<20032x128xf32, #tpu.memory_space<hbm>>) dst(%arg25 : memref<64x128xf32, #tpu.memory_space<vmem>>)
      %scan3A_147 = arith.constant 0 : i32
      %scan3A_148 = arith.constant 0 : i32
      %scan3A_149 = arith.constant 4 : i32
      %scan3A_150 = arith.addi %scan3A_148, %scan3A_149 : i32
      %scan3A_151 = arith.constant 1 : i32
      %scan3A_152 = scf.for %scan3A_298 = %scan3A_148 to %scan3A_150 step %scan3A_151 iter_args(%scan3A_299 = %scan3A_147) -> (i32)  : i32 {
        %mul3A_300 = arith.constant 16 : i32
        %mul3A_301 = arith.muli %scan3A_298, %mul3A_300 : i32
        %get3A_302 = arith.index_cast %mul3A_301 : i32 to index
        %get3A_303 = tpu.vector_load %arg15[%get3A_302] {strides = array<i32>} : memref<64xf32, #tpu.memory_space<vmem>>, vector<16xf32>,
        %get3A_304 = vector.shape_cast %get3A_303 : vector<16xf32> to vector<16xf32>
        %get3A_305 = arith.index_cast %mul3A_301 : i32 to index
        %get3A_306 = tpu.vector_load %arg17[%get3A_305] {strides = array<i32>} : memref<64xf32, #tpu.memory_space<vmem>>, vector<16xf32>,
        %get3A_307 = vector.shape_cast %get3A_306 : vector<16xf32> to vector<16xf32>
        %eq3A_308 = arith.constant 0 : i32
        %eq3A_309 = arith.cmpi eq, %arg0, %eq3A_308 : i32
        %select_n3A = arith.select %eq3A_309, %get3A_304, %get3A_307 : vector<16xf32>
        %swap3A_310 = arith.index_cast %mul3A_301 : i32 to index
        %swap3A_311 = tpu.vector_load %arg19[%swap3A_310] {strides = array<i32>} : memref<80xf32, #tpu.memory_space<vmem>>, vector<16xf32>,
        %swap3A_312 = vector.shape_cast %swap3A_311 : vector<16xf32> to vector<16xf32>
        %swap3A_313 = vector.shape_cast %select_n3A : vector<16xf32> to vector<16xf32>
        tpu.vector_store %arg19[%swap3A_310], %swap3A_313 {strides = array<i32>} : memref<80xf32, #tpu.memory_space<vmem>>, vector<16xf32>,
        %eq3A_314 = arith.constant 0 : i32
        %eq3A_315 = arith.cmpi eq, %arg0, %eq3A_314 : i32
        %neg3A = arith.constant 0.000000e+00 : f32
        %neg3A_316 = vector.broadcast %neg3A : f32 to vector<16xf32>
        %neg3A_317 = arith.subf %neg3A_316, %get3A_307 : vector<16xf32>
        %select_n3A_318 = arith.select %eq3A_315, %neg3A_317, %get3A_304 : vector<16xf32>
        %swap3A_319 = arith.index_cast %mul3A_301 : i32 to index
        %swap3A_320 = tpu.vector_load %arg21[%swap3A_319] {strides = array<i32>} : memref<80xf32, #tpu.memory_space<vmem>>, vector<16xf32>,
        %swap3A_321 = vector.shape_cast %swap3A_320 : vector<16xf32> to vector<16xf32>
        %swap3A_322 = vector.shape_cast %select_n3A_318 : vector<16xf32> to vector<16xf32>
        tpu.vector_store %arg21[%swap3A_319], %swap3A_322 {strides = array<i32>} : memref<80xf32, #tpu.memory_space<vmem>>, vector<16xf32>,
        %scan3A_323 = arith.constant 0 : i32
        scf.yield %scan3A_323 : i32
      }
      %scan3A_153 = arith.constant 4 : i32
      %parallel_loop3A = arith.constant 0 : i32
      %parallel_loop3A_154 = arith.constant 64 : i32
      %parallel_loop3A_155 = arith.constant 1 : i32
      scf.for %parallel_loop3A_298 = %parallel_loop3A to %parallel_loop3A_154 step %parallel_loop3A_155  : i32 {
        %parallel_loop3A_299 = arith.index_cast %parallel_loop3A_298 : i32 to index
        %parallel_loop3A_300 = tpu.vector_load %arg19[%parallel_loop3A_299] {strides = array<i32>} : memref<80xf32, #tpu.memory_space<vmem>>, vector<16xf32>,
        %parallel_loop3A_301 = vector.shape_cast %parallel_loop3A_300 : vector<16xf32> to vector<16xf32>
        %parallel_loop3A_302 = vector.extract_strided_slice %parallel_loop3A_301 {offsets = [0], sizes = [1], strides = [1]} : vector<16xf32> to vector<1xf32>
        %parallel_loop3A_303 = vector.extract %parallel_loop3A_302[0] : f32 from vector<1xf32>
        %parallel_loop3A_304 = arith.index_cast %parallel_loop3A_298 : i32 to index
        %parallel_loop3A_305 = tpu.vector_load %arg21[%parallel_loop3A_304] {strides = array<i32>} : memref<80xf32, #tpu.memory_space<vmem>>, vector<16xf32>,
        %parallel_loop3A_306 = vector.shape_cast %parallel_loop3A_305 : vector<16xf32> to vector<16xf32>
        %parallel_loop3A_307 = vector.extract_strided_slice %parallel_loop3A_306 {offsets = [0], sizes = [1], strides = [1]} : vector<16xf32> to vector<1xf32>
        %parallel_loop3A_308 = vector.extract %parallel_loop3A_307[0] : f32 from vector<1xf32>
        %parallel_loop3A_309 = arith.index_cast %parallel_loop3A_298 : i32 to index
        %parallel_loop3A_310 = arith.constant 0 : index
        %parallel_loop3A_311 = tpu.vector_load %arg23[%parallel_loop3A_309, %parallel_loop3A_310] {strides = array<i32>} : memref<64x128xf32, #tpu.memory_space<vmem>>, vector<1x16xf32>,
        %parallel_loop3A_312 = vector.shape_cast %parallel_loop3A_311 : vector<1x16xf32> to vector<16xf32>
        %parallel_loop3A_313 = vector.broadcast %parallel_loop3A_303 : f32 to vector<16xf32>
        %parallel_loop3A_314 = arith.mulf %parallel_loop3A_313, %parallel_loop3A_312 : vector<16xf32>
        %parallel_loop3A_315 = arith.index_cast %parallel_loop3A_298 : i32 to index
        %parallel_loop3A_316 = arith.constant 0 : index
        %parallel_loop3A_317 = tpu.vector_load %arg25[%parallel_loop3A_315, %parallel_loop3A_316] {strides = array<i32>} : memref<64x128xf32, #tpu.memory_space<vmem>>, vector<1x16xf32>,
        %parallel_loop3A_318 = vector.shape_cast %parallel_loop3A_317 : vector<1x16xf32> to vector<16xf32>
        %parallel_loop3A_319 = vector.broadcast %parallel_loop3A_308 : f32 to vector<16xf32>
        %parallel_loop3A_320 = arith.mulf %parallel_loop3A_319, %parallel_loop3A_318 : vector<16xf32>
        %parallel_loop3A_321 = arith.addf %parallel_loop3A_314, %parallel_loop3A_320 : vector<16xf32>
        %parallel_loop3A_322 = arith.index_cast %parallel_loop3A_298 : i32 to index
        %parallel_loop3A_323 = arith.constant 0 : index
        %parallel_loop3A_324 = tpu.vector_load %arg27[%parallel_loop3A_322, %parallel_loop3A_323] {strides = array<i32>} : memref<64x128xf32, #tpu.memory_space<vmem>>, vector<1x16xf32>,
        %parallel_loop3A_325 = vector.shape_cast %parallel_loop3A_324 : vector<1x16xf32> to vector<16xf32>
        %parallel_loop3A_326 = vector.shape_cast %parallel_loop3A_321 : vector<16xf32> to vector<1x16xf32>
        tpu.vector_store %arg27[%parallel_loop3A_322, %parallel_loop3A_323], %parallel_loop3A_326 {strides = array<i32>} : memref<64x128xf32, #tpu.memory_space<vmem>>, vector<1x16xf32>,
        %parallel_loop3A_327 = arith.index_cast %parallel_loop3A_298 : i32 to index
        %parallel_loop3A_328 = arith.constant 16 : index
        %parallel_loop3A_329 = tpu.vector_load %arg23[%parallel_loop3A_327, %parallel_loop3A_328] {strides = array<i32>} : memref<64x128xf32, #tpu.memory_space<vmem>>, vector<1x16xf32>,
        %parallel_loop3A_330 = vector.shape_cast %parallel_loop3A_329 : vector<1x16xf32> to vector<16xf32>
        %parallel_loop3A_331 = vector.broadcast %parallel_loop3A_303 : f32 to vector<16xf32>
        %parallel_loop3A_332 = arith.mulf %parallel_loop3A_331, %parallel_loop3A_330 : vector<16xf32>
        %parallel_loop3A_333 = arith.index_cast %parallel_loop3A_298 : i32 to index
        %parallel_loop3A_334 = arith.constant 16 : index
        %parallel_loop3A_335 = tpu.vector_load %arg25[%parallel_loop3A_333, %parallel_loop3A_334] {strides = array<i32>} : memref<64x128xf32, #tpu.memory_space<vmem>>, vector<1x16xf32>,
        %parallel_loop3A_336 = vector.shape_cast %parallel_loop3A_335 : vector<1x16xf32> to vector<16xf32>
        %parallel_loop3A_337 = vector.broadcast %parallel_loop3A_308 : f32 to vector<16xf32>
        %parallel_loop3A_338 = arith.mulf %parallel_loop3A_337, %parallel_loop3A_336 : vector<16xf32>
        %parallel_loop3A_339 = arith.addf %parallel_loop3A_332, %parallel_loop3A_338 : vector<16xf32>
        %parallel_loop3A_340 = arith.index_cast %parallel_loop3A_298 : i32 to index
        %parallel_loop3A_341 = arith.constant 16 : index
        %parallel_loop3A_342 = tpu.vector_load %arg27[%parallel_loop3A_340, %parallel_loop3A_341] {strides = array<i32>} : memref<64x128xf32, #tpu.memory_space<vmem>>, vector<1x16xf32>,
        %parallel_loop3A_343 = vector.shape_cast %parallel_loop3A_342 : vector<1x16xf32> to vector<16xf32>
        %parallel_loop3A_344 = vector.shape_cast %parallel_loop3A_339 : vector<16xf32> to vector<1x16xf32>
        tpu.vector_store %arg27[%parallel_loop3A_340, %parallel_loop3A_341], %parallel_loop3A_344 {strides = array<i32>} : memref<64x128xf32, #tpu.memory_space<vmem>>, vector<1x16xf32>,
        %parallel_loop3A_345 = arith.index_cast %parallel_loop3A_298 : i32 to index
        %parallel_loop3A_346 = arith.constant 32 : index
        %parallel_loop3A_347 = tpu.vector_load %arg23[%parallel_loop3A_345, %parallel_loop3A_346] {strides = array<i32>} : memref<64x128xf32, #tpu.memory_space<vmem>>, vector<1x16xf32>,
        %parallel_loop3A_348 = vector.shape_cast %parallel_loop3A_347 : vector<1x16xf32> to vector<16xf32>
        %parallel_loop3A_349 = vector.broadcast %parallel_loop3A_303 : f32 to vector<16xf32>
        %parallel_loop3A_350 = arith.mulf %parallel_loop3A_349, %parallel_loop3A_348 : vector<16xf32>
        %parallel_loop3A_351 = arith.index_cast %parallel_loop3A_298 : i32 to index
        %parallel_loop3A_352 = arith.constant 32 : index
        %parallel_loop3A_353 = tpu.vector_load %arg25[%parallel_loop3A_351, %parallel_loop3A_352] {strides = array<i32>} : memref<64x128xf32, #tpu.memory_space<vmem>>, vector<1x16xf32>,
        %parallel_loop3A_354 = vector.shape_cast %parallel_loop3A_353 : vector<1x16xf32> to vector<16xf32>
        %parallel_loop3A_355 = vector.broadcast %parallel_loop3A_308 : f32 to vector<16xf32>
        %parallel_loop3A_356 = arith.mulf %parallel_loop3A_355, %parallel_loop3A_354 : vector<16xf32>
        %parallel_loop3A_357 = arith.addf %parallel_loop3A_350, %parallel_loop3A_356 : vector<16xf32>
        %parallel_loop3A_358 = arith.index_cast %parallel_loop3A_298 : i32 to index
        %parallel_loop3A_359 = arith.constant 32 : index
        %parallel_loop3A_360 = tpu.vector_load %arg27[%parallel_loop3A_358, %parallel_loop3A_359] {strides = array<i32>} : memref<64x128xf32, #tpu.memory_space<vmem>>, vector<1x16xf32>,
        %parallel_loop3A_361 = vector.shape_cast %parallel_loop3A_360 : vector<1x16xf32> to vector<16xf32>
        %parallel_loop3A_362 = vector.shape_cast %parallel_loop3A_357 : vector<16xf32> to vector<1x16xf32>
        tpu.vector_store %arg27[%parallel_loop3A_358, %parallel_loop3A_359], %parallel_loop3A_362 {strides = array<i32>} : memref<64x128xf32, #tpu.memory_space<vmem>>, vector<1x16xf32>,
        %parallel_loop3A_363 = arith.index_cast %parallel_loop3A_298 : i32 to index
        %parallel_loop3A_364 = arith.constant 48 : index
        %parallel_loop3A_365 = tpu.vector_load %arg23[%parallel_loop3A_363, %parallel_loop3A_364] {strides = array<i32>} : memref<64x128xf32, #tpu.memory_space<vmem>>, vector<1x16xf32>,
        %parallel_loop3A_366 = vector.shape_cast %parallel_loop3A_365 : vector<1x16xf32> to vector<16xf32>
        %parallel_loop3A_367 = vector.broadcast %parallel_loop3A_303 : f32 to vector<16xf32>
        %parallel_loop3A_368 = arith.mulf %parallel_loop3A_367, %parallel_loop3A_366 : vector<16xf32>
        %parallel_loop3A_369 = arith.index_cast %parallel_loop3A_298 : i32 to index
        %parallel_loop3A_370 = arith.constant 48 : index
        %parallel_loop3A_371 = tpu.vector_load %arg25[%parallel_loop3A_369, %parallel_loop3A_370] {strides = array<i32>} : memref<64x128xf32, #tpu.memory_space<vmem>>, vector<1x16xf32>,
        %parallel_loop3A_372 = vector.shape_cast %parallel_loop3A_371 : vector<1x16xf32> to vector<16xf32>
        %parallel_loop3A_373 = vector.broadcast %parallel_loop3A_308 : f32 to vector<16xf32>
        %parallel_loop3A_374 = arith.mulf %parallel_loop3A_373, %parallel_loop3A_372 : vector<16xf32>
        %parallel_loop3A_375 = arith.addf %parallel_loop3A_368, %parallel_loop3A_374 : vector<16xf32>
        %parallel_loop3A_376 = arith.index_cast %parallel_loop3A_298 : i32 to index
        %parallel_loop3A_377 = arith.constant 48 : index
        %parallel_loop3A_378 = tpu.vector_load %arg27[%parallel_loop3A_376, %parallel_loop3A_377] {strides = array<i32>} : memref<64x128xf32, #tpu.memory_space<vmem>>, vector<1x16xf32>,
        %parallel_loop3A_379 = vector.shape_cast %parallel_loop3A_378 : vector<1x16xf32> to vector<16xf32>
        %parallel_loop3A_380 = vector.shape_cast %parallel_loop3A_375 : vector<16xf32> to vector<1x16xf32>
        tpu.vector_store %arg27[%parallel_loop3A_376, %parallel_loop3A_377], %parallel_loop3A_380 {strides = array<i32>} : memref<64x128xf32, #tpu.memory_space<vmem>>, vector<1x16xf32>,
        %parallel_loop3A_381 = arith.index_cast %parallel_loop3A_298 : i32 to index
        %parallel_loop3A_382 = arith.constant 64 : index
        %parallel_loop3A_383 = tpu.vector_load %arg23[%parallel_loop3A_381, %parallel_loop3A_382] {strides = array<i32>} : memref<64x128xf32, #tpu.memory_space<vmem>>, vector<1x16xf32>,
        %parallel_loop3A_384 = vector.shape_cast %parallel_loop3A_383 : vector<1x16xf32> to vector<16xf32>
        %parallel_loop3A_385 = vector.broadcast %parallel_loop3A_303 : f32 to vector<16xf32>
        %parallel_loop3A_386 = arith.mulf %parallel_loop3A_385, %parallel_loop3A_384 : vector<16xf32>
        %parallel_loop3A_387 = arith.index_cast %parallel_loop3A_298 : i32 to index
        %parallel_loop3A_388 = arith.constant 64 : index
        %parallel_loop3A_389 = tpu.vector_load %arg25[%parallel_loop3A_387, %parallel_loop3A_388] {strides = array<i32>} : memref<64x128xf32, #tpu.memory_space<vmem>>, vector<1x16xf32>,
        %parallel_loop3A_390 = vector.shape_cast %parallel_loop3A_389 : vector<1x16xf32> to vector<16xf32>
        %parallel_loop3A_391 = vector.broadcast %parallel_loop3A_308 : f32 to vector<16xf32>
        %parallel_loop3A_392 = arith.mulf %parallel_loop3A_391, %parallel_loop3A_390 : vector<16xf32>
        %parallel_loop3A_393 = arith.addf %parallel_loop3A_386, %parallel_loop3A_392 : vector<16xf32>
        %parallel_loop3A_394 = arith.index_cast %parallel_loop3A_298 : i32 to index
        %parallel_loop3A_395 = arith.constant 64 : index
        %parallel_loop3A_396 = tpu.vector_load %arg27[%parallel_loop3A_394, %parallel_loop3A_395] {strides = array<i32>} : memref<64x128xf32, #tpu.memory_space<vmem>>, vector<1x16xf32>,
        %parallel_loop3A_397 = vector.shape_cast %parallel_loop3A_396 : vector<1x16xf32> to vector<16xf32>
        %parallel_loop3A_398 = vector.shape_cast %parallel_loop3A_393 : vector<16xf32> to vector<1x16xf32>
        tpu.vector_store %arg27[%parallel_loop3A_394, %parallel_loop3A_395], %parallel_loop3A_398 {strides = array<i32>} : memref<64x128xf32, #tpu.memory_space<vmem>>, vector<1x16xf32>,
        %parallel_loop3A_399 = arith.index_cast %parallel_loop3A_298 : i32 to index
        %parallel_loop3A_400 = arith.constant 80 : index
        %parallel_loop3A_401 = tpu.vector_load %arg23[%parallel_loop3A_399, %parallel_loop3A_400] {strides = array<i32>} : memref<64x128xf32, #tpu.memory_space<vmem>>, vector<1x16xf32>,
        %parallel_loop3A_402 = vector.shape_cast %parallel_loop3A_401 : vector<1x16xf32> to vector<16xf32>
        %parallel_loop3A_403 = vector.broadcast %parallel_loop3A_303 : f32 to vector<16xf32>
        %parallel_loop3A_404 = arith.mulf %parallel_loop3A_403, %parallel_loop3A_402 : vector<16xf32>
        %parallel_loop3A_405 = arith.index_cast %parallel_loop3A_298 : i32 to index
        %parallel_loop3A_406 = arith.constant 80 : index
        %parallel_loop3A_407 = tpu.vector_load %arg25[%parallel_loop3A_405, %parallel_loop3A_406] {strides = array<i32>} : memref<64x128xf32, #tpu.memory_space<vmem>>, vector<1x16xf32>,
        %parallel_loop3A_408 = vector.shape_cast %parallel_loop3A_407 : vector<1x16xf32> to vector<16xf32>
        %parallel_loop3A_409 = vector.broadcast %parallel_loop3A_308 : f32 to vector<16xf32>
        %parallel_loop3A_410 = arith.mulf %parallel_loop3A_409, %parallel_loop3A_408 : vector<16xf32>
        %parallel_loop3A_411 = arith.addf %parallel_loop3A_404, %parallel_loop3A_410 : vector<16xf32>
        %parallel_loop3A_412 = arith.index_cast %parallel_loop3A_298 : i32 to index
        %parallel_loop3A_413 = arith.constant 80 : index
        %parallel_loop3A_414 = tpu.vector_load %arg27[%parallel_loop3A_412, %parallel_loop3A_413] {strides = array<i32>} : memref<64x128xf32, #tpu.memory_space<vmem>>, vector<1x16xf32>,
        %parallel_loop3A_415 = vector.shape_cast %parallel_loop3A_414 : vector<1x16xf32> to vector<16xf32>
        %parallel_loop3A_416 = vector.shape_cast %parallel_loop3A_411 : vector<16xf32> to vector<1x16xf32>
        tpu.vector_store %arg27[%parallel_loop3A_412, %parallel_loop3A_413], %parallel_loop3A_416 {strides = array<i32>} : memref<64x128xf32, #tpu.memory_space<vmem>>, vector<1x16xf32>,
        %parallel_loop3A_417 = arith.index_cast %parallel_loop3A_298 : i32 to index
        %parallel_loop3A_418 = arith.constant 96 : index
        %parallel_loop3A_419 = tpu.vector_load %arg23[%parallel_loop3A_417, %parallel_loop3A_418] {strides = array<i32>} : memref<64x128xf32, #tpu.memory_space<vmem>>, vector<1x16xf32>,
        %parallel_loop3A_420 = vector.shape_cast %parallel_loop3A_419 : vector<1x16xf32> to vector<16xf32>
        %parallel_loop3A_421 = vector.broadcast %parallel_loop3A_303 : f32 to vector<16xf32>
        %parallel_loop3A_422 = arith.mulf %parallel_loop3A_421, %parallel_loop3A_420 : vector<16xf32>
        %parallel_loop3A_423 = arith.index_cast %parallel_loop3A_298 : i32 to index
        %parallel_loop3A_424 = arith.constant 96 : index
        %parallel_loop3A_425 = tpu.vector_load %arg25[%parallel_loop3A_423, %parallel_loop3A_424] {strides = array<i32>} : memref<64x128xf32, #tpu.memory_space<vmem>>, vector<1x16xf32>,
        %parallel_loop3A_426 = vector.shape_cast %parallel_loop3A_425 : vector<1x16xf32> to vector<16xf32>
        %parallel_loop3A_427 = vector.broadcast %parallel_loop3A_308 : f32 to vector<16xf32>
        %parallel_loop3A_428 = arith.mulf %parallel_loop3A_427, %parallel_loop3A_426 : vector<16xf32>
        %parallel_loop3A_429 = arith.addf %parallel_loop3A_422, %parallel_loop3A_428 : vector<16xf32>
        %parallel_loop3A_430 = arith.index_cast %parallel_loop3A_298 : i32 to index
        %parallel_loop3A_431 = arith.constant 96 : index
        %parallel_loop3A_432 = tpu.vector_load %arg27[%parallel_loop3A_430, %parallel_loop3A_431] {strides = array<i32>} : memref<64x128xf32, #tpu.memory_space<vmem>>, vector<1x16xf32>,
        %parallel_loop3A_433 = vector.shape_cast %parallel_loop3A_432 : vector<1x16xf32> to vector<16xf32>
        %parallel_loop3A_434 = vector.shape_cast %parallel_loop3A_429 : vector<16xf32> to vector<1x16xf32>
        tpu.vector_store %arg27[%parallel_loop3A_430, %parallel_loop3A_431], %parallel_loop3A_434 {strides = array<i32>} : memref<64x128xf32, #tpu.memory_space<vmem>>, vector<1x16xf32>,
        %parallel_loop3A_435 = arith.index_cast %parallel_loop3A_298 : i32 to index
        %parallel_loop3A_436 = arith.constant 112 : index
        %parallel_loop3A_437 = tpu.vector_load %arg23[%parallel_loop3A_435, %parallel_loop3A_436] {strides = array<i32>} : memref<64x128xf32, #tpu.memory_space<vmem>>, vector<1x16xf32>,
        %parallel_loop3A_438 = vector.shape_cast %parallel_loop3A_437 : vector<1x16xf32> to vector<16xf32>
        %parallel_loop3A_439 = vector.broadcast %parallel_loop3A_303 : f32 to vector<16xf32>
        %parallel_loop3A_440 = arith.mulf %parallel_loop3A_439, %parallel_loop3A_438 : vector<16xf32>
        %parallel_loop3A_441 = arith.index_cast %parallel_loop3A_298 : i32 to index
        %parallel_loop3A_442 = arith.constant 112 : index
        %parallel_loop3A_443 = tpu.vector_load %arg25[%parallel_loop3A_441, %parallel_loop3A_442] {strides = array<i32>} : memref<64x128xf32, #tpu.memory_space<vmem>>, vector<1x16xf32>,
        %parallel_loop3A_444 = vector.shape_cast %parallel_loop3A_443 : vector<1x16xf32> to vector<16xf32>
        %parallel_loop3A_445 = vector.broadcast %parallel_loop3A_308 : f32 to vector<16xf32>
        %parallel_loop3A_446 = arith.mulf %parallel_loop3A_445, %parallel_loop3A_444 : vector<16xf32>
        %parallel_loop3A_447 = arith.addf %parallel_loop3A_440, %parallel_loop3A_446 : vector<16xf32>
        %parallel_loop3A_448 = arith.index_cast %parallel_loop3A_298 : i32 to index
        %parallel_loop3A_449 = arith.constant 112 : index
        %parallel_loop3A_450 = tpu.vector_load %arg27[%parallel_loop3A_448, %parallel_loop3A_449] {strides = array<i32>} : memref<64x128xf32, #tpu.memory_space<vmem>>, vector<1x16xf32>,
        %parallel_loop3A_451 = vector.shape_cast %parallel_loop3A_450 : vector<1x16xf32> to vector<16xf32>
        %parallel_loop3A_452 = vector.shape_cast %parallel_loop3A_447 : vector<16xf32> to vector<1x16xf32>
        tpu.vector_store %arg27[%parallel_loop3A_448, %parallel_loop3A_449], %parallel_loop3A_452 {strides = array<i32>} : memref<64x128xf32, #tpu.memory_space<vmem>>, vector<1x16xf32>,
      } {sc.loop_unroll_factor = 4 : i64, sc.parallel_access}
      %scan3A_156 = arith.constant 0 : i32
      %scan3A_157 = arith.constant 0 : i32
      %mul3A_158 = arith.constant 16 : i32
      %mul3A_159 = arith.muli %scan3A_157, %mul3A_158 : i32
      %get3A_160 = arith.index_cast %mul3A_159 : i32 to index
      %get3A_161 = tpu.vector_load %arg13[%get3A_160] {strides = array<i32>} : memref<64xi32, #tpu.memory_space<vmem>>, vector<16xi32>,
      %get3A_162 = vector.shape_cast %get3A_161 : vector<16xi32> to vector<16xi32>
      %swap3A_163 = arith.index_cast %mul3A_159 : i32 to index
      %swap3A_164 = tpu.vector_load %arg29[%swap3A_163] {strides = array<i32>} : memref<64xi32, #tpu.memory_space<vmem>>, vector<16xi32>,
      %swap3A_165 = vector.shape_cast %swap3A_164 : vector<16xi32> to vector<16xi32>
      %swap3A_166 = vector.shape_cast %get3A_162 : vector<16xi32> to vector<16xi32>
      tpu.vector_store %arg29[%swap3A_163], %swap3A_166 {strides = array<i32>} : memref<64xi32, #tpu.memory_space<vmem>>, vector<16xi32>,
      %scan3A_167 = arith.constant 0 : i32
      %scan3A_168 = arith.constant 1 : i32
      %mul3A_169 = arith.constant 16 : i32
      %mul3A_170 = arith.muli %scan3A_168, %mul3A_169 : i32
      %get3A_171 = arith.index_cast %mul3A_170 : i32 to index
      %get3A_172 = tpu.vector_load %arg13[%get3A_171] {strides = array<i32>} : memref<64xi32, #tpu.memory_space<vmem>>, vector<16xi32>,
      %get3A_173 = vector.shape_cast %get3A_172 : vector<16xi32> to vector<16xi32>
      %swap3A_174 = arith.index_cast %mul3A_170 : i32 to index
      %swap3A_175 = tpu.vector_load %arg29[%swap3A_174] {strides = array<i32>} : memref<64xi32, #tpu.memory_space<vmem>>, vector<16xi32>,
      %swap3A_176 = vector.shape_cast %swap3A_175 : vector<16xi32> to vector<16xi32>
      %swap3A_177 = vector.shape_cast %get3A_173 : vector<16xi32> to vector<16xi32>
      tpu.vector_store %arg29[%swap3A_174], %swap3A_177 {strides = array<i32>} : memref<64xi32, #tpu.memory_space<vmem>>, vector<16xi32>,
      %scan3A_178 = arith.constant 0 : i32
      %scan3A_179 = arith.constant 2 : i32
      %mul3A_180 = arith.constant 16 : i32
      %mul3A_181 = arith.muli %scan3A_179, %mul3A_180 : i32
      %get3A_182 = arith.index_cast %mul3A_181 : i32 to index
      %get3A_183 = tpu.vector_load %arg13[%get3A_182] {strides = array<i32>} : memref<64xi32, #tpu.memory_space<vmem>>, vector<16xi32>,
      %get3A_184 = vector.shape_cast %get3A_183 : vector<16xi32> to vector<16xi32>
      %swap3A_185 = arith.index_cast %mul3A_181 : i32 to index
      %swap3A_186 = tpu.vector_load %arg29[%swap3A_185] {strides = array<i32>} : memref<64xi32, #tpu.memory_space<vmem>>, vector<16xi32>,
      %swap3A_187 = vector.shape_cast %swap3A_186 : vector<16xi32> to vector<16xi32>
      %swap3A_188 = vector.shape_cast %get3A_184 : vector<16xi32> to vector<16xi32>
      tpu.vector_store %arg29[%swap3A_185], %swap3A_188 {strides = array<i32>} : memref<64xi32, #tpu.memory_space<vmem>>, vector<16xi32>,
      %scan3A_189 = arith.constant 0 : i32
      %scan3A_190 = arith.constant 3 : i32
      %mul3A_191 = arith.constant 16 : i32
      %mul3A_192 = arith.muli %scan3A_190, %mul3A_191 : i32
      %get3A_193 = arith.index_cast %mul3A_192 : i32 to index
      %get3A_194 = tpu.vector_load %arg13[%get3A_193] {strides = array<i32>} : memref<64xi32, #tpu.memory_space<vmem>>, vector<16xi32>,
      %get3A_195 = vector.shape_cast %get3A_194 : vector<16xi32> to vector<16xi32>
      %swap3A_196 = arith.index_cast %mul3A_192 : i32 to index
      %swap3A_197 = tpu.vector_load %arg29[%swap3A_196] {strides = array<i32>} : memref<64xi32, #tpu.memory_space<vmem>>, vector<16xi32>,
      %swap3A_198 = vector.shape_cast %swap3A_197 : vector<16xi32> to vector<16xi32>
      %swap3A_199 = vector.shape_cast %get3A_195 : vector<16xi32> to vector<16xi32>
      tpu.vector_store %arg29[%swap3A_196], %swap3A_199 {strides = array<i32>} : memref<64xi32, #tpu.memory_space<vmem>>, vector<16xi32>,
      %scan3A_200 = arith.constant 0 : i32
      %scan3A_201 = arith.constant 4 : i32
      %dma_start3A_202 = arith.constant 0 : i32
      %dma_start3A_203 = arith.constant 0 : i32
      %dma_start3A_204 = tpu.memref_slice %arg10[%dma_start3A_202, %dma_start3A_203] : memref<10016x128xf32, #tpu.memory_space<vmem_shared>> -> memref<10016x128xf32, #tpu.memory_space<vmem_shared>>
      tpu.enqueue_indirect_dma source(%arg27 : memref<64x128xf32, #tpu.memory_space<vmem>>) target(%dma_start3A_204 : memref<10016x128xf32, #tpu.memory_space<vmem_shared>>) offsets(%arg29 : memref<64xi32, #tpu.memory_space<vmem>>) semaphore(%arg35 : memref<!tpu.dma_semaphore, #tpu.memory_space<semaphore_mem>>) {add = true}
      %add3A_205 = arith.constant 2 : i32
      %add3A_206 = arith.addi %add3A_129, %add3A_205 : i32
      %lt3A_207 = arith.constant 320 : i32
      %lt3A_208 = arith.cmpi slt, %add3A_206, %lt3A_207 : i32
      %convert_element_type3A_209 = arith.extui %lt3A_208 : i1 to i32
      %cond3A_210 = arith.constant 0 : i32
      %cond3A_211 = arith.cmpi ne, %convert_element_type3A_209, %cond3A_210 : i32
      scf.if %cond3A_211 {
        %add3A_298 = arith.constant 2 : i32
        %add3A_299 = arith.addi %add3A_129, %add3A_298 : i32
        %mul3A_300 = arith.constant 64 : i32
        %mul3A_301 = arith.muli %add3A_299, %mul3A_300 : i32
        %add3A_302 = arith.addi %mul3A_8, %mul3A_301 : i32
        %dma_start3A_303 = tpu.memref_slice %arg4[%add3A_302] : memref<327680xi32, #tpu.memory_space<hbm>> -> memref<64xi32, #tpu.memory_space<hbm>>
        %dma_start3A_304 = tpu.memref_slice %arg4[%add3A_302] : memref<327680xi32, #tpu.memory_space<hbm>> -> memref<64xi32, #tpu.memory_space<hbm>>
        tpu.enqueue_dma source(%dma_start3A_304 : memref<64xi32, #tpu.memory_space<hbm>>) target(%arg11 : memref<64xi32, #tpu.memory_space<vmem>>) target_semaphore(%arg31 : memref<!tpu.dma_semaphore, #tpu.memory_space<semaphore_mem>>)
        %dma_start3A_305 = tpu.memref_slice %arg5[%add3A_302] : memref<327680xi32, #tpu.memory_space<hbm>> -> memref<64xi32, #tpu.memory_space<hbm>>
        %dma_start3A_306 = tpu.memref_slice %arg5[%add3A_302] : memref<327680xi32, #tpu.memory_space<hbm>> -> memref<64xi32, #tpu.memory_space<hbm>>
        tpu.enqueue_dma source(%dma_start3A_306 : memref<64xi32, #tpu.memory_space<hbm>>) target(%arg13 : memref<64xi32, #tpu.memory_space<vmem>>) target_semaphore(%arg31 : memref<!tpu.dma_semaphore, #tpu.memory_space<semaphore_mem>>)
        %dma_start3A_307 = tpu.memref_slice %arg6[%add3A_302] : memref<327680xf32, #tpu.memory_space<hbm>> -> memref<64xf32, #tpu.memory_space<hbm>>
        %dma_start3A_308 = tpu.memref_slice %arg6[%add3A_302] : memref<327680xf32, #tpu.memory_space<hbm>> -> memref<64xf32, #tpu.memory_space<hbm>>
        tpu.enqueue_dma source(%dma_start3A_308 : memref<64xf32, #tpu.memory_space<hbm>>) target(%arg15 : memref<64xf32, #tpu.memory_space<vmem>>) target_semaphore(%arg31 : memref<!tpu.dma_semaphore, #tpu.memory_space<semaphore_mem>>)
        %dma_start3A_309 = tpu.memref_slice %arg7[%add3A_302] : memref<327680xf32, #tpu.memory_space<hbm>> -> memref<64xf32, #tpu.memory_space<hbm>>
        %dma_start3A_310 = tpu.memref_slice %arg7[%add3A_302] : memref<327680xf32, #tpu.memory_space<hbm>> -> memref<64xf32, #tpu.memory_space<hbm>>
        tpu.enqueue_dma source(%dma_start3A_310 : memref<64xf32, #tpu.memory_space<hbm>>) target(%arg17 : memref<64xf32, #tpu.memory_space<vmem>>) target_semaphore(%arg31 : memref<!tpu.dma_semaphore, #tpu.memory_space<semaphore_mem>>)
      } else {
      }
      %add3A_212 = arith.constant 1 : i32
      %add3A_213 = arith.addi %add3A_127, %add3A_212 : i32
      %add3A_214 = arith.constant 1 : i32
      %add3A_215 = arith.addi %add3A_213, %add3A_214 : i32
      %lt3A_216 = arith.constant 320 : i32
      %lt3A_217 = arith.cmpi slt, %add3A_215, %lt3A_216 : i32
      %convert_element_type3A_218 = arith.extui %lt3A_217 : i1 to i32
      %cond3A_219 = arith.constant 0 : i32
      %cond3A_220 = arith.cmpi ne, %convert_element_type3A_218, %cond3A_219 : i32
      scf.if %cond3A_220 {
        %dma_wait3A_298 = arith.constant 0 : i32
        %dma_wait3A_299 = tpu.memref_slice %arg4[%dma_wait3A_298] : memref<327680xi32, #tpu.memory_space<hbm>> -> memref<64xi32, #tpu.memory_space<hbm>>
        %dma_wait3A_300 = arith.constant 0 : i32
        %dma_wait3A_301 = tpu.memref_slice %arg4[%dma_wait3A_300] : memref<327680xi32, #tpu.memory_space<hbm>> -> memref<64xi32, #tpu.memory_space<hbm>>
        tpu.wait_dma2 semaphore(%arg31 : memref<!tpu.dma_semaphore, #tpu.memory_space<semaphore_mem>>) src(%dma_wait3A_301 : memref<64xi32, #tpu.memory_space<hbm>>) dst(%arg11 : memref<64xi32, #tpu.memory_space<vmem>>)
        %dma_wait3A_302 = arith.constant 0 : i32
        %dma_wait3A_303 = tpu.memref_slice %arg5[%dma_wait3A_302] : memref<327680xi32, #tpu.memory_space<hbm>> -> memref<64xi32, #tpu.memory_space<hbm>>
        %dma_wait3A_304 = arith.constant 0 : i32
        %dma_wait3A_305 = tpu.memref_slice %arg5[%dma_wait3A_304] : memref<327680xi32, #tpu.memory_space<hbm>> -> memref<64xi32, #tpu.memory_space<hbm>>
        tpu.wait_dma2 semaphore(%arg31 : memref<!tpu.dma_semaphore, #tpu.memory_space<semaphore_mem>>) src(%dma_wait3A_305 : memref<64xi32, #tpu.memory_space<hbm>>) dst(%arg13 : memref<64xi32, #tpu.memory_space<vmem>>)
        %dma_wait3A_306 = arith.constant 0 : i32
        %dma_wait3A_307 = tpu.memref_slice %arg6[%dma_wait3A_306] : memref<327680xf32, #tpu.memory_space<hbm>> -> memref<64xf32, #tpu.memory_space<hbm>>
        %dma_wait3A_308 = arith.constant 0 : i32
        %dma_wait3A_309 = tpu.memref_slice %arg6[%dma_wait3A_308] : memref<327680xf32, #tpu.memory_space<hbm>> -> memref<64xf32, #tpu.memory_space<hbm>>
        tpu.wait_dma2 semaphore(%arg31 : memref<!tpu.dma_semaphore, #tpu.memory_space<semaphore_mem>>) src(%dma_wait3A_309 : memref<64xf32, #tpu.memory_space<hbm>>) dst(%arg15 : memref<64xf32, #tpu.memory_space<vmem>>)
        %dma_wait3A_310 = arith.constant 0 : i32
        %dma_wait3A_311 = tpu.memref_slice %arg7[%dma_wait3A_310] : memref<327680xf32, #tpu.memory_space<hbm>> -> memref<64xf32, #tpu.memory_space<hbm>>
        %dma_wait3A_312 = arith.constant 0 : i32
        %dma_wait3A_313 = tpu.memref_slice %arg7[%dma_wait3A_312] : memref<327680xf32, #tpu.memory_space<hbm>> -> memref<64xf32, #tpu.memory_space<hbm>>
        tpu.wait_dma2 semaphore(%arg31 : memref<!tpu.dma_semaphore, #tpu.memory_space<semaphore_mem>>) src(%dma_wait3A_313 : memref<64xf32, #tpu.memory_space<hbm>>) dst(%arg17 : memref<64xf32, #tpu.memory_space<vmem>>)
        %scan3A_314 = arith.constant 0 : i32
        %scan3A_315 = arith.constant 0 : i32
        %mul3A_316 = arith.constant 16 : i32
        %mul3A_317 = arith.muli %scan3A_315, %mul3A_316 : i32
        %get3A_318 = arith.index_cast %mul3A_317 : i32 to index
        %get3A_319 = tpu.vector_load %arg11[%get3A_318] {strides = array<i32>} : memref<64xi32, #tpu.memory_space<vmem>>, vector<16xi32>,
        %get3A_320 = vector.shape_cast %get3A_319 : vector<16xi32> to vector<16xi32>
        %add3A_321 = vector.broadcast %mul3A_10 : i32 to vector<16xi32>
        %add3A_322 = arith.addi %get3A_320, %add3A_321 : vector<16xi32>
        %swap3A_323 = arith.index_cast %mul3A_317 : i32 to index
        %swap3A_324 = tpu.vector_load %arg11[%swap3A_323] {strides = array<i32>} : memref<64xi32, #tpu.memory_space<vmem>>, vector<16xi32>,
        %swap3A_325 = vector.shape_cast %swap3A_324 : vector<16xi32> to vector<16xi32>
        %swap3A_326 = vector.shape_cast %add3A_322 : vector<16xi32> to vector<16xi32>
        tpu.vector_store %arg11[%swap3A_323], %swap3A_326 {strides = array<i32>} : memref<64xi32, #tpu.memory_space<vmem>>, vector<16xi32>,
        %scan3A_327 = arith.constant 0 : i32
        %scan3A_328 = arith.constant 1 : i32
        %mul3A_329 = arith.constant 16 : i32
        %mul3A_330 = arith.muli %scan3A_328, %mul3A_329 : i32
        %get3A_331 = arith.index_cast %mul3A_330 : i32 to index
        %get3A_332 = tpu.vector_load %arg11[%get3A_331] {strides = array<i32>} : memref<64xi32, #tpu.memory_space<vmem>>, vector<16xi32>,
        %get3A_333 = vector.shape_cast %get3A_332 : vector<16xi32> to vector<16xi32>
        %add3A_334 = vector.broadcast %mul3A_10 : i32 to vector<16xi32>
        %add3A_335 = arith.addi %get3A_333, %add3A_334 : vector<16xi32>
        %swap3A_336 = arith.index_cast %mul3A_330 : i32 to index
        %swap3A_337 = tpu.vector_load %arg11[%swap3A_336] {strides = array<i32>} : memref<64xi32, #tpu.memory_space<vmem>>, vector<16xi32>,
        %swap3A_338 = vector.shape_cast %swap3A_337 : vector<16xi32> to vector<16xi32>
        %swap3A_339 = vector.shape_cast %add3A_335 : vector<16xi32> to vector<16xi32>
        tpu.vector_store %arg11[%swap3A_336], %swap3A_339 {strides = array<i32>} : memref<64xi32, #tpu.memory_space<vmem>>, vector<16xi32>,
        %scan3A_340 = arith.constant 0 : i32
        %scan3A_341 = arith.constant 2 : i32
        %mul3A_342 = arith.constant 16 : i32
        %mul3A_343 = arith.muli %scan3A_341, %mul3A_342 : i32
        %get3A_344 = arith.index_cast %mul3A_343 : i32 to index
        %get3A_345 = tpu.vector_load %arg11[%get3A_344] {strides = array<i32>} : memref<64xi32, #tpu.memory_space<vmem>>, vector<16xi32>,
        %get3A_346 = vector.shape_cast %get3A_345 : vector<16xi32> to vector<16xi32>
        %add3A_347 = vector.broadcast %mul3A_10 : i32 to vector<16xi32>
        %add3A_348 = arith.addi %get3A_346, %add3A_347 : vector<16xi32>
        %swap3A_349 = arith.index_cast %mul3A_343 : i32 to index
        %swap3A_350 = tpu.vector_load %arg11[%swap3A_349] {strides = array<i32>} : memref<64xi32, #tpu.memory_space<vmem>>, vector<16xi32>,
        %swap3A_351 = vector.shape_cast %swap3A_350 : vector<16xi32> to vector<16xi32>
        %swap3A_352 = vector.shape_cast %add3A_348 : vector<16xi32> to vector<16xi32>
        tpu.vector_store %arg11[%swap3A_349], %swap3A_352 {strides = array<i32>} : memref<64xi32, #tpu.memory_space<vmem>>, vector<16xi32>,
        %scan3A_353 = arith.constant 0 : i32
        %scan3A_354 = arith.constant 3 : i32
        %mul3A_355 = arith.constant 16 : i32
        %mul3A_356 = arith.muli %scan3A_354, %mul3A_355 : i32
        %get3A_357 = arith.index_cast %mul3A_356 : i32 to index
        %get3A_358 = tpu.vector_load %arg11[%get3A_357] {strides = array<i32>} : memref<64xi32, #tpu.memory_space<vmem>>, vector<16xi32>,
        %get3A_359 = vector.shape_cast %get3A_358 : vector<16xi32> to vector<16xi32>
        %add3A_360 = vector.broadcast %mul3A_10 : i32 to vector<16xi32>
        %add3A_361 = arith.addi %get3A_359, %add3A_360 : vector<16xi32>
        %swap3A_362 = arith.index_cast %mul3A_356 : i32 to index
        %swap3A_363 = tpu.vector_load %arg11[%swap3A_362] {strides = array<i32>} : memref<64xi32, #tpu.memory_space<vmem>>, vector<16xi32>,
        %swap3A_364 = vector.shape_cast %swap3A_363 : vector<16xi32> to vector<16xi32>
        %swap3A_365 = vector.shape_cast %add3A_361 : vector<16xi32> to vector<16xi32>
        tpu.vector_store %arg11[%swap3A_362], %swap3A_365 {strides = array<i32>} : memref<64xi32, #tpu.memory_space<vmem>>, vector<16xi32>,
        %scan3A_366 = arith.constant 0 : i32
        %scan3A_367 = arith.constant 4 : i32
        %dma_start3A_368 = arith.constant 0 : i32
        %dma_start3A_369 = arith.constant 0 : i32
        %dma_start3A_370 = tpu.memref_slice %arg2[%dma_start3A_368, %dma_start3A_369] : memref<20032x128xf32, #tpu.memory_space<hbm>> -> memref<20032x128xf32, #tpu.memory_space<hbm>>
        tpu.enqueue_indirect_dma source(%dma_start3A_370 : memref<20032x128xf32, #tpu.memory_space<hbm>>) target(%arg23 : memref<64x128xf32, #tpu.memory_space<vmem>>) offsets(%arg11 : memref<64xi32, #tpu.memory_space<vmem>>) semaphore(%arg33 : memref<!tpu.dma_semaphore, #tpu.memory_space<semaphore_mem>>)
        %dma_start3A_371 = arith.constant 0 : i32
        %dma_start3A_372 = arith.constant 0 : i32
        %dma_start3A_373 = tpu.memref_slice %arg3[%dma_start3A_371, %dma_start3A_372] : memref<20032x128xf32, #tpu.memory_space<hbm>> -> memref<20032x128xf32, #tpu.memory_space<hbm>>
        tpu.enqueue_indirect_dma source(%dma_start3A_373 : memref<20032x128xf32, #tpu.memory_space<hbm>>) target(%arg25 : memref<64x128xf32, #tpu.memory_space<vmem>>) offsets(%arg11 : memref<64xi32, #tpu.memory_space<vmem>>) semaphore(%arg33 : memref<!tpu.dma_semaphore, #tpu.memory_space<semaphore_mem>>)
      } else {
      }
      %ge3A_221 = arith.constant 2 : i32
      %ge3A_222 = arith.cmpi sge, %add3A_213, %ge3A_221 : i32
      %convert_element_type3A_223 = arith.extui %ge3A_222 : i1 to i32
      %cond3A_224 = arith.constant 0 : i32
      %cond3A_225 = arith.cmpi ne, %convert_element_type3A_223, %cond3A_224 : i32
      scf.if %cond3A_225 {
        %dma_wait3A_298 = arith.constant 0 : i32
        %dma_wait3A_299 = arith.constant 0 : i32
        %dma_wait3A_300 = tpu.memref_slice %arg10[%dma_wait3A_298, %dma_wait3A_299] : memref<10016x128xf32, #tpu.memory_space<vmem_shared>> -> memref<10016x128xf32, #tpu.memory_space<vmem_shared>>
        tpu.wait_indirect_dma semaphore(%arg36 : memref<!tpu.dma_semaphore, #tpu.memory_space<semaphore_mem>>) src(%arg28 : memref<64x128xf32, #tpu.memory_space<vmem>>) dst(%dma_wait3A_300 : memref<10016x128xf32, #tpu.memory_space<vmem_shared>>)
      } else {
      }
      %dma_wait3A_226 = arith.constant 0 : i32
      %dma_wait3A_227 = arith.constant 0 : i32
      %dma_wait3A_228 = tpu.memref_slice %arg2[%dma_wait3A_226, %dma_wait3A_227] : memref<20032x128xf32, #tpu.memory_space<hbm>> -> memref<20032x128xf32, #tpu.memory_space<hbm>>
      tpu.wait_indirect_dma semaphore(%arg34 : memref<!tpu.dma_semaphore, #tpu.memory_space<semaphore_mem>>) src(%dma_wait3A_228 : memref<20032x128xf32, #tpu.memory_space<hbm>>) dst(%arg24 : memref<64x128xf32, #tpu.memory_space<vmem>>)
      %dma_wait3A_229 = arith.constant 0 : i32
      %dma_wait3A_230 = arith.constant 0 : i32
      %dma_wait3A_231 = tpu.memref_slice %arg3[%dma_wait3A_229, %dma_wait3A_230] : memref<20032x128xf32, #tpu.memory_space<hbm>> -> memref<20032x128xf32, #tpu.memory_space<hbm>>
      tpu.wait_indirect_dma semaphore(%arg34 : memref<!tpu.dma_semaphore, #tpu.memory_space<semaphore_mem>>) src(%dma_wait3A_231 : memref<20032x128xf32, #tpu.memory_space<hbm>>) dst(%arg26 : memref<64x128xf32, #tpu.memory_space<vmem>>)
      %scan3A_232 = arith.constant 0 : i32
      %scan3A_233 = arith.constant 0 : i32
      %scan3A_234 = arith.constant 4 : i32
      %scan3A_235 = arith.addi %scan3A_233, %scan3A_234 : i32
      %scan3A_236 = arith.constant 1 : i32
      %scan3A_237 = scf.for %scan3A_298 = %scan3A_233 to %scan3A_235 step %scan3A_236 iter_args(%scan3A_299 = %scan3A_232) -> (i32)  : i32 {
        %mul3A_300 = arith.constant 16 : i32
        %mul3A_301 = arith.muli %scan3A_298, %mul3A_300 : i32
        %get3A_302 = arith.index_cast %mul3A_301 : i32 to index
        %get3A_303 = tpu.vector_load %arg16[%get3A_302] {strides = array<i32>} : memref<64xf32, #tpu.memory_space<vmem>>, vector<16xf32>,
        %get3A_304 = vector.shape_cast %get3A_303 : vector<16xf32> to vector<16xf32>
        %get3A_305 = arith.index_cast %mul3A_301 : i32 to index
        %get3A_306 = tpu.vector_load %arg18[%get3A_305] {strides = array<i32>} : memref<64xf32, #tpu.memory_space<vmem>>, vector<16xf32>,
        %get3A_307 = vector.shape_cast %get3A_306 : vector<16xf32> to vector<16xf32>
        %eq3A_308 = arith.constant 0 : i32
        %eq3A_309 = arith.cmpi eq, %arg0, %eq3A_308 : i32
        %select_n3A = arith.select %eq3A_309, %get3A_304, %get3A_307 : vector<16xf32>
        %swap3A_310 = arith.index_cast %mul3A_301 : i32 to index
        %swap3A_311 = tpu.vector_load %arg20[%swap3A_310] {strides = array<i32>} : memref<80xf32, #tpu.memory_space<vmem>>, vector<16xf32>,
        %swap3A_312 = vector.shape_cast %swap3A_311 : vector<16xf32> to vector<16xf32>
        %swap3A_313 = vector.shape_cast %select_n3A : vector<16xf32> to vector<16xf32>
        tpu.vector_store %arg20[%swap3A_310], %swap3A_313 {strides = array<i32>} : memref<80xf32, #tpu.memory_space<vmem>>, vector<16xf32>,
        %eq3A_314 = arith.constant 0 : i32
        %eq3A_315 = arith.cmpi eq, %arg0, %eq3A_314 : i32
        %neg3A = arith.constant 0.000000e+00 : f32
        %neg3A_316 = vector.broadcast %neg3A : f32 to vector<16xf32>
        %neg3A_317 = arith.subf %neg3A_316, %get3A_307 : vector<16xf32>
        %select_n3A_318 = arith.select %eq3A_315, %neg3A_317, %get3A_304 : vector<16xf32>
        %swap3A_319 = arith.index_cast %mul3A_301 : i32 to index
        %swap3A_320 = tpu.vector_load %arg22[%swap3A_319] {strides = array<i32>} : memref<80xf32, #tpu.memory_space<vmem>>, vector<16xf32>,
        %swap3A_321 = vector.shape_cast %swap3A_320 : vector<16xf32> to vector<16xf32>
        %swap3A_322 = vector.shape_cast %select_n3A_318 : vector<16xf32> to vector<16xf32>
        tpu.vector_store %arg22[%swap3A_319], %swap3A_322 {strides = array<i32>} : memref<80xf32, #tpu.memory_space<vmem>>, vector<16xf32>,
        %scan3A_323 = arith.constant 0 : i32
        scf.yield %scan3A_323 : i32
      }
      %scan3A_238 = arith.constant 4 : i32
      %parallel_loop3A_239 = arith.constant 0 : i32
      %parallel_loop3A_240 = arith.constant 64 : i32
      %parallel_loop3A_241 = arith.constant 1 : i32
      scf.for %parallel_loop3A_298 = %parallel_loop3A_239 to %parallel_loop3A_240 step %parallel_loop3A_241  : i32 {
        %parallel_loop3A_299 = arith.index_cast %parallel_loop3A_298 : i32 to index
        %parallel_loop3A_300 = tpu.vector_load %arg20[%parallel_loop3A_299] {strides = array<i32>} : memref<80xf32, #tpu.memory_space<vmem>>, vector<16xf32>,
        %parallel_loop3A_301 = vector.shape_cast %parallel_loop3A_300 : vector<16xf32> to vector<16xf32>
        %parallel_loop3A_302 = vector.extract_strided_slice %parallel_loop3A_301 {offsets = [0], sizes = [1], strides = [1]} : vector<16xf32> to vector<1xf32>
        %parallel_loop3A_303 = vector.extract %parallel_loop3A_302[0] : f32 from vector<1xf32>
        %parallel_loop3A_304 = arith.index_cast %parallel_loop3A_298 : i32 to index
        %parallel_loop3A_305 = tpu.vector_load %arg22[%parallel_loop3A_304] {strides = array<i32>} : memref<80xf32, #tpu.memory_space<vmem>>, vector<16xf32>,
        %parallel_loop3A_306 = vector.shape_cast %parallel_loop3A_305 : vector<16xf32> to vector<16xf32>
        %parallel_loop3A_307 = vector.extract_strided_slice %parallel_loop3A_306 {offsets = [0], sizes = [1], strides = [1]} : vector<16xf32> to vector<1xf32>
        %parallel_loop3A_308 = vector.extract %parallel_loop3A_307[0] : f32 from vector<1xf32>
        %parallel_loop3A_309 = arith.index_cast %parallel_loop3A_298 : i32 to index
        %parallel_loop3A_310 = arith.constant 0 : index
        %parallel_loop3A_311 = tpu.vector_load %arg24[%parallel_loop3A_309, %parallel_loop3A_310] {strides = array<i32>} : memref<64x128xf32, #tpu.memory_space<vmem>>, vector<1x16xf32>,
        %parallel_loop3A_312 = vector.shape_cast %parallel_loop3A_311 : vector<1x16xf32> to vector<16xf32>
        %parallel_loop3A_313 = vector.broadcast %parallel_loop3A_303 : f32 to vector<16xf32>
        %parallel_loop3A_314 = arith.mulf %parallel_loop3A_313, %parallel_loop3A_312 : vector<16xf32>
        %parallel_loop3A_315 = arith.index_cast %parallel_loop3A_298 : i32 to index
        %parallel_loop3A_316 = arith.constant 0 : index
        %parallel_loop3A_317 = tpu.vector_load %arg26[%parallel_loop3A_315, %parallel_loop3A_316] {strides = array<i32>} : memref<64x128xf32, #tpu.memory_space<vmem>>, vector<1x16xf32>,
        %parallel_loop3A_318 = vector.shape_cast %parallel_loop3A_317 : vector<1x16xf32> to vector<16xf32>
        %parallel_loop3A_319 = vector.broadcast %parallel_loop3A_308 : f32 to vector<16xf32>
        %parallel_loop3A_320 = arith.mulf %parallel_loop3A_319, %parallel_loop3A_318 : vector<16xf32>
        %parallel_loop3A_321 = arith.addf %parallel_loop3A_314, %parallel_loop3A_320 : vector<16xf32>
        %parallel_loop3A_322 = arith.index_cast %parallel_loop3A_298 : i32 to index
        %parallel_loop3A_323 = arith.constant 0 : index
        %parallel_loop3A_324 = tpu.vector_load %arg28[%parallel_loop3A_322, %parallel_loop3A_323] {strides = array<i32>} : memref<64x128xf32, #tpu.memory_space<vmem>>, vector<1x16xf32>,
        %parallel_loop3A_325 = vector.shape_cast %parallel_loop3A_324 : vector<1x16xf32> to vector<16xf32>
        %parallel_loop3A_326 = vector.shape_cast %parallel_loop3A_321 : vector<16xf32> to vector<1x16xf32>
        tpu.vector_store %arg28[%parallel_loop3A_322, %parallel_loop3A_323], %parallel_loop3A_326 {strides = array<i32>} : memref<64x128xf32, #tpu.memory_space<vmem>>, vector<1x16xf32>,
        %parallel_loop3A_327 = arith.index_cast %parallel_loop3A_298 : i32 to index
        %parallel_loop3A_328 = arith.constant 16 : index
        %parallel_loop3A_329 = tpu.vector_load %arg24[%parallel_loop3A_327, %parallel_loop3A_328] {strides = array<i32>} : memref<64x128xf32, #tpu.memory_space<vmem>>, vector<1x16xf32>,
        %parallel_loop3A_330 = vector.shape_cast %parallel_loop3A_329 : vector<1x16xf32> to vector<16xf32>
        %parallel_loop3A_331 = vector.broadcast %parallel_loop3A_303 : f32 to vector<16xf32>
        %parallel_loop3A_332 = arith.mulf %parallel_loop3A_331, %parallel_loop3A_330 : vector<16xf32>
        %parallel_loop3A_333 = arith.index_cast %parallel_loop3A_298 : i32 to index
        %parallel_loop3A_334 = arith.constant 16 : index
        %parallel_loop3A_335 = tpu.vector_load %arg26[%parallel_loop3A_333, %parallel_loop3A_334] {strides = array<i32>} : memref<64x128xf32, #tpu.memory_space<vmem>>, vector<1x16xf32>,
        %parallel_loop3A_336 = vector.shape_cast %parallel_loop3A_335 : vector<1x16xf32> to vector<16xf32>
        %parallel_loop3A_337 = vector.broadcast %parallel_loop3A_308 : f32 to vector<16xf32>
        %parallel_loop3A_338 = arith.mulf %parallel_loop3A_337, %parallel_loop3A_336 : vector<16xf32>
        %parallel_loop3A_339 = arith.addf %parallel_loop3A_332, %parallel_loop3A_338 : vector<16xf32>
        %parallel_loop3A_340 = arith.index_cast %parallel_loop3A_298 : i32 to index
        %parallel_loop3A_341 = arith.constant 16 : index
        %parallel_loop3A_342 = tpu.vector_load %arg28[%parallel_loop3A_340, %parallel_loop3A_341] {strides = array<i32>} : memref<64x128xf32, #tpu.memory_space<vmem>>, vector<1x16xf32>,
        %parallel_loop3A_343 = vector.shape_cast %parallel_loop3A_342 : vector<1x16xf32> to vector<16xf32>
        %parallel_loop3A_344 = vector.shape_cast %parallel_loop3A_339 : vector<16xf32> to vector<1x16xf32>
        tpu.vector_store %arg28[%parallel_loop3A_340, %parallel_loop3A_341], %parallel_loop3A_344 {strides = array<i32>} : memref<64x128xf32, #tpu.memory_space<vmem>>, vector<1x16xf32>,
        %parallel_loop3A_345 = arith.index_cast %parallel_loop3A_298 : i32 to index
        %parallel_loop3A_346 = arith.constant 32 : index
        %parallel_loop3A_347 = tpu.vector_load %arg24[%parallel_loop3A_345, %parallel_loop3A_346] {strides = array<i32>} : memref<64x128xf32, #tpu.memory_space<vmem>>, vector<1x16xf32>,
        %parallel_loop3A_348 = vector.shape_cast %parallel_loop3A_347 : vector<1x16xf32> to vector<16xf32>
        %parallel_loop3A_349 = vector.broadcast %parallel_loop3A_303 : f32 to vector<16xf32>
        %parallel_loop3A_350 = arith.mulf %parallel_loop3A_349, %parallel_loop3A_348 : vector<16xf32>
        %parallel_loop3A_351 = arith.index_cast %parallel_loop3A_298 : i32 to index
        %parallel_loop3A_352 = arith.constant 32 : index
        %parallel_loop3A_353 = tpu.vector_load %arg26[%parallel_loop3A_351, %parallel_loop3A_352] {strides = array<i32>} : memref<64x128xf32, #tpu.memory_space<vmem>>, vector<1x16xf32>,
        %parallel_loop3A_354 = vector.shape_cast %parallel_loop3A_353 : vector<1x16xf32> to vector<16xf32>
        %parallel_loop3A_355 = vector.broadcast %parallel_loop3A_308 : f32 to vector<16xf32>
        %parallel_loop3A_356 = arith.mulf %parallel_loop3A_355, %parallel_loop3A_354 : vector<16xf32>
        %parallel_loop3A_357 = arith.addf %parallel_loop3A_350, %parallel_loop3A_356 : vector<16xf32>
        %parallel_loop3A_358 = arith.index_cast %parallel_loop3A_298 : i32 to index
        %parallel_loop3A_359 = arith.constant 32 : index
        %parallel_loop3A_360 = tpu.vector_load %arg28[%parallel_loop3A_358, %parallel_loop3A_359] {strides = array<i32>} : memref<64x128xf32, #tpu.memory_space<vmem>>, vector<1x16xf32>,
        %parallel_loop3A_361 = vector.shape_cast %parallel_loop3A_360 : vector<1x16xf32> to vector<16xf32>
        %parallel_loop3A_362 = vector.shape_cast %parallel_loop3A_357 : vector<16xf32> to vector<1x16xf32>
        tpu.vector_store %arg28[%parallel_loop3A_358, %parallel_loop3A_359], %parallel_loop3A_362 {strides = array<i32>} : memref<64x128xf32, #tpu.memory_space<vmem>>, vector<1x16xf32>,
        %parallel_loop3A_363 = arith.index_cast %parallel_loop3A_298 : i32 to index
        %parallel_loop3A_364 = arith.constant 48 : index
        %parallel_loop3A_365 = tpu.vector_load %arg24[%parallel_loop3A_363, %parallel_loop3A_364] {strides = array<i32>} : memref<64x128xf32, #tpu.memory_space<vmem>>, vector<1x16xf32>,
        %parallel_loop3A_366 = vector.shape_cast %parallel_loop3A_365 : vector<1x16xf32> to vector<16xf32>
        %parallel_loop3A_367 = vector.broadcast %parallel_loop3A_303 : f32 to vector<16xf32>
        %parallel_loop3A_368 = arith.mulf %parallel_loop3A_367, %parallel_loop3A_366 : vector<16xf32>
        %parallel_loop3A_369 = arith.index_cast %parallel_loop3A_298 : i32 to index
        %parallel_loop3A_370 = arith.constant 48 : index
        %parallel_loop3A_371 = tpu.vector_load %arg26[%parallel_loop3A_369, %parallel_loop3A_370] {strides = array<i32>} : memref<64x128xf32, #tpu.memory_space<vmem>>, vector<1x16xf32>,
        %parallel_loop3A_372 = vector.shape_cast %parallel_loop3A_371 : vector<1x16xf32> to vector<16xf32>
        %parallel_loop3A_373 = vector.broadcast %parallel_loop3A_308 : f32 to vector<16xf32>
        %parallel_loop3A_374 = arith.mulf %parallel_loop3A_373, %parallel_loop3A_372 : vector<16xf32>
        %parallel_loop3A_375 = arith.addf %parallel_loop3A_368, %parallel_loop3A_374 : vector<16xf32>
        %parallel_loop3A_376 = arith.index_cast %parallel_loop3A_298 : i32 to index
        %parallel_loop3A_377 = arith.constant 48 : index
        %parallel_loop3A_378 = tpu.vector_load %arg28[%parallel_loop3A_376, %parallel_loop3A_377] {strides = array<i32>} : memref<64x128xf32, #tpu.memory_space<vmem>>, vector<1x16xf32>,
        %parallel_loop3A_379 = vector.shape_cast %parallel_loop3A_378 : vector<1x16xf32> to vector<16xf32>
        %parallel_loop3A_380 = vector.shape_cast %parallel_loop3A_375 : vector<16xf32> to vector<1x16xf32>
        tpu.vector_store %arg28[%parallel_loop3A_376, %parallel_loop3A_377], %parallel_loop3A_380 {strides = array<i32>} : memref<64x128xf32, #tpu.memory_space<vmem>>, vector<1x16xf32>,
        %parallel_loop3A_381 = arith.index_cast %parallel_loop3A_298 : i32 to index
        %parallel_loop3A_382 = arith.constant 64 : index
        %parallel_loop3A_383 = tpu.vector_load %arg24[%parallel_loop3A_381, %parallel_loop3A_382] {strides = array<i32>} : memref<64x128xf32, #tpu.memory_space<vmem>>, vector<1x16xf32>,
        %parallel_loop3A_384 = vector.shape_cast %parallel_loop3A_383 : vector<1x16xf32> to vector<16xf32>
        %parallel_loop3A_385 = vector.broadcast %parallel_loop3A_303 : f32 to vector<16xf32>
        %parallel_loop3A_386 = arith.mulf %parallel_loop3A_385, %parallel_loop3A_384 : vector<16xf32>
        %parallel_loop3A_387 = arith.index_cast %parallel_loop3A_298 : i32 to index
        %parallel_loop3A_388 = arith.constant 64 : index
        %parallel_loop3A_389 = tpu.vector_load %arg26[%parallel_loop3A_387, %parallel_loop3A_388] {strides = array<i32>} : memref<64x128xf32, #tpu.memory_space<vmem>>, vector<1x16xf32>,
        %parallel_loop3A_390 = vector.shape_cast %parallel_loop3A_389 : vector<1x16xf32> to vector<16xf32>
        %parallel_loop3A_391 = vector.broadcast %parallel_loop3A_308 : f32 to vector<16xf32>
        %parallel_loop3A_392 = arith.mulf %parallel_loop3A_391, %parallel_loop3A_390 : vector<16xf32>
        %parallel_loop3A_393 = arith.addf %parallel_loop3A_386, %parallel_loop3A_392 : vector<16xf32>
        %parallel_loop3A_394 = arith.index_cast %parallel_loop3A_298 : i32 to index
        %parallel_loop3A_395 = arith.constant 64 : index
        %parallel_loop3A_396 = tpu.vector_load %arg28[%parallel_loop3A_394, %parallel_loop3A_395] {strides = array<i32>} : memref<64x128xf32, #tpu.memory_space<vmem>>, vector<1x16xf32>,
        %parallel_loop3A_397 = vector.shape_cast %parallel_loop3A_396 : vector<1x16xf32> to vector<16xf32>
        %parallel_loop3A_398 = vector.shape_cast %parallel_loop3A_393 : vector<16xf32> to vector<1x16xf32>
        tpu.vector_store %arg28[%parallel_loop3A_394, %parallel_loop3A_395], %parallel_loop3A_398 {strides = array<i32>} : memref<64x128xf32, #tpu.memory_space<vmem>>, vector<1x16xf32>,
        %parallel_loop3A_399 = arith.index_cast %parallel_loop3A_298 : i32 to index
        %parallel_loop3A_400 = arith.constant 80 : index
        %parallel_loop3A_401 = tpu.vector_load %arg24[%parallel_loop3A_399, %parallel_loop3A_400] {strides = array<i32>} : memref<64x128xf32, #tpu.memory_space<vmem>>, vector<1x16xf32>,
        %parallel_loop3A_402 = vector.shape_cast %parallel_loop3A_401 : vector<1x16xf32> to vector<16xf32>
        %parallel_loop3A_403 = vector.broadcast %parallel_loop3A_303 : f32 to vector<16xf32>
        %parallel_loop3A_404 = arith.mulf %parallel_loop3A_403, %parallel_loop3A_402 : vector<16xf32>
        %parallel_loop3A_405 = arith.index_cast %parallel_loop3A_298 : i32 to index
        %parallel_loop3A_406 = arith.constant 80 : index
        %parallel_loop3A_407 = tpu.vector_load %arg26[%parallel_loop3A_405, %parallel_loop3A_406] {strides = array<i32>} : memref<64x128xf32, #tpu.memory_space<vmem>>, vector<1x16xf32>,
        %parallel_loop3A_408 = vector.shape_cast %parallel_loop3A_407 : vector<1x16xf32> to vector<16xf32>
        %parallel_loop3A_409 = vector.broadcast %parallel_loop3A_308 : f32 to vector<16xf32>
        %parallel_loop3A_410 = arith.mulf %parallel_loop3A_409, %parallel_loop3A_408 : vector<16xf32>
        %parallel_loop3A_411 = arith.addf %parallel_loop3A_404, %parallel_loop3A_410 : vector<16xf32>
        %parallel_loop3A_412 = arith.index_cast %parallel_loop3A_298 : i32 to index
        %parallel_loop3A_413 = arith.constant 80 : index
        %parallel_loop3A_414 = tpu.vector_load %arg28[%parallel_loop3A_412, %parallel_loop3A_413] {strides = array<i32>} : memref<64x128xf32, #tpu.memory_space<vmem>>, vector<1x16xf32>,
        %parallel_loop3A_415 = vector.shape_cast %parallel_loop3A_414 : vector<1x16xf32> to vector<16xf32>
        %parallel_loop3A_416 = vector.shape_cast %parallel_loop3A_411 : vector<16xf32> to vector<1x16xf32>
        tpu.vector_store %arg28[%parallel_loop3A_412, %parallel_loop3A_413], %parallel_loop3A_416 {strides = array<i32>} : memref<64x128xf32, #tpu.memory_space<vmem>>, vector<1x16xf32>,
        %parallel_loop3A_417 = arith.index_cast %parallel_loop3A_298 : i32 to index
        %parallel_loop3A_418 = arith.constant 96 : index
        %parallel_loop3A_419 = tpu.vector_load %arg24[%parallel_loop3A_417, %parallel_loop3A_418] {strides = array<i32>} : memref<64x128xf32, #tpu.memory_space<vmem>>, vector<1x16xf32>,
        %parallel_loop3A_420 = vector.shape_cast %parallel_loop3A_419 : vector<1x16xf32> to vector<16xf32>
        %parallel_loop3A_421 = vector.broadcast %parallel_loop3A_303 : f32 to vector<16xf32>
        %parallel_loop3A_422 = arith.mulf %parallel_loop3A_421, %parallel_loop3A_420 : vector<16xf32>
        %parallel_loop3A_423 = arith.index_cast %parallel_loop3A_298 : i32 to index
        %parallel_loop3A_424 = arith.constant 96 : index
        %parallel_loop3A_425 = tpu.vector_load %arg26[%parallel_loop3A_423, %parallel_loop3A_424] {strides = array<i32>} : memref<64x128xf32, #tpu.memory_space<vmem>>, vector<1x16xf32>,
        %parallel_loop3A_426 = vector.shape_cast %parallel_loop3A_425 : vector<1x16xf32> to vector<16xf32>
        %parallel_loop3A_427 = vector.broadcast %parallel_loop3A_308 : f32 to vector<16xf32>
        %parallel_loop3A_428 = arith.mulf %parallel_loop3A_427, %parallel_loop3A_426 : vector<16xf32>
        %parallel_loop3A_429 = arith.addf %parallel_loop3A_422, %parallel_loop3A_428 : vector<16xf32>
        %parallel_loop3A_430 = arith.index_cast %parallel_loop3A_298 : i32 to index
        %parallel_loop3A_431 = arith.constant 96 : index
        %parallel_loop3A_432 = tpu.vector_load %arg28[%parallel_loop3A_430, %parallel_loop3A_431] {strides = array<i32>} : memref<64x128xf32, #tpu.memory_space<vmem>>, vector<1x16xf32>,
        %parallel_loop3A_433 = vector.shape_cast %parallel_loop3A_432 : vector<1x16xf32> to vector<16xf32>
        %parallel_loop3A_434 = vector.shape_cast %parallel_loop3A_429 : vector<16xf32> to vector<1x16xf32>
        tpu.vector_store %arg28[%parallel_loop3A_430, %parallel_loop3A_431], %parallel_loop3A_434 {strides = array<i32>} : memref<64x128xf32, #tpu.memory_space<vmem>>, vector<1x16xf32>,
        %parallel_loop3A_435 = arith.index_cast %parallel_loop3A_298 : i32 to index
        %parallel_loop3A_436 = arith.constant 112 : index
        %parallel_loop3A_437 = tpu.vector_load %arg24[%parallel_loop3A_435, %parallel_loop3A_436] {strides = array<i32>} : memref<64x128xf32, #tpu.memory_space<vmem>>, vector<1x16xf32>,
        %parallel_loop3A_438 = vector.shape_cast %parallel_loop3A_437 : vector<1x16xf32> to vector<16xf32>
        %parallel_loop3A_439 = vector.broadcast %parallel_loop3A_303 : f32 to vector<16xf32>
        %parallel_loop3A_440 = arith.mulf %parallel_loop3A_439, %parallel_loop3A_438 : vector<16xf32>
        %parallel_loop3A_441 = arith.index_cast %parallel_loop3A_298 : i32 to index
        %parallel_loop3A_442 = arith.constant 112 : index
        %parallel_loop3A_443 = tpu.vector_load %arg26[%parallel_loop3A_441, %parallel_loop3A_442] {strides = array<i32>} : memref<64x128xf32, #tpu.memory_space<vmem>>, vector<1x16xf32>,
        %parallel_loop3A_444 = vector.shape_cast %parallel_loop3A_443 : vector<1x16xf32> to vector<16xf32>
        %parallel_loop3A_445 = vector.broadcast %parallel_loop3A_308 : f32 to vector<16xf32>
        %parallel_loop3A_446 = arith.mulf %parallel_loop3A_445, %parallel_loop3A_444 : vector<16xf32>
        %parallel_loop3A_447 = arith.addf %parallel_loop3A_440, %parallel_loop3A_446 : vector<16xf32>
        %parallel_loop3A_448 = arith.index_cast %parallel_loop3A_298 : i32 to index
        %parallel_loop3A_449 = arith.constant 112 : index
        %parallel_loop3A_450 = tpu.vector_load %arg28[%parallel_loop3A_448, %parallel_loop3A_449] {strides = array<i32>} : memref<64x128xf32, #tpu.memory_space<vmem>>, vector<1x16xf32>,
        %parallel_loop3A_451 = vector.shape_cast %parallel_loop3A_450 : vector<1x16xf32> to vector<16xf32>
        %parallel_loop3A_452 = vector.shape_cast %parallel_loop3A_447 : vector<16xf32> to vector<1x16xf32>
        tpu.vector_store %arg28[%parallel_loop3A_448, %parallel_loop3A_449], %parallel_loop3A_452 {strides = array<i32>} : memref<64x128xf32, #tpu.memory_space<vmem>>, vector<1x16xf32>,
      } {sc.loop_unroll_factor = 4 : i64, sc.parallel_access}
      %scan3A_242 = arith.constant 0 : i32
      %scan3A_243 = arith.constant 0 : i32
      %mul3A_244 = arith.constant 16 : i32
      %mul3A_245 = arith.muli %scan3A_243, %mul3A_244 : i32
      %get3A_246 = arith.index_cast %mul3A_245 : i32 to index
      %get3A_247 = tpu.vector_load %arg14[%get3A_246] {strides = array<i32>} : memref<64xi32, #tpu.memory_space<vmem>>, vector<16xi32>,
      %get3A_248 = vector.shape_cast %get3A_247 : vector<16xi32> to vector<16xi32>
      %swap3A_249 = arith.index_cast %mul3A_245 : i32 to index
      %swap3A_250 = tpu.vector_load %arg30[%swap3A_249] {strides = array<i32>} : memref<64xi32, #tpu.memory_space<vmem>>, vector<16xi32>,
      %swap3A_251 = vector.shape_cast %swap3A_250 : vector<16xi32> to vector<16xi32>
      %swap3A_252 = vector.shape_cast %get3A_248 : vector<16xi32> to vector<16xi32>
      tpu.vector_store %arg30[%swap3A_249], %swap3A_252 {strides = array<i32>} : memref<64xi32, #tpu.memory_space<vmem>>, vector<16xi32>,
      %scan3A_253 = arith.constant 0 : i32
      %scan3A_254 = arith.constant 1 : i32
      %mul3A_255 = arith.constant 16 : i32
      %mul3A_256 = arith.muli %scan3A_254, %mul3A_255 : i32
      %get3A_257 = arith.index_cast %mul3A_256 : i32 to index
      %get3A_258 = tpu.vector_load %arg14[%get3A_257] {strides = array<i32>} : memref<64xi32, #tpu.memory_space<vmem>>, vector<16xi32>,
      %get3A_259 = vector.shape_cast %get3A_258 : vector<16xi32> to vector<16xi32>
      %swap3A_260 = arith.index_cast %mul3A_256 : i32 to index
      %swap3A_261 = tpu.vector_load %arg30[%swap3A_260] {strides = array<i32>} : memref<64xi32, #tpu.memory_space<vmem>>, vector<16xi32>,
      %swap3A_262 = vector.shape_cast %swap3A_261 : vector<16xi32> to vector<16xi32>
      %swap3A_263 = vector.shape_cast %get3A_259 : vector<16xi32> to vector<16xi32>
      tpu.vector_store %arg30[%swap3A_260], %swap3A_263 {strides = array<i32>} : memref<64xi32, #tpu.memory_space<vmem>>, vector<16xi32>,
      %scan3A_264 = arith.constant 0 : i32
      %scan3A_265 = arith.constant 2 : i32
      %mul3A_266 = arith.constant 16 : i32
      %mul3A_267 = arith.muli %scan3A_265, %mul3A_266 : i32
      %get3A_268 = arith.index_cast %mul3A_267 : i32 to index
      %get3A_269 = tpu.vector_load %arg14[%get3A_268] {strides = array<i32>} : memref<64xi32, #tpu.memory_space<vmem>>, vector<16xi32>,
      %get3A_270 = vector.shape_cast %get3A_269 : vector<16xi32> to vector<16xi32>
      %swap3A_271 = arith.index_cast %mul3A_267 : i32 to index
      %swap3A_272 = tpu.vector_load %arg30[%swap3A_271] {strides = array<i32>} : memref<64xi32, #tpu.memory_space<vmem>>, vector<16xi32>,
      %swap3A_273 = vector.shape_cast %swap3A_272 : vector<16xi32> to vector<16xi32>
      %swap3A_274 = vector.shape_cast %get3A_270 : vector<16xi32> to vector<16xi32>
      tpu.vector_store %arg30[%swap3A_271], %swap3A_274 {strides = array<i32>} : memref<64xi32, #tpu.memory_space<vmem>>, vector<16xi32>,
      %scan3A_275 = arith.constant 0 : i32
      %scan3A_276 = arith.constant 3 : i32
      %mul3A_277 = arith.constant 16 : i32
      %mul3A_278 = arith.muli %scan3A_276, %mul3A_277 : i32
      %get3A_279 = arith.index_cast %mul3A_278 : i32 to index
      %get3A_280 = tpu.vector_load %arg14[%get3A_279] {strides = array<i32>} : memref<64xi32, #tpu.memory_space<vmem>>, vector<16xi32>,
      %get3A_281 = vector.shape_cast %get3A_280 : vector<16xi32> to vector<16xi32>
      %swap3A_282 = arith.index_cast %mul3A_278 : i32 to index
      %swap3A_283 = tpu.vector_load %arg30[%swap3A_282] {strides = array<i32>} : memref<64xi32, #tpu.memory_space<vmem>>, vector<16xi32>,
      %swap3A_284 = vector.shape_cast %swap3A_283 : vector<16xi32> to vector<16xi32>
      %swap3A_285 = vector.shape_cast %get3A_281 : vector<16xi32> to vector<16xi32>
      tpu.vector_store %arg30[%swap3A_282], %swap3A_285 {strides = array<i32>} : memref<64xi32, #tpu.memory_space<vmem>>, vector<16xi32>,
      %scan3A_286 = arith.constant 0 : i32
      %scan3A_287 = arith.constant 4 : i32
      %dma_start3A_288 = arith.constant 0 : i32
      %dma_start3A_289 = arith.constant 0 : i32
      %dma_start3A_290 = tpu.memref_slice %arg10[%dma_start3A_288, %dma_start3A_289] : memref<10016x128xf32, #tpu.memory_space<vmem_shared>> -> memref<10016x128xf32, #tpu.memory_space<vmem_shared>>
      tpu.enqueue_indirect_dma source(%arg28 : memref<64x128xf32, #tpu.memory_space<vmem>>) target(%dma_start3A_290 : memref<10016x128xf32, #tpu.memory_space<vmem_shared>>) offsets(%arg30 : memref<64xi32, #tpu.memory_space<vmem>>) semaphore(%arg36 : memref<!tpu.dma_semaphore, #tpu.memory_space<semaphore_mem>>) {add = true}
      %add3A_291 = arith.constant 2 : i32
      %add3A_292 = arith.addi %add3A_213, %add3A_291 : i32
      %lt3A_293 = arith.constant 320 : i32
      %lt3A_294 = arith.cmpi slt, %add3A_292, %lt3A_293 : i32
      %convert_element_type3A_295 = arith.extui %lt3A_294 : i1 to i32
      %cond3A_296 = arith.constant 0 : i32
      %cond3A_297 = arith.cmpi ne, %convert_element_type3A_295, %cond3A_296 : i32
      scf.if %cond3A_297 {
        %add3A_298 = arith.constant 2 : i32
        %add3A_299 = arith.addi %add3A_213, %add3A_298 : i32
        %mul3A_300 = arith.constant 64 : i32
        %mul3A_301 = arith.muli %add3A_299, %mul3A_300 : i32
        %add3A_302 = arith.addi %mul3A_8, %mul3A_301 : i32
        %dma_start3A_303 = tpu.memref_slice %arg4[%add3A_302] : memref<327680xi32, #tpu.memory_space<hbm>> -> memref<64xi32, #tpu.memory_space<hbm>>
        %dma_start3A_304 = tpu.memref_slice %arg4[%add3A_302] : memref<327680xi32, #tpu.memory_space<hbm>> -> memref<64xi32, #tpu.memory_space<hbm>>
        tpu.enqueue_dma source(%dma_start3A_304 : memref<64xi32, #tpu.memory_space<hbm>>) target(%arg12 : memref<64xi32, #tpu.memory_space<vmem>>) target_semaphore(%arg32 : memref<!tpu.dma_semaphore, #tpu.memory_space<semaphore_mem>>)
        %dma_start3A_305 = tpu.memref_slice %arg5[%add3A_302] : memref<327680xi32, #tpu.memory_space<hbm>> -> memref<64xi32, #tpu.memory_space<hbm>>
        %dma_start3A_306 = tpu.memref_slice %arg5[%add3A_302] : memref<327680xi32, #tpu.memory_space<hbm>> -> memref<64xi32, #tpu.memory_space<hbm>>
        tpu.enqueue_dma source(%dma_start3A_306 : memref<64xi32, #tpu.memory_space<hbm>>) target(%arg14 : memref<64xi32, #tpu.memory_space<vmem>>) target_semaphore(%arg32 : memref<!tpu.dma_semaphore, #tpu.memory_space<semaphore_mem>>)
        %dma_start3A_307 = tpu.memref_slice %arg6[%add3A_302] : memref<327680xf32, #tpu.memory_space<hbm>> -> memref<64xf32, #tpu.memory_space<hbm>>
        %dma_start3A_308 = tpu.memref_slice %arg6[%add3A_302] : memref<327680xf32, #tpu.memory_space<hbm>> -> memref<64xf32, #tpu.memory_space<hbm>>
        tpu.enqueue_dma source(%dma_start3A_308 : memref<64xf32, #tpu.memory_space<hbm>>) target(%arg16 : memref<64xf32, #tpu.memory_space<vmem>>) target_semaphore(%arg32 : memref<!tpu.dma_semaphore, #tpu.memory_space<semaphore_mem>>)
        %dma_start3A_309 = tpu.memref_slice %arg7[%add3A_302] : memref<327680xf32, #tpu.memory_space<hbm>> -> memref<64xf32, #tpu.memory_space<hbm>>
        %dma_start3A_310 = tpu.memref_slice %arg7[%add3A_302] : memref<327680xf32, #tpu.memory_space<hbm>> -> memref<64xf32, #tpu.memory_space<hbm>>
        tpu.enqueue_dma source(%dma_start3A_310 : memref<64xf32, #tpu.memory_space<hbm>>) target(%arg18 : memref<64xf32, #tpu.memory_space<vmem>>) target_semaphore(%arg32 : memref<!tpu.dma_semaphore, #tpu.memory_space<semaphore_mem>>)
      } else {
      }
    }
    %scan3A_105 = arith.constant 160 : i32
    %dma_wait3A_106 = arith.constant 0 : i32
    %dma_wait3A_107 = arith.constant 0 : i32
    %dma_wait3A_108 = tpu.memref_slice %arg10[%dma_wait3A_106, %dma_wait3A_107] : memref<10016x128xf32, #tpu.memory_space<vmem_shared>> -> memref<10016x128xf32, #tpu.memory_space<vmem_shared>>
    tpu.wait_indirect_dma semaphore(%arg35 : memref<!tpu.dma_semaphore, #tpu.memory_space<semaphore_mem>>) src(%arg27 : memref<64x128xf32, #tpu.memory_space<vmem>>) dst(%dma_wait3A_108 : memref<10016x128xf32, #tpu.memory_space<vmem_shared>>)
    %dma_wait3A_109 = arith.constant 0 : i32
    %dma_wait3A_110 = arith.constant 0 : i32
    %dma_wait3A_111 = tpu.memref_slice %arg10[%dma_wait3A_109, %dma_wait3A_110] : memref<10016x128xf32, #tpu.memory_space<vmem_shared>> -> memref<10016x128xf32, #tpu.memory_space<vmem_shared>>
    tpu.wait_indirect_dma semaphore(%arg36 : memref<!tpu.dma_semaphore, #tpu.memory_space<semaphore_mem>>) src(%arg28 : memref<64x128xf32, #tpu.memory_space<vmem>>) dst(%dma_wait3A_111 : memref<10016x128xf32, #tpu.memory_space<vmem_shared>>)
    %barrier3A_112 = arith.constant 0 : index
    tpu.barrier barrier_id(%barrier3A_112)
    %lt3A_113 = arith.constant 15 : i32
    %lt3A_114 = arith.cmpi slt, %arg1, %lt3A_113 : i32
    %convert_element_type3A_115 = arith.extui %lt3A_114 : i1 to i32
    %cond3A_116 = arith.constant 0 : i32
    %cond3A_117 = arith.cmpi ne, %convert_element_type3A_115, %cond3A_116 : i32
    scf.if %cond3A_117 {
      %mul3A_123 = arith.constant 10016 : i32
      %mul3A_124 = arith.muli %arg0, %mul3A_123 : i32
      %add3A_125 = arith.addi %mul3A_124, %mul3A_0 : i32
      "tpu.region"() ({
        %run_scoped3A = tpu.sem_alloc : memref<!tpu.dma_semaphore, #tpu.memory_space<semaphore_mem>>
        %dma_start3A_126 = arith.constant 0 : i32
        %dma_start3A_127 = tpu.memref_slice %arg9[%add3A_125, %dma_start3A_126] : memref<20032x128xf32, #tpu.memory_space<hbm>> -> memref<632x128xf32, #tpu.memory_space<hbm>>
        %dma_start3A_128 = arith.constant 0 : i32
        %dma_start3A_129 = tpu.memref_slice %arg10[%mul3A_0, %dma_start3A_128] : memref<10016x128xf32, #tpu.memory_space<vmem_shared>> -> memref<632x128xf32, #tpu.memory_space<vmem_shared>>
        tpu.enqueue_dma source(%dma_start3A_129 : memref<632x128xf32, #tpu.memory_space<vmem_shared>>) target(%dma_start3A_127 : memref<632x128xf32, #tpu.memory_space<hbm>>) target_semaphore(%run_scoped3A : memref<!tpu.dma_semaphore, #tpu.memory_space<semaphore_mem>>)
        %dma_wait3A_130 = arith.constant 0 : i32
        %dma_wait3A_131 = tpu.memref_slice %arg9[%add3A_125, %dma_wait3A_130] : memref<20032x128xf32, #tpu.memory_space<hbm>> -> memref<632x128xf32, #tpu.memory_space<hbm>>
        %dma_wait3A_132 = arith.constant 0 : i32
        %dma_wait3A_133 = tpu.memref_slice %arg10[%mul3A_0, %dma_wait3A_132] : memref<10016x128xf32, #tpu.memory_space<vmem_shared>> -> memref<632x128xf32, #tpu.memory_space<vmem_shared>>
        tpu.wait_dma2 semaphore(%run_scoped3A : memref<!tpu.dma_semaphore, #tpu.memory_space<semaphore_mem>>) src(%dma_wait3A_133 : memref<632x128xf32, #tpu.memory_space<vmem_shared>>) dst(%dma_wait3A_131 : memref<632x128xf32, #tpu.memory_space<hbm>>)
        tpu.yield
      }) : () -> ()
    } else {
    }
    %eq3A_118 = arith.constant 15 : i32
    %eq3A_119 = arith.cmpi eq, %arg1, %eq3A_118 : i32
    %convert_element_type3A_120 = arith.extui %eq3A_119 : i1 to i32
    %cond3A_121 = arith.constant 0 : i32
    %cond3A_122 = arith.cmpi ne, %convert_element_type3A_120, %cond3A_121 : i32
    scf.if %cond3A_122 {
      %mul3A_123 = arith.constant 10016 : i32
      %mul3A_124 = arith.muli %arg0, %mul3A_123 : i32
      %add3A_125 = arith.constant 9480 : i32
      %add3A_126 = arith.addi %mul3A_124, %add3A_125 : i32
      "tpu.region"() ({
        %run_scoped3A = tpu.sem_alloc : memref<!tpu.dma_semaphore, #tpu.memory_space<semaphore_mem>>
        %dma_start3A_127 = arith.constant 0 : i32
        %dma_start3A_128 = tpu.memref_slice %arg9[%add3A_126, %dma_start3A_127] : memref<20032x128xf32, #tpu.memory_space<hbm>> -> memref<536x128xf32, #tpu.memory_space<hbm>>
        %dma_start3A_129 = arith.constant 9480 : i32
        %dma_start3A_130 = arith.constant 0 : i32
        %dma_start3A_131 = tpu.memref_slice %arg10[%dma_start3A_129, %dma_start3A_130] : memref<10016x128xf32, #tpu.memory_space<vmem_shared>> -> memref<536x128xf32, #tpu.memory_space<vmem_shared>>
        tpu.enqueue_dma source(%dma_start3A_131 : memref<536x128xf32, #tpu.memory_space<vmem_shared>>) target(%dma_start3A_128 : memref<536x128xf32, #tpu.memory_space<hbm>>) target_semaphore(%run_scoped3A : memref<!tpu.dma_semaphore, #tpu.memory_space<semaphore_mem>>)
        %dma_wait3A_132 = arith.constant 0 : i32
        %dma_wait3A_133 = tpu.memref_slice %arg9[%add3A_126, %dma_wait3A_132] : memref<20032x128xf32, #tpu.memory_space<hbm>> -> memref<536x128xf32, #tpu.memory_space<hbm>>
        %dma_wait3A_134 = arith.constant 9480 : i32
        %dma_wait3A_135 = arith.constant 0 : i32
        %dma_wait3A_136 = tpu.memref_slice %arg10[%dma_wait3A_134, %dma_wait3A_135] : memref<10016x128xf32, #tpu.memory_space<vmem_shared>> -> memref<536x128xf32, #tpu.memory_space<vmem_shared>>
        tpu.wait_dma2 semaphore(%run_scoped3A : memref<!tpu.dma_semaphore, #tpu.memory_space<semaphore_mem>>) src(%dma_wait3A_136 : memref<536x128xf32, #tpu.memory_space<vmem_shared>>) dst(%dma_wait3A_133 : memref<536x128xf32, #tpu.memory_space<hbm>>)
        tpu.yield
      }) : () -> ()
    } else {
    }
    return
  }
}

#map = affine_map<(d0, d1) -> (0, 0)>
#map1 = affine_map<(d0, d1) -> (0)>
module attributes {stable_mosaic.version = 14 : i64} {
  func.func @_s1_body(%arg0: i32, %arg1: i32, %arg2: memref<10000x128xf32, #tpu.memory_space<hbm>>, %arg3: memref<327680xi32, #tpu.memory_space<hbm>>, %arg4: memref<327680xi32, #tpu.memory_space<hbm>>, %arg5: memref<327680xf32, #tpu.memory_space<hbm>>, %arg6: memref<327680xf32, #tpu.memory_space<hbm>>, %arg7: memref<10016x128xf32, #tpu.memory_space<hbm>>, %arg8: memref<20032x128xf32, #tpu.memory_space<hbm>>, %arg9: memref<10016x128xf32, #tpu.memory_space<vmem_shared>>, %arg10: memref<64xi32, #tpu.memory_space<vmem>>, %arg11: memref<64xi32, #tpu.memory_space<vmem>>, %arg12: memref<64xi32, #tpu.memory_space<vmem>>, %arg13: memref<64xi32, #tpu.memory_space<vmem>>, %arg14: memref<64xf32, #tpu.memory_space<vmem>>, %arg15: memref<64xf32, #tpu.memory_space<vmem>>, %arg16: memref<64xf32, #tpu.memory_space<vmem>>, %arg17: memref<64xf32, #tpu.memory_space<vmem>>, %arg18: memref<80xf32, #tpu.memory_space<vmem>>, %arg19: memref<80xf32, #tpu.memory_space<vmem>>, %arg20: memref<64x128xf32, #tpu.memory_space<vmem>>, %arg21: memref<64x128xf32, #tpu.memory_space<vmem>>, %arg22: memref<64x128xf32, #tpu.memory_space<vmem>>, %arg23: memref<64x128xf32, #tpu.memory_space<vmem>>, %arg24: memref<64xi32, #tpu.memory_space<vmem>>, %arg25: memref<64xi32, #tpu.memory_space<vmem>>, %arg26: memref<!tpu.dma_semaphore, #tpu.memory_space<semaphore_mem>>, %arg27: memref<!tpu.dma_semaphore, #tpu.memory_space<semaphore_mem>>, %arg28: memref<!tpu.dma_semaphore, #tpu.memory_space<semaphore_mem>>, %arg29: memref<!tpu.dma_semaphore, #tpu.memory_space<semaphore_mem>>, %arg30: memref<!tpu.dma_semaphore, #tpu.memory_space<semaphore_mem>>, %arg31: memref<!tpu.dma_semaphore, #tpu.memory_space<semaphore_mem>>) attributes {dimension_semantics = [#tpu.dimension_semantics<core_parallel>, #tpu.dimension_semantics<subcore_parallel>], iteration_bounds = array<i64: 2, 16>, scalar_prefetch = 0 : i64, scratch_operands = 23 : i64, tpu.core_type = #tpu.core_type<sc_vector_subcore>, window_params = [{transform_indices = #map}, {transform_indices = #map1}, {transform_indices = #map1}, {transform_indices = #map1}, {transform_indices = #map1}, {transform_indices = #map}, {transform_indices = #map}]} {
    %mul3A = arith.constant 632 : i32
    %mul3A_0 = arith.muli %arg1, %mul3A : i32
    %lt3A = arith.constant 15 : i32
    %lt3A_1 = arith.cmpi slt, %arg1, %lt3A : i32
    %convert_element_type3A = arith.extui %lt3A_1 : i1 to i32
    %cond3A = arith.constant 0 : i32
    %cond3A_2 = arith.cmpi ne, %convert_element_type3A, %cond3A : i32
    scf.if %cond3A_2 {
      "tpu.region"() ({
        %run_scoped3A = tpu.sem_alloc : memref<!tpu.dma_semaphore, #tpu.memory_space<semaphore_mem>>
        %dma_start3A_66 = arith.constant 0 : i32
        %dma_start3A_67 = tpu.memref_slice %arg9[%mul3A_0, %dma_start3A_66] : memref<10016x128xf32, #tpu.memory_space<vmem_shared>> -> memref<632x128xf32, #tpu.memory_space<vmem_shared>>
        %dma_start3A_68 = arith.constant 0 : i32
        %dma_start3A_69 = tpu.memref_slice %arg7[%mul3A_0, %dma_start3A_68] : memref<10016x128xf32, #tpu.memory_space<hbm>> -> memref<632x128xf32, #tpu.memory_space<hbm>>
        tpu.enqueue_dma source(%dma_start3A_69 : memref<632x128xf32, #tpu.memory_space<hbm>>) target(%dma_start3A_67 : memref<632x128xf32, #tpu.memory_space<vmem_shared>>) target_semaphore(%run_scoped3A : memref<!tpu.dma_semaphore, #tpu.memory_space<semaphore_mem>>)
        %dma_wait3A_70 = arith.constant 0 : i32
        %dma_wait3A_71 = tpu.memref_slice %arg9[%mul3A_0, %dma_wait3A_70] : memref<10016x128xf32, #tpu.memory_space<vmem_shared>> -> memref<632x128xf32, #tpu.memory_space<vmem_shared>>
        %dma_wait3A_72 = arith.constant 0 : i32
        %dma_wait3A_73 = tpu.memref_slice %arg7[%mul3A_0, %dma_wait3A_72] : memref<10016x128xf32, #tpu.memory_space<hbm>> -> memref<632x128xf32, #tpu.memory_space<hbm>>
        tpu.wait_dma2 semaphore(%run_scoped3A : memref<!tpu.dma_semaphore, #tpu.memory_space<semaphore_mem>>) src(%dma_wait3A_73 : memref<632x128xf32, #tpu.memory_space<hbm>>) dst(%dma_wait3A_71 : memref<632x128xf32, #tpu.memory_space<vmem_shared>>)
        tpu.yield
      }) : () -> ()
    } else {
    }
    %eq3A = arith.constant 15 : i32
    %eq3A_3 = arith.cmpi eq, %arg1, %eq3A : i32
    %convert_element_type3A_4 = arith.extui %eq3A_3 : i1 to i32
    %cond3A_5 = arith.constant 0 : i32
    %cond3A_6 = arith.cmpi ne, %convert_element_type3A_4, %cond3A_5 : i32
    scf.if %cond3A_6 {
      "tpu.region"() ({
        %run_scoped3A = tpu.sem_alloc : memref<!tpu.dma_semaphore, #tpu.memory_space<semaphore_mem>>
        %dma_start3A_66 = arith.constant 9480 : i32
        %dma_start3A_67 = arith.constant 0 : i32
        %dma_start3A_68 = tpu.memref_slice %arg9[%dma_start3A_66, %dma_start3A_67] : memref<10016x128xf32, #tpu.memory_space<vmem_shared>> -> memref<536x128xf32, #tpu.memory_space<vmem_shared>>
        %dma_start3A_69 = arith.constant 9480 : i32
        %dma_start3A_70 = arith.constant 0 : i32
        %dma_start3A_71 = tpu.memref_slice %arg7[%dma_start3A_69, %dma_start3A_70] : memref<10016x128xf32, #tpu.memory_space<hbm>> -> memref<536x128xf32, #tpu.memory_space<hbm>>
        tpu.enqueue_dma source(%dma_start3A_71 : memref<536x128xf32, #tpu.memory_space<hbm>>) target(%dma_start3A_68 : memref<536x128xf32, #tpu.memory_space<vmem_shared>>) target_semaphore(%run_scoped3A : memref<!tpu.dma_semaphore, #tpu.memory_space<semaphore_mem>>)
        %dma_wait3A_72 = arith.constant 9480 : i32
        %dma_wait3A_73 = arith.constant 0 : i32
        %dma_wait3A_74 = tpu.memref_slice %arg9[%dma_wait3A_72, %dma_wait3A_73] : memref<10016x128xf32, #tpu.memory_space<vmem_shared>> -> memref<536x128xf32, #tpu.memory_space<vmem_shared>>
        %dma_wait3A_75 = arith.constant 9480 : i32
        %dma_wait3A_76 = arith.constant 0 : i32
        %dma_wait3A_77 = tpu.memref_slice %arg7[%dma_wait3A_75, %dma_wait3A_76] : memref<10016x128xf32, #tpu.memory_space<hbm>> -> memref<536x128xf32, #tpu.memory_space<hbm>>
        tpu.wait_dma2 semaphore(%run_scoped3A : memref<!tpu.dma_semaphore, #tpu.memory_space<semaphore_mem>>) src(%dma_wait3A_77 : memref<536x128xf32, #tpu.memory_space<hbm>>) dst(%dma_wait3A_74 : memref<536x128xf32, #tpu.memory_space<vmem_shared>>)
        tpu.yield
      }) : () -> ()
    } else {
    }
    %barrier3A = arith.constant 0 : index
    tpu.barrier barrier_id(%barrier3A)
    %mul3A_7 = arith.constant 20480 : i32
    %mul3A_8 = arith.muli %arg1, %mul3A_7 : i32
    %add3A = arith.constant 0 : i32
    %add3A_9 = arith.addi %mul3A_8, %add3A : i32
    %dma_start3A = tpu.memref_slice %arg3[%add3A_9] : memref<327680xi32, #tpu.memory_space<hbm>> -> memref<64xi32, #tpu.memory_space<hbm>>
    %dma_start3A_10 = tpu.memref_slice %arg3[%add3A_9] : memref<327680xi32, #tpu.memory_space<hbm>> -> memref<64xi32, #tpu.memory_space<hbm>>
    tpu.enqueue_dma source(%dma_start3A_10 : memref<64xi32, #tpu.memory_space<hbm>>) target(%arg10 : memref<64xi32, #tpu.memory_space<vmem>>) target_semaphore(%arg26 : memref<!tpu.dma_semaphore, #tpu.memory_space<semaphore_mem>>)
    %dma_start3A_11 = tpu.memref_slice %arg4[%add3A_9] : memref<327680xi32, #tpu.memory_space<hbm>> -> memref<64xi32, #tpu.memory_space<hbm>>
    %dma_start3A_12 = tpu.memref_slice %arg4[%add3A_9] : memref<327680xi32, #tpu.memory_space<hbm>> -> memref<64xi32, #tpu.memory_space<hbm>>
    tpu.enqueue_dma source(%dma_start3A_12 : memref<64xi32, #tpu.memory_space<hbm>>) target(%arg12 : memref<64xi32, #tpu.memory_space<vmem>>) target_semaphore(%arg26 : memref<!tpu.dma_semaphore, #tpu.memory_space<semaphore_mem>>)
    %dma_start3A_13 = tpu.memref_slice %arg5[%add3A_9] : memref<327680xf32, #tpu.memory_space<hbm>> -> memref<64xf32, #tpu.memory_space<hbm>>
    %dma_start3A_14 = tpu.memref_slice %arg5[%add3A_9] : memref<327680xf32, #tpu.memory_space<hbm>> -> memref<64xf32, #tpu.memory_space<hbm>>
    tpu.enqueue_dma source(%dma_start3A_14 : memref<64xf32, #tpu.memory_space<hbm>>) target(%arg14 : memref<64xf32, #tpu.memory_space<vmem>>) target_semaphore(%arg26 : memref<!tpu.dma_semaphore, #tpu.memory_space<semaphore_mem>>)
    %dma_start3A_15 = tpu.memref_slice %arg6[%add3A_9] : memref<327680xf32, #tpu.memory_space<hbm>> -> memref<64xf32, #tpu.memory_space<hbm>>
    %dma_start3A_16 = tpu.memref_slice %arg6[%add3A_9] : memref<327680xf32, #tpu.memory_space<hbm>> -> memref<64xf32, #tpu.memory_space<hbm>>
    tpu.enqueue_dma source(%dma_start3A_16 : memref<64xf32, #tpu.memory_space<hbm>>) target(%arg16 : memref<64xf32, #tpu.memory_space<vmem>>) target_semaphore(%arg26 : memref<!tpu.dma_semaphore, #tpu.memory_space<semaphore_mem>>)
    %add3A_17 = arith.constant 64 : i32
    %add3A_18 = arith.addi %mul3A_8, %add3A_17 : i32
    %dma_start3A_19 = tpu.memref_slice %arg3[%add3A_18] : memref<327680xi32, #tpu.memory_space<hbm>> -> memref<64xi32, #tpu.memory_space<hbm>>
    %dma_start3A_20 = tpu.memref_slice %arg3[%add3A_18] : memref<327680xi32, #tpu.memory_space<hbm>> -> memref<64xi32, #tpu.memory_space<hbm>>
    tpu.enqueue_dma source(%dma_start3A_20 : memref<64xi32, #tpu.memory_space<hbm>>) target(%arg11 : memref<64xi32, #tpu.memory_space<vmem>>) target_semaphore(%arg27 : memref<!tpu.dma_semaphore, #tpu.memory_space<semaphore_mem>>)
    %dma_start3A_21 = tpu.memref_slice %arg4[%add3A_18] : memref<327680xi32, #tpu.memory_space<hbm>> -> memref<64xi32, #tpu.memory_space<hbm>>
    %dma_start3A_22 = tpu.memref_slice %arg4[%add3A_18] : memref<327680xi32, #tpu.memory_space<hbm>> -> memref<64xi32, #tpu.memory_space<hbm>>
    tpu.enqueue_dma source(%dma_start3A_22 : memref<64xi32, #tpu.memory_space<hbm>>) target(%arg13 : memref<64xi32, #tpu.memory_space<vmem>>) target_semaphore(%arg27 : memref<!tpu.dma_semaphore, #tpu.memory_space<semaphore_mem>>)
    %dma_start3A_23 = tpu.memref_slice %arg5[%add3A_18] : memref<327680xf32, #tpu.memory_space<hbm>> -> memref<64xf32, #tpu.memory_space<hbm>>
    %dma_start3A_24 = tpu.memref_slice %arg5[%add3A_18] : memref<327680xf32, #tpu.memory_space<hbm>> -> memref<64xf32, #tpu.memory_space<hbm>>
    tpu.enqueue_dma source(%dma_start3A_24 : memref<64xf32, #tpu.memory_space<hbm>>) target(%arg15 : memref<64xf32, #tpu.memory_space<vmem>>) target_semaphore(%arg27 : memref<!tpu.dma_semaphore, #tpu.memory_space<semaphore_mem>>)
    %dma_start3A_25 = tpu.memref_slice %arg6[%add3A_18] : memref<327680xf32, #tpu.memory_space<hbm>> -> memref<64xf32, #tpu.memory_space<hbm>>
    %dma_start3A_26 = tpu.memref_slice %arg6[%add3A_18] : memref<327680xf32, #tpu.memory_space<hbm>> -> memref<64xf32, #tpu.memory_space<hbm>>
    tpu.enqueue_dma source(%dma_start3A_26 : memref<64xf32, #tpu.memory_space<hbm>>) target(%arg17 : memref<64xf32, #tpu.memory_space<vmem>>) target_semaphore(%arg27 : memref<!tpu.dma_semaphore, #tpu.memory_space<semaphore_mem>>)
    %dma_wait3A = arith.constant 0 : i32
    %dma_wait3A_27 = tpu.memref_slice %arg3[%dma_wait3A] : memref<327680xi32, #tpu.memory_space<hbm>> -> memref<64xi32, #tpu.memory_space<hbm>>
    %dma_wait3A_28 = arith.constant 0 : i32
    %dma_wait3A_29 = tpu.memref_slice %arg3[%dma_wait3A_28] : memref<327680xi32, #tpu.memory_space<hbm>> -> memref<64xi32, #tpu.memory_space<hbm>>
    tpu.wait_dma2 semaphore(%arg26 : memref<!tpu.dma_semaphore, #tpu.memory_space<semaphore_mem>>) src(%dma_wait3A_29 : memref<64xi32, #tpu.memory_space<hbm>>) dst(%arg10 : memref<64xi32, #tpu.memory_space<vmem>>)
    %dma_wait3A_30 = arith.constant 0 : i32
    %dma_wait3A_31 = tpu.memref_slice %arg4[%dma_wait3A_30] : memref<327680xi32, #tpu.memory_space<hbm>> -> memref<64xi32, #tpu.memory_space<hbm>>
    %dma_wait3A_32 = arith.constant 0 : i32
    %dma_wait3A_33 = tpu.memref_slice %arg4[%dma_wait3A_32] : memref<327680xi32, #tpu.memory_space<hbm>> -> memref<64xi32, #tpu.memory_space<hbm>>
    tpu.wait_dma2 semaphore(%arg26 : memref<!tpu.dma_semaphore, #tpu.memory_space<semaphore_mem>>) src(%dma_wait3A_33 : memref<64xi32, #tpu.memory_space<hbm>>) dst(%arg12 : memref<64xi32, #tpu.memory_space<vmem>>)
    %dma_wait3A_34 = arith.constant 0 : i32
    %dma_wait3A_35 = tpu.memref_slice %arg5[%dma_wait3A_34] : memref<327680xf32, #tpu.memory_space<hbm>> -> memref<64xf32, #tpu.memory_space<hbm>>
    %dma_wait3A_36 = arith.constant 0 : i32
    %dma_wait3A_37 = tpu.memref_slice %arg5[%dma_wait3A_36] : memref<327680xf32, #tpu.memory_space<hbm>> -> memref<64xf32, #tpu.memory_space<hbm>>
    tpu.wait_dma2 semaphore(%arg26 : memref<!tpu.dma_semaphore, #tpu.memory_space<semaphore_mem>>) src(%dma_wait3A_37 : memref<64xf32, #tpu.memory_space<hbm>>) dst(%arg14 : memref<64xf32, #tpu.memory_space<vmem>>)
    %dma_wait3A_38 = arith.constant 0 : i32
    %dma_wait3A_39 = tpu.memref_slice %arg6[%dma_wait3A_38] : memref<327680xf32, #tpu.memory_space<hbm>> -> memref<64xf32, #tpu.memory_space<hbm>>
    %dma_wait3A_40 = arith.constant 0 : i32
    %dma_wait3A_41 = tpu.memref_slice %arg6[%dma_wait3A_40] : memref<327680xf32, #tpu.memory_space<hbm>> -> memref<64xf32, #tpu.memory_space<hbm>>
    tpu.wait_dma2 semaphore(%arg26 : memref<!tpu.dma_semaphore, #tpu.memory_space<semaphore_mem>>) src(%dma_wait3A_41 : memref<64xf32, #tpu.memory_space<hbm>>) dst(%arg16 : memref<64xf32, #tpu.memory_space<vmem>>)
    %dma_start3A_42 = arith.constant 0 : i32
    %dma_start3A_43 = arith.constant 0 : i32
    %dma_start3A_44 = tpu.memref_slice %arg2[%dma_start3A_42, %dma_start3A_43] : memref<10000x128xf32, #tpu.memory_space<hbm>> -> memref<10000x128xf32, #tpu.memory_space<hbm>>
    tpu.enqueue_indirect_dma source(%dma_start3A_44 : memref<10000x128xf32, #tpu.memory_space<hbm>>) target(%arg20 : memref<64x128xf32, #tpu.memory_space<vmem>>) offsets(%arg10 : memref<64xi32, #tpu.memory_space<vmem>>) semaphore(%arg28 : memref<!tpu.dma_semaphore, #tpu.memory_space<semaphore_mem>>)
    %scan3A = arith.constant 0 : i32
    %scan3A_45 = arith.constant 160 : i32
    %scan3A_46 = arith.addi %scan3A, %scan3A_45 : i32
    %scan3A_47 = arith.constant 1 : i32
    scf.for %scan3A_66 = %scan3A to %scan3A_46 step %scan3A_47  : i32 {
      %mul3A_67 = arith.constant 2 : i32
      %mul3A_68 = arith.muli %scan3A_66, %mul3A_67 : i32
      %add3A_69 = arith.constant 0 : i32
      %add3A_70 = arith.addi %add3A_69, %mul3A_68 : i32
      %add3A_71 = arith.constant 0 : i32
      %add3A_72 = arith.addi %add3A_70, %add3A_71 : i32
      %add3A_73 = arith.constant 1 : i32
      %add3A_74 = arith.addi %add3A_72, %add3A_73 : i32
      %lt3A_75 = arith.constant 320 : i32
      %lt3A_76 = arith.cmpi slt, %add3A_74, %lt3A_75 : i32
      %convert_element_type3A_77 = arith.extui %lt3A_76 : i1 to i32
      %cond3A_78 = arith.constant 0 : i32
      %cond3A_79 = arith.cmpi ne, %convert_element_type3A_77, %cond3A_78 : i32
      scf.if %cond3A_79 {
        %dma_wait3A_233 = arith.constant 0 : i32
        %dma_wait3A_234 = tpu.memref_slice %arg3[%dma_wait3A_233] : memref<327680xi32, #tpu.memory_space<hbm>> -> memref<64xi32, #tpu.memory_space<hbm>>
        %dma_wait3A_235 = arith.constant 0 : i32
        %dma_wait3A_236 = tpu.memref_slice %arg3[%dma_wait3A_235] : memref<327680xi32, #tpu.memory_space<hbm>> -> memref<64xi32, #tpu.memory_space<hbm>>
        tpu.wait_dma2 semaphore(%arg27 : memref<!tpu.dma_semaphore, #tpu.memory_space<semaphore_mem>>) src(%dma_wait3A_236 : memref<64xi32, #tpu.memory_space<hbm>>) dst(%arg11 : memref<64xi32, #tpu.memory_space<vmem>>)
        %dma_wait3A_237 = arith.constant 0 : i32
        %dma_wait3A_238 = tpu.memref_slice %arg4[%dma_wait3A_237] : memref<327680xi32, #tpu.memory_space<hbm>> -> memref<64xi32, #tpu.memory_space<hbm>>
        %dma_wait3A_239 = arith.constant 0 : i32
        %dma_wait3A_240 = tpu.memref_slice %arg4[%dma_wait3A_239] : memref<327680xi32, #tpu.memory_space<hbm>> -> memref<64xi32, #tpu.memory_space<hbm>>
        tpu.wait_dma2 semaphore(%arg27 : memref<!tpu.dma_semaphore, #tpu.memory_space<semaphore_mem>>) src(%dma_wait3A_240 : memref<64xi32, #tpu.memory_space<hbm>>) dst(%arg13 : memref<64xi32, #tpu.memory_space<vmem>>)
        %dma_wait3A_241 = arith.constant 0 : i32
        %dma_wait3A_242 = tpu.memref_slice %arg5[%dma_wait3A_241] : memref<327680xf32, #tpu.memory_space<hbm>> -> memref<64xf32, #tpu.memory_space<hbm>>
        %dma_wait3A_243 = arith.constant 0 : i32
        %dma_wait3A_244 = tpu.memref_slice %arg5[%dma_wait3A_243] : memref<327680xf32, #tpu.memory_space<hbm>> -> memref<64xf32, #tpu.memory_space<hbm>>
        tpu.wait_dma2 semaphore(%arg27 : memref<!tpu.dma_semaphore, #tpu.memory_space<semaphore_mem>>) src(%dma_wait3A_244 : memref<64xf32, #tpu.memory_space<hbm>>) dst(%arg15 : memref<64xf32, #tpu.memory_space<vmem>>)
        %dma_wait3A_245 = arith.constant 0 : i32
        %dma_wait3A_246 = tpu.memref_slice %arg6[%dma_wait3A_245] : memref<327680xf32, #tpu.memory_space<hbm>> -> memref<64xf32, #tpu.memory_space<hbm>>
        %dma_wait3A_247 = arith.constant 0 : i32
        %dma_wait3A_248 = tpu.memref_slice %arg6[%dma_wait3A_247] : memref<327680xf32, #tpu.memory_space<hbm>> -> memref<64xf32, #tpu.memory_space<hbm>>
        tpu.wait_dma2 semaphore(%arg27 : memref<!tpu.dma_semaphore, #tpu.memory_space<semaphore_mem>>) src(%dma_wait3A_248 : memref<64xf32, #tpu.memory_space<hbm>>) dst(%arg17 : memref<64xf32, #tpu.memory_space<vmem>>)
        %dma_start3A_249 = arith.constant 0 : i32
        %dma_start3A_250 = arith.constant 0 : i32
        %dma_start3A_251 = tpu.memref_slice %arg2[%dma_start3A_249, %dma_start3A_250] : memref<10000x128xf32, #tpu.memory_space<hbm>> -> memref<10000x128xf32, #tpu.memory_space<hbm>>
        tpu.enqueue_indirect_dma source(%dma_start3A_251 : memref<10000x128xf32, #tpu.memory_space<hbm>>) target(%arg21 : memref<64x128xf32, #tpu.memory_space<vmem>>) offsets(%arg11 : memref<64xi32, #tpu.memory_space<vmem>>) semaphore(%arg29 : memref<!tpu.dma_semaphore, #tpu.memory_space<semaphore_mem>>)
      } else {
      }
      %ge3A = arith.constant 2 : i32
      %ge3A_80 = arith.cmpi sge, %add3A_72, %ge3A : i32
      %convert_element_type3A_81 = arith.extui %ge3A_80 : i1 to i32
      %cond3A_82 = arith.constant 0 : i32
      %cond3A_83 = arith.cmpi ne, %convert_element_type3A_81, %cond3A_82 : i32
      scf.if %cond3A_83 {
        %dma_wait3A_233 = arith.constant 0 : i32
        %dma_wait3A_234 = arith.constant 0 : i32
        %dma_wait3A_235 = tpu.memref_slice %arg9[%dma_wait3A_233, %dma_wait3A_234] : memref<10016x128xf32, #tpu.memory_space<vmem_shared>> -> memref<10016x128xf32, #tpu.memory_space<vmem_shared>>
        tpu.wait_indirect_dma semaphore(%arg30 : memref<!tpu.dma_semaphore, #tpu.memory_space<semaphore_mem>>) src(%arg22 : memref<64x128xf32, #tpu.memory_space<vmem>>) dst(%dma_wait3A_235 : memref<10016x128xf32, #tpu.memory_space<vmem_shared>>)
      } else {
      }
      %dma_wait3A_84 = arith.constant 0 : i32
      %dma_wait3A_85 = arith.constant 0 : i32
      %dma_wait3A_86 = tpu.memref_slice %arg2[%dma_wait3A_84, %dma_wait3A_85] : memref<10000x128xf32, #tpu.memory_space<hbm>> -> memref<10000x128xf32, #tpu.memory_space<hbm>>
      tpu.wait_indirect_dma semaphore(%arg28 : memref<!tpu.dma_semaphore, #tpu.memory_space<semaphore_mem>>) src(%dma_wait3A_86 : memref<10000x128xf32, #tpu.memory_space<hbm>>) dst(%arg20 : memref<64x128xf32, #tpu.memory_space<vmem>>)
      %scan3A_87 = arith.constant 0 : i32
      %scan3A_88 = arith.constant 0 : i32
      %scan3A_89 = arith.constant 4 : i32
      %scan3A_90 = arith.addi %scan3A_88, %scan3A_89 : i32
      %scan3A_91 = arith.constant 1 : i32
      %scan3A_92 = scf.for %scan3A_233 = %scan3A_88 to %scan3A_90 step %scan3A_91 iter_args(%scan3A_234 = %scan3A_87) -> (i32)  : i32 {
        %mul3A_235 = arith.constant 16 : i32
        %mul3A_236 = arith.muli %scan3A_233, %mul3A_235 : i32
        %eq3A_237 = arith.constant 0 : i32
        %eq3A_238 = arith.cmpi eq, %arg0, %eq3A_237 : i32
        %get3A_239 = arith.index_cast %mul3A_236 : i32 to index
        %get3A_240 = tpu.vector_load %arg14[%get3A_239] {strides = array<i32>} : memref<64xf32, #tpu.memory_space<vmem>>, vector<16xf32>,
        %get3A_241 = vector.shape_cast %get3A_240 : vector<16xf32> to vector<16xf32>
        %get3A_242 = arith.index_cast %mul3A_236 : i32 to index
        %get3A_243 = tpu.vector_load %arg16[%get3A_242] {strides = array<i32>} : memref<64xf32, #tpu.memory_space<vmem>>, vector<16xf32>,
        %get3A_244 = vector.shape_cast %get3A_243 : vector<16xf32> to vector<16xf32>
        %select_n3A = arith.select %eq3A_238, %get3A_241, %get3A_244 : vector<16xf32>
        %swap3A_245 = arith.index_cast %mul3A_236 : i32 to index
        %swap3A_246 = tpu.vector_load %arg18[%swap3A_245] {strides = array<i32>} : memref<80xf32, #tpu.memory_space<vmem>>, vector<16xf32>,
        %swap3A_247 = vector.shape_cast %swap3A_246 : vector<16xf32> to vector<16xf32>
        %swap3A_248 = vector.shape_cast %select_n3A : vector<16xf32> to vector<16xf32>
        tpu.vector_store %arg18[%swap3A_245], %swap3A_248 {strides = array<i32>} : memref<80xf32, #tpu.memory_space<vmem>>, vector<16xf32>,
        %scan3A_249 = arith.constant 0 : i32
        scf.yield %scan3A_249 : i32
      }
      %scan3A_93 = arith.constant 4 : i32
      %parallel_loop3A = arith.constant 0 : i32
      %parallel_loop3A_94 = arith.constant 64 : i32
      %parallel_loop3A_95 = arith.constant 1 : i32
      scf.for %parallel_loop3A_233 = %parallel_loop3A to %parallel_loop3A_94 step %parallel_loop3A_95  : i32 {
        %parallel_loop3A_234 = arith.index_cast %parallel_loop3A_233 : i32 to index
        %parallel_loop3A_235 = tpu.vector_load %arg18[%parallel_loop3A_234] {strides = array<i32>} : memref<80xf32, #tpu.memory_space<vmem>>, vector<16xf32>,
        %parallel_loop3A_236 = vector.shape_cast %parallel_loop3A_235 : vector<16xf32> to vector<16xf32>
        %parallel_loop3A_237 = vector.extract_strided_slice %parallel_loop3A_236 {offsets = [0], sizes = [1], strides = [1]} : vector<16xf32> to vector<1xf32>
        %parallel_loop3A_238 = vector.extract %parallel_loop3A_237[0] : f32 from vector<1xf32>
        %parallel_loop3A_239 = arith.index_cast %parallel_loop3A_233 : i32 to index
        %parallel_loop3A_240 = arith.constant 0 : index
        %parallel_loop3A_241 = tpu.vector_load %arg20[%parallel_loop3A_239, %parallel_loop3A_240] {strides = array<i32>} : memref<64x128xf32, #tpu.memory_space<vmem>>, vector<1x16xf32>,
        %parallel_loop3A_242 = vector.shape_cast %parallel_loop3A_241 : vector<1x16xf32> to vector<16xf32>
        %parallel_loop3A_243 = vector.broadcast %parallel_loop3A_238 : f32 to vector<16xf32>
        %parallel_loop3A_244 = arith.mulf %parallel_loop3A_243, %parallel_loop3A_242 : vector<16xf32>
        %parallel_loop3A_245 = arith.index_cast %parallel_loop3A_233 : i32 to index
        %parallel_loop3A_246 = arith.constant 0 : index
        %parallel_loop3A_247 = tpu.vector_load %arg22[%parallel_loop3A_245, %parallel_loop3A_246] {strides = array<i32>} : memref<64x128xf32, #tpu.memory_space<vmem>>, vector<1x16xf32>,
        %parallel_loop3A_248 = vector.shape_cast %parallel_loop3A_247 : vector<1x16xf32> to vector<16xf32>
        %parallel_loop3A_249 = vector.shape_cast %parallel_loop3A_244 : vector<16xf32> to vector<1x16xf32>
        tpu.vector_store %arg22[%parallel_loop3A_245, %parallel_loop3A_246], %parallel_loop3A_249 {strides = array<i32>} : memref<64x128xf32, #tpu.memory_space<vmem>>, vector<1x16xf32>,
        %parallel_loop3A_250 = arith.index_cast %parallel_loop3A_233 : i32 to index
        %parallel_loop3A_251 = arith.constant 16 : index
        %parallel_loop3A_252 = tpu.vector_load %arg20[%parallel_loop3A_250, %parallel_loop3A_251] {strides = array<i32>} : memref<64x128xf32, #tpu.memory_space<vmem>>, vector<1x16xf32>,
        %parallel_loop3A_253 = vector.shape_cast %parallel_loop3A_252 : vector<1x16xf32> to vector<16xf32>
        %parallel_loop3A_254 = vector.broadcast %parallel_loop3A_238 : f32 to vector<16xf32>
        %parallel_loop3A_255 = arith.mulf %parallel_loop3A_254, %parallel_loop3A_253 : vector<16xf32>
        %parallel_loop3A_256 = arith.index_cast %parallel_loop3A_233 : i32 to index
        %parallel_loop3A_257 = arith.constant 16 : index
        %parallel_loop3A_258 = tpu.vector_load %arg22[%parallel_loop3A_256, %parallel_loop3A_257] {strides = array<i32>} : memref<64x128xf32, #tpu.memory_space<vmem>>, vector<1x16xf32>,
        %parallel_loop3A_259 = vector.shape_cast %parallel_loop3A_258 : vector<1x16xf32> to vector<16xf32>
        %parallel_loop3A_260 = vector.shape_cast %parallel_loop3A_255 : vector<16xf32> to vector<1x16xf32>
        tpu.vector_store %arg22[%parallel_loop3A_256, %parallel_loop3A_257], %parallel_loop3A_260 {strides = array<i32>} : memref<64x128xf32, #tpu.memory_space<vmem>>, vector<1x16xf32>,
        %parallel_loop3A_261 = arith.index_cast %parallel_loop3A_233 : i32 to index
        %parallel_loop3A_262 = arith.constant 32 : index
        %parallel_loop3A_263 = tpu.vector_load %arg20[%parallel_loop3A_261, %parallel_loop3A_262] {strides = array<i32>} : memref<64x128xf32, #tpu.memory_space<vmem>>, vector<1x16xf32>,
        %parallel_loop3A_264 = vector.shape_cast %parallel_loop3A_263 : vector<1x16xf32> to vector<16xf32>
        %parallel_loop3A_265 = vector.broadcast %parallel_loop3A_238 : f32 to vector<16xf32>
        %parallel_loop3A_266 = arith.mulf %parallel_loop3A_265, %parallel_loop3A_264 : vector<16xf32>
        %parallel_loop3A_267 = arith.index_cast %parallel_loop3A_233 : i32 to index
        %parallel_loop3A_268 = arith.constant 32 : index
        %parallel_loop3A_269 = tpu.vector_load %arg22[%parallel_loop3A_267, %parallel_loop3A_268] {strides = array<i32>} : memref<64x128xf32, #tpu.memory_space<vmem>>, vector<1x16xf32>,
        %parallel_loop3A_270 = vector.shape_cast %parallel_loop3A_269 : vector<1x16xf32> to vector<16xf32>
        %parallel_loop3A_271 = vector.shape_cast %parallel_loop3A_266 : vector<16xf32> to vector<1x16xf32>
        tpu.vector_store %arg22[%parallel_loop3A_267, %parallel_loop3A_268], %parallel_loop3A_271 {strides = array<i32>} : memref<64x128xf32, #tpu.memory_space<vmem>>, vector<1x16xf32>,
        %parallel_loop3A_272 = arith.index_cast %parallel_loop3A_233 : i32 to index
        %parallel_loop3A_273 = arith.constant 48 : index
        %parallel_loop3A_274 = tpu.vector_load %arg20[%parallel_loop3A_272, %parallel_loop3A_273] {strides = array<i32>} : memref<64x128xf32, #tpu.memory_space<vmem>>, vector<1x16xf32>,
        %parallel_loop3A_275 = vector.shape_cast %parallel_loop3A_274 : vector<1x16xf32> to vector<16xf32>
        %parallel_loop3A_276 = vector.broadcast %parallel_loop3A_238 : f32 to vector<16xf32>
        %parallel_loop3A_277 = arith.mulf %parallel_loop3A_276, %parallel_loop3A_275 : vector<16xf32>
        %parallel_loop3A_278 = arith.index_cast %parallel_loop3A_233 : i32 to index
        %parallel_loop3A_279 = arith.constant 48 : index
        %parallel_loop3A_280 = tpu.vector_load %arg22[%parallel_loop3A_278, %parallel_loop3A_279] {strides = array<i32>} : memref<64x128xf32, #tpu.memory_space<vmem>>, vector<1x16xf32>,
        %parallel_loop3A_281 = vector.shape_cast %parallel_loop3A_280 : vector<1x16xf32> to vector<16xf32>
        %parallel_loop3A_282 = vector.shape_cast %parallel_loop3A_277 : vector<16xf32> to vector<1x16xf32>
        tpu.vector_store %arg22[%parallel_loop3A_278, %parallel_loop3A_279], %parallel_loop3A_282 {strides = array<i32>} : memref<64x128xf32, #tpu.memory_space<vmem>>, vector<1x16xf32>,
        %parallel_loop3A_283 = arith.index_cast %parallel_loop3A_233 : i32 to index
        %parallel_loop3A_284 = arith.constant 64 : index
        %parallel_loop3A_285 = tpu.vector_load %arg20[%parallel_loop3A_283, %parallel_loop3A_284] {strides = array<i32>} : memref<64x128xf32, #tpu.memory_space<vmem>>, vector<1x16xf32>,
        %parallel_loop3A_286 = vector.shape_cast %parallel_loop3A_285 : vector<1x16xf32> to vector<16xf32>
        %parallel_loop3A_287 = vector.broadcast %parallel_loop3A_238 : f32 to vector<16xf32>
        %parallel_loop3A_288 = arith.mulf %parallel_loop3A_287, %parallel_loop3A_286 : vector<16xf32>
        %parallel_loop3A_289 = arith.index_cast %parallel_loop3A_233 : i32 to index
        %parallel_loop3A_290 = arith.constant 64 : index
        %parallel_loop3A_291 = tpu.vector_load %arg22[%parallel_loop3A_289, %parallel_loop3A_290] {strides = array<i32>} : memref<64x128xf32, #tpu.memory_space<vmem>>, vector<1x16xf32>,
        %parallel_loop3A_292 = vector.shape_cast %parallel_loop3A_291 : vector<1x16xf32> to vector<16xf32>
        %parallel_loop3A_293 = vector.shape_cast %parallel_loop3A_288 : vector<16xf32> to vector<1x16xf32>
        tpu.vector_store %arg22[%parallel_loop3A_289, %parallel_loop3A_290], %parallel_loop3A_293 {strides = array<i32>} : memref<64x128xf32, #tpu.memory_space<vmem>>, vector<1x16xf32>,
        %parallel_loop3A_294 = arith.index_cast %parallel_loop3A_233 : i32 to index
        %parallel_loop3A_295 = arith.constant 80 : index
        %parallel_loop3A_296 = tpu.vector_load %arg20[%parallel_loop3A_294, %parallel_loop3A_295] {strides = array<i32>} : memref<64x128xf32, #tpu.memory_space<vmem>>, vector<1x16xf32>,
        %parallel_loop3A_297 = vector.shape_cast %parallel_loop3A_296 : vector<1x16xf32> to vector<16xf32>
        %parallel_loop3A_298 = vector.broadcast %parallel_loop3A_238 : f32 to vector<16xf32>
        %parallel_loop3A_299 = arith.mulf %parallel_loop3A_298, %parallel_loop3A_297 : vector<16xf32>
        %parallel_loop3A_300 = arith.index_cast %parallel_loop3A_233 : i32 to index
        %parallel_loop3A_301 = arith.constant 80 : index
        %parallel_loop3A_302 = tpu.vector_load %arg22[%parallel_loop3A_300, %parallel_loop3A_301] {strides = array<i32>} : memref<64x128xf32, #tpu.memory_space<vmem>>, vector<1x16xf32>,
        %parallel_loop3A_303 = vector.shape_cast %parallel_loop3A_302 : vector<1x16xf32> to vector<16xf32>
        %parallel_loop3A_304 = vector.shape_cast %parallel_loop3A_299 : vector<16xf32> to vector<1x16xf32>
        tpu.vector_store %arg22[%parallel_loop3A_300, %parallel_loop3A_301], %parallel_loop3A_304 {strides = array<i32>} : memref<64x128xf32, #tpu.memory_space<vmem>>, vector<1x16xf32>,
        %parallel_loop3A_305 = arith.index_cast %parallel_loop3A_233 : i32 to index
        %parallel_loop3A_306 = arith.constant 96 : index
        %parallel_loop3A_307 = tpu.vector_load %arg20[%parallel_loop3A_305, %parallel_loop3A_306] {strides = array<i32>} : memref<64x128xf32, #tpu.memory_space<vmem>>, vector<1x16xf32>,
        %parallel_loop3A_308 = vector.shape_cast %parallel_loop3A_307 : vector<1x16xf32> to vector<16xf32>
        %parallel_loop3A_309 = vector.broadcast %parallel_loop3A_238 : f32 to vector<16xf32>
        %parallel_loop3A_310 = arith.mulf %parallel_loop3A_309, %parallel_loop3A_308 : vector<16xf32>
        %parallel_loop3A_311 = arith.index_cast %parallel_loop3A_233 : i32 to index
        %parallel_loop3A_312 = arith.constant 96 : index
        %parallel_loop3A_313 = tpu.vector_load %arg22[%parallel_loop3A_311, %parallel_loop3A_312] {strides = array<i32>} : memref<64x128xf32, #tpu.memory_space<vmem>>, vector<1x16xf32>,
        %parallel_loop3A_314 = vector.shape_cast %parallel_loop3A_313 : vector<1x16xf32> to vector<16xf32>
        %parallel_loop3A_315 = vector.shape_cast %parallel_loop3A_310 : vector<16xf32> to vector<1x16xf32>
        tpu.vector_store %arg22[%parallel_loop3A_311, %parallel_loop3A_312], %parallel_loop3A_315 {strides = array<i32>} : memref<64x128xf32, #tpu.memory_space<vmem>>, vector<1x16xf32>,
        %parallel_loop3A_316 = arith.index_cast %parallel_loop3A_233 : i32 to index
        %parallel_loop3A_317 = arith.constant 112 : index
        %parallel_loop3A_318 = tpu.vector_load %arg20[%parallel_loop3A_316, %parallel_loop3A_317] {strides = array<i32>} : memref<64x128xf32, #tpu.memory_space<vmem>>, vector<1x16xf32>,
        %parallel_loop3A_319 = vector.shape_cast %parallel_loop3A_318 : vector<1x16xf32> to vector<16xf32>
        %parallel_loop3A_320 = vector.broadcast %parallel_loop3A_238 : f32 to vector<16xf32>
        %parallel_loop3A_321 = arith.mulf %parallel_loop3A_320, %parallel_loop3A_319 : vector<16xf32>
        %parallel_loop3A_322 = arith.index_cast %parallel_loop3A_233 : i32 to index
        %parallel_loop3A_323 = arith.constant 112 : index
        %parallel_loop3A_324 = tpu.vector_load %arg22[%parallel_loop3A_322, %parallel_loop3A_323] {strides = array<i32>} : memref<64x128xf32, #tpu.memory_space<vmem>>, vector<1x16xf32>,
        %parallel_loop3A_325 = vector.shape_cast %parallel_loop3A_324 : vector<1x16xf32> to vector<16xf32>
        %parallel_loop3A_326 = vector.shape_cast %parallel_loop3A_321 : vector<16xf32> to vector<1x16xf32>
        tpu.vector_store %arg22[%parallel_loop3A_322, %parallel_loop3A_323], %parallel_loop3A_326 {strides = array<i32>} : memref<64x128xf32, #tpu.memory_space<vmem>>, vector<1x16xf32>,
      } {sc.loop_unroll_factor = 4 : i64, sc.parallel_access}
      %scan3A_96 = arith.constant 0 : i32
      %scan3A_97 = arith.constant 0 : i32
      %mul3A_98 = arith.constant 16 : i32
      %mul3A_99 = arith.muli %scan3A_97, %mul3A_98 : i32
      %get3A = arith.index_cast %mul3A_99 : i32 to index
      %get3A_100 = tpu.vector_load %arg12[%get3A] {strides = array<i32>} : memref<64xi32, #tpu.memory_space<vmem>>, vector<16xi32>,
      %get3A_101 = vector.shape_cast %get3A_100 : vector<16xi32> to vector<16xi32>
      %swap3A = arith.index_cast %mul3A_99 : i32 to index
      %swap3A_102 = tpu.vector_load %arg24[%swap3A] {strides = array<i32>} : memref<64xi32, #tpu.memory_space<vmem>>, vector<16xi32>,
      %swap3A_103 = vector.shape_cast %swap3A_102 : vector<16xi32> to vector<16xi32>
      %swap3A_104 = vector.shape_cast %get3A_101 : vector<16xi32> to vector<16xi32>
      tpu.vector_store %arg24[%swap3A], %swap3A_104 {strides = array<i32>} : memref<64xi32, #tpu.memory_space<vmem>>, vector<16xi32>,
      %scan3A_105 = arith.constant 0 : i32
      %scan3A_106 = arith.constant 1 : i32
      %mul3A_107 = arith.constant 16 : i32
      %mul3A_108 = arith.muli %scan3A_106, %mul3A_107 : i32
      %get3A_109 = arith.index_cast %mul3A_108 : i32 to index
      %get3A_110 = tpu.vector_load %arg12[%get3A_109] {strides = array<i32>} : memref<64xi32, #tpu.memory_space<vmem>>, vector<16xi32>,
      %get3A_111 = vector.shape_cast %get3A_110 : vector<16xi32> to vector<16xi32>
      %swap3A_112 = arith.index_cast %mul3A_108 : i32 to index
      %swap3A_113 = tpu.vector_load %arg24[%swap3A_112] {strides = array<i32>} : memref<64xi32, #tpu.memory_space<vmem>>, vector<16xi32>,
      %swap3A_114 = vector.shape_cast %swap3A_113 : vector<16xi32> to vector<16xi32>
      %swap3A_115 = vector.shape_cast %get3A_111 : vector<16xi32> to vector<16xi32>
      tpu.vector_store %arg24[%swap3A_112], %swap3A_115 {strides = array<i32>} : memref<64xi32, #tpu.memory_space<vmem>>, vector<16xi32>,
      %scan3A_116 = arith.constant 0 : i32
      %scan3A_117 = arith.constant 2 : i32
      %mul3A_118 = arith.constant 16 : i32
      %mul3A_119 = arith.muli %scan3A_117, %mul3A_118 : i32
      %get3A_120 = arith.index_cast %mul3A_119 : i32 to index
      %get3A_121 = tpu.vector_load %arg12[%get3A_120] {strides = array<i32>} : memref<64xi32, #tpu.memory_space<vmem>>, vector<16xi32>,
      %get3A_122 = vector.shape_cast %get3A_121 : vector<16xi32> to vector<16xi32>
      %swap3A_123 = arith.index_cast %mul3A_119 : i32 to index
      %swap3A_124 = tpu.vector_load %arg24[%swap3A_123] {strides = array<i32>} : memref<64xi32, #tpu.memory_space<vmem>>, vector<16xi32>,
      %swap3A_125 = vector.shape_cast %swap3A_124 : vector<16xi32> to vector<16xi32>
      %swap3A_126 = vector.shape_cast %get3A_122 : vector<16xi32> to vector<16xi32>
      tpu.vector_store %arg24[%swap3A_123], %swap3A_126 {strides = array<i32>} : memref<64xi32, #tpu.memory_space<vmem>>, vector<16xi32>,
      %scan3A_127 = arith.constant 0 : i32
      %scan3A_128 = arith.constant 3 : i32
      %mul3A_129 = arith.constant 16 : i32
      %mul3A_130 = arith.muli %scan3A_128, %mul3A_129 : i32
      %get3A_131 = arith.index_cast %mul3A_130 : i32 to index
      %get3A_132 = tpu.vector_load %arg12[%get3A_131] {strides = array<i32>} : memref<64xi32, #tpu.memory_space<vmem>>, vector<16xi32>,
      %get3A_133 = vector.shape_cast %get3A_132 : vector<16xi32> to vector<16xi32>
      %swap3A_134 = arith.index_cast %mul3A_130 : i32 to index
      %swap3A_135 = tpu.vector_load %arg24[%swap3A_134] {strides = array<i32>} : memref<64xi32, #tpu.memory_space<vmem>>, vector<16xi32>,
      %swap3A_136 = vector.shape_cast %swap3A_135 : vector<16xi32> to vector<16xi32>
      %swap3A_137 = vector.shape_cast %get3A_133 : vector<16xi32> to vector<16xi32>
      tpu.vector_store %arg24[%swap3A_134], %swap3A_137 {strides = array<i32>} : memref<64xi32, #tpu.memory_space<vmem>>, vector<16xi32>,
      %scan3A_138 = arith.constant 0 : i32
      %scan3A_139 = arith.constant 4 : i32
      %dma_start3A_140 = arith.constant 0 : i32
      %dma_start3A_141 = arith.constant 0 : i32
      %dma_start3A_142 = tpu.memref_slice %arg9[%dma_start3A_140, %dma_start3A_141] : memref<10016x128xf32, #tpu.memory_space<vmem_shared>> -> memref<10016x128xf32, #tpu.memory_space<vmem_shared>>
      tpu.enqueue_indirect_dma source(%arg22 : memref<64x128xf32, #tpu.memory_space<vmem>>) target(%dma_start3A_142 : memref<10016x128xf32, #tpu.memory_space<vmem_shared>>) offsets(%arg24 : memref<64xi32, #tpu.memory_space<vmem>>) semaphore(%arg30 : memref<!tpu.dma_semaphore, #tpu.memory_space<semaphore_mem>>) {add = true}
      %add3A_143 = arith.constant 2 : i32
      %add3A_144 = arith.addi %add3A_72, %add3A_143 : i32
      %lt3A_145 = arith.constant 320 : i32
      %lt3A_146 = arith.cmpi slt, %add3A_144, %lt3A_145 : i32
      %convert_element_type3A_147 = arith.extui %lt3A_146 : i1 to i32
      %cond3A_148 = arith.constant 0 : i32
      %cond3A_149 = arith.cmpi ne, %convert_element_type3A_147, %cond3A_148 : i32
      scf.if %cond3A_149 {
        %add3A_233 = arith.constant 2 : i32
        %add3A_234 = arith.addi %add3A_72, %add3A_233 : i32
        %mul3A_235 = arith.constant 64 : i32
        %mul3A_236 = arith.muli %add3A_234, %mul3A_235 : i32
        %add3A_237 = arith.addi %mul3A_8, %mul3A_236 : i32
        %dma_start3A_238 = tpu.memref_slice %arg3[%add3A_237] : memref<327680xi32, #tpu.memory_space<hbm>> -> memref<64xi32, #tpu.memory_space<hbm>>
        %dma_start3A_239 = tpu.memref_slice %arg3[%add3A_237] : memref<327680xi32, #tpu.memory_space<hbm>> -> memref<64xi32, #tpu.memory_space<hbm>>
        tpu.enqueue_dma source(%dma_start3A_239 : memref<64xi32, #tpu.memory_space<hbm>>) target(%arg10 : memref<64xi32, #tpu.memory_space<vmem>>) target_semaphore(%arg26 : memref<!tpu.dma_semaphore, #tpu.memory_space<semaphore_mem>>)
        %dma_start3A_240 = tpu.memref_slice %arg4[%add3A_237] : memref<327680xi32, #tpu.memory_space<hbm>> -> memref<64xi32, #tpu.memory_space<hbm>>
        %dma_start3A_241 = tpu.memref_slice %arg4[%add3A_237] : memref<327680xi32, #tpu.memory_space<hbm>> -> memref<64xi32, #tpu.memory_space<hbm>>
        tpu.enqueue_dma source(%dma_start3A_241 : memref<64xi32, #tpu.memory_space<hbm>>) target(%arg12 : memref<64xi32, #tpu.memory_space<vmem>>) target_semaphore(%arg26 : memref<!tpu.dma_semaphore, #tpu.memory_space<semaphore_mem>>)
        %dma_start3A_242 = tpu.memref_slice %arg5[%add3A_237] : memref<327680xf32, #tpu.memory_space<hbm>> -> memref<64xf32, #tpu.memory_space<hbm>>
        %dma_start3A_243 = tpu.memref_slice %arg5[%add3A_237] : memref<327680xf32, #tpu.memory_space<hbm>> -> memref<64xf32, #tpu.memory_space<hbm>>
        tpu.enqueue_dma source(%dma_start3A_243 : memref<64xf32, #tpu.memory_space<hbm>>) target(%arg14 : memref<64xf32, #tpu.memory_space<vmem>>) target_semaphore(%arg26 : memref<!tpu.dma_semaphore, #tpu.memory_space<semaphore_mem>>)
        %dma_start3A_244 = tpu.memref_slice %arg6[%add3A_237] : memref<327680xf32, #tpu.memory_space<hbm>> -> memref<64xf32, #tpu.memory_space<hbm>>
        %dma_start3A_245 = tpu.memref_slice %arg6[%add3A_237] : memref<327680xf32, #tpu.memory_space<hbm>> -> memref<64xf32, #tpu.memory_space<hbm>>
        tpu.enqueue_dma source(%dma_start3A_245 : memref<64xf32, #tpu.memory_space<hbm>>) target(%arg16 : memref<64xf32, #tpu.memory_space<vmem>>) target_semaphore(%arg26 : memref<!tpu.dma_semaphore, #tpu.memory_space<semaphore_mem>>)
      } else {
      }
      %add3A_150 = arith.constant 1 : i32
      %add3A_151 = arith.addi %add3A_70, %add3A_150 : i32
      %add3A_152 = arith.constant 1 : i32
      %add3A_153 = arith.addi %add3A_151, %add3A_152 : i32
      %lt3A_154 = arith.constant 320 : i32
      %lt3A_155 = arith.cmpi slt, %add3A_153, %lt3A_154 : i32
      %convert_element_type3A_156 = arith.extui %lt3A_155 : i1 to i32
      %cond3A_157 = arith.constant 0 : i32
      %cond3A_158 = arith.cmpi ne, %convert_element_type3A_156, %cond3A_157 : i32
      scf.if %cond3A_158 {
        %dma_wait3A_233 = arith.constant 0 : i32
        %dma_wait3A_234 = tpu.memref_slice %arg3[%dma_wait3A_233] : memref<327680xi32, #tpu.memory_space<hbm>> -> memref<64xi32, #tpu.memory_space<hbm>>
        %dma_wait3A_235 = arith.constant 0 : i32
        %dma_wait3A_236 = tpu.memref_slice %arg3[%dma_wait3A_235] : memref<327680xi32, #tpu.memory_space<hbm>> -> memref<64xi32, #tpu.memory_space<hbm>>
        tpu.wait_dma2 semaphore(%arg26 : memref<!tpu.dma_semaphore, #tpu.memory_space<semaphore_mem>>) src(%dma_wait3A_236 : memref<64xi32, #tpu.memory_space<hbm>>) dst(%arg10 : memref<64xi32, #tpu.memory_space<vmem>>)
        %dma_wait3A_237 = arith.constant 0 : i32
        %dma_wait3A_238 = tpu.memref_slice %arg4[%dma_wait3A_237] : memref<327680xi32, #tpu.memory_space<hbm>> -> memref<64xi32, #tpu.memory_space<hbm>>
        %dma_wait3A_239 = arith.constant 0 : i32
        %dma_wait3A_240 = tpu.memref_slice %arg4[%dma_wait3A_239] : memref<327680xi32, #tpu.memory_space<hbm>> -> memref<64xi32, #tpu.memory_space<hbm>>
        tpu.wait_dma2 semaphore(%arg26 : memref<!tpu.dma_semaphore, #tpu.memory_space<semaphore_mem>>) src(%dma_wait3A_240 : memref<64xi32, #tpu.memory_space<hbm>>) dst(%arg12 : memref<64xi32, #tpu.memory_space<vmem>>)
        %dma_wait3A_241 = arith.constant 0 : i32
        %dma_wait3A_242 = tpu.memref_slice %arg5[%dma_wait3A_241] : memref<327680xf32, #tpu.memory_space<hbm>> -> memref<64xf32, #tpu.memory_space<hbm>>
        %dma_wait3A_243 = arith.constant 0 : i32
        %dma_wait3A_244 = tpu.memref_slice %arg5[%dma_wait3A_243] : memref<327680xf32, #tpu.memory_space<hbm>> -> memref<64xf32, #tpu.memory_space<hbm>>
        tpu.wait_dma2 semaphore(%arg26 : memref<!tpu.dma_semaphore, #tpu.memory_space<semaphore_mem>>) src(%dma_wait3A_244 : memref<64xf32, #tpu.memory_space<hbm>>) dst(%arg14 : memref<64xf32, #tpu.memory_space<vmem>>)
        %dma_wait3A_245 = arith.constant 0 : i32
        %dma_wait3A_246 = tpu.memref_slice %arg6[%dma_wait3A_245] : memref<327680xf32, #tpu.memory_space<hbm>> -> memref<64xf32, #tpu.memory_space<hbm>>
        %dma_wait3A_247 = arith.constant 0 : i32
        %dma_wait3A_248 = tpu.memref_slice %arg6[%dma_wait3A_247] : memref<327680xf32, #tpu.memory_space<hbm>> -> memref<64xf32, #tpu.memory_space<hbm>>
        tpu.wait_dma2 semaphore(%arg26 : memref<!tpu.dma_semaphore, #tpu.memory_space<semaphore_mem>>) src(%dma_wait3A_248 : memref<64xf32, #tpu.memory_space<hbm>>) dst(%arg16 : memref<64xf32, #tpu.memory_space<vmem>>)
        %dma_start3A_249 = arith.constant 0 : i32
        %dma_start3A_250 = arith.constant 0 : i32
        %dma_start3A_251 = tpu.memref_slice %arg2[%dma_start3A_249, %dma_start3A_250] : memref<10000x128xf32, #tpu.memory_space<hbm>> -> memref<10000x128xf32, #tpu.memory_space<hbm>>
        tpu.enqueue_indirect_dma source(%dma_start3A_251 : memref<10000x128xf32, #tpu.memory_space<hbm>>) target(%arg20 : memref<64x128xf32, #tpu.memory_space<vmem>>) offsets(%arg10 : memref<64xi32, #tpu.memory_space<vmem>>) semaphore(%arg28 : memref<!tpu.dma_semaphore, #tpu.memory_space<semaphore_mem>>)
      } else {
      }
      %ge3A_159 = arith.constant 2 : i32
      %ge3A_160 = arith.cmpi sge, %add3A_151, %ge3A_159 : i32
      %convert_element_type3A_161 = arith.extui %ge3A_160 : i1 to i32
      %cond3A_162 = arith.constant 0 : i32
      %cond3A_163 = arith.cmpi ne, %convert_element_type3A_161, %cond3A_162 : i32
      scf.if %cond3A_163 {
        %dma_wait3A_233 = arith.constant 0 : i32
        %dma_wait3A_234 = arith.constant 0 : i32
        %dma_wait3A_235 = tpu.memref_slice %arg9[%dma_wait3A_233, %dma_wait3A_234] : memref<10016x128xf32, #tpu.memory_space<vmem_shared>> -> memref<10016x128xf32, #tpu.memory_space<vmem_shared>>
        tpu.wait_indirect_dma semaphore(%arg31 : memref<!tpu.dma_semaphore, #tpu.memory_space<semaphore_mem>>) src(%arg23 : memref<64x128xf32, #tpu.memory_space<vmem>>) dst(%dma_wait3A_235 : memref<10016x128xf32, #tpu.memory_space<vmem_shared>>)
      } else {
      }
      %dma_wait3A_164 = arith.constant 0 : i32
      %dma_wait3A_165 = arith.constant 0 : i32
      %dma_wait3A_166 = tpu.memref_slice %arg2[%dma_wait3A_164, %dma_wait3A_165] : memref<10000x128xf32, #tpu.memory_space<hbm>> -> memref<10000x128xf32, #tpu.memory_space<hbm>>
      tpu.wait_indirect_dma semaphore(%arg29 : memref<!tpu.dma_semaphore, #tpu.memory_space<semaphore_mem>>) src(%dma_wait3A_166 : memref<10000x128xf32, #tpu.memory_space<hbm>>) dst(%arg21 : memref<64x128xf32, #tpu.memory_space<vmem>>)
      %scan3A_167 = arith.constant 0 : i32
      %scan3A_168 = arith.constant 0 : i32
      %scan3A_169 = arith.constant 4 : i32
      %scan3A_170 = arith.addi %scan3A_168, %scan3A_169 : i32
      %scan3A_171 = arith.constant 1 : i32
      %scan3A_172 = scf.for %scan3A_233 = %scan3A_168 to %scan3A_170 step %scan3A_171 iter_args(%scan3A_234 = %scan3A_167) -> (i32)  : i32 {
        %mul3A_235 = arith.constant 16 : i32
        %mul3A_236 = arith.muli %scan3A_233, %mul3A_235 : i32
        %eq3A_237 = arith.constant 0 : i32
        %eq3A_238 = arith.cmpi eq, %arg0, %eq3A_237 : i32
        %get3A_239 = arith.index_cast %mul3A_236 : i32 to index
        %get3A_240 = tpu.vector_load %arg15[%get3A_239] {strides = array<i32>} : memref<64xf32, #tpu.memory_space<vmem>>, vector<16xf32>,
        %get3A_241 = vector.shape_cast %get3A_240 : vector<16xf32> to vector<16xf32>
        %get3A_242 = arith.index_cast %mul3A_236 : i32 to index
        %get3A_243 = tpu.vector_load %arg17[%get3A_242] {strides = array<i32>} : memref<64xf32, #tpu.memory_space<vmem>>, vector<16xf32>,
        %get3A_244 = vector.shape_cast %get3A_243 : vector<16xf32> to vector<16xf32>
        %select_n3A = arith.select %eq3A_238, %get3A_241, %get3A_244 : vector<16xf32>
        %swap3A_245 = arith.index_cast %mul3A_236 : i32 to index
        %swap3A_246 = tpu.vector_load %arg19[%swap3A_245] {strides = array<i32>} : memref<80xf32, #tpu.memory_space<vmem>>, vector<16xf32>,
        %swap3A_247 = vector.shape_cast %swap3A_246 : vector<16xf32> to vector<16xf32>
        %swap3A_248 = vector.shape_cast %select_n3A : vector<16xf32> to vector<16xf32>
        tpu.vector_store %arg19[%swap3A_245], %swap3A_248 {strides = array<i32>} : memref<80xf32, #tpu.memory_space<vmem>>, vector<16xf32>,
        %scan3A_249 = arith.constant 0 : i32
        scf.yield %scan3A_249 : i32
      }
      %scan3A_173 = arith.constant 4 : i32
      %parallel_loop3A_174 = arith.constant 0 : i32
      %parallel_loop3A_175 = arith.constant 64 : i32
      %parallel_loop3A_176 = arith.constant 1 : i32
      scf.for %parallel_loop3A_233 = %parallel_loop3A_174 to %parallel_loop3A_175 step %parallel_loop3A_176  : i32 {
        %parallel_loop3A_234 = arith.index_cast %parallel_loop3A_233 : i32 to index
        %parallel_loop3A_235 = tpu.vector_load %arg19[%parallel_loop3A_234] {strides = array<i32>} : memref<80xf32, #tpu.memory_space<vmem>>, vector<16xf32>,
        %parallel_loop3A_236 = vector.shape_cast %parallel_loop3A_235 : vector<16xf32> to vector<16xf32>
        %parallel_loop3A_237 = vector.extract_strided_slice %parallel_loop3A_236 {offsets = [0], sizes = [1], strides = [1]} : vector<16xf32> to vector<1xf32>
        %parallel_loop3A_238 = vector.extract %parallel_loop3A_237[0] : f32 from vector<1xf32>
        %parallel_loop3A_239 = arith.index_cast %parallel_loop3A_233 : i32 to index
        %parallel_loop3A_240 = arith.constant 0 : index
        %parallel_loop3A_241 = tpu.vector_load %arg21[%parallel_loop3A_239, %parallel_loop3A_240] {strides = array<i32>} : memref<64x128xf32, #tpu.memory_space<vmem>>, vector<1x16xf32>,
        %parallel_loop3A_242 = vector.shape_cast %parallel_loop3A_241 : vector<1x16xf32> to vector<16xf32>
        %parallel_loop3A_243 = vector.broadcast %parallel_loop3A_238 : f32 to vector<16xf32>
        %parallel_loop3A_244 = arith.mulf %parallel_loop3A_243, %parallel_loop3A_242 : vector<16xf32>
        %parallel_loop3A_245 = arith.index_cast %parallel_loop3A_233 : i32 to index
        %parallel_loop3A_246 = arith.constant 0 : index
        %parallel_loop3A_247 = tpu.vector_load %arg23[%parallel_loop3A_245, %parallel_loop3A_246] {strides = array<i32>} : memref<64x128xf32, #tpu.memory_space<vmem>>, vector<1x16xf32>,
        %parallel_loop3A_248 = vector.shape_cast %parallel_loop3A_247 : vector<1x16xf32> to vector<16xf32>
        %parallel_loop3A_249 = vector.shape_cast %parallel_loop3A_244 : vector<16xf32> to vector<1x16xf32>
        tpu.vector_store %arg23[%parallel_loop3A_245, %parallel_loop3A_246], %parallel_loop3A_249 {strides = array<i32>} : memref<64x128xf32, #tpu.memory_space<vmem>>, vector<1x16xf32>,
        %parallel_loop3A_250 = arith.index_cast %parallel_loop3A_233 : i32 to index
        %parallel_loop3A_251 = arith.constant 16 : index
        %parallel_loop3A_252 = tpu.vector_load %arg21[%parallel_loop3A_250, %parallel_loop3A_251] {strides = array<i32>} : memref<64x128xf32, #tpu.memory_space<vmem>>, vector<1x16xf32>,
        %parallel_loop3A_253 = vector.shape_cast %parallel_loop3A_252 : vector<1x16xf32> to vector<16xf32>
        %parallel_loop3A_254 = vector.broadcast %parallel_loop3A_238 : f32 to vector<16xf32>
        %parallel_loop3A_255 = arith.mulf %parallel_loop3A_254, %parallel_loop3A_253 : vector<16xf32>
        %parallel_loop3A_256 = arith.index_cast %parallel_loop3A_233 : i32 to index
        %parallel_loop3A_257 = arith.constant 16 : index
        %parallel_loop3A_258 = tpu.vector_load %arg23[%parallel_loop3A_256, %parallel_loop3A_257] {strides = array<i32>} : memref<64x128xf32, #tpu.memory_space<vmem>>, vector<1x16xf32>,
        %parallel_loop3A_259 = vector.shape_cast %parallel_loop3A_258 : vector<1x16xf32> to vector<16xf32>
        %parallel_loop3A_260 = vector.shape_cast %parallel_loop3A_255 : vector<16xf32> to vector<1x16xf32>
        tpu.vector_store %arg23[%parallel_loop3A_256, %parallel_loop3A_257], %parallel_loop3A_260 {strides = array<i32>} : memref<64x128xf32, #tpu.memory_space<vmem>>, vector<1x16xf32>,
        %parallel_loop3A_261 = arith.index_cast %parallel_loop3A_233 : i32 to index
        %parallel_loop3A_262 = arith.constant 32 : index
        %parallel_loop3A_263 = tpu.vector_load %arg21[%parallel_loop3A_261, %parallel_loop3A_262] {strides = array<i32>} : memref<64x128xf32, #tpu.memory_space<vmem>>, vector<1x16xf32>,
        %parallel_loop3A_264 = vector.shape_cast %parallel_loop3A_263 : vector<1x16xf32> to vector<16xf32>
        %parallel_loop3A_265 = vector.broadcast %parallel_loop3A_238 : f32 to vector<16xf32>
        %parallel_loop3A_266 = arith.mulf %parallel_loop3A_265, %parallel_loop3A_264 : vector<16xf32>
        %parallel_loop3A_267 = arith.index_cast %parallel_loop3A_233 : i32 to index
        %parallel_loop3A_268 = arith.constant 32 : index
        %parallel_loop3A_269 = tpu.vector_load %arg23[%parallel_loop3A_267, %parallel_loop3A_268] {strides = array<i32>} : memref<64x128xf32, #tpu.memory_space<vmem>>, vector<1x16xf32>,
        %parallel_loop3A_270 = vector.shape_cast %parallel_loop3A_269 : vector<1x16xf32> to vector<16xf32>
        %parallel_loop3A_271 = vector.shape_cast %parallel_loop3A_266 : vector<16xf32> to vector<1x16xf32>
        tpu.vector_store %arg23[%parallel_loop3A_267, %parallel_loop3A_268], %parallel_loop3A_271 {strides = array<i32>} : memref<64x128xf32, #tpu.memory_space<vmem>>, vector<1x16xf32>,
        %parallel_loop3A_272 = arith.index_cast %parallel_loop3A_233 : i32 to index
        %parallel_loop3A_273 = arith.constant 48 : index
        %parallel_loop3A_274 = tpu.vector_load %arg21[%parallel_loop3A_272, %parallel_loop3A_273] {strides = array<i32>} : memref<64x128xf32, #tpu.memory_space<vmem>>, vector<1x16xf32>,
        %parallel_loop3A_275 = vector.shape_cast %parallel_loop3A_274 : vector<1x16xf32> to vector<16xf32>
        %parallel_loop3A_276 = vector.broadcast %parallel_loop3A_238 : f32 to vector<16xf32>
        %parallel_loop3A_277 = arith.mulf %parallel_loop3A_276, %parallel_loop3A_275 : vector<16xf32>
        %parallel_loop3A_278 = arith.index_cast %parallel_loop3A_233 : i32 to index
        %parallel_loop3A_279 = arith.constant 48 : index
        %parallel_loop3A_280 = tpu.vector_load %arg23[%parallel_loop3A_278, %parallel_loop3A_279] {strides = array<i32>} : memref<64x128xf32, #tpu.memory_space<vmem>>, vector<1x16xf32>,
        %parallel_loop3A_281 = vector.shape_cast %parallel_loop3A_280 : vector<1x16xf32> to vector<16xf32>
        %parallel_loop3A_282 = vector.shape_cast %parallel_loop3A_277 : vector<16xf32> to vector<1x16xf32>
        tpu.vector_store %arg23[%parallel_loop3A_278, %parallel_loop3A_279], %parallel_loop3A_282 {strides = array<i32>} : memref<64x128xf32, #tpu.memory_space<vmem>>, vector<1x16xf32>,
        %parallel_loop3A_283 = arith.index_cast %parallel_loop3A_233 : i32 to index
        %parallel_loop3A_284 = arith.constant 64 : index
        %parallel_loop3A_285 = tpu.vector_load %arg21[%parallel_loop3A_283, %parallel_loop3A_284] {strides = array<i32>} : memref<64x128xf32, #tpu.memory_space<vmem>>, vector<1x16xf32>,
        %parallel_loop3A_286 = vector.shape_cast %parallel_loop3A_285 : vector<1x16xf32> to vector<16xf32>
        %parallel_loop3A_287 = vector.broadcast %parallel_loop3A_238 : f32 to vector<16xf32>
        %parallel_loop3A_288 = arith.mulf %parallel_loop3A_287, %parallel_loop3A_286 : vector<16xf32>
        %parallel_loop3A_289 = arith.index_cast %parallel_loop3A_233 : i32 to index
        %parallel_loop3A_290 = arith.constant 64 : index
        %parallel_loop3A_291 = tpu.vector_load %arg23[%parallel_loop3A_289, %parallel_loop3A_290] {strides = array<i32>} : memref<64x128xf32, #tpu.memory_space<vmem>>, vector<1x16xf32>,
        %parallel_loop3A_292 = vector.shape_cast %parallel_loop3A_291 : vector<1x16xf32> to vector<16xf32>
        %parallel_loop3A_293 = vector.shape_cast %parallel_loop3A_288 : vector<16xf32> to vector<1x16xf32>
        tpu.vector_store %arg23[%parallel_loop3A_289, %parallel_loop3A_290], %parallel_loop3A_293 {strides = array<i32>} : memref<64x128xf32, #tpu.memory_space<vmem>>, vector<1x16xf32>,
        %parallel_loop3A_294 = arith.index_cast %parallel_loop3A_233 : i32 to index
        %parallel_loop3A_295 = arith.constant 80 : index
        %parallel_loop3A_296 = tpu.vector_load %arg21[%parallel_loop3A_294, %parallel_loop3A_295] {strides = array<i32>} : memref<64x128xf32, #tpu.memory_space<vmem>>, vector<1x16xf32>,
        %parallel_loop3A_297 = vector.shape_cast %parallel_loop3A_296 : vector<1x16xf32> to vector<16xf32>
        %parallel_loop3A_298 = vector.broadcast %parallel_loop3A_238 : f32 to vector<16xf32>
        %parallel_loop3A_299 = arith.mulf %parallel_loop3A_298, %parallel_loop3A_297 : vector<16xf32>
        %parallel_loop3A_300 = arith.index_cast %parallel_loop3A_233 : i32 to index
        %parallel_loop3A_301 = arith.constant 80 : index
        %parallel_loop3A_302 = tpu.vector_load %arg23[%parallel_loop3A_300, %parallel_loop3A_301] {strides = array<i32>} : memref<64x128xf32, #tpu.memory_space<vmem>>, vector<1x16xf32>,
        %parallel_loop3A_303 = vector.shape_cast %parallel_loop3A_302 : vector<1x16xf32> to vector<16xf32>
        %parallel_loop3A_304 = vector.shape_cast %parallel_loop3A_299 : vector<16xf32> to vector<1x16xf32>
        tpu.vector_store %arg23[%parallel_loop3A_300, %parallel_loop3A_301], %parallel_loop3A_304 {strides = array<i32>} : memref<64x128xf32, #tpu.memory_space<vmem>>, vector<1x16xf32>,
        %parallel_loop3A_305 = arith.index_cast %parallel_loop3A_233 : i32 to index
        %parallel_loop3A_306 = arith.constant 96 : index
        %parallel_loop3A_307 = tpu.vector_load %arg21[%parallel_loop3A_305, %parallel_loop3A_306] {strides = array<i32>} : memref<64x128xf32, #tpu.memory_space<vmem>>, vector<1x16xf32>,
        %parallel_loop3A_308 = vector.shape_cast %parallel_loop3A_307 : vector<1x16xf32> to vector<16xf32>
        %parallel_loop3A_309 = vector.broadcast %parallel_loop3A_238 : f32 to vector<16xf32>
        %parallel_loop3A_310 = arith.mulf %parallel_loop3A_309, %parallel_loop3A_308 : vector<16xf32>
        %parallel_loop3A_311 = arith.index_cast %parallel_loop3A_233 : i32 to index
        %parallel_loop3A_312 = arith.constant 96 : index
        %parallel_loop3A_313 = tpu.vector_load %arg23[%parallel_loop3A_311, %parallel_loop3A_312] {strides = array<i32>} : memref<64x128xf32, #tpu.memory_space<vmem>>, vector<1x16xf32>,
        %parallel_loop3A_314 = vector.shape_cast %parallel_loop3A_313 : vector<1x16xf32> to vector<16xf32>
        %parallel_loop3A_315 = vector.shape_cast %parallel_loop3A_310 : vector<16xf32> to vector<1x16xf32>
        tpu.vector_store %arg23[%parallel_loop3A_311, %parallel_loop3A_312], %parallel_loop3A_315 {strides = array<i32>} : memref<64x128xf32, #tpu.memory_space<vmem>>, vector<1x16xf32>,
        %parallel_loop3A_316 = arith.index_cast %parallel_loop3A_233 : i32 to index
        %parallel_loop3A_317 = arith.constant 112 : index
        %parallel_loop3A_318 = tpu.vector_load %arg21[%parallel_loop3A_316, %parallel_loop3A_317] {strides = array<i32>} : memref<64x128xf32, #tpu.memory_space<vmem>>, vector<1x16xf32>,
        %parallel_loop3A_319 = vector.shape_cast %parallel_loop3A_318 : vector<1x16xf32> to vector<16xf32>
        %parallel_loop3A_320 = vector.broadcast %parallel_loop3A_238 : f32 to vector<16xf32>
        %parallel_loop3A_321 = arith.mulf %parallel_loop3A_320, %parallel_loop3A_319 : vector<16xf32>
        %parallel_loop3A_322 = arith.index_cast %parallel_loop3A_233 : i32 to index
        %parallel_loop3A_323 = arith.constant 112 : index
        %parallel_loop3A_324 = tpu.vector_load %arg23[%parallel_loop3A_322, %parallel_loop3A_323] {strides = array<i32>} : memref<64x128xf32, #tpu.memory_space<vmem>>, vector<1x16xf32>,
        %parallel_loop3A_325 = vector.shape_cast %parallel_loop3A_324 : vector<1x16xf32> to vector<16xf32>
        %parallel_loop3A_326 = vector.shape_cast %parallel_loop3A_321 : vector<16xf32> to vector<1x16xf32>
        tpu.vector_store %arg23[%parallel_loop3A_322, %parallel_loop3A_323], %parallel_loop3A_326 {strides = array<i32>} : memref<64x128xf32, #tpu.memory_space<vmem>>, vector<1x16xf32>,
      } {sc.loop_unroll_factor = 4 : i64, sc.parallel_access}
      %scan3A_177 = arith.constant 0 : i32
      %scan3A_178 = arith.constant 0 : i32
      %mul3A_179 = arith.constant 16 : i32
      %mul3A_180 = arith.muli %scan3A_178, %mul3A_179 : i32
      %get3A_181 = arith.index_cast %mul3A_180 : i32 to index
      %get3A_182 = tpu.vector_load %arg13[%get3A_181] {strides = array<i32>} : memref<64xi32, #tpu.memory_space<vmem>>, vector<16xi32>,
      %get3A_183 = vector.shape_cast %get3A_182 : vector<16xi32> to vector<16xi32>
      %swap3A_184 = arith.index_cast %mul3A_180 : i32 to index
      %swap3A_185 = tpu.vector_load %arg25[%swap3A_184] {strides = array<i32>} : memref<64xi32, #tpu.memory_space<vmem>>, vector<16xi32>,
      %swap3A_186 = vector.shape_cast %swap3A_185 : vector<16xi32> to vector<16xi32>
      %swap3A_187 = vector.shape_cast %get3A_183 : vector<16xi32> to vector<16xi32>
      tpu.vector_store %arg25[%swap3A_184], %swap3A_187 {strides = array<i32>} : memref<64xi32, #tpu.memory_space<vmem>>, vector<16xi32>,
      %scan3A_188 = arith.constant 0 : i32
      %scan3A_189 = arith.constant 1 : i32
      %mul3A_190 = arith.constant 16 : i32
      %mul3A_191 = arith.muli %scan3A_189, %mul3A_190 : i32
      %get3A_192 = arith.index_cast %mul3A_191 : i32 to index
      %get3A_193 = tpu.vector_load %arg13[%get3A_192] {strides = array<i32>} : memref<64xi32, #tpu.memory_space<vmem>>, vector<16xi32>,
      %get3A_194 = vector.shape_cast %get3A_193 : vector<16xi32> to vector<16xi32>
      %swap3A_195 = arith.index_cast %mul3A_191 : i32 to index
      %swap3A_196 = tpu.vector_load %arg25[%swap3A_195] {strides = array<i32>} : memref<64xi32, #tpu.memory_space<vmem>>, vector<16xi32>,
      %swap3A_197 = vector.shape_cast %swap3A_196 : vector<16xi32> to vector<16xi32>
      %swap3A_198 = vector.shape_cast %get3A_194 : vector<16xi32> to vector<16xi32>
      tpu.vector_store %arg25[%swap3A_195], %swap3A_198 {strides = array<i32>} : memref<64xi32, #tpu.memory_space<vmem>>, vector<16xi32>,
      %scan3A_199 = arith.constant 0 : i32
      %scan3A_200 = arith.constant 2 : i32
      %mul3A_201 = arith.constant 16 : i32
      %mul3A_202 = arith.muli %scan3A_200, %mul3A_201 : i32
      %get3A_203 = arith.index_cast %mul3A_202 : i32 to index
      %get3A_204 = tpu.vector_load %arg13[%get3A_203] {strides = array<i32>} : memref<64xi32, #tpu.memory_space<vmem>>, vector<16xi32>,
      %get3A_205 = vector.shape_cast %get3A_204 : vector<16xi32> to vector<16xi32>
      %swap3A_206 = arith.index_cast %mul3A_202 : i32 to index
      %swap3A_207 = tpu.vector_load %arg25[%swap3A_206] {strides = array<i32>} : memref<64xi32, #tpu.memory_space<vmem>>, vector<16xi32>,
      %swap3A_208 = vector.shape_cast %swap3A_207 : vector<16xi32> to vector<16xi32>
      %swap3A_209 = vector.shape_cast %get3A_205 : vector<16xi32> to vector<16xi32>
      tpu.vector_store %arg25[%swap3A_206], %swap3A_209 {strides = array<i32>} : memref<64xi32, #tpu.memory_space<vmem>>, vector<16xi32>,
      %scan3A_210 = arith.constant 0 : i32
      %scan3A_211 = arith.constant 3 : i32
      %mul3A_212 = arith.constant 16 : i32
      %mul3A_213 = arith.muli %scan3A_211, %mul3A_212 : i32
      %get3A_214 = arith.index_cast %mul3A_213 : i32 to index
      %get3A_215 = tpu.vector_load %arg13[%get3A_214] {strides = array<i32>} : memref<64xi32, #tpu.memory_space<vmem>>, vector<16xi32>,
      %get3A_216 = vector.shape_cast %get3A_215 : vector<16xi32> to vector<16xi32>
      %swap3A_217 = arith.index_cast %mul3A_213 : i32 to index
      %swap3A_218 = tpu.vector_load %arg25[%swap3A_217] {strides = array<i32>} : memref<64xi32, #tpu.memory_space<vmem>>, vector<16xi32>,
      %swap3A_219 = vector.shape_cast %swap3A_218 : vector<16xi32> to vector<16xi32>
      %swap3A_220 = vector.shape_cast %get3A_216 : vector<16xi32> to vector<16xi32>
      tpu.vector_store %arg25[%swap3A_217], %swap3A_220 {strides = array<i32>} : memref<64xi32, #tpu.memory_space<vmem>>, vector<16xi32>,
      %scan3A_221 = arith.constant 0 : i32
      %scan3A_222 = arith.constant 4 : i32
      %dma_start3A_223 = arith.constant 0 : i32
      %dma_start3A_224 = arith.constant 0 : i32
      %dma_start3A_225 = tpu.memref_slice %arg9[%dma_start3A_223, %dma_start3A_224] : memref<10016x128xf32, #tpu.memory_space<vmem_shared>> -> memref<10016x128xf32, #tpu.memory_space<vmem_shared>>
      tpu.enqueue_indirect_dma source(%arg23 : memref<64x128xf32, #tpu.memory_space<vmem>>) target(%dma_start3A_225 : memref<10016x128xf32, #tpu.memory_space<vmem_shared>>) offsets(%arg25 : memref<64xi32, #tpu.memory_space<vmem>>) semaphore(%arg31 : memref<!tpu.dma_semaphore, #tpu.memory_space<semaphore_mem>>) {add = true}
      %add3A_226 = arith.constant 2 : i32
      %add3A_227 = arith.addi %add3A_151, %add3A_226 : i32
      %lt3A_228 = arith.constant 320 : i32
      %lt3A_229 = arith.cmpi slt, %add3A_227, %lt3A_228 : i32
      %convert_element_type3A_230 = arith.extui %lt3A_229 : i1 to i32
      %cond3A_231 = arith.constant 0 : i32
      %cond3A_232 = arith.cmpi ne, %convert_element_type3A_230, %cond3A_231 : i32
      scf.if %cond3A_232 {
        %add3A_233 = arith.constant 2 : i32
        %add3A_234 = arith.addi %add3A_151, %add3A_233 : i32
        %mul3A_235 = arith.constant 64 : i32
        %mul3A_236 = arith.muli %add3A_234, %mul3A_235 : i32
        %add3A_237 = arith.addi %mul3A_8, %mul3A_236 : i32
        %dma_start3A_238 = tpu.memref_slice %arg3[%add3A_237] : memref<327680xi32, #tpu.memory_space<hbm>> -> memref<64xi32, #tpu.memory_space<hbm>>
        %dma_start3A_239 = tpu.memref_slice %arg3[%add3A_237] : memref<327680xi32, #tpu.memory_space<hbm>> -> memref<64xi32, #tpu.memory_space<hbm>>
        tpu.enqueue_dma source(%dma_start3A_239 : memref<64xi32, #tpu.memory_space<hbm>>) target(%arg11 : memref<64xi32, #tpu.memory_space<vmem>>) target_semaphore(%arg27 : memref<!tpu.dma_semaphore, #tpu.memory_space<semaphore_mem>>)
        %dma_start3A_240 = tpu.memref_slice %arg4[%add3A_237] : memref<327680xi32, #tpu.memory_space<hbm>> -> memref<64xi32, #tpu.memory_space<hbm>>
        %dma_start3A_241 = tpu.memref_slice %arg4[%add3A_237] : memref<327680xi32, #tpu.memory_space<hbm>> -> memref<64xi32, #tpu.memory_space<hbm>>
        tpu.enqueue_dma source(%dma_start3A_241 : memref<64xi32, #tpu.memory_space<hbm>>) target(%arg13 : memref<64xi32, #tpu.memory_space<vmem>>) target_semaphore(%arg27 : memref<!tpu.dma_semaphore, #tpu.memory_space<semaphore_mem>>)
        %dma_start3A_242 = tpu.memref_slice %arg5[%add3A_237] : memref<327680xf32, #tpu.memory_space<hbm>> -> memref<64xf32, #tpu.memory_space<hbm>>
        %dma_start3A_243 = tpu.memref_slice %arg5[%add3A_237] : memref<327680xf32, #tpu.memory_space<hbm>> -> memref<64xf32, #tpu.memory_space<hbm>>
        tpu.enqueue_dma source(%dma_start3A_243 : memref<64xf32, #tpu.memory_space<hbm>>) target(%arg15 : memref<64xf32, #tpu.memory_space<vmem>>) target_semaphore(%arg27 : memref<!tpu.dma_semaphore, #tpu.memory_space<semaphore_mem>>)
        %dma_start3A_244 = tpu.memref_slice %arg6[%add3A_237] : memref<327680xf32, #tpu.memory_space<hbm>> -> memref<64xf32, #tpu.memory_space<hbm>>
        %dma_start3A_245 = tpu.memref_slice %arg6[%add3A_237] : memref<327680xf32, #tpu.memory_space<hbm>> -> memref<64xf32, #tpu.memory_space<hbm>>
        tpu.enqueue_dma source(%dma_start3A_245 : memref<64xf32, #tpu.memory_space<hbm>>) target(%arg17 : memref<64xf32, #tpu.memory_space<vmem>>) target_semaphore(%arg27 : memref<!tpu.dma_semaphore, #tpu.memory_space<semaphore_mem>>)
      } else {
      }
    }
    %scan3A_48 = arith.constant 160 : i32
    %dma_wait3A_49 = arith.constant 0 : i32
    %dma_wait3A_50 = arith.constant 0 : i32
    %dma_wait3A_51 = tpu.memref_slice %arg9[%dma_wait3A_49, %dma_wait3A_50] : memref<10016x128xf32, #tpu.memory_space<vmem_shared>> -> memref<10016x128xf32, #tpu.memory_space<vmem_shared>>
    tpu.wait_indirect_dma semaphore(%arg30 : memref<!tpu.dma_semaphore, #tpu.memory_space<semaphore_mem>>) src(%arg22 : memref<64x128xf32, #tpu.memory_space<vmem>>) dst(%dma_wait3A_51 : memref<10016x128xf32, #tpu.memory_space<vmem_shared>>)
    %dma_wait3A_52 = arith.constant 0 : i32
    %dma_wait3A_53 = arith.constant 0 : i32
    %dma_wait3A_54 = tpu.memref_slice %arg9[%dma_wait3A_52, %dma_wait3A_53] : memref<10016x128xf32, #tpu.memory_space<vmem_shared>> -> memref<10016x128xf32, #tpu.memory_space<vmem_shared>>
    tpu.wait_indirect_dma semaphore(%arg31 : memref<!tpu.dma_semaphore, #tpu.memory_space<semaphore_mem>>) src(%arg23 : memref<64x128xf32, #tpu.memory_space<vmem>>) dst(%dma_wait3A_54 : memref<10016x128xf32, #tpu.memory_space<vmem_shared>>)
    %barrier3A_55 = arith.constant 0 : index
    tpu.barrier barrier_id(%barrier3A_55)
    %lt3A_56 = arith.constant 15 : i32
    %lt3A_57 = arith.cmpi slt, %arg1, %lt3A_56 : i32
    %convert_element_type3A_58 = arith.extui %lt3A_57 : i1 to i32
    %cond3A_59 = arith.constant 0 : i32
    %cond3A_60 = arith.cmpi ne, %convert_element_type3A_58, %cond3A_59 : i32
    scf.if %cond3A_60 {
      %mul3A_66 = arith.constant 10016 : i32
      %mul3A_67 = arith.muli %arg0, %mul3A_66 : i32
      %add3A_68 = arith.addi %mul3A_67, %mul3A_0 : i32
      "tpu.region"() ({
        %run_scoped3A = tpu.sem_alloc : memref<!tpu.dma_semaphore, #tpu.memory_space<semaphore_mem>>
        %dma_start3A_69 = arith.constant 0 : i32
        %dma_start3A_70 = tpu.memref_slice %arg8[%add3A_68, %dma_start3A_69] : memref<20032x128xf32, #tpu.memory_space<hbm>> -> memref<632x128xf32, #tpu.memory_space<hbm>>
        %dma_start3A_71 = arith.constant 0 : i32
        %dma_start3A_72 = tpu.memref_slice %arg9[%mul3A_0, %dma_start3A_71] : memref<10016x128xf32, #tpu.memory_space<vmem_shared>> -> memref<632x128xf32, #tpu.memory_space<vmem_shared>>
        tpu.enqueue_dma source(%dma_start3A_72 : memref<632x128xf32, #tpu.memory_space<vmem_shared>>) target(%dma_start3A_70 : memref<632x128xf32, #tpu.memory_space<hbm>>) target_semaphore(%run_scoped3A : memref<!tpu.dma_semaphore, #tpu.memory_space<semaphore_mem>>)
        %dma_wait3A_73 = arith.constant 0 : i32
        %dma_wait3A_74 = tpu.memref_slice %arg8[%add3A_68, %dma_wait3A_73] : memref<20032x128xf32, #tpu.memory_space<hbm>> -> memref<632x128xf32, #tpu.memory_space<hbm>>
        %dma_wait3A_75 = arith.constant 0 : i32
        %dma_wait3A_76 = tpu.memref_slice %arg9[%mul3A_0, %dma_wait3A_75] : memref<10016x128xf32, #tpu.memory_space<vmem_shared>> -> memref<632x128xf32, #tpu.memory_space<vmem_shared>>
        tpu.wait_dma2 semaphore(%run_scoped3A : memref<!tpu.dma_semaphore, #tpu.memory_space<semaphore_mem>>) src(%dma_wait3A_76 : memref<632x128xf32, #tpu.memory_space<vmem_shared>>) dst(%dma_wait3A_74 : memref<632x128xf32, #tpu.memory_space<hbm>>)
        tpu.yield
      }) : () -> ()
    } else {
    }
    %eq3A_61 = arith.constant 15 : i32
    %eq3A_62 = arith.cmpi eq, %arg1, %eq3A_61 : i32
    %convert_element_type3A_63 = arith.extui %eq3A_62 : i1 to i32
    %cond3A_64 = arith.constant 0 : i32
    %cond3A_65 = arith.cmpi ne, %convert_element_type3A_63, %cond3A_64 : i32
    scf.if %cond3A_65 {
      %mul3A_66 = arith.constant 10016 : i32
      %mul3A_67 = arith.muli %arg0, %mul3A_66 : i32
      %add3A_68 = arith.constant 9480 : i32
      %add3A_69 = arith.addi %mul3A_67, %add3A_68 : i32
      "tpu.region"() ({
        %run_scoped3A = tpu.sem_alloc : memref<!tpu.dma_semaphore, #tpu.memory_space<semaphore_mem>>
        %dma_start3A_70 = arith.constant 0 : i32
        %dma_start3A_71 = tpu.memref_slice %arg8[%add3A_69, %dma_start3A_70] : memref<20032x128xf32, #tpu.memory_space<hbm>> -> memref<536x128xf32, #tpu.memory_space<hbm>>
        %dma_start3A_72 = arith.constant 9480 : i32
        %dma_start3A_73 = arith.constant 0 : i32
        %dma_start3A_74 = tpu.memref_slice %arg9[%dma_start3A_72, %dma_start3A_73] : memref<10016x128xf32, #tpu.memory_space<vmem_shared>> -> memref<536x128xf32, #tpu.memory_space<vmem_shared>>
        tpu.enqueue_dma source(%dma_start3A_74 : memref<536x128xf32, #tpu.memory_space<vmem_shared>>) target(%dma_start3A_71 : memref<536x128xf32, #tpu.memory_space<hbm>>) target_semaphore(%run_scoped3A : memref<!tpu.dma_semaphore, #tpu.memory_space<semaphore_mem>>)
        %dma_wait3A_75 = arith.constant 0 : i32
        %dma_wait3A_76 = tpu.memref_slice %arg8[%add3A_69, %dma_wait3A_75] : memref<20032x128xf32, #tpu.memory_space<hbm>> -> memref<536x128xf32, #tpu.memory_space<hbm>>
        %dma_wait3A_77 = arith.constant 9480 : i32
        %dma_wait3A_78 = arith.constant 0 : i32
        %dma_wait3A_79 = tpu.memref_slice %arg9[%dma_wait3A_77, %dma_wait3A_78] : memref<10016x128xf32, #tpu.memory_space<vmem_shared>> -> memref<536x128xf32, #tpu.memory_space<vmem_shared>>
        tpu.wait_dma2 semaphore(%run_scoped3A : memref<!tpu.dma_semaphore, #tpu.memory_space<semaphore_mem>>) src(%dma_wait3A_79 : memref<536x128xf32, #tpu.memory_space<vmem_shared>>) dst(%dma_wait3A_76 : memref<536x128xf32, #tpu.memory_space<hbm>>)
        tpu.yield
      }) : () -> ()
    } else {
    }
    return
  }
}

module attributes {stable_mosaic.version = 14 : i64} {
  func.func @_tc_body(%arg0: i32, %arg1: memref<1000x128xf32, #tpu.memory_space<vmem>>, %arg2: memref<1000x128xf32, #tpu.memory_space<vmem>>, %arg3: memref<2x1000x128xf32, #tpu.memory_space<vmem>>, %arg4: memref<2x1000x128xf32, #tpu.memory_space<vmem>>, %arg5: memref<2x1000x128xf32, #tpu.memory_space<vmem>>, %arg6: memref<3x128x128xf32, #tpu.memory_space<vmem>>, %arg7: memref<1000x128xf32, #tpu.memory_space<vmem>>, %arg8: memref<1000x128xf32, #tpu.memory_space<vmem>>) attributes {dimension_semantics = [#tpu.dimension_semantics<arbitrary>], iteration_bounds = array<i64: 10>, scalar_prefetch = 0 : i64, scratch_operands = 0 : i64, tpu.core_type = #tpu.core_type<tc>, window_params = [{transform_indices = @transform_0, window_bounds = array<i64: 1000, 128>}, {transform_indices = @transform_1, window_bounds = array<i64: 1000, 128>}, {transform_indices = @transform_2, window_bounds = array<i64: 2, 1000, 128>}, {transform_indices = @transform_3, window_bounds = array<i64: 2, 1000, 128>}, {transform_indices = @transform_4, window_bounds = array<i64: 2, 1000, 128>}, {pipeline_mode = #tpu.pipeline_mode<synchronous>, transform_indices = @transform_5, window_bounds = array<i64: 3, 128, 128>}, {transform_indices = @transform_6, window_bounds = array<i64: 1000, 128>}, {transform_indices = @transform_7, window_bounds = array<i64: 1000, 128>}]} {
    %get3A = arith.constant 1 : index
    %get3A_0 = arith.constant 0 : index
    %get3A_1 = arith.constant 0 : index
    %get3A_2 = vector.load %arg6[%get3A, %get3A_0, %get3A_1] : memref<3x128x128xf32, #tpu.memory_space<vmem>>, vector<1x128x128xf32>
    %get3A_3 = vector.shape_cast %get3A_2 : vector<1x128x128xf32> to vector<128x128xf32>
    %get3A_4 = arith.constant 2 : index
    %get3A_5 = arith.constant 0 : index
    %get3A_6 = arith.constant 0 : index
    %get3A_7 = vector.load %arg6[%get3A_4, %get3A_5, %get3A_6] : memref<3x128x128xf32, #tpu.memory_space<vmem>>, vector<1x128x128xf32>
    %get3A_8 = vector.shape_cast %get3A_7 : vector<1x128x128xf32> to vector<128x128xf32>
    %mul3A = arith.constant 2.000000e+00 : f32
    %mul3A_9 = vector.broadcast %mul3A : f32 to vector<128x128xf32>
    %mul3A_10 = arith.mulf %mul3A_9, %get3A_8 : vector<128x128xf32>
    %get3A_11 = arith.constant 0 : index
    %get3A_12 = arith.constant 0 : index
    %get3A_13 = arith.constant 0 : index
    %get3A_14 = vector.load %arg3[%get3A_11, %get3A_12, %get3A_13] : memref<2x1000x128xf32, #tpu.memory_space<vmem>>, vector<1x1000x128xf32>
    %get3A_15 = vector.shape_cast %get3A_14 : vector<1x1000x128xf32> to vector<1000x128xf32>
    %get3A_16 = arith.constant 1 : index
    %get3A_17 = arith.constant 0 : index
    %get3A_18 = arith.constant 0 : index
    %get3A_19 = vector.load %arg3[%get3A_16, %get3A_17, %get3A_18] : memref<2x1000x128xf32, #tpu.memory_space<vmem>>, vector<1x1000x128xf32>
    %get3A_20 = vector.shape_cast %get3A_19 : vector<1x1000x128xf32> to vector<1000x128xf32>
    %get3A_21 = arith.constant 0 : index
    %get3A_22 = arith.constant 0 : index
    %get3A_23 = arith.constant 0 : index
    %get3A_24 = vector.load %arg4[%get3A_21, %get3A_22, %get3A_23] : memref<2x1000x128xf32, #tpu.memory_space<vmem>>, vector<1x1000x128xf32>
    %get3A_25 = vector.shape_cast %get3A_24 : vector<1x1000x128xf32> to vector<1000x128xf32>
    %get3A_26 = arith.constant 1 : index
    %get3A_27 = arith.constant 0 : index
    %get3A_28 = arith.constant 0 : index
    %get3A_29 = vector.load %arg4[%get3A_26, %get3A_27, %get3A_28] : memref<2x1000x128xf32, #tpu.memory_space<vmem>>, vector<1x1000x128xf32>
    %get3A_30 = vector.shape_cast %get3A_29 : vector<1x1000x128xf32> to vector<1000x128xf32>
    %get3A_31 = arith.constant 0 : index
    %get3A_32 = arith.constant 0 : index
    %get3A_33 = vector.load %arg1[%get3A_31, %get3A_32] : memref<1000x128xf32, #tpu.memory_space<vmem>>, vector<1000x128xf32>
    %sub3A = arith.subf %get3A_25, %get3A_15 : vector<1000x128xf32>
    %dot_general3A = arith.constant dense<0.000000e+00> : vector<1000x128xf32>
    %dot_general3A_34 = tpu.matmul %sub3A, %get3A_3, %dot_general3A {dimension_numbers = #tpu.dot_dimension_numbers<[1], [0], [0], [1], [0, 0, 1, 1], [], []>, transpose_lhs_hint = false} : vector<1000x128xf32>, vector<128x128xf32>, vector<1000x128xf32> -> vector<1000x128xf32>
    %add3A = arith.addf %get3A_33, %dot_general3A_34 : vector<1000x128xf32>
    %get3A_35 = arith.constant 0 : index
    %get3A_36 = arith.constant 0 : index
    %get3A_37 = arith.constant 0 : index
    %get3A_38 = vector.load %arg5[%get3A_35, %get3A_36, %get3A_37] : memref<2x1000x128xf32, #tpu.memory_space<vmem>>, vector<1x1000x128xf32>
    %get3A_39 = vector.shape_cast %get3A_38 : vector<1x1000x128xf32> to vector<1000x128xf32>
    %dot_general3A_40 = arith.constant dense<0.000000e+00> : vector<1000x128xf32>
    %dot_general3A_41 = tpu.matmul %get3A_39, %mul3A_10, %dot_general3A_40 {dimension_numbers = #tpu.dot_dimension_numbers<[1], [0], [0], [1], [0, 0, 1, 1], [], []>, transpose_lhs_hint = false} : vector<1000x128xf32>, vector<128x128xf32>, vector<1000x128xf32> -> vector<1000x128xf32>
    %add3A_42 = arith.addf %add3A, %dot_general3A_41 : vector<1000x128xf32>
    %swap3A = arith.constant 0 : index
    %swap3A_43 = arith.constant 0 : index
    %swap3A_44 = vector.load %arg7[%swap3A, %swap3A_43] : memref<1000x128xf32, #tpu.memory_space<vmem>>, vector<1000x128xf32>
    tpu.vector_store %arg7[%swap3A, %swap3A_43], %add3A_42 {strides = array<i32>} : memref<1000x128xf32, #tpu.memory_space<vmem>>, vector<1000x128xf32>,
    %get3A_45 = arith.constant 0 : index
    %get3A_46 = arith.constant 0 : index
    %get3A_47 = vector.load %arg2[%get3A_45, %get3A_46] : memref<1000x128xf32, #tpu.memory_space<vmem>>, vector<1000x128xf32>
    %add3A_48 = arith.addf %get3A_30, %get3A_20 : vector<1000x128xf32>
    %dot_general3A_49 = arith.constant dense<0.000000e+00> : vector<1000x128xf32>
    %dot_general3A_50 = tpu.matmul %add3A_48, %get3A_3, %dot_general3A_49 {dimension_numbers = #tpu.dot_dimension_numbers<[1], [0], [0], [1], [0, 0, 1, 1], [], []>, transpose_lhs_hint = false} : vector<1000x128xf32>, vector<128x128xf32>, vector<1000x128xf32> -> vector<1000x128xf32>
    %sub3A_51 = arith.subf %get3A_47, %dot_general3A_50 : vector<1000x128xf32>
    %get3A_52 = arith.constant 1 : index
    %get3A_53 = arith.constant 0 : index
    %get3A_54 = arith.constant 0 : index
    %get3A_55 = vector.load %arg5[%get3A_52, %get3A_53, %get3A_54] : memref<2x1000x128xf32, #tpu.memory_space<vmem>>, vector<1x1000x128xf32>
    %get3A_56 = vector.shape_cast %get3A_55 : vector<1x1000x128xf32> to vector<1000x128xf32>
    %dot_general3A_57 = arith.constant dense<0.000000e+00> : vector<1000x128xf32>
    %dot_general3A_58 = tpu.matmul %get3A_56, %mul3A_10, %dot_general3A_57 {dimension_numbers = #tpu.dot_dimension_numbers<[1], [0], [0], [1], [0, 0, 1, 1], [], []>, transpose_lhs_hint = false} : vector<1000x128xf32>, vector<128x128xf32>, vector<1000x128xf32> -> vector<1000x128xf32>
    %add3A_59 = arith.addf %sub3A_51, %dot_general3A_58 : vector<1000x128xf32>
    %swap3A_60 = arith.constant 0 : index
    %swap3A_61 = arith.constant 0 : index
    %swap3A_62 = vector.load %arg8[%swap3A_60, %swap3A_61] : memref<1000x128xf32, #tpu.memory_space<vmem>>, vector<1000x128xf32>
    tpu.vector_store %arg8[%swap3A_60, %swap3A_61], %add3A_59 {strides = array<i32>} : memref<1000x128xf32, #tpu.memory_space<vmem>>, vector<1000x128xf32>,
    return
  }
  func.func @transform_0(%arg0: i32) -> (i32, i32) {
    %c0_i32 = arith.constant 0 : i32
    %c0_i32_0 = arith.constant 0 : i32
    return %arg0, %c0_i32 : i32, i32
  }
  func.func @transform_1(%arg0: i32) -> (i32, i32) {
    %c0_i32 = arith.constant 0 : i32
    %c0_i32_0 = arith.constant 0 : i32
    return %arg0, %c0_i32 : i32, i32
  }
  func.func @transform_2(%arg0: i32) -> (i32, i32, i32) {
    %c0_i32 = arith.constant 0 : i32
    %c0_i32_0 = arith.constant 0 : i32
    %c0_i32_1 = arith.constant 0 : i32
    return %c0_i32, %arg0, %c0_i32_0 : i32, i32, i32
  }
  func.func @transform_3(%arg0: i32) -> (i32, i32, i32) {
    %c0_i32 = arith.constant 0 : i32
    %c0_i32_0 = arith.constant 0 : i32
    %c0_i32_1 = arith.constant 0 : i32
    return %c0_i32, %arg0, %c0_i32_0 : i32, i32, i32
  }
  func.func @transform_4(%arg0: i32) -> (i32, i32, i32) {
    %c0_i32 = arith.constant 0 : i32
    %c0_i32_0 = arith.constant 0 : i32
    %c0_i32_1 = arith.constant 0 : i32
    return %c0_i32, %arg0, %c0_i32_0 : i32, i32, i32
  }
  func.func @transform_5(%arg0: i32) -> (i32, i32, i32) {
    %c0_i32 = arith.constant 0 : i32
    %c0_i32_0 = arith.constant 0 : i32
    %c0_i32_1 = arith.constant 0 : i32
    %c0_i32_2 = arith.constant 0 : i32
    return %c0_i32, %c0_i32_0, %c0_i32_1 : i32, i32, i32
  }
  func.func @transform_6(%arg0: i32) -> (i32, i32) {
    %c0_i32 = arith.constant 0 : i32
    %c0_i32_0 = arith.constant 0 : i32
    return %arg0, %c0_i32 : i32, i32
  }
  func.func @transform_7(%arg0: i32) -> (i32, i32) {
    %c0_i32 = arith.constant 0 : i32
    %c0_i32_0 = arith.constant 0 : i32
    return %arg0, %c0_i32 : i32, i32
  }
}

module attributes {stable_mosaic.version = 14 : i64} {
  func.func @_tc_base_body(%arg0: i32, %arg1: memref<1000x128xf32, #tpu.memory_space<vmem>>, %arg2: memref<1000x128xf32, #tpu.memory_space<vmem>>, %arg3: memref<3x128x128xf32, #tpu.memory_space<vmem>>, %arg4: memref<1x128xf32, #tpu.memory_space<vmem>>, %arg5: memref<1000x128xf32, #tpu.memory_space<vmem>>, %arg6: memref<1000x128xf32, #tpu.memory_space<vmem>>) attributes {dimension_semantics = [#tpu.dimension_semantics<arbitrary>], iteration_bounds = array<i64: 10>, scalar_prefetch = 0 : i64, scratch_operands = 0 : i64, tpu.core_type = #tpu.core_type<tc>, window_params = [{transform_indices = @transform_0, window_bounds = array<i64: 1000, 128>}, {transform_indices = @transform_1, window_bounds = array<i64: 1000, 128>}, {pipeline_mode = #tpu.pipeline_mode<synchronous>, transform_indices = @transform_2, window_bounds = array<i64: 3, 128, 128>}, {pipeline_mode = #tpu.pipeline_mode<synchronous>, transform_indices = @transform_3, window_bounds = array<i64: 1, 128>}, {transform_indices = @transform_4, window_bounds = array<i64: 1000, 128>}, {transform_indices = @transform_5, window_bounds = array<i64: 1000, 128>}]} {
    %get3A = arith.constant 0 : index
    %get3A_0 = arith.constant 0 : index
    %get3A_1 = arith.constant 0 : index
    %get3A_2 = vector.load %arg3[%get3A, %get3A_0, %get3A_1] : memref<3x128x128xf32, #tpu.memory_space<vmem>>, vector<1x128x128xf32>
    %get3A_3 = vector.shape_cast %get3A_2 : vector<1x128x128xf32> to vector<128x128xf32>
    %get3A_4 = arith.constant 2 : index
    %get3A_5 = arith.constant 0 : index
    %get3A_6 = arith.constant 0 : index
    %get3A_7 = vector.load %arg3[%get3A_4, %get3A_5, %get3A_6] : memref<3x128x128xf32, #tpu.memory_space<vmem>>, vector<1x128x128xf32>
    %get3A_8 = vector.shape_cast %get3A_7 : vector<1x128x128xf32> to vector<128x128xf32>
    %sub3A = arith.subf %get3A_3, %get3A_8 : vector<128x128xf32>
    %get3A_9 = arith.constant 0 : index
    %get3A_10 = arith.constant 0 : index
    %get3A_11 = vector.load %arg4[%get3A_9, %get3A_10] : memref<1x128xf32, #tpu.memory_space<vmem>>, vector<1x128xf32>
    %get3A_12 = vector.shape_cast %get3A_11 : vector<1x128xf32> to vector<128xf32>
    %get3A_13 = arith.constant 0 : index
    %get3A_14 = arith.constant 0 : index
    %get3A_15 = vector.load %arg1[%get3A_13, %get3A_14] : memref<1000x128xf32, #tpu.memory_space<vmem>>, vector<1000x128xf32>
    %dot_general3A = arith.constant dense<0.000000e+00> : vector<1000x128xf32>
    %dot_general3A_16 = tpu.matmul %get3A_15, %sub3A, %dot_general3A {dimension_numbers = #tpu.dot_dimension_numbers<[1], [0], [0], [1], [0, 0, 1, 1], [], []>, transpose_lhs_hint = false} : vector<1000x128xf32>, vector<128x128xf32>, vector<1000x128xf32> -> vector<1000x128xf32>
    %broadcast_in_dim3A = vector.shape_cast %get3A_12 : vector<128xf32> to vector<1x128xf32>
    %add3A = vector.broadcast %broadcast_in_dim3A : vector<1x128xf32> to vector<1000x128xf32>
    %add3A_17 = arith.addf %dot_general3A_16, %add3A : vector<1000x128xf32>
    %swap3A = arith.constant 0 : index
    %swap3A_18 = arith.constant 0 : index
    %swap3A_19 = vector.load %arg5[%swap3A, %swap3A_18] : memref<1000x128xf32, #tpu.memory_space<vmem>>, vector<1000x128xf32>
    tpu.vector_store %arg5[%swap3A, %swap3A_18], %add3A_17 {strides = array<i32>} : memref<1000x128xf32, #tpu.memory_space<vmem>>, vector<1000x128xf32>,
    %get3A_20 = arith.constant 0 : index
    %get3A_21 = arith.constant 0 : index
    %get3A_22 = vector.load %arg2[%get3A_20, %get3A_21] : memref<1000x128xf32, #tpu.memory_space<vmem>>, vector<1000x128xf32>
    %dot_general3A_23 = arith.constant dense<0.000000e+00> : vector<1000x128xf32>
    %dot_general3A_24 = tpu.matmul %get3A_22, %sub3A, %dot_general3A_23 {dimension_numbers = #tpu.dot_dimension_numbers<[1], [0], [0], [1], [0, 0, 1, 1], [], []>, transpose_lhs_hint = false} : vector<1000x128xf32>, vector<128x128xf32>, vector<1000x128xf32> -> vector<1000x128xf32>
    %broadcast_in_dim3A_25 = vector.shape_cast %get3A_12 : vector<128xf32> to vector<1x128xf32>
    %add3A_26 = vector.broadcast %broadcast_in_dim3A_25 : vector<1x128xf32> to vector<1000x128xf32>
    %add3A_27 = arith.addf %dot_general3A_24, %add3A_26 : vector<1000x128xf32>
    %swap3A_28 = arith.constant 0 : index
    %swap3A_29 = arith.constant 0 : index
    %swap3A_30 = vector.load %arg6[%swap3A_28, %swap3A_29] : memref<1000x128xf32, #tpu.memory_space<vmem>>, vector<1000x128xf32>
    tpu.vector_store %arg6[%swap3A_28, %swap3A_29], %add3A_27 {strides = array<i32>} : memref<1000x128xf32, #tpu.memory_space<vmem>>, vector<1000x128xf32>,
    return
  }
  func.func @transform_0(%arg0: i32) -> (i32, i32) {
    %c0_i32 = arith.constant 0 : i32
    %c0_i32_0 = arith.constant 0 : i32
    return %arg0, %c0_i32 : i32, i32
  }
  func.func @transform_1(%arg0: i32) -> (i32, i32) {
    %c0_i32 = arith.constant 0 : i32
    %c0_i32_0 = arith.constant 0 : i32
    return %arg0, %c0_i32 : i32, i32
  }
  func.func @transform_2(%arg0: i32) -> (i32, i32, i32) {
    %c0_i32 = arith.constant 0 : i32
    %c0_i32_0 = arith.constant 0 : i32
    %c0_i32_1 = arith.constant 0 : i32
    %c0_i32_2 = arith.constant 0 : i32
    return %c0_i32, %c0_i32_0, %c0_i32_1 : i32, i32, i32
  }
  func.func @transform_3(%arg0: i32) -> (i32, i32) {
    %c0_i32 = arith.constant 0 : i32
    %c0_i32_0 = arith.constant 0 : i32
    %c0_i32_1 = arith.constant 0 : i32
    return %c0_i32, %c0_i32_0 : i32, i32
  }
  func.func @transform_4(%arg0: i32) -> (i32, i32) {
    %c0_i32 = arith.constant 0 : i32
    %c0_i32_0 = arith.constant 0 : i32
    return %arg0, %c0_i32 : i32, i32
  }
  func.func @transform_5(%arg0: i32) -> (i32, i32) {
    %c0_i32 = arith.constant 0 : i32
    %c0_i32_0 = arith.constant 0 : i32
    return %arg0, %c0_i32 : i32, i32
  }
}

</mosaic_0001>

<sc_bundles>
// kernel: kernel.10.cloned.1.call-start
scs
__scs_entry_jumppad:
0x0: {  	(pc) =	sbr.rel $0x88, $3  }
0x1: {  	(tag) =	ssettag $0x0;
	lr =	simm.s32 $0x1  }
0x2: {  	[smem:$0x3F9A] =	sst lr;
	_ =	strace $0xD0000000  }
0x3: {  	_ = 	snop  }
0x4: {  	_ = 	snop  }
0x5: {  	_ = 	snop  }
0x6: {  	_ = 	snop  }
0x7: {  	_ = 	snop  }
__scs_overlays_trampoline_lowered:
0x8: {  	[smem:$0x3FA9] =	sst s0  }
0x9: {  	[smem:$0x3FAA] =	sst s1  }
0xa: {  	[smem:$0x3FAB] =	sst s2  }
0xb: {  	[smem:$0x3FAC] =	sst s3  }
0xc: {  	[smem:$0x3FAD] =	sst s4  }
0xd: {  	[smem:$0x3FAE] =	sst s5  }
0xe: {  	[smem:$0x3FAF] =	sst s6  }
0xf: {  	[smem:$0x3FB0] =	sst s7  }
0x10: {  	[smem:$0x3FB1] =	sst s8  }
0x11: {  	[smem:$0x3FB2] =	sst s9;
	s0 =	simm.s32 @!p0 $0x0  }
0x12: {  	s1 =	sld [smem:$0x3F98];
	s0 =	simm.s32 @p0 $0x1  }
0x13: {  	[smem:$0x3FB3] =	sst s0;
	s0 =	simm.s32 @!p1 $0x0  }
0x14: {  	s2 =	sld [smem:$0x3F97];
	s0 =	simm.s32 @p1 $0x1  }
0x15: {  	[smem:$0x3FB4] =	sst s0;
	s0 =	simm.s32 @!p2 $0x0  }
0x16: {  	s3 =	sld [smem:$0x3FDB];
	s0 =	simm.s32 @p2 $0x1  }
0x17: {  	s4 =	simm.s32 $0x1BF5;
	[smem:$0x3FB6] =	sst s0  }
0x18: {  	s0 =	sld [smem:$0x3F99];
	_ =	swait.ge [sflag:s4], $0x0  }
0x19: {  	s7 =	sld [smem:$0x3F9A]  }
0x1a: {  	s8 =	sadd.s32 $0xFFFFE003, lr  }
0x1b: {  	s9 =	sadd.s32 $0xFFFFFEF7, lr;
	s5 =	simm.s32 $0xFFFFFFFF;
	p2 =	slt.u32 s8, $0xFFFFF086  }
0x1c: {  	p1 =	slt.u32 s9, $0xF7A;
	s5 =	simm.s32 @!p2 $0x0  }
0x1d: {  	s5 =	simm.s32 @p1 $0x1;
	p0 =	seq.s32 s7, s2  }
0x1e: {  	s7 =	smul.u32 @!p0 $0xF7A, s2;
	p2 =	seq.s32 @!p0 s5, $0x0  }
0x1f: {  	s9 =	smul.u32 $0xF7A, s1;
	s8 =	simm.s32 @!p0 $0x1BF5;
	p2 =	por !p2, p0  }
0x20: {  	[sflag:s8] =	ssyncset.s32 @!p0 $0xFFFFF086;
	s6 =	sadd.s32 @!p0 s3, s7;
	s7 =	simm.s32 @!p0 $0x108  }
0x21: {  	s3 =	sadd.s32 s3, s9;
	s6 =	sadd.s32 @!p0 $0x88, s6;
	s7 =	simm.s32 @p2 $0x1082  }
0x22: {  	[simem:s7], [sflag:s8] =	dma.local @!p0 [hbm:s6], $0xF7A  }
0x23: {  	s9 =	sor.u32 $0xD0000000, s2;
	s6 =	simm.s32 $0x108;
	_ =	swait.ge @!p0 [sflag:s8], $0x0  }
0x24: {  	s3 =	sadd.s32 $0x88, s3;
	s6 =	simm.s32 @!p1 $0x1082;
	[sflag:s4] =	ssyncset.s32 $0xFFFFF086  }
0x25: {  	[simem:s6], [sflag:s4] =	dma.local [hbm:s3], $0xF7A  }
0x26: {  	[smem:$0x3F9A] =	sst s1;
	(tag) =	ssettag s2;
	_ =	strace s9  }
0x27: {  	s1 =	sld [smem:$0x3FAA]  }
0x28: {  	s2 =	sld [smem:$0x3FAB]  }
0x29: {  	s4 =	sld [smem:$0x3FAD]  }
0x2a: {  	p0 =	seq.s32 s5, $0x0;
	s5 =	sld [smem:$0x3FAE]  }
0x2b: {  	s6 =	sld [smem:$0x3FAF]  }
0x2c: {  	s7 =	sld [smem:$0x3FB0]  }
0x2d: {  	s3 =	simm.s32 $0x108;
	s8 =	sld [smem:$0x3FB1]  }
0x2e: {  	s3 =	simm.s32 @!p0 $0x1082;
	s9 =	sld [smem:$0x3FB2]  }
0x2f: {  	lr =	sadd.s32 s0, s3;
	s0 =	sld [smem:$0x3FA9]  }
0x30: {  	s3 =	sld [smem:$0x3FAC]  }
0x31: {  	[smem:$0x3FB5] =	sst s10  }
0x32: {  	s10 =	sld [smem:$0x3FB3];
	_ =	sdelay $0x3  }
0x33: {  	p0 =	seq.s32 s10, $0x1;
	s10 =	sld [smem:$0x3FB5];
	_ =	sdelay $0x3  }
0x34: {  	[smem:$0x3FB5] =	sst s10  }
0x35: {  	s10 =	sld [smem:$0x3FB4];
	_ =	sdelay $0x3  }
0x36: {  	p1 =	seq.s32 s10, $0x1;
	s10 =	sld [smem:$0x3FB5];
	_ =	sdelay $0x3  }
0x37: {  	[smem:$0x3FB5] =	sst s10  }
0x38: {  	s10 =	sld [smem:$0x3FB6]  }
0x39: {  	_ = 	snop;
	(pc) =	sbr.ind lr, $3  }
0x3a: {  	_ = 	snop  }
0x3b: {  	_ = 	snop  }
0x3c: {  	p2 =	seq.s32 s10, $0x1;
	s10 =	sld [smem:$0x3FB5]  }
0x3d: {  	_ =	shalt  }
0x3e: {  	_ =	shalt  }
0x3f: {  	_ =	shalt  }
0x40: {  	_ =	shalt  }
0x41: {  	_ =	shalt  }
0x42: {  	_ =	shalt  }
0x43: {  	_ =	shalt  }
0x44: {  	_ =	shalt  }
0x45: {  	_ =	shalt  }
0x46: {  	_ =	shalt  }
0x47: {  	_ =	shalt  }
0x48: {  	_ =	shalt  }
0x49: {  	_ =	shalt  }
0x4a: {  	_ =	shalt  }
0x4b: {  	_ =	shalt  }
0x4c: {  	_ =	shalt  }
0x4d: {  	_ =	shalt  }
0x4e: {  	_ =	shalt  }
0x4f: {  	_ =	shalt  }
0x50: {  	_ =	shalt  }
0x51: {  	_ =	shalt  }
0x52: {  	_ =	shalt  }
0x53: {  	_ =	shalt  }
0x54: {  	_ =	shalt  }
0x55: {  	_ =	shalt  }
0x56: {  	_ =	shalt  }
0x57: {  	_ =	shalt  }
0x58: {  	_ =	shalt  }
0x59: {  	_ =	shalt  }
0x5a: {  	_ =	shalt  }
0x5b: {  	_ =	shalt  }
0x5c: {  	_ =	shalt  }
0x5d: {  	_ =	shalt  }
0x5e: {  	_ =	shalt  }
0x5f: {  	_ =	shalt  }
0x60: {  	_ =	shalt  }
0x61: {  	_ =	shalt  }
0x62: {  	_ =	shalt  }
0x63: {  	_ =	shalt  }
0x64: {  	_ =	shalt  }
0x65: {  	_ =	shalt  }
0x66: {  	_ =	shalt  }
0x67: {  	_ =	shalt  }
0x68: {  	_ =	shalt  }
0x69: {  	_ =	shalt  }
0x6a: {  	_ =	shalt  }
0x6b: {  	_ =	shalt  }
0x6c: {  	_ =	shalt  }
0x6d: {  	_ =	shalt  }
0x6e: {  	_ =	shalt  }
0x6f: {  	_ =	shalt  }
0x70: {  	_ =	shalt  }
0x71: {  	_ =	shalt  }
0x72: {  	_ =	shalt  }
0x73: {  	_ =	shalt  }
0x74: {  	_ =	shalt  }
0x75: {  	_ =	shalt  }
0x76: {  	_ =	shalt  }
0x77: {  	_ =	shalt  }
0x78: {  	_ =	shalt  }
0x79: {  	_ =	shalt  }
0x7a: {  	_ =	shalt  }
0x7b: {  	_ =	shalt  }
0x7c: {  	_ =	shalt  }
0x7d: {  	_ =	shalt  }
0x7e: {  	_ =	shalt  }
0x7f: {  	_ =	shalt  }
0x80: {  	_ =	shalt  }
0x81: {  	_ =	shalt  }
0x82: {  	_ =	shalt  }
0x83: {  	_ =	shalt  }
0x84: {  	_ =	shalt  }
0x85: {  	_ =	shalt  }
0x86: {  	_ =	shalt  }
0x87: {  	_ =	shalt  }
.Lfunc_end0:
.L_simem_size_0:
called_computation.1_lowered:
.L_overlay_start_0:
0x88: {  	s2 =	sld [smem:$0x3FD9]  }
0x89: {  	s3 =	sld [smem:$0x3FFE];
	_ =	sdelay $0x1  }
0x8a: {  	s1 =	srdreg.scid  }
0x8b: {  	s0 =	sand.u32 $0x1, s1  }
0x8c: {  	s14 =	sshll.u32 s0, $0xA;
	s2 =	sadd.s32 s3, s2  }
0x8d: {  	s2 =	sadd.s32 s2, s14  }
0x8e: {  	[smem:$0x3FC1] =	sst s2  }
0x8f: {  	_ = 	snop  }
0x90: {  	s2 =	sld [smem:$0x3FD0];
	_ =	sdelay $0x2  }
0x91: {  	s4 =	simm.s32 $0xB;
	s5 =	simm.s32 $0x10;
	s15 =	sld [smem:$0x3FC8]  }
0x92: {  	[smem:s5], [sflag:s4] =	dma.local [hbm:s2], $0x1  }
0x93: {  	_ =	swait.eq [sflag:s4], $0x1  }
0x94: {  	[sflag:s4] =	ssyncset.done $0x0  }
0x95: {  	[sflag:s4] =	ssyncadd.s32 $0xFFFFFFFF  }
0x96: {  	s16 =	sld [smem:$0x10];
	(tm) =	ssettm $0x1  }
0x97: {  	s17 =	sld [smem:$0x3FFB];
	_ =	sdelay $0x3  }
0x98: {  	_ =	strace s17  }
0x99: {  	s4 =	sld [smem:$0x3FFC];
	_ =	sdelay $0x3  }
0x9a: {  	_ =	strace s4  }
0x9b: {  	s4 =	sld [smem:$0x3FFD];
	_ =	sdelay $0x3  }
0x9c: {  	_ =	strace s4  }
0x9d: {  	_ =	strace $0x8FFFFFFF  }
0x9e: {  	s18 =	sld [smem:$0x3FDB];
	_ =	sdelay $0x1  }
0x9f: {  	s19 =	simm.s32 $_scs_section_size  }
0xa0: {  	s6 =	simm.s32 $_size__tile_overlayer_lowered;
	s7 =	simm.s32 $_tile_overlayer_lowered  }
0xa1: {  	s22 =	simm.s32 $0x1BFF;
	s21 =	sshll.u32 s7, $0x1;
	s4 =	sadd.s32 s19, s18  }
0xa2: {  	s8 =	simm.s32 $0x0;
	s20 =	sshll.u32 s6, $0x1;
	s6 =	sadd.s32 s21, s4  }
0xa3: {  	[timem:s8], [sflag:s22] =	dma.local [hbm:s6], s20  }
0xa4: {  	_ =	swait.ge [sflag:s22], s20  }
0xa5: {  	s5 =	ssub.s32 $0x0, s20;
	[sflag:s22] =	ssyncset.done $0x0  }
0xa6: {  	[sflag:s22] =	ssyncadd.s32 s5;
	_ =	sdelay $0x1  }
0xa7: {  	s23 =	simm.s32 $0x1B8B  }
0xa8: {  	_ =	swait.ge [sflag:s23], $0x1  }
0xa9: {  	[sflag:s23] =	ssyncset.done $0x0  }
0xaa: {  	s25 =	simm.s32 $0x1B8E;
	s24 =	sld [smem:$0x3FFE];
	[sflag:s23] =	ssyncadd.s32 $0xFFFFFFFF  }
0xab: {  	s26 =	simm.s32 $execute0_lowered;
	[smem:$0x3FD2] =	sst s25  }
0xac: {  	s6 =	sshll.u32 s26, $0x1;
	_ =	strace $0x80000046;
	[dreg:$0x1] =	wrdreg $0xFFFFFFFF  }
0xad: {  	s28 =	simm.s32 $_size_execute0_lowered;
	s4 =	sadd.s32 s4, s6;
	[dreg:$0x0] =	wrdreg $0x0  }
0xae: {  	s6 =	sshll.u32 s28, $0x1;
	[dreg:$0x2] =	wrdreg s4  }
0xaf: {  	[dreg:$0x3] =	wrdreg s6  }
0xb0: {  	[dreg:$0x4] =	wrdreg $0xC0  }
0xb1: {  	_ =	task [dreg:s8], $0x5FFFF  }
0xb2: {  	[dreg:$0x1] =	wrdreg $0xFFFFFFFF  }
0xb3: {  	[dreg:$0x0] =	wrdreg $0x60  }
0xb4: {  	[dreg:$0x2] =	wrdreg s15  }
0xb5: {  	[dreg:$0x3] =	wrdreg s24  }
0xb6: {  	[dreg:$0x4] =	wrdreg s16  }
0xb7: {  	[dreg:$0x5] =	wrdreg $0x0  }
0xb8: {  	[dreg:$0x6] =	wrdreg $0xA  }
0xb9: {  	_ =	task.clear_ibuf [dreg:s8], $0x7FFFF;
	_ =	strace $0x90000046  }
0xba: {  	s29 =	simm.s32 $0xA;
	_ =	strace $0x80000048  }
0xbb: {  	_ =	swait.ge [sflag:s29], $0x1  }
0xbc: {  	[sflag:s29] =	ssyncadd.s32 $0xFFFFFFFF  }
0xbd: {  	_ =	strace $0x90000048  }
0xbe: {  	_ =	sfence  }
0xbf: {  	s30 =	sld [smem:$0x0];
	_ =	sdelay $0x2  }
0xc0: {  	s31 =	sshll.u32 s1, $0xD;
	s1 =	sshrl.u32 s1, $0x2  }
0xc1: {  	s3 =	sand.u32 $0x4000, s31;
	s1 =	sadd.s32 s1, s30  }
0xc2: {  	s0 =	sor.u32 s3, s0;
	s1 =	sshll.u32 s1, $0x11  }
0xc3: {  	s0 =	sor.u32 s1, s0  }
0xc4: {  	s0 =	sadd.s32 $0x8F2B, s0  }
0xc5: {  	[sflag:s0] =	ssyncadd.remote.s32 $0x1  }
0xc6: {  	_ =	sfence.sel $0xFFFF  }
0xc7: {  	[dreg:$0x0] =	wrdreg $0xFFFFFFFF;
	(pc) =	sbr.abs _section_cstart, $3  }
0xc8: {  	[dreg:$0x1] =	wrdreg $0xFFFFFFFF  }
0xc9: {  	_ =	task.clear_ibuf [dreg:s8], $0x2FFFF;
	_ =	strace $0x9FFFFFFF  }
0xca: {  	(tm) =	ssettm $0x7FFFFFFF  }
0xcb: {  	_ =	shalt  }
tec
execute0_lowered:
.L_overlay_start_1:
0x0: {  	(tag) =	ssettag $0x1  }
0x1: {  	s1 =	rddreg [dreg:$0x0]  }
0x2: {  	s0 =	rddreg [dreg:$0x1]  }
0x3: {  	s2 =	rddreg [dreg:$0x2]  }
0x4: {  	s3 =	rddreg [dreg:$0x3];
	s5 =	simm.s32 $0x0  }
0x5: {  	s16 =	stileid.u32;
	s4 =	srdreg.scid;
	s28 =	simm.s32 $0x13C30  }
0x6: {  	s29 =	simm.s32 $0x13C90;
	s30 =	simm.s32 $0x13CA0;
	s31 =	simm.s32 $0x13CB0  }
0x7: {  	[smem:$0x7FF] =	sst s5;
	s6 =	sadd.s32 $0x17000, s0;
	s9 =	smul.u32 $0x2780, s16  }
0x8: {  	s7 =	sadd.s32 $0x3000, s0;
	s4 =	sand.u32 $0x1, s4;
	s11 =	smul.u32 $0x4F000, s16  }
0x9: {  	s8 =	sadd.s32 $0xD000, s0;
	s14 =	smul.u32 $0x5000, s16;
	s15 =	sadd.s32 $0x48200, s0  }
0xa: {  	p0 =	seq.s32 s16, $0xF;
	_ =	strace $0x80000047;
	s26 =	smul.u32 $0x27200, s4  }
0xb: {  	s10 =	ssub.s32 $0x2, s4;
	s18 =	smul.u32 $0x139000, s4;
	p1 =	seq.s32 s4, $0x0  }
0xc: {  	s12 =	sadd.s32 s9, s0;
	s13 =	sshrl.u32 s10, $0x1;
	s11 =	sshrl.u32 s11, $0x2  }
0xd: {  	s21 =	sshrl.u32 s14, $0x3;
	s0 =	sadd.s32 $0x46080, s0;
	s28 =	simm.s32 @!p1 $0x13B30  }
0xe: {  	s29 =	simm.s32 @!p1 $0x13B90;
	s11 =	sadd.s32 s11, s3;
	[dreg:$0x7] =	wrdreg s0  }
0xf: {  	s30 =	simm.s32 @!p1 $0x13BA0;
	s20 =	sadd.s32 $0x21000, s12;
	[dreg:$0x5] =	wrdreg s11  }
0x10: {  	s31 =	simm.s32 @!p1 $0x13BB0;
	s22 =	sadd.s32 s6, s21;
	[dreg:$0x6] =	wrdreg s20  }
0x11: {  	s10 =	ssub.s32 s10, s13;
	s23 =	sadd.s32 s2, s21;
	[dreg:$0x8] =	wrdreg s22  }
0x12: {  	s24 =	sadd.s32 s7, s21;
	s25 =	sor.u32 $0x8, s21;
	[dreg:$0x9] =	wrdreg s23  }
0x13: {  	s9 =	sadd.s32 s9, s26;
	[dreg:$0xa] =	wrdreg s24;
	s11 =	sadd.s32 s8, s21  }
0x14: {  	s26 =	simm.s32 $0x13C20;
	s17 =	sadd.s32 s6, s25;
	[dreg:$0xb] =	wrdreg s11  }
0x15: {  	s19 =	sadd.s32 s2, s25;
	s20 =	sadd.s32 s7, s25;
	[dreg:$0xc] =	wrdreg s17  }
0x16: {  	s0 =	sadd.s32 s8, s25;
	s21 =	sadd.s32 s15, s9;
	[dreg:$0xd] =	wrdreg s19  }
0x17: {  	s22 =	sshrl.u32 s18, $0x3;
	s23 =	smax.u32 s10, $0x1;
	[dreg:$0xe] =	wrdreg s20  }
0x18: {  	s25 =	simm.s32 $0x13C10;
	s26 =	simm.s32 @!p1 $0x13B20;
	[dreg:$0xf] =	wrdreg s0  }
0x19: {  	s24 =	sadd.s32 $0x128400, s3;
	s9 =	simm.s32 $0x13980;
	[dreg:$0x10] =	wrdreg s21  }
.Ltmp0:
0x1a: {  	s0 =	sadd.s32 s15, s22;
	s21 =	sor.u32 $0x80, s14;
	(pc) =	sbr.rel .LBB2_1-.Ltmp0, $4  }
0x1b: {  	s22 =	sor.u32 $0xC0, s14;
	[dreg:$0x12] =	wrdreg s23;
	s25 =	simm.s32 @!p1 $0x13B10  }
0x1c: {  	[dreg:$0x13] =	wrdreg s24;
	s14 =	simm.s32 $0x40;
	s15 =	simm.s32 $0x2  }
0x1d: {  	s17 =	simm.s32 $0x3;
	s20 =	simm.s32 $0x4;
	s0 =	sadd.s32 $0x25080, s0  }
0x1e: {  	s11 =	simm.s32 $0x0;
	[dreg:$0x11] =	wrdreg s0;
	s0 =	simm.s32 $0x6  }
.LBB2_8:
0x1f: {  	s4 =	simm.s32 $0x5  }
0x20: {  	_ =	swait.ge [sflag:s4], $0x2000  }
0x21: {  	[sflag:s4] =	ssyncset.done $0x0  }
0x22: {  	[sflag:s4] =	ssyncadd.s32 $0xFFFFE000  }
0x23: {  	_ =	swait.ge [sflag:s0], $0x2000  }
0x24: {  	[sflag:s0] =	ssyncset.done $0x0  }
0x25: {  	[sflag:s0] =	ssyncadd.s32 $0xFFFFE000  }
0x26: {  	[bflag:$0x0] =	sbarrier.arrive $0xFFFF  }
0x27: {  	s10 =	rddreg [dreg:$0x11]  }
0x28: {  	s4 =	simm.s32 @p0 $0x1FC7;
	s11 =	rddreg [dreg:$0x15]  }
0x29: {  	[hbm:s10], [sflag:s4] =	dma.local @p0 [spmem:s11], $0x2180  }
0x2a: {  	s4 =	simm.s32 @p0 $0x7  }
0x2b: {  	_ =	swait.ge @p0 [sflag:s4], $0x2180  }
0x2c: {  	s10 =	rddreg [dreg:$0x16]  }
0x2d: {  	[sflag:s4] =	ssyncset.done @p0 $0x0;
	s11 =	rddreg [dreg:$0x17]  }
0x2e: {  	[sflag:s4] =	ssyncadd.s32 @p0 $0xFFFFDE80;
	s4 =	rddreg [dreg:$0x10]  }
0x2f: {  	[hbm:s4], [sflag:s10] =	dma.local @!p0 [spmem:s11], $0x2780  }
0x30: {  	s4 =	simm.s32 @!p0 $0x7  }
0x31: {  	_ =	swait.ge @!p0 [sflag:s4], $0x2780  }
0x32: {  	s23 =	rddreg [dreg:$0x14]  }
0x33: {  	s24 =	rddreg [dreg:$0x12];
	s11 =	sadd.s32 $0x1, s23  }
0x34: {  	p2 =	sne.s32 s11, s24  }
.Ltmp1:
0x35: {  	_ = 	snop;
	(pc) =	sbr.rel @!p2 .LBB2_9-.Ltmp1, $3  }
0x36: {  	_ =	sdelay $0x1  }
0x37: {  	[sflag:s4] =	ssyncset.done @!p0 $0x0  }
0x38: {  	[sflag:s4] =	ssyncadd.s32 @!p0 $0xFFFFD880  }
.LBB2_1:
0x39: {  	[dreg:$0x14] =	wrdreg s11  }
0x3a: {  	s4 =	rddreg [dreg:$0x13]  }
0x3b: {  	s10 =	rddreg [dreg:$0x7];
	s11 =	sshrl.u32 @p0 s4, $0x3  }
0x3c: {  	s4 =	simm.s32 @p0 $0x1FC7;
	[dreg:$0x15] =	wrdreg s11  }
0x3d: {  	[spmem:s11], [sflag:s4] =	dma.local @p0 [hbm:s10], $0x2180  }
0x3e: {  	s4 =	simm.s32 @p0 $0x7  }
0x3f: {  	s10 =	stileid.u32;
	_ =	swait.ge @p0 [sflag:s4], $0x2180  }
0x40: {  	s10 =	sshll.u32 @!p0 s10, $0x6;
	[sflag:s4] =	ssyncset.done @p0 $0x0  }
0x41: {  	s10 =	sor.u32 @!p0 $0x1C07, s10;
	[sflag:s4] =	ssyncadd.s32 @p0 $0xFFFFDE80;
	s4 =	rddreg [dreg:$0x5]  }
0x42: {  	[dreg:$0x16] =	wrdreg s10  }
0x43: {  	s11 =	sshrl.u32 @!p0 s4, $0x3;
	s4 =	rddreg [dreg:$0x6]  }
0x44: {  	[dreg:$0x17] =	wrdreg s11  }
0x45: {  	[spmem:s11], [sflag:s10] =	dma.local @!p0 [hbm:s4], $0x2780  }
0x46: {  	s4 =	simm.s32 @!p0 $0x7  }
0x47: {  	_ =	swait.ge @!p0 [sflag:s4], $0x2780  }
0x48: {  	[sflag:s4] =	ssyncset.done @!p0 $0x0  }
0x49: {  	[sflag:s4] =	ssyncadd.s32 @!p0 $0xFFFFD880  }
0x4a: {  	[bflag:$0x0] =	sbarrier.arrive $0xFFFF  }
0x4b: {  	s10 =	simm.s32 $0x13900;
	s11 =	rddreg [dreg:$0x8]  }
0x4c: {  	[tilespmem:s10], [sflag:$0x1] =	stream.linear.gather [hbm4b:s11+s5], $0x40, $0x38;
	[tilespmem:$0x1BF00] =	vst v63  }
0x4d: {  	s13 =	simm.s32 $0x13A00;
	s12 =	rddreg [dreg:$0x9]  }
0x4e: {  	[tilespmem:s13], [sflag:$0x1] =	stream.linear.gather [hbm4b:s12+s5], $0x40, $0x38;
	[tilespmem:$0x1BF00] =	vst v63  }
0x4f: {  	s18 =	simm.s32 $0x13B00;
	s16 =	rddreg [dreg:$0xa]  }
0x50: {  	[tilespmem:s18], [sflag:$0x1] =	stream.linear.gather [hbm4b:s16+s5], $0x40, $0x38;
	[tilespmem:$0x1BF00] =	vst v63  }
0x51: {  	s23 =	simm.s32 $0x13C00;
	s19 =	rddreg [dreg:$0xb]  }
0x52: {  	[tilespmem:s23], [sflag:$0x1] =	stream.linear.gather [hbm4b:s19+s5], $0x40, $0x38;
	[tilespmem:$0x1BF00] =	vst v63  }
0x53: {  	s24 =	rddreg [dreg:$0xc]  }
0x54: {  	[tilespmem:s9], [sflag:$0x2] =	stream.linear.gather [hbm4b:s24+s5], $0x40, $0x38;
	[tilespmem:$0x1BF00] =	vst v63  }
0x55: {  	s11 =	rddreg [dreg:$0xd];
	s12 =	simm.s32 $0x13A80  }
0x56: {  	[tilespmem:s12], [sflag:$0x2] =	stream.linear.gather [hbm4b:s11+s5], $0x40, $0x38;
	[tilespmem:$0x1BF00] =	vst v63  }
0x57: {  	s13 =	rddreg [dreg:$0xe];
	s16 =	simm.s32 $0x13B80  }
0x58: {  	[tilespmem:s16], [sflag:$0x2] =	stream.linear.gather [hbm4b:s13+s5], $0x40, $0x38;
	[tilespmem:$0x1BF00] =	vst v63  }
0x59: {  	s18 =	rddreg [dreg:$0xf];
	s19 =	simm.s32 $0x13C80;
	s23 =	simm.s32 $0x1  }
0x5a: {  	[tilespmem:s19], [sflag:$0x2] =	stream.linear.gather [hbm4b:s18+s5], $0x40, $0x38;
	[tilespmem:$0x1BF00] =	vst v63  }
0x5b: {  	_ =	swait.ge [sflag:s23], $0x40  }
0x5c: {  	[sflag:s23] =	ssyncset.done $0x0  }
0x5d: {  	[sflag:s23] =	ssyncadd.s32 $0xFFFFFFC0  }
0x5e: {  	_ =	swait.ge [sflag:s23], $0x40  }
0x5f: {  	[sflag:s23] =	ssyncset.done $0x0  }
0x60: {  	[sflag:s23] =	ssyncadd.s32 $0xFFFFFFC0  }
0x61: {  	_ =	swait.ge [sflag:s23], $0x40  }
0x62: {  	[sflag:s23] =	ssyncset.done $0x0  }
0x63: {  	[sflag:s23] =	ssyncadd.s32 $0xFFFFFFC0  }
0x64: {  	_ =	swait.ge [sflag:s23], $0x40  }
0x65: {  	[sflag:s23] =	ssyncset.done $0x0  }
0x66: {  	s24 =	simm.s32 $0x13E00;
	s13 =	simm.s32 $0x0;
	[sflag:s23] =	ssyncadd.s32 $0xFFFFFFC0  }
0x67: {  	[tilespmem:s24], [sflag:$0x3] =	stream.indirect.gather [hbm4b:s1+s14], $0x80, s10, s14, $0xb8;
	[tilespmem:$0x1BF00] =	vst v63  }
.LBB2_2:
0x68: {  	_ =	swait.ge [sflag:s15], $0x40  }
0x69: {  	[sflag:s15] =	ssyncset.done $0x0  }
0x6a: {  	[sflag:s15] =	ssyncadd.s32 $0xFFFFFFC0  }
0x6b: {  	_ =	swait.ge [sflag:s15], $0x40  }
0x6c: {  	[sflag:s15] =	ssyncset.done $0x0  }
0x6d: {  	[sflag:s15] =	ssyncadd.s32 $0xFFFFFFC0  }
0x6e: {  	_ =	swait.ge [sflag:s15], $0x40  }
0x6f: {  	[sflag:s15] =	ssyncset.done $0x0  }
0x70: {  	[sflag:s15] =	ssyncadd.s32 $0xFFFFFFC0  }
0x71: {  	_ =	swait.ge [sflag:s15], $0x40  }
0x72: {  	[sflag:s15] =	ssyncset.done $0x0  }
0x73: {  	s4 =	simm.s32 $0x15E00;
	p2 =	seq.s32 s13, $0x0;
	[sflag:s15] =	ssyncadd.s32 $0xFFFFFFC0  }
0x74: {  	[tilespmem:s4], [sflag:$0x4] =	stream.indirect.gather [hbm4b:s1+s14], $0x80, s9, s14, $0xb8;
	[tilespmem:$0x1BF00] =	vst v63  }
0x75: {  	s4 =	simm.s32 @!p2 $0x5  }
0x76: {  	_ =	swait.ge @!p2 [sflag:s4], $0x2000  }
0x77: {  	[sflag:s4] =	ssyncset.done @!p2 $0x0  }
0x78: {  	[sflag:s4] =	ssyncadd.s32 @!p2 $0xFFFFE000  }
0x79: {  	_ =	swait.ge [sflag:s17], $0x2000  }
0x7a: {  	s4 =	simm.s32 $0x13C00;
	[sflag:s17] =	ssyncset.done $0x0  }
0x7b: {  	s4 =	simm.s32 @!p1 $0x13B00;
	[sflag:s17] =	ssyncadd.s32 $0xFFFFE000  }
0x7c: {  	v0 =	vld [tilespmem:s4+$0x0];
	_ =	sdelay $0x4  }
0x7d: {  	[tilespmem:$0x13D00] =	vst v0  }
0x7e: {  	v0 =	vld [tilespmem:s25+$0x0];
	_ =	sdelay $0x4  }
0x7f: {  	[tilespmem:$0x13D10] =	vst v0  }
0x80: {  	v0 =	vld [tilespmem:s26+$0x0];
	_ =	sdelay $0x4  }
0x81: {  	[tilespmem:$0x13D20] =	vst v0  }
0x82: {  	v0 =	vld [tilespmem:s28+$0x0];
	_ =	sdelay $0x4  }
0x83: {  	s18 =	simm.s32 $0x13D02;
	[tilespmem:$0x13D30] =	vst v0  }
0x84: {  	s24 =	simm.s32 $0x13F00;
	v4 =	vld.msk [tilespmem:s18+$0x1 ss:$0x0], $0xffff  }
0x85: {  	v0 =	vld [tilespmem:s24+$0x80]  }
0x86: {  	v10 =	vld.msk [tilespmem:s18+$0xFFFFFFFE ss:$0x0], $0xffff  }
0x87: {  	v3 =	vld [tilespmem:s24+$0xFFFFFF00]  }
0x88: {  	v9 =	vld.msk [tilespmem:s18+$0xFFFFFFFF ss:$0x0], $0xffff  }
0x89: {  	v7 =	vld.msk [tilespmem:s18+$0x0 ss:$0x0], $0xffff  }
0x8a: {  	v2 =	vld [tilespmem:s24+$0x0];
	v0 =	vmul.f32 v0, v4  }
0x8b: {  	s10 =	simm.s32 $0x17F00;
	v1 =	vld [tilespmem:s24+$0xFFFFFF80]  }
0x8c: {  	v3 =	vmul.f32 v3, v10;
	[tilespmem:s10+$0x80] =	vst v0  }
0x8d: {  	v0 =	vld [tilespmem:s24+$0x90]  }
0x8e: {  	[tilespmem:s10+$0xFFFFFF00] =	vst v3  }
0x8f: {  	v2 =	vmul.f32 v2, v7;
	v3 =	vld [tilespmem:s24+$0xFFFFFF10]  }
0x90: {  	v1 =	vmul.f32 v1, v9  }
0x91: {  	[tilespmem:s10+$0x0] =	vst v2  }
0x92: {  	[tilespmem:s10+$0xFFFFFF80] =	vst v1;
	v2 =	vld [tilespmem:s24+$0x10];
	v0 =	vmul.f32 v0, v4  }
0x93: {  	v1 =	vld [tilespmem:s24+$0xFFFFFF90]  }
0x94: {  	v3 =	vmul.f32 v3, v10;
	[tilespmem:s10+$0x90] =	vst v0  }
0x95: {  	v0 =	vld [tilespmem:s24+$0xA0]  }
0x96: {  	[tilespmem:s10+$0xFFFFFF10] =	vst v3  }
0x97: {  	v2 =	vmul.f32 v2, v7;
	v3 =	vld [tilespmem:s24+$0xFFFFFF20]  }
0x98: {  	s19 =	simm.s32 $0x13D06;
	v1 =	vmul.f32 v1, v9  }
0x99: {  	v8 =	vld.msk [tilespmem:s19+$0x1 ss:$0x0], $0xffff;
	[tilespmem:s10+$0x10] =	vst v2  }
0x9a: {  	[tilespmem:s10+$0xFFFFFF90] =	vst v1;
	v2 =	vld [tilespmem:s24+$0x20];
	v0 =	vmul.f32 v0, v4  }
0x9b: {  	s12 =	simm.s32 $0x14100;
	v1 =	vld [tilespmem:s24+$0xFFFFFFA0]  }
0x9c: {  	v11 =	vld [tilespmem:s12+$0x80];
	v3 =	vmul.f32 v3, v10;
	[tilespmem:s10+$0xA0] =	vst v0  }
0x9d: {  	v0 =	vld [tilespmem:s24+$0xB0]  }
0x9e: {  	v13 =	vld [tilespmem:s12+$0xFFFFFF80];
	[tilespmem:s10+$0xFFFFFF20] =	vst v3  }
0x9f: {  	v2 =	vmul.f32 v2, v7;
	v6 =	vld [tilespmem:s24+$0xFFFFFF30]  }
0xa0: {  	v15 =	vld [tilespmem:s12+$0xFFFFFF00];
	v1 =	vmul.f32 v1, v9  }
0xa1: {  	[tilespmem:s10+$0x20] =	vst v2;
	v2 =	vld.msk [tilespmem:s19+$0xFFFFFFFE ss:$0x0], $0xffff  }
0xa2: {  	v14 =	vld [tilespmem:s12+$0x0];
	[tilespmem:s10+$0xFFFFFFA0] =	vst v1;
	v0 =	vmul.f32 v0, v4  }
0xa3: {  	v11 =	vmul.f32 v11, v8;
	v5 =	vld [tilespmem:s24+$0xFFFFFFB0]  }
0xa4: {  	s11 =	simm.s32 $0x18100;
	v3 =	vld [tilespmem:s24+$0x30];
	v6 =	vmul.f32 v6, v10;
	[tilespmem:s10+$0xB0] =	vst v0  }
0xa5: {  	[tilespmem:s11+$0x80] =	vst v11;
	v12 =	vld [tilespmem:s24+$0xC0]  }
0xa6: {  	v15 =	vmul.f32 v15, v2;
	[tilespmem:s10+$0xFFFFFF30] =	vst v6;
	v6 =	vld [tilespmem:s12+$0x90]  }
0xa7: {  	v1 =	vld.msk [tilespmem:s19+$0xFFFFFFFF ss:$0x0], $0xffff  }
0xa8: {  	v5 =	vmul.f32 v5, v9;
	[tilespmem:s11+$0xFFFFFF00] =	vst v15;
	v0 =	vld.msk [tilespmem:s19+$0x0 ss:$0x0], $0xffff  }
0xa9: {  	v3 =	vmul.f32 v3, v7;
	v15 =	vld [tilespmem:s12+$0xFFFFFF10]  }
0xaa: {  	[tilespmem:s10+$0xFFFFFFB0] =	vst v5;
	v5 =	vld [tilespmem:s24+$0xFFFFFF40];
	v11 =	vmul.f32 v12, v4  }
0xab: {  	[tilespmem:s10+$0x30] =	vst v3;
	v6 =	vmul.f32 v6, v8  }
0xac: {  	v12 =	vld [tilespmem:s24+$0xFFFFFFC0];
	[tilespmem:s10+$0xC0] =	vst v11;
	v11 =	vmul.f32 v13, v1  }
0xad: {  	[tilespmem:s11+$0x90] =	vst v6;
	v13 =	vmul.f32 v14, v0;
	v14 =	vld [tilespmem:s24+$0x40]  }
0xae: {  	v15 =	vmul.f32 v15, v2;
	v3 =	vld [tilespmem:s24+$0xD0];
	[tilespmem:s11+$0xFFFFFF80] =	vst v11  }
0xaf: {  	v5 =	vmul.f32 v5, v10;
	[tilespmem:s11+$0x0] =	vst v13;
	v11 =	vld [tilespmem:s12+$0xFFFFFF90]  }
0xb0: {  	[tilespmem:s11+$0xFFFFFF10] =	vst v15;
	v13 =	vld [tilespmem:s12+$0x10]  }
0xb1: {  	[tilespmem:s10+$0xFFFFFF40] =	vst v5;
	v15 =	vld [tilespmem:s12+$0xFFFFFF20];
	v6 =	vmul.f32 v12, v9  }
0xb2: {  	v5 =	vmul.f32 v14, v7;
	v14 =	vld [tilespmem:s24+$0xFFFFFF50]  }
0xb3: {  	v12 =	vld [tilespmem:s12+$0xA0];
	[tilespmem:s10+$0xFFFFFFC0] =	vst v6;
	v3 =	vmul.f32 v3, v4  }
0xb4: {  	v6 =	vld [tilespmem:s24+$0xFFFFFFD0];
	[tilespmem:s10+$0x40] =	vst v5  }
0xb5: {  	[tilespmem:s10+$0xD0] =	vst v3;
	v3 =	vmul.f32 v11, v1;
	v5 =	vmul.f32 v13, v0;
	v13 =	vld [tilespmem:s24+$0x50]  }
0xb6: {  	v11 =	vld [tilespmem:s24+$0xE0]  }
0xb7: {  	[tilespmem:s11+$0xFFFFFF90] =	vst v3;
	v14 =	vmul.f32 v14, v10  }
0xb8: {  	[tilespmem:s11+$0x10] =	vst v5;
	v5 =	vmul.f32 v12, v8;
	v3 =	vld [tilespmem:s12+$0xFFFFFFA0]  }
0xb9: {  	v15 =	vmul.f32 v15, v2;
	v12 =	vld [tilespmem:s12+$0x20];
	[tilespmem:s10+$0xFFFFFF50] =	vst v14  }
0xba: {  	[tilespmem:s11+$0xA0] =	vst v5;
	v5 =	vmul.f32 v6, v9;
	v14 =	vld [tilespmem:s24+$0xFFFFFF60]  }
0xbb: {  	s18 =	simm.s32 $0x14300;
	[tilespmem:s11+$0xFFFFFF20] =	vst v15;
	v13 =	vmul.f32 v13, v7;
	v6 =	vmul.f32 v11, v4;
	v11 =	vld [tilespmem:s12+$0xB0]  }
0xbc: {  	v18 =	vld [tilespmem:s18+$0x80];
	[tilespmem:s10+$0xFFFFFFD0] =	vst v5  }
0xbd: {  	v5 =	vld [tilespmem:s24+$0xFFFFFFE0];
	[tilespmem:s10+$0x50] =	vst v13;
	v3 =	vmul.f32 v3, v1  }
0xbe: {  	[tilespmem:s10+$0xE0] =	vst v6;
	v12 =	vmul.f32 v12, v0;
	v13 =	vld [tilespmem:s24+$0x60]  }
0xbf: {  	v6 =	vld [tilespmem:s24+$0xF0];
	[tilespmem:s11+$0xFFFFFFA0] =	vst v3  }
0xc0: {  	[tilespmem:s11+$0x20] =	vst v12;
	v12 =	vmul.f32 v14, v10;
	v14 =	vld [tilespmem:s12+$0xFFFFFF30];
	v3 =	vmul.f32 v11, v8  }
0xc1: {  	v16 =	vld [tilespmem:s12+$0xFFFFFFB0]  }
0xc2: {  	v11 =	vld [tilespmem:s12+$0x30];
	[tilespmem:s11+$0xB0] =	vst v3  }
0xc3: {  	[tilespmem:s10+$0xFFFFFF60] =	vst v12;
	v15 =	vld [tilespmem:s12+$0xC0]  }
0xc4: {  	s23 =	simm.s32 $0x13D0A;
	v3 =	vmul.f32 v5, v9;
	v12 =	vld [tilespmem:s24+$0xFFFFFF70]  }
0xc5: {  	v5 =	vld.msk [tilespmem:s23+$0xFFFFFFFE ss:$0x0], $0xffff;
	v13 =	vmul.f32 v13, v7  }
0xc6: {  	v4 =	vmul.f32 v6, v4;
	[tilespmem:s10+$0xFFFFFFE0] =	vst v3;
	v3 =	vld.msk [tilespmem:s23+$0x1 ss:$0x0], $0xffff  }
0xc7: {  	v6 =	vld.msk [tilespmem:s23+$0xFFFFFFFF ss:$0x0], $0xffff;
	[tilespmem:s10+$0x60] =	vst v13;
	v14 =	vmul.f32 v14, v2  }
0xc8: {  	v17 =	vld [tilespmem:s24+$0xFFFFFFF0];
	[tilespmem:s10+$0xF0] =	vst v4;
	v15 =	vmul.f32 v15, v8  }
0xc9: {  	v16 =	vmul.f32 v16, v1;
	v4 =	vld.msk [tilespmem:s23+$0x0 ss:$0x0], $0xffff;
	[tilespmem:s11+$0xFFFFFF30] =	vst v14  }
0xca: {  	v11 =	vmul.f32 v11, v0;
	[tilespmem:s11+$0xC0] =	vst v15;
	v15 =	vld [tilespmem:s18+$0xFFFFFF80]  }
0xcb: {  	[tilespmem:s11+$0xFFFFFFB0] =	vst v16;
	v57 =	vmul.f32 v18, v3;
	v13 =	vld [tilespmem:s12+$0xD0]  }
0xcc: {  	s16 =	simm.s32 $0x18300;
	[tilespmem:s11+$0x30] =	vst v11;
	v11 =	vld [tilespmem:s18+$0x0];
	v10 =	vmul.f32 v12, v10  }
0xcd: {  	v12 =	vld [tilespmem:s18+$0xFFFFFF00];
	v9 =	vmul.f32 v17, v9;
	[tilespmem:s16+$0x80] =	vst v57  }
0xce: {  	[tilespmem:s10+$0xFFFFFF70] =	vst v10;
	v14 =	vld [tilespmem:s18+$0x90]  }
0xcf: {  	v10 =	vld [tilespmem:s12+$0xFFFFFF40];
	[tilespmem:s10+$0xFFFFFFF0] =	vst v9;
	v9 =	vmul.f32 v15, v6  }
0xd0: {  	v15 =	vld [tilespmem:s12+$0xFFFFFFC0];
	v13 =	vmul.f32 v13, v8  }
0xd1: {  	v58 =	vld [tilespmem:s12+$0x40];
	v11 =	vmul.f32 v11, v4;
	[tilespmem:s16+$0xFFFFFF80] =	vst v9  }
0xd2: {  	v12 =	vmul.f32 v12, v5;
	[tilespmem:s11+$0xD0] =	vst v13;
	v13 =	vld [tilespmem:s18+$0xFFFFFF90]  }
0xd3: {  	[tilespmem:s16+$0x0] =	vst v11;
	v11 =	vmul.f32 v14, v3;
	v9 =	vld [tilespmem:s12+$0xE0]  }
0xd4: {  	[tilespmem:s16+$0xFFFFFF00] =	vst v12;
	v10 =	vmul.f32 v10, v2;
	v12 =	vld [tilespmem:s18+$0x10]  }
0xd5: {  	v14 =	vld [tilespmem:s18+$0xFFFFFF10];
	[tilespmem:s16+$0x90] =	vst v11;
	v11 =	vmul.f32 v15, v1  }
0xd6: {  	[tilespmem:s11+$0xFFFFFF40] =	vst v10;
	v10 =	vmul.f32 v58, v0;
	v15 =	vld [tilespmem:s18+$0xA0]  }
0xd7: {  	v59 =	vld [tilespmem:s12+$0xFFFFFF50];
	[tilespmem:s11+$0xFFFFFFC0] =	vst v11;
	v11 =	vmul.f32 v13, v6  }
0xd8: {  	[tilespmem:s11+$0x40] =	vst v10;
	v13 =	vld [tilespmem:s12+$0xFFFFFFD0];
	v9 =	vmul.f32 v9, v8  }
0xd9: {  	v10 =	vmul.f32 v12, v4;
	v12 =	vld [tilespmem:s12+$0x50];
	[tilespmem:s16+$0xFFFFFF90] =	vst v11  }
0xda: {  	[tilespmem:s11+$0xE0] =	vst v9;
	v9 =	vmul.f32 v14, v5;
	v14 =	vld [tilespmem:s18+$0xFFFFFFA0]  }
0xdb: {  	[tilespmem:s16+$0x10] =	vst v10;
	v10 =	vmul.f32 v15, v3;
	v11 =	vld [tilespmem:s12+$0xF0]  }
0xdc: {  	v15 =	vmul.f32 v59, v2;
	[tilespmem:s16+$0xFFFFFF10] =	vst v9;
	v9 =	vld [tilespmem:s18+$0x20]  }
0xdd: {  	[tilespmem:s16+$0xA0] =	vst v10;
	v10 =	vmul.f32 v13, v1;
	v60 =	vld [tilespmem:s18+$0xFFFFFF20]  }
0xde: {  	v12 =	vmul.f32 v12, v0;
	[tilespmem:s11+$0xFFFFFF50] =	vst v15;
	v13 =	vld [tilespmem:s18+$0xB0]  }
0xdf: {  	v15 =	vld [tilespmem:s12+$0xFFFFFF60];
	[tilespmem:s11+$0xFFFFFFD0] =	vst v10;
	v10 =	vmul.f32 v14, v6  }
0xe0: {  	[tilespmem:s11+$0x50] =	vst v12;
	v14 =	vld [tilespmem:s12+$0xFFFFFFE0];
	v8 =	vmul.f32 v11, v8  }
0xe1: {  	v61 =	vld [tilespmem:s12+$0x60];
	v9 =	vmul.f32 v9, v4;
	[tilespmem:s16+$0xFFFFFFA0] =	vst v10  }
0xe2: {  	v62 =	vld [tilespmem:s24+$0x70];
	[tilespmem:s11+$0xF0] =	vst v8;
	v8 =	vmul.f32 v60, v5  }
0xe3: {  	v63 =	vld [tilespmem:s18+$0xFFFFFFB0];
	[tilespmem:s16+$0x20] =	vst v9;
	v9 =	vmul.f32 v13, v3  }
0xe4: {  	[tilespmem:s16+$0xFFFFFF20] =	vst v8;
	v12 =	vld [tilespmem:s18+$0x30];
	v8 =	vmul.f32 v15, v2  }
0xe5: {  	v11 =	vld [tilespmem:s18+$0xFFFFFF30];
	[tilespmem:s16+$0xB0] =	vst v9;
	v9 =	vmul.f32 v14, v1  }
0xe6: {  	v14 =	vmul.f32 v61, v0;
	v10 =	vld [tilespmem:s18+$0xC0];
	[tilespmem:s11+$0xFFFFFF60] =	vst v8  }
0xe7: {  	s4 =	simm.s32 $0x8;
	v8 =	vld [tilespmem:s12+$0xFFFFFF70];
	[tilespmem:s11+$0xFFFFFFE0] =	vst v9;
	v9 =	vmul.f32 v62, v7  }
0xe8: {  	s19 =	simm.s32 $0x14300;
	s24 =	sshll.u32 s13, $0x7;
	s23 =	simm.s32 $0x13D0E;
	v13 =	vmul.f32 v63, v6;
	[tilespmem:s11+$0x60] =	vst v14;
	v7 =	vld [tilespmem:s12+$0xFFFFFFF0]  }
.LBB2_3:
0xe9: {  	v14 =	vld.msk [tilespmem:s23+$0x1 ss:$0x0], $0xffff;
	s4 =	sadd.s32 $0x4, s4;
	v12 =	vmul.f32 v12, v4;
	s18 =	sadd.s32 $0x200, s18;
	[tilespmem:s10+$0x70] =	vst v9;
	s10 =	smov.u32 s11  }
0xea: {  	s11 =	smov.u32 s16;
	v9 =	vld [tilespmem:s18+$0x80];
	p2 =	slt.u32 s4, $0x3C;
	v11 =	vmul.f32 v11, v5;
	[tilespmem:s16+$0xFFFFFFB0] =	vst v13  }
0xeb: {  	v13 =	vld.msk [tilespmem:s23+$0xFFFFFFFE ss:$0x0], $0xffff;
	[tilespmem:s16+$0x30] =	vst v12;
	v10 =	vmul.f32 v10, v3  }
0xec: {  	v12 =	vld.msk [tilespmem:s23+$0xFFFFFFFF ss:$0x0], $0xffff;
	[tilespmem:s16+$0xFFFFFF30] =	vst v11;
	v8 =	vmul.f32 v8, v2;
	v2 =	vmov v5  }
0xed: {  	v15 =	vld.msk [tilespmem:s23+$0x0 ss:$0x0], $0xffff;
	[tilespmem:s16+$0xC0] =	vst v10;
	v5 =	vmul.f32 v7, v1;
	v1 =	vmov v6  }
0xee: {  	v7 =	vld [tilespmem:s19+$0xD0];
	[tilespmem:s10+$0xFFFFFF70] =	vst v8  }
0xef: {  	v8 =	vld [tilespmem:s18+$0xFFFFFF80];
	v16 =	vmul.f32 v9, v14;
	[tilespmem:s10+$0xFFFFFFF0] =	vst v5  }
0xf0: {  	s16 =	sadd.s32 $0x200, s16;
	v9 =	vld [tilespmem:s18+$0x0]  }
0xf1: {  	v10 =	vld [tilespmem:s18+$0xFFFFFF00];
	[tilespmem:s16+$0x80] =	vst v16;
	v5 =	vmov v13  }
0xf2: {  	v6 =	vmov v12;
	v11 =	vld [tilespmem:s18+$0x90]  }
0xf3: {  	v12 =	vld [tilespmem:s19+$0xFFFFFF40];
	v7 =	vmul.f32 v7, v3  }
0xf4: {  	v8 =	vmul.f32 v8, v6;
	v13 =	vld [tilespmem:s19+$0xFFFFFFC0]  }
0xf5: {  	v9 =	vmul.f32 v9, v15;
	v16 =	vld [tilespmem:s19+$0x40];
	[tilespmem:s11+$0xD0] =	vst v7  }
0xf6: {  	v7 =	vmul.f32 v10, v5;
	[tilespmem:s16+$0xFFFFFF80] =	vst v8;
	v8 =	vld [tilespmem:s19+$0xE0]  }
0xf7: {  	v10 =	vld [tilespmem:s18+$0xFFFFFF90];
	[tilespmem:s16+$0x0] =	vst v9;
	v9 =	vmul.f32 v11, v14  }
0xf8: {  	[tilespmem:s16+$0xFFFFFF00] =	vst v7;
	v7 =	vld [tilespmem:s18+$0x10];
	v11 =	vmul.f32 v12, v2  }
0xf9: {  	v12 =	vld [tilespmem:s18+$0xFFFFFF10];
	[tilespmem:s16+$0x90] =	vst v9;
	v9 =	vmul.f32 v13, v1  }
0xfa: {  	v13 =	vld [tilespmem:s18+$0xA0];
	[tilespmem:s11+$0xFFFFFF40] =	vst v11;
	v11 =	vmul.f32 v16, v4  }
0xfb: {  	v16 =	vld [tilespmem:s19+$0xFFFFFF50];
	[tilespmem:s11+$0xFFFFFFC0] =	vst v9;
	v8 =	vmul.f32 v8, v3  }
0xfc: {  	v9 =	vmul.f32 v10, v6;
	v10 =	vld [tilespmem:s19+$0xFFFFFFD0];
	[tilespmem:s11+$0x40] =	vst v11  }
0xfd: {  	v7 =	vmul.f32 v7, v15;
	v11 =	vld [tilespmem:s19+$0x50];
	[tilespmem:s11+$0xE0] =	vst v8  }
0xfe: {  	v8 =	vmul.f32 v12, v5;
	[tilespmem:s16+$0xFFFFFF90] =	vst v9;
	v9 =	vld [tilespmem:s19+$0xF0]  }
0xff: {  	v12 =	vld [tilespmem:s18+$0xFFFFFFA0];
	[tilespmem:s16+$0x10] =	vst v7;
	v7 =	vmul.f32 v13, v14  }
0x100: {  	[tilespmem:s16+$0xFFFFFF10] =	vst v8;
	v8 =	vld [tilespmem:s18+$0x20];
	v13 =	vmul.f32 v16, v2  }
0x101: {  	v16 =	vld [tilespmem:s18+$0xFFFFFF20];
	[tilespmem:s16+$0xA0] =	vst v7;
	v7 =	vmul.f32 v10, v1  }
0x102: {  	v10 =	vld [tilespmem:s18+$0xB0];
	[tilespmem:s11+$0xFFFFFF50] =	vst v13;
	v11 =	vmul.f32 v11, v4  }
0x103: {  	v13 =	vld [tilespmem:s19+$0xFFFFFF60];
	[tilespmem:s11+$0xFFFFFFD0] =	vst v7;
	v7 =	vmul.f32 v9, v3;
	v3 =	vmov v14  }
0x104: {  	v9 =	vmul.f32 v12, v6;
	v14 =	vld [tilespmem:s19+$0xFFFFFFE0];
	[tilespmem:s11+$0x50] =	vst v11  }
0x105: {  	v8 =	vmul.f32 v8, v15;
	v17 =	vld [tilespmem:s19+$0x60];
	[tilespmem:s11+$0xF0] =	vst v7  }
0x106: {  	v7 =	vmul.f32 v16, v5;
	[tilespmem:s16+$0xFFFFFFA0] =	vst v9;
	v9 =	vld [tilespmem:s12+$0x70];
	s12 =	smov.u32 s19;
	s19 =	smov.u32 s18  }
0x107: {  	v16 =	vld [tilespmem:s18+$0xFFFFFFB0];
	[tilespmem:s16+$0x20] =	vst v8;
	v8 =	vmul.f32 v10, v3  }
.Ltmp2:
0x108: {  	[tilespmem:s16+$0xFFFFFF20] =	vst v7;
	v12 =	vld [tilespmem:s18+$0x30];
	v7 =	vmul.f32 v13, v2;
	(pc) =	sbr.rel @p2 .LBB2_3-.Ltmp2, $4  }
0x109: {  	v11 =	vld [tilespmem:s18+$0xFFFFFF30];
	[tilespmem:s16+$0xB0] =	vst v8;
	v13 =	vmul.f32 v14, v1  }
0x10a: {  	v10 =	vld [tilespmem:s18+$0xC0];
	[tilespmem:s11+$0xFFFFFF60] =	vst v7;
	v14 =	vmul.f32 v17, v4  }
0x10b: {  	v8 =	vld [tilespmem:s12+$0xFFFFFF70];
	[tilespmem:s11+$0xFFFFFFE0] =	vst v13;
	v9 =	vmul.f32 v9, v0;
	v0 =	vmov v4;
	v4 =	vmov v15  }
0x10c: {  	s23 =	sadd.s32 $0x4, s23;
	v13 =	vmul.f32 v16, v6;
	v7 =	vld [tilespmem:s12+$0xFFFFFFF0];
	[tilespmem:s11+$0x60] =	vst v14  }
0x10d: {  	_ = 	snop  }
0x10e: {  	v11 =	vmul.f32 v11, v5;
	_ =	sdelay $0x1  }
0x10f: {  	v12 =	vmul.f32 v12, v4;
	[tilespmem:s16+$0xFFFFFF30] =	vst v11  }
0x110: {  	[tilespmem:s16+$0xFFFFFFB0] =	vst v13;
	v11 =	vld [tilespmem:s19+$0xFFFFFF40]  }
0x111: {  	[tilespmem:s16+$0x30] =	vst v12;
	v12 =	vld [tilespmem:s19+$0xFFFFFFC0]  }
0x112: {  	v13 =	vld [tilespmem:s19+$0x40]  }
0x113: {  	v10 =	vmul.f32 v10, v3;
	_ =	sdelay $0x1  }
0x114: {  	[tilespmem:s16+$0xC0] =	vst v10;
	v10 =	vmul.f32 v11, v5  }
0x115: {  	v12 =	vmul.f32 v12, v6;
	v11 =	vld [tilespmem:s19+$0xD0]  }
0x116: {  	[tilespmem:s16+$0xFFFFFF40] =	vst v10;
	v10 =	vmul.f32 v13, v4  }
0x117: {  	[tilespmem:s16+$0xFFFFFFC0] =	vst v12;
	v13 =	vld [tilespmem:s19+$0xFFFFFF50]  }
0x118: {  	v12 =	vld [tilespmem:s19+$0xFFFFFFD0];
	[tilespmem:s16+$0x40] =	vst v10  }
0x119: {  	v10 =	vld [tilespmem:s19+$0x50]  }
0x11a: {  	v11 =	vmul.f32 v11, v3;
	_ =	sdelay $0x1  }
0x11b: {  	[tilespmem:s16+$0xD0] =	vst v11;
	v11 =	vmul.f32 v13, v5  }
0x11c: {  	v12 =	vmul.f32 v12, v6;
	v13 =	vld [tilespmem:s19+$0xE0]  }
0x11d: {  	[tilespmem:s16+$0xFFFFFF50] =	vst v11;
	v10 =	vmul.f32 v10, v4  }
0x11e: {  	[tilespmem:s16+$0xFFFFFFD0] =	vst v12;
	v11 =	vld [tilespmem:s19+$0xFFFFFF60]  }
0x11f: {  	v12 =	vld [tilespmem:s19+$0xFFFFFFE0];
	[tilespmem:s16+$0x50] =	vst v10  }
0x120: {  	v10 =	vld [tilespmem:s19+$0x60]  }
0x121: {  	v13 =	vmul.f32 v13, v3;
	_ =	sdelay $0x1  }
0x122: {  	[tilespmem:s16+$0xE0] =	vst v13;
	v11 =	vmul.f32 v11, v5  }
0x123: {  	v12 =	vmul.f32 v12, v6;
	v13 =	vld [tilespmem:s19+$0xF0]  }
0x124: {  	[tilespmem:s16+$0xFFFFFF60] =	vst v11;
	v11 =	vld [tilespmem:s12+$0x70];
	v10 =	vmul.f32 v10, v4  }
0x125: {  	[tilespmem:s16+$0xFFFFFFE0] =	vst v12;
	v12 =	vld [tilespmem:s19+$0xFFFFFF70]  }
0x126: {  	v2 =	vmul.f32 v8, v2;
	v8 =	vld [tilespmem:s19+$0xFFFFFFF0];
	[tilespmem:s16+$0x60] =	vst v10  }
0x127: {  	[tilespmem:s10+$0x70] =	vst v9;
	v1 =	vmul.f32 v7, v1;
	v7 =	vld [tilespmem:s19+$0x70]  }
0x128: {  	[tilespmem:s11+$0xFFFFFF70] =	vst v2;
	v2 =	vmul.f32 v13, v3  }
0x129: {  	[tilespmem:s11+$0xFFFFFFF0] =	vst v1;
	v0 =	vmul.f32 v11, v0  }
0x12a: {  	[tilespmem:s16+$0xF0] =	vst v2;
	v1 =	vmul.f32 v12, v5  }
0x12b: {  	[tilespmem:s11+$0x70] =	vst v0;
	v0 =	vmul.f32 v8, v6  }
0x12c: {  	[tilespmem:s16+$0xFFFFFF70] =	vst v1;
	v1 =	vmul.f32 v7, v4  }
0x12d: {  	[tilespmem:s16+$0xFFFFFFF0] =	vst v0  }
0x12e: {  	[tilespmem:s16+$0x70] =	vst v1  }
0x12f: {  	v0 =	vld [tilespmem:$0x13A00]  }
0x130: {  	v1 =	vld [tilespmem:$0x13A10]  }
0x131: {  	v2 =	vld [tilespmem:$0x13A20]  }
0x132: {  	v3 =	vld [tilespmem:$0x13A30];
	_ =	sdelay $0x1  }
0x133: {  	[tilespmem:$0x1BE00] =	vst v0  }
0x134: {  	[tilespmem:$0x1BE10] =	vst v1  }
0x135: {  	[tilespmem:$0x1BE20] =	vst v2  }
0x136: {  	s4 =	simm.s32 $0x1BE00;
	p2 =	seq.s32 s13, $0x9F;
	s12 =	simm.s32 $0x17E00;
	[tilespmem:$0x1BE30] =	vst v3  }
0x137: {  	[spmem:s3] =	stream.indirect.scatter.add.f32 [tilespmem:s12], [sflag:$0x5], $0x80, s4, s14, $0xb8;
	[tilespmem:$0x1BF00] =	vst v63  }
0x138: {  	s4 =	sadd.s32 @!p2 s24, s21  }
0x139: {  	s4 =	sshrl.u32 @!p2 s4, $0x3  }
0x13a: {  	s11 =	simm.s32 @!p2 $0x0;
	s12 =	simm.s32 @!p2 $0x13900;
	s10 =	sadd.s32 @!p2 s6, s4  }
0x13b: {  	[tilespmem:s12], [sflag:$0x1] =	stream.linear.gather @!p2 [hbm4b:s10+s11], $0x40, $0x38;
	[tilespmem:$0x1BF00] =	vst v63  }
0x13c: {  	s16 =	simm.s32 @!p2 $0x13A00;
	s10 =	sadd.s32 @!p2 s2, s4  }
0x13d: {  	[tilespmem:s16], [sflag:$0x1] =	stream.linear.gather @!p2 [hbm4b:s10+s11], $0x40, $0x38;
	[tilespmem:$0x1BF00] =	vst v63  }
0x13e: {  	s10 =	sadd.s32 @!p2 s7, s4;
	s16 =	simm.s32 @!p2 $0x13B00  }
0x13f: {  	[tilespmem:s16], [sflag:$0x1] =	stream.linear.gather @!p2 [hbm4b:s10+s11], $0x40, $0x38;
	[tilespmem:$0x1BF00] =	vst v63  }
0x140: {  	s4 =	sadd.s32 @!p2 s8, s4;
	s10 =	simm.s32 @!p2 $0x13C00  }
0x141: {  	[tilespmem:s10], [sflag:$0x1] =	stream.linear.gather @!p2 [hbm4b:s4+s11], $0x40, $0x38;
	[tilespmem:$0x1BF00] =	vst v63  }
0x142: {  	s4 =	simm.s32 @!p2 $0x1  }
0x143: {  	_ =	swait.ge @!p2 [sflag:s4], $0x40  }
0x144: {  	[sflag:s4] =	ssyncset.done @!p2 $0x0  }
0x145: {  	[sflag:s4] =	ssyncadd.s32 @!p2 $0xFFFFFFC0  }
0x146: {  	_ =	swait.ge @!p2 [sflag:s4], $0x40  }
0x147: {  	[sflag:s4] =	ssyncset.done @!p2 $0x0  }
0x148: {  	[sflag:s4] =	ssyncadd.s32 @!p2 $0xFFFFFFC0  }
0x149: {  	_ =	swait.ge @!p2 [sflag:s4], $0x40  }
0x14a: {  	[sflag:s4] =	ssyncset.done @!p2 $0x0  }
0x14b: {  	[sflag:s4] =	ssyncadd.s32 @!p2 $0xFFFFFFC0  }
0x14c: {  	p3 =	seq.s32 @!p2 s13, $0x0;
	_ =	swait.ge @!p2 [sflag:s4], $0x40  }
0x14d: {  	p3 =	por p2, !p3;
	[sflag:s4] =	ssyncset.done @!p2 $0x0  }
0x14e: {  	s10 =	simm.s32 @!p2 $0x13E00;
	[sflag:s4] =	ssyncadd.s32 @!p2 $0xFFFFFFC0;
	s4 =	simm.s32 @!p2 $0x40  }
0x14f: {  	[tilespmem:s10], [sflag:$0x3] =	stream.indirect.gather @!p2 [hbm4b:s1+s4], $0x80, s12, s4, $0xb8;
	[tilespmem:$0x1BF00] =	vst v63  }
0x150: {  	_ =	swait.ge @p3 [sflag:s0], $0x2000  }
0x151: {  	[sflag:s0] =	ssyncset.done @p3 $0x0  }
0x152: {  	[sflag:s0] =	ssyncadd.s32 @p3 $0xFFFFE000  }
0x153: {  	_ =	swait.ge [sflag:s20], $0x2000  }
0x154: {  	s4 =	simm.s32 $0x13C80;
	[sflag:s20] =	ssyncset.done $0x0  }
0x155: {  	s4 =	simm.s32 @!p1 $0x13B80;
	[sflag:s20] =	ssyncadd.s32 $0xFFFFE000  }
0x156: {  	v0 =	vld [tilespmem:s4+$0x0];
	_ =	sdelay $0x4  }
0x157: {  	[tilespmem:$0x13D80] =	vst v0  }
0x158: {  	v0 =	vld [tilespmem:s29+$0x0];
	_ =	sdelay $0x4  }
0x159: {  	[tilespmem:$0x13D90] =	vst v0  }
0x15a: {  	v0 =	vld [tilespmem:s30+$0x0];
	_ =	sdelay $0x4  }
0x15b: {  	[tilespmem:$0x13DA0] =	vst v0  }
0x15c: {  	v0 =	vld [tilespmem:s31+$0x0];
	_ =	sdelay $0x4  }
0x15d: {  	s16 =	simm.s32 $0x13D82;
	[tilespmem:$0x13DB0] =	vst v0  }
0x15e: {  	s19 =	simm.s32 $0x15F00;
	v4 =	vld.msk [tilespmem:s16+$0x1 ss:$0x0], $0xffff  }
0x15f: {  	v0 =	vld [tilespmem:s19+$0x80]  }
0x160: {  	v10 =	vld.msk [tilespmem:s16+$0xFFFFFFFE ss:$0x0], $0xffff  }
0x161: {  	v3 =	vld [tilespmem:s19+$0xFFFFFF00]  }
0x162: {  	v9 =	vld.msk [tilespmem:s16+$0xFFFFFFFF ss:$0x0], $0xffff  }
0x163: {  	v7 =	vld.msk [tilespmem:s16+$0x0 ss:$0x0], $0xffff  }
0x164: {  	v2 =	vld [tilespmem:s19+$0x0];
	v0 =	vmul.f32 v0, v4  }
0x165: {  	s10 =	simm.s32 $0x19F00;
	v1 =	vld [tilespmem:s19+$0xFFFFFF80]  }
0x166: {  	v3 =	vmul.f32 v3, v10;
	[tilespmem:s10+$0x80] =	vst v0  }
0x167: {  	v0 =	vld [tilespmem:s19+$0x90]  }
0x168: {  	[tilespmem:s10+$0xFFFFFF00] =	vst v3  }
0x169: {  	v2 =	vmul.f32 v2, v7;
	v3 =	vld [tilespmem:s19+$0xFFFFFF10]  }
0x16a: {  	v1 =	vmul.f32 v1, v9  }
0x16b: {  	[tilespmem:s10+$0x0] =	vst v2  }
0x16c: {  	[tilespmem:s10+$0xFFFFFF80] =	vst v1;
	v2 =	vld [tilespmem:s19+$0x10];
	v0 =	vmul.f32 v0, v4  }
0x16d: {  	v1 =	vld [tilespmem:s19+$0xFFFFFF90]  }
0x16e: {  	v3 =	vmul.f32 v3, v10;
	[tilespmem:s10+$0x90] =	vst v0  }
0x16f: {  	v0 =	vld [tilespmem:s19+$0xA0]  }
0x170: {  	[tilespmem:s10+$0xFFFFFF10] =	vst v3  }
0x171: {  	v2 =	vmul.f32 v2, v7;
	v3 =	vld [tilespmem:s19+$0xFFFFFF20]  }
0x172: {  	s18 =	simm.s32 $0x13D86;
	v1 =	vmul.f32 v1, v9  }
0x173: {  	v8 =	vld.msk [tilespmem:s18+$0x1 ss:$0x0], $0xffff;
	[tilespmem:s10+$0x10] =	vst v2  }
0x174: {  	[tilespmem:s10+$0xFFFFFF90] =	vst v1;
	v2 =	vld [tilespmem:s19+$0x20];
	v0 =	vmul.f32 v0, v4  }
0x175: {  	s12 =	simm.s32 $0x16100;
	v1 =	vld [tilespmem:s19+$0xFFFFFFA0]  }
0x176: {  	v11 =	vld [tilespmem:s12+$0x80];
	v3 =	vmul.f32 v3, v10;
	[tilespmem:s10+$0xA0] =	vst v0  }
0x177: {  	v0 =	vld [tilespmem:s19+$0xB0]  }
0x178: {  	v13 =	vld [tilespmem:s12+$0xFFFFFF80];
	[tilespmem:s10+$0xFFFFFF20] =	vst v3  }
0x179: {  	v2 =	vmul.f32 v2, v7;
	v6 =	vld [tilespmem:s19+$0xFFFFFF30]  }
0x17a: {  	v15 =	vld [tilespmem:s12+$0xFFFFFF00];
	v1 =	vmul.f32 v1, v9  }
0x17b: {  	[tilespmem:s10+$0x20] =	vst v2;
	v2 =	vld.msk [tilespmem:s18+$0xFFFFFFFE ss:$0x0], $0xffff  }
0x17c: {  	v14 =	vld [tilespmem:s12+$0x0];
	[tilespmem:s10+$0xFFFFFFA0] =	vst v1;
	v0 =	vmul.f32 v0, v4  }
0x17d: {  	v11 =	vmul.f32 v11, v8;
	v5 =	vld [tilespmem:s19+$0xFFFFFFB0]  }
0x17e: {  	s11 =	simm.s32 $0x1A100;
	v3 =	vld [tilespmem:s19+$0x30];
	v6 =	vmul.f32 v6, v10;
	[tilespmem:s10+$0xB0] =	vst v0  }
0x17f: {  	[tilespmem:s11+$0x80] =	vst v11;
	v12 =	vld [tilespmem:s19+$0xC0]  }
0x180: {  	v15 =	vmul.f32 v15, v2;
	[tilespmem:s10+$0xFFFFFF30] =	vst v6;
	v6 =	vld [tilespmem:s12+$0x90]  }
0x181: {  	v1 =	vld.msk [tilespmem:s18+$0xFFFFFFFF ss:$0x0], $0xffff  }
0x182: {  	v5 =	vmul.f32 v5, v9;
	[tilespmem:s11+$0xFFFFFF00] =	vst v15;
	v0 =	vld.msk [tilespmem:s18+$0x0 ss:$0x0], $0xffff  }
0x183: {  	v3 =	vmul.f32 v3, v7;
	v15 =	vld [tilespmem:s12+$0xFFFFFF10]  }
0x184: {  	[tilespmem:s10+$0xFFFFFFB0] =	vst v5;
	v5 =	vld [tilespmem:s19+$0xFFFFFF40];
	v11 =	vmul.f32 v12, v4  }
0x185: {  	[tilespmem:s10+$0x30] =	vst v3;
	v6 =	vmul.f32 v6, v8  }
0x186: {  	v12 =	vld [tilespmem:s19+$0xFFFFFFC0];
	[tilespmem:s10+$0xC0] =	vst v11;
	v11 =	vmul.f32 v13, v1  }
0x187: {  	[tilespmem:s11+$0x90] =	vst v6;
	v13 =	vmul.f32 v14, v0;
	v14 =	vld [tilespmem:s19+$0x40]  }
0x188: {  	v15 =	vmul.f32 v15, v2;
	v3 =	vld [tilespmem:s19+$0xD0];
	[tilespmem:s11+$0xFFFFFF80] =	vst v11  }
0x189: {  	v5 =	vmul.f32 v5, v10;
	[tilespmem:s11+$0x0] =	vst v13;
	v11 =	vld [tilespmem:s12+$0xFFFFFF90]  }
0x18a: {  	[tilespmem:s11+$0xFFFFFF10] =	vst v15;
	v13 =	vld [tilespmem:s12+$0x10]  }
0x18b: {  	[tilespmem:s10+$0xFFFFFF40] =	vst v5;
	v15 =	vld [tilespmem:s12+$0xFFFFFF20];
	v6 =	vmul.f32 v12, v9  }
0x18c: {  	v5 =	vmul.f32 v14, v7;
	v14 =	vld [tilespmem:s19+$0xFFFFFF50]  }
0x18d: {  	v12 =	vld [tilespmem:s12+$0xA0];
	[tilespmem:s10+$0xFFFFFFC0] =	vst v6;
	v3 =	vmul.f32 v3, v4  }
0x18e: {  	v6 =	vld [tilespmem:s19+$0xFFFFFFD0];
	[tilespmem:s10+$0x40] =	vst v5  }
0x18f: {  	[tilespmem:s10+$0xD0] =	vst v3;
	v3 =	vmul.f32 v11, v1;
	v5 =	vmul.f32 v13, v0;
	v13 =	vld [tilespmem:s19+$0x50]  }
0x190: {  	v11 =	vld [tilespmem:s19+$0xE0]  }
0x191: {  	[tilespmem:s11+$0xFFFFFF90] =	vst v3;
	v14 =	vmul.f32 v14, v10  }
0x192: {  	[tilespmem:s11+$0x10] =	vst v5;
	v5 =	vmul.f32 v12, v8;
	v3 =	vld [tilespmem:s12+$0xFFFFFFA0]  }
0x193: {  	v15 =	vmul.f32 v15, v2;
	v12 =	vld [tilespmem:s12+$0x20];
	[tilespmem:s10+$0xFFFFFF50] =	vst v14  }
0x194: {  	[tilespmem:s11+$0xA0] =	vst v5;
	v5 =	vmul.f32 v6, v9;
	v14 =	vld [tilespmem:s19+$0xFFFFFF60]  }
0x195: {  	s18 =	simm.s32 $0x16300;
	[tilespmem:s11+$0xFFFFFF20] =	vst v15;
	v13 =	vmul.f32 v13, v7;
	v6 =	vmul.f32 v11, v4;
	v11 =	vld [tilespmem:s12+$0xB0]  }
0x196: {  	v18 =	vld [tilespmem:s18+$0x80];
	[tilespmem:s10+$0xFFFFFFD0] =	vst v5  }
0x197: {  	v5 =	vld [tilespmem:s19+$0xFFFFFFE0];
	[tilespmem:s10+$0x50] =	vst v13;
	v3 =	vmul.f32 v3, v1  }
0x198: {  	[tilespmem:s10+$0xE0] =	vst v6;
	v12 =	vmul.f32 v12, v0;
	v13 =	vld [tilespmem:s19+$0x60]  }
0x199: {  	v6 =	vld [tilespmem:s19+$0xF0];
	[tilespmem:s11+$0xFFFFFFA0] =	vst v3  }
0x19a: {  	[tilespmem:s11+$0x20] =	vst v12;
	v12 =	vmul.f32 v14, v10;
	v14 =	vld [tilespmem:s12+$0xFFFFFF30];
	v3 =	vmul.f32 v11, v8  }
0x19b: {  	v16 =	vld [tilespmem:s12+$0xFFFFFFB0]  }
0x19c: {  	v11 =	vld [tilespmem:s12+$0x30];
	[tilespmem:s11+$0xB0] =	vst v3  }
0x19d: {  	[tilespmem:s10+$0xFFFFFF60] =	vst v12;
	v15 =	vld [tilespmem:s12+$0xC0]  }
0x19e: {  	s23 =	simm.s32 $0x13D8A;
	v3 =	vmul.f32 v5, v9;
	v12 =	vld [tilespmem:s19+$0xFFFFFF70]  }
0x19f: {  	v5 =	vld.msk [tilespmem:s23+$0xFFFFFFFE ss:$0x0], $0xffff;
	v13 =	vmul.f32 v13, v7  }
0x1a0: {  	v4 =	vmul.f32 v6, v4;
	[tilespmem:s10+$0xFFFFFFE0] =	vst v3;
	v3 =	vld.msk [tilespmem:s23+$0x1 ss:$0x0], $0xffff  }
0x1a1: {  	v6 =	vld.msk [tilespmem:s23+$0xFFFFFFFF ss:$0x0], $0xffff;
	[tilespmem:s10+$0x60] =	vst v13;
	v14 =	vmul.f32 v14, v2  }
0x1a2: {  	v17 =	vld [tilespmem:s19+$0xFFFFFFF0];
	[tilespmem:s10+$0xF0] =	vst v4;
	v15 =	vmul.f32 v15, v8  }
0x1a3: {  	v16 =	vmul.f32 v16, v1;
	v4 =	vld.msk [tilespmem:s23+$0x0 ss:$0x0], $0xffff;
	[tilespmem:s11+$0xFFFFFF30] =	vst v14  }
0x1a4: {  	v11 =	vmul.f32 v11, v0;
	[tilespmem:s11+$0xC0] =	vst v15;
	v15 =	vld [tilespmem:s18+$0xFFFFFF80]  }
0x1a5: {  	[tilespmem:s11+$0xFFFFFFB0] =	vst v16;
	v57 =	vmul.f32 v18, v3;
	v13 =	vld [tilespmem:s12+$0xD0]  }
0x1a6: {  	s16 =	simm.s32 $0x1A300;
	[tilespmem:s11+$0x30] =	vst v11;
	v11 =	vld [tilespmem:s18+$0x0];
	v10 =	vmul.f32 v12, v10  }
0x1a7: {  	v12 =	vld [tilespmem:s18+$0xFFFFFF00];
	v9 =	vmul.f32 v17, v9;
	[tilespmem:s16+$0x80] =	vst v57  }
0x1a8: {  	[tilespmem:s10+$0xFFFFFF70] =	vst v10;
	v14 =	vld [tilespmem:s18+$0x90]  }
0x1a9: {  	v10 =	vld [tilespmem:s12+$0xFFFFFF40];
	[tilespmem:s10+$0xFFFFFFF0] =	vst v9;
	v9 =	vmul.f32 v15, v6  }
0x1aa: {  	v15 =	vld [tilespmem:s12+$0xFFFFFFC0];
	v13 =	vmul.f32 v13, v8  }
0x1ab: {  	v58 =	vld [tilespmem:s12+$0x40];
	v11 =	vmul.f32 v11, v4;
	[tilespmem:s16+$0xFFFFFF80] =	vst v9  }
0x1ac: {  	v12 =	vmul.f32 v12, v5;
	[tilespmem:s11+$0xD0] =	vst v13;
	v13 =	vld [tilespmem:s18+$0xFFFFFF90]  }
0x1ad: {  	[tilespmem:s16+$0x0] =	vst v11;
	v11 =	vmul.f32 v14, v3;
	v9 =	vld [tilespmem:s12+$0xE0]  }
0x1ae: {  	[tilespmem:s16+$0xFFFFFF00] =	vst v12;
	v10 =	vmul.f32 v10, v2;
	v12 =	vld [tilespmem:s18+$0x10]  }
0x1af: {  	v14 =	vld [tilespmem:s18+$0xFFFFFF10];
	[tilespmem:s16+$0x90] =	vst v11;
	v11 =	vmul.f32 v15, v1  }
0x1b0: {  	[tilespmem:s11+$0xFFFFFF40] =	vst v10;
	v10 =	vmul.f32 v58, v0;
	v15 =	vld [tilespmem:s18+$0xA0]  }
0x1b1: {  	v59 =	vld [tilespmem:s12+$0xFFFFFF50];
	[tilespmem:s11+$0xFFFFFFC0] =	vst v11;
	v11 =	vmul.f32 v13, v6  }
0x1b2: {  	[tilespmem:s11+$0x40] =	vst v10;
	v13 =	vld [tilespmem:s12+$0xFFFFFFD0];
	v9 =	vmul.f32 v9, v8  }
0x1b3: {  	v10 =	vmul.f32 v12, v4;
	v12 =	vld [tilespmem:s12+$0x50];
	[tilespmem:s16+$0xFFFFFF90] =	vst v11  }
0x1b4: {  	[tilespmem:s11+$0xE0] =	vst v9;
	v9 =	vmul.f32 v14, v5;
	v14 =	vld [tilespmem:s18+$0xFFFFFFA0]  }
0x1b5: {  	[tilespmem:s16+$0x10] =	vst v10;
	v10 =	vmul.f32 v15, v3;
	v11 =	vld [tilespmem:s12+$0xF0]  }
0x1b6: {  	v15 =	vmul.f32 v59, v2;
	[tilespmem:s16+$0xFFFFFF10] =	vst v9;
	v9 =	vld [tilespmem:s18+$0x20]  }
0x1b7: {  	[tilespmem:s16+$0xA0] =	vst v10;
	v10 =	vmul.f32 v13, v1;
	v60 =	vld [tilespmem:s18+$0xFFFFFF20]  }
0x1b8: {  	v12 =	vmul.f32 v12, v0;
	[tilespmem:s11+$0xFFFFFF50] =	vst v15;
	v13 =	vld [tilespmem:s18+$0xB0]  }
0x1b9: {  	v15 =	vld [tilespmem:s12+$0xFFFFFF60];
	[tilespmem:s11+$0xFFFFFFD0] =	vst v10;
	v10 =	vmul.f32 v14, v6  }
0x1ba: {  	[tilespmem:s11+$0x50] =	vst v12;
	v14 =	vld [tilespmem:s12+$0xFFFFFFE0];
	v8 =	vmul.f32 v11, v8  }
0x1bb: {  	v61 =	vld [tilespmem:s12+$0x60];
	v9 =	vmul.f32 v9, v4;
	[tilespmem:s16+$0xFFFFFFA0] =	vst v10  }
0x1bc: {  	v62 =	vld [tilespmem:s19+$0x70];
	[tilespmem:s11+$0xF0] =	vst v8;
	v8 =	vmul.f32 v60, v5  }
0x1bd: {  	v63 =	vld [tilespmem:s18+$0xFFFFFFB0];
	[tilespmem:s16+$0x20] =	vst v9;
	v9 =	vmul.f32 v13, v3  }
0x1be: {  	[tilespmem:s16+$0xFFFFFF20] =	vst v8;
	v12 =	vld [tilespmem:s18+$0x30];
	v8 =	vmul.f32 v15, v2  }
0x1bf: {  	v11 =	vld [tilespmem:s18+$0xFFFFFF30];
	[tilespmem:s16+$0xB0] =	vst v9;
	v9 =	vmul.f32 v14, v1  }
0x1c0: {  	v14 =	vmul.f32 v61, v0;
	v10 =	vld [tilespmem:s18+$0xC0];
	[tilespmem:s11+$0xFFFFFF60] =	vst v8  }
0x1c1: {  	v8 =	vld [tilespmem:s12+$0xFFFFFF70];
	[tilespmem:s11+$0xFFFFFFE0] =	vst v9;
	v9 =	vmul.f32 v62, v7  }
0x1c2: {  	s4 =	simm.s32 $0x8;
	s23 =	simm.s32 $0x13D8E;
	s19 =	simm.s32 $0x16300;
	v13 =	vmul.f32 v63, v6;
	[tilespmem:s11+$0x60] =	vst v14;
	v7 =	vld [tilespmem:s12+$0xFFFFFFF0]  }
.LBB2_5:
0x1c3: {  	v14 =	vld.msk [tilespmem:s23+$0x1 ss:$0x0], $0xffff;
	s4 =	sadd.s32 $0x4, s4;
	v12 =	vmul.f32 v12, v4;
	s18 =	sadd.s32 $0x200, s18;
	[tilespmem:s10+$0x70] =	vst v9;
	s10 =	smov.u32 s11  }
0x1c4: {  	s11 =	smov.u32 s16;
	v9 =	vld [tilespmem:s18+$0x80];
	p3 =	slt.u32 s4, $0x3C;
	v11 =	vmul.f32 v11, v5;
	[tilespmem:s16+$0xFFFFFFB0] =	vst v13  }
0x1c5: {  	v13 =	vld.msk [tilespmem:s23+$0xFFFFFFFE ss:$0x0], $0xffff;
	[tilespmem:s16+$0x30] =	vst v12;
	v10 =	vmul.f32 v10, v3  }
0x1c6: {  	v12 =	vld.msk [tilespmem:s23+$0xFFFFFFFF ss:$0x0], $0xffff;
	[tilespmem:s16+$0xFFFFFF30] =	vst v11;
	v8 =	vmul.f32 v8, v2;
	v2 =	vmov v5  }
0x1c7: {  	v15 =	vld.msk [tilespmem:s23+$0x0 ss:$0x0], $0xffff;
	[tilespmem:s16+$0xC0] =	vst v10;
	v5 =	vmul.f32 v7, v1;
	v1 =	vmov v6  }
0x1c8: {  	v7 =	vld [tilespmem:s19+$0xD0];
	[tilespmem:s10+$0xFFFFFF70] =	vst v8  }
0x1c9: {  	v8 =	vld [tilespmem:s18+$0xFFFFFF80];
	v16 =	vmul.f32 v9, v14;
	[tilespmem:s10+$0xFFFFFFF0] =	vst v5  }
0x1ca: {  	s16 =	sadd.s32 $0x200, s16;
	v9 =	vld [tilespmem:s18+$0x0]  }
0x1cb: {  	v10 =	vld [tilespmem:s18+$0xFFFFFF00];
	[tilespmem:s16+$0x80] =	vst v16;
	v5 =	vmov v13  }
0x1cc: {  	v6 =	vmov v12;
	v11 =	vld [tilespmem:s18+$0x90]  }
0x1cd: {  	v12 =	vld [tilespmem:s19+$0xFFFFFF40];
	v7 =	vmul.f32 v7, v3  }
0x1ce: {  	v8 =	vmul.f32 v8, v6;
	v13 =	vld [tilespmem:s19+$0xFFFFFFC0]  }
0x1cf: {  	v9 =	vmul.f32 v9, v15;
	v16 =	vld [tilespmem:s19+$0x40];
	[tilespmem:s11+$0xD0] =	vst v7  }
0x1d0: {  	v7 =	vmul.f32 v10, v5;
	[tilespmem:s16+$0xFFFFFF80] =	vst v8;
	v8 =	vld [tilespmem:s19+$0xE0]  }
0x1d1: {  	v10 =	vld [tilespmem:s18+$0xFFFFFF90];
	[tilespmem:s16+$0x0] =	vst v9;
	v9 =	vmul.f32 v11, v14  }
0x1d2: {  	[tilespmem:s16+$0xFFFFFF00] =	vst v7;
	v7 =	vld [tilespmem:s18+$0x10];
	v11 =	vmul.f32 v12, v2  }
0x1d3: {  	v12 =	vld [tilespmem:s18+$0xFFFFFF10];
	[tilespmem:s16+$0x90] =	vst v9;
	v9 =	vmul.f32 v13, v1  }
0x1d4: {  	v13 =	vld [tilespmem:s18+$0xA0];
	[tilespmem:s11+$0xFFFFFF40] =	vst v11;
	v11 =	vmul.f32 v16, v4  }
0x1d5: {  	v16 =	vld [tilespmem:s19+$0xFFFFFF50];
	[tilespmem:s11+$0xFFFFFFC0] =	vst v9;
	v8 =	vmul.f32 v8, v3  }
0x1d6: {  	v9 =	vmul.f32 v10, v6;
	v10 =	vld [tilespmem:s19+$0xFFFFFFD0];
	[tilespmem:s11+$0x40] =	vst v11  }
0x1d7: {  	v7 =	vmul.f32 v7, v15;
	v11 =	vld [tilespmem:s19+$0x50];
	[tilespmem:s11+$0xE0] =	vst v8  }
0x1d8: {  	v8 =	vmul.f32 v12, v5;
	[tilespmem:s16+$0xFFFFFF90] =	vst v9;
	v9 =	vld [tilespmem:s19+$0xF0]  }
0x1d9: {  	v12 =	vld [tilespmem:s18+$0xFFFFFFA0];
	[tilespmem:s16+$0x10] =	vst v7;
	v7 =	vmul.f32 v13, v14  }
0x1da: {  	[tilespmem:s16+$0xFFFFFF10] =	vst v8;
	v8 =	vld [tilespmem:s18+$0x20];
	v13 =	vmul.f32 v16, v2  }
0x1db: {  	v16 =	vld [tilespmem:s18+$0xFFFFFF20];
	[tilespmem:s16+$0xA0] =	vst v7;
	v7 =	vmul.f32 v10, v1  }
0x1dc: {  	v10 =	vld [tilespmem:s18+$0xB0];
	[tilespmem:s11+$0xFFFFFF50] =	vst v13;
	v11 =	vmul.f32 v11, v4  }
0x1dd: {  	v13 =	vld [tilespmem:s19+$0xFFFFFF60];
	[tilespmem:s11+$0xFFFFFFD0] =	vst v7;
	v7 =	vmul.f32 v9, v3;
	v3 =	vmov v14  }
0x1de: {  	v9 =	vmul.f32 v12, v6;
	v14 =	vld [tilespmem:s19+$0xFFFFFFE0];
	[tilespmem:s11+$0x50] =	vst v11  }
0x1df: {  	v8 =	vmul.f32 v8, v15;
	v17 =	vld [tilespmem:s19+$0x60];
	[tilespmem:s11+$0xF0] =	vst v7  }
0x1e0: {  	v7 =	vmul.f32 v16, v5;
	[tilespmem:s16+$0xFFFFFFA0] =	vst v9;
	v9 =	vld [tilespmem:s12+$0x70];
	s12 =	smov.u32 s19;
	s19 =	smov.u32 s18  }
0x1e1: {  	v16 =	vld [tilespmem:s18+$0xFFFFFFB0];
	[tilespmem:s16+$0x20] =	vst v8;
	v8 =	vmul.f32 v10, v3  }
.Ltmp3:
0x1e2: {  	[tilespmem:s16+$0xFFFFFF20] =	vst v7;
	v12 =	vld [tilespmem:s18+$0x30];
	v7 =	vmul.f32 v13, v2;
	(pc) =	sbr.rel @p3 .LBB2_5-.Ltmp3, $4  }
0x1e3: {  	v11 =	vld [tilespmem:s18+$0xFFFFFF30];
	[tilespmem:s16+$0xB0] =	vst v8;
	v13 =	vmul.f32 v14, v1  }
0x1e4: {  	v10 =	vld [tilespmem:s18+$0xC0];
	[tilespmem:s11+$0xFFFFFF60] =	vst v7;
	v14 =	vmul.f32 v17, v4  }
0x1e5: {  	v8 =	vld [tilespmem:s12+$0xFFFFFF70];
	[tilespmem:s11+$0xFFFFFFE0] =	vst v13;
	v9 =	vmul.f32 v9, v0;
	v0 =	vmov v4;
	v4 =	vmov v15  }
0x1e6: {  	s23 =	sadd.s32 $0x4, s23;
	v13 =	vmul.f32 v16, v6;
	v7 =	vld [tilespmem:s12+$0xFFFFFFF0];
	[tilespmem:s11+$0x60] =	vst v14  }
0x1e7: {  	v12 =	vmul.f32 v12, v4  }
0x1e8: {  	v11 =	vmul.f32 v11, v5;
	[tilespmem:s16+$0xFFFFFFB0] =	vst v13  }
0x1e9: {  	[tilespmem:s16+$0x30] =	vst v12;
	v47 =	vld [tilespmem:s19+$0xFFFFFFC0]  }
0x1ea: {  	[tilespmem:s16+$0xFFFFFF30] =	vst v11;
	v48 =	vld [tilespmem:s19+$0x40]  }
0x1eb: {  	v11 =	vld [tilespmem:s19+$0xFFFFFF40];
	_ =	sdelay $0x1  }
0x1ec: {  	v10 =	vmul.f32 v10, v3  }
0x1ed: {  	v12 =	vmul.f32 v47, v6  }
0x1ee: {  	[tilespmem:s16+$0xC0] =	vst v10;
	v51 =	vmul.f32 v48, v4  }
0x1ef: {  	v50 =	vld [tilespmem:s19+$0xD0];
	v49 =	vmul.f32 v11, v5;
	[tilespmem:s16+$0xFFFFFFC0] =	vst v12  }
0x1f0: {  	v12 =	vld [tilespmem:s19+$0xFFFFFFD0];
	[tilespmem:s16+$0x40] =	vst v51  }
0x1f1: {  	[tilespmem:s16+$0xFFFFFF40] =	vst v49;
	v10 =	vld [tilespmem:s19+$0x50]  }
0x1f2: {  	v52 =	vld [tilespmem:s19+$0xFFFFFF50];
	_ =	sdelay $0x1  }
0x1f3: {  	v11 =	vmul.f32 v50, v3  }
0x1f4: {  	v12 =	vmul.f32 v12, v6  }
0x1f5: {  	[tilespmem:s16+$0xD0] =	vst v11;
	v10 =	vmul.f32 v10, v4  }
0x1f6: {  	v54 =	vld [tilespmem:s19+$0xE0];
	v53 =	vmul.f32 v52, v5;
	[tilespmem:s16+$0xFFFFFFD0] =	vst v12  }
0x1f7: {  	v12 =	vld [tilespmem:s19+$0xFFFFFFE0];
	[tilespmem:s16+$0x50] =	vst v10  }
0x1f8: {  	[tilespmem:s16+$0xFFFFFF50] =	vst v53;
	v10 =	vld [tilespmem:s19+$0x60]  }
0x1f9: {  	v11 =	vld [tilespmem:s19+$0xFFFFFF60];
	_ =	sdelay $0x1  }
0x1fa: {  	v13 =	vmul.f32 v54, v3  }
0x1fb: {  	v12 =	vmul.f32 v12, v6  }
0x1fc: {  	v55 =	vld [tilespmem:s12+$0x70];
	[tilespmem:s16+$0xE0] =	vst v13;
	v10 =	vmul.f32 v10, v4  }
0x1fd: {  	v13 =	vld [tilespmem:s19+$0xF0];
	v11 =	vmul.f32 v11, v5;
	[tilespmem:s16+$0xFFFFFFE0] =	vst v12  }
0x1fe: {  	v57 =	vld [tilespmem:s19+$0xFFFFFFF0];
	[tilespmem:s16+$0x60] =	vst v10  }
0x1ff: {  	v2 =	vmul.f32 v8, v2;
	[tilespmem:s16+$0xFFFFFF60] =	vst v11;
	v58 =	vld [tilespmem:s19+$0x70]  }
0x200: {  	[tilespmem:s10+$0x70] =	vst v9;
	v1 =	vmul.f32 v7, v1;
	v56 =	vld [tilespmem:s19+$0xFFFFFF70]  }
0x201: {  	[tilespmem:s11+$0xFFFFFF70] =	vst v2;
	v0 =	vmul.f32 v55, v0  }
0x202: {  	[tilespmem:s11+$0xFFFFFFF0] =	vst v1;
	v59 =	vmul.f32 v13, v3  }
0x203: {  	[tilespmem:s11+$0x70] =	vst v0;
	v61 =	vmul.f32 v57, v6  }
0x204: {  	[tilespmem:s16+$0xF0] =	vst v59;
	v62 =	vmul.f32 v58, v4  }
0x205: {  	v60 =	vmul.f32 v56, v5;
	[tilespmem:s16+$0xFFFFFFF0] =	vst v61  }
0x206: {  	[tilespmem:s16+$0x70] =	vst v62  }
0x207: {  	[tilespmem:s16+$0xFFFFFF70] =	vst v60  }
0x208: {  	v0 =	vld [tilespmem:$0x13A80]  }
0x209: {  	v1 =	vld [tilespmem:$0x13A90]  }
0x20a: {  	v2 =	vld [tilespmem:$0x13AA0]  }
0x20b: {  	v63 =	vld [tilespmem:$0x13AB0];
	_ =	sdelay $0x1  }
.Ltmp4:
0x20c: {  	[tilespmem:$0x1BE80] =	vst v0;
	(pc) =	sbr.rel @p2 .LBB2_8-.Ltmp4, $4  }
0x20d: {  	[tilespmem:$0x1BE90] =	vst v1  }
0x20e: {  	[tilespmem:$0x1BEA0] =	vst v2  }
0x20f: {  	s4 =	simm.s32 $0x1BE80;
	s23 =	simm.s32 $0x19E00;
	[tilespmem:$0x1BEB0] =	vst v63  }
0x210: {  	[spmem:s3] =	stream.indirect.scatter.add.f32 [tilespmem:s23], [sflag:$0x6], $0x80, s4, s14, $0xb8;
	[tilespmem:$0x1BF00] =	vst v63  }
0x211: {  	s4 =	sadd.s32 s24, s22  }
0x212: {  	s4 =	sshrl.u32 s4, $0x3  }
0x213: {  	s10 =	sadd.s32 s6, s4  }
0x214: {  	[tilespmem:s9], [sflag:$0x2] =	stream.linear.gather [hbm4b:s10+s5], $0x40, $0x38;
	[tilespmem:$0x1BF00] =	vst v63  }
0x215: {  	s11 =	simm.s32 $0x13A80;
	s18 =	sadd.s32 s2, s4  }
0x216: {  	[tilespmem:s11], [sflag:$0x2] =	stream.linear.gather [hbm4b:s18+s5], $0x40, $0x38;
	[tilespmem:$0x1BF00] =	vst v63  }
.Ltmp5:
0x217: {  	_ = 	snop;
	(pc) =	sbr.rel .LBB2_2-.Ltmp5, $4  }
0x218: {  	s23 =	simm.s32 $0x13B80;
	s19 =	sadd.s32 s7, s4  }
0x219: {  	[tilespmem:s23], [sflag:$0x2] =	stream.linear.gather [hbm4b:s19+s5], $0x40, $0x38;
	[tilespmem:$0x1BF00] =	vst v63  }
0x21a: {  	s24 =	simm.s32 $0x13C80;
	s13 =	sadd.s32 $0x1, s13;
	s4 =	sadd.s32 s8, s4  }
0x21b: {  	[tilespmem:s24], [sflag:$0x2] =	stream.linear.gather [hbm4b:s4+s5], $0x40, $0x38;
	[tilespmem:$0x1BF00] =	vst v63  }
.LBB2_9:
0x21c: {  	_ =	sfence.sel $0x180000  }
0x21d: {  	[bflag:$0x0] =	sbarrier.arrive $0xFFFF  }
0x21e: {  	_ =	strace $0x90000047  }
0x21f: {  	s0 =	stileid.u32;
	[bflag:$0x2] =	sbarrier.arrive $0xFFFF  }
0x220: {  	p0 =	sne.s32 s0, $0x0;
	s0 =	rddreg [dreg:$0x4]  }
0x221: {  	s0 =	sadd.s32 @!p0 $0x100000, s0  }
0x222: {  	[sflag:s0] =	ssyncadd.tile.s32 @!p0 $0x1;
	_ =	shalt  }
.Lfunc_end2:
_tile_overlayer_lowered:
.L_overlay_start_2:
0x223: {  	(tag) =	ssettag $0x2  }
0x224: {  	s0 =	rddreg [dreg:$0x0];
	s2 =	stileid.u32  }
0x225: {  	s1 =	rddreg [dreg:$0x1];
	p0 =	sne.s32 s2, $0x0  }
0x226: {  	s3 =	rddreg [dreg:$0x2];
	[bflag:$0x3] =	sbarrier.arrive $0xFFFF;
	s2 =	simm.s32 @!p0 $0x1C07  }
0x227: {  	[timem:s3], [sflag:s2] =	dma.local @!p0 [hbm:s0], s1  }
0x228: {  	s0 =	simm.s32 @!p0 $0x7  }
0x229: {  	_ =	swait.ge @!p0 [sflag:s0], s1  }
0x22a: {  	s1 =	ssub.s32 @!p0 $0x0, s1;
	[sflag:s0] =	ssyncset.done @!p0 $0x0  }
0x22b: {  	[sflag:s0] =	ssyncadd.s32 @!p0 s1  }
0x22c: {  	[bflag:$0x3] =	sbarrier.arrive $0xFFFF  }
0x22d: {  	_ =	shalt  }

// kernel: kernel.13.cloned.1.call-start
scs
__scs_entry_jumppad:
0x0: {  	(pc) =	sbr.rel $0x88, $3  }
0x1: {  	(tag) =	ssettag $0x0;
	lr =	simm.s32 $0x1  }
0x2: {  	[smem:$0x3F9A] =	sst lr;
	_ =	strace $0xD0000000  }
0x3: {  	_ = 	snop  }
0x4: {  	_ = 	snop  }
0x5: {  	_ = 	snop  }
0x6: {  	_ = 	snop  }
0x7: {  	_ = 	snop  }
__scs_overlays_trampoline_lowered:
0x8: {  	[smem:$0x3FA9] =	sst s0  }
0x9: {  	[smem:$0x3FAA] =	sst s1  }
0xa: {  	[smem:$0x3FAB] =	sst s2  }
0xb: {  	[smem:$0x3FAC] =	sst s3  }
0xc: {  	[smem:$0x3FAD] =	sst s4  }
0xd: {  	[smem:$0x3FAE] =	sst s5  }
0xe: {  	[smem:$0x3FAF] =	sst s6  }
0xf: {  	[smem:$0x3FB0] =	sst s7  }
0x10: {  	[smem:$0x3FB1] =	sst s8  }
0x11: {  	[smem:$0x3FB2] =	sst s9;
	s0 =	simm.s32 @!p0 $0x0  }
0x12: {  	s1 =	sld [smem:$0x3F98];
	s0 =	simm.s32 @p0 $0x1  }
0x13: {  	[smem:$0x3FB3] =	sst s0;
	s0 =	simm.s32 @!p1 $0x0  }
0x14: {  	s2 =	sld [smem:$0x3F97];
	s0 =	simm.s32 @p1 $0x1  }
0x15: {  	[smem:$0x3FB4] =	sst s0;
	s0 =	simm.s32 @!p2 $0x0  }
0x16: {  	s3 =	sld [smem:$0x3FDB];
	s0 =	simm.s32 @p2 $0x1  }
0x17: {  	s4 =	simm.s32 $0x1BF5;
	[smem:$0x3FB6] =	sst s0  }
0x18: {  	s0 =	sld [smem:$0x3F99];
	_ =	swait.ge [sflag:s4], $0x0  }
0x19: {  	s7 =	sld [smem:$0x3F9A]  }
0x1a: {  	s8 =	sadd.s32 $0xFFFFE003, lr  }
0x1b: {  	s9 =	sadd.s32 $0xFFFFFEF7, lr;
	s5 =	simm.s32 $0xFFFFFFFF;
	p2 =	slt.u32 s8, $0xFFFFF086  }
0x1c: {  	p1 =	slt.u32 s9, $0xF7A;
	s5 =	simm.s32 @!p2 $0x0  }
0x1d: {  	s5 =	simm.s32 @p1 $0x1;
	p0 =	seq.s32 s7, s2  }
0x1e: {  	s7 =	smul.u32 @!p0 $0xF7A, s2;
	p2 =	seq.s32 @!p0 s5, $0x0  }
0x1f: {  	s9 =	smul.u32 $0xF7A, s1;
	s8 =	simm.s32 @!p0 $0x1BF5;
	p2 =	por !p2, p0  }
0x20: {  	[sflag:s8] =	ssyncset.s32 @!p0 $0xFFFFF086;
	s6 =	sadd.s32 @!p0 s3, s7;
	s7 =	simm.s32 @!p0 $0x108  }
0x21: {  	s3 =	sadd.s32 s3, s9;
	s6 =	sadd.s32 @!p0 $0x88, s6;
	s7 =	simm.s32 @p2 $0x1082  }
0x22: {  	[simem:s7], [sflag:s8] =	dma.local @!p0 [hbm:s6], $0xF7A  }
0x23: {  	s9 =	sor.u32 $0xD0000000, s2;
	s6 =	simm.s32 $0x108;
	_ =	swait.ge @!p0 [sflag:s8], $0x0  }
0x24: {  	s3 =	sadd.s32 $0x88, s3;
	s6 =	simm.s32 @!p1 $0x1082;
	[sflag:s4] =	ssyncset.s32 $0xFFFFF086  }
0x25: {  	[simem:s6], [sflag:s4] =	dma.local [hbm:s3], $0xF7A  }
0x26: {  	[smem:$0x3F9A] =	sst s1;
	(tag) =	ssettag s2;
	_ =	strace s9  }
0x27: {  	s1 =	sld [smem:$0x3FAA]  }
0x28: {  	s2 =	sld [smem:$0x3FAB]  }
0x29: {  	s4 =	sld [smem:$0x3FAD]  }
0x2a: {  	p0 =	seq.s32 s5, $0x0;
	s5 =	sld [smem:$0x3FAE]  }
0x2b: {  	s6 =	sld [smem:$0x3FAF]  }
0x2c: {  	s7 =	sld [smem:$0x3FB0]  }
0x2d: {  	s3 =	simm.s32 $0x108;
	s8 =	sld [smem:$0x3FB1]  }
0x2e: {  	s3 =	simm.s32 @!p0 $0x1082;
	s9 =	sld [smem:$0x3FB2]  }
0x2f: {  	lr =	sadd.s32 s0, s3;
	s0 =	sld [smem:$0x3FA9]  }
0x30: {  	s3 =	sld [smem:$0x3FAC]  }
0x31: {  	[smem:$0x3FB5] =	sst s10  }
0x32: {  	s10 =	sld [smem:$0x3FB3];
	_ =	sdelay $0x3  }
0x33: {  	p0 =	seq.s32 s10, $0x1;
	s10 =	sld [smem:$0x3FB5];
	_ =	sdelay $0x3  }
0x34: {  	[smem:$0x3FB5] =	sst s10  }
0x35: {  	s10 =	sld [smem:$0x3FB4];
	_ =	sdelay $0x3  }
0x36: {  	p1 =	seq.s32 s10, $0x1;
	s10 =	sld [smem:$0x3FB5];
	_ =	sdelay $0x3  }
0x37: {  	[smem:$0x3FB5] =	sst s10  }
0x38: {  	s10 =	sld [smem:$0x3FB6]  }
0x39: {  	_ = 	snop;
	(pc) =	sbr.ind lr, $3  }
0x3a: {  	_ = 	snop  }
0x3b: {  	_ = 	snop  }
0x3c: {  	p2 =	seq.s32 s10, $0x1;
	s10 =	sld [smem:$0x3FB5]  }
0x3d: {  	_ =	shalt  }
0x3e: {  	_ =	shalt  }
0x3f: {  	_ =	shalt  }
0x40: {  	_ =	shalt  }
0x41: {  	_ =	shalt  }
0x42: {  	_ =	shalt  }
0x43: {  	_ =	shalt  }
0x44: {  	_ =	shalt  }
0x45: {  	_ =	shalt  }
0x46: {  	_ =	shalt  }
0x47: {  	_ =	shalt  }
0x48: {  	_ =	shalt  }
0x49: {  	_ =	shalt  }
0x4a: {  	_ =	shalt  }
0x4b: {  	_ =	shalt  }
0x4c: {  	_ =	shalt  }
0x4d: {  	_ =	shalt  }
0x4e: {  	_ =	shalt  }
0x4f: {  	_ =	shalt  }
0x50: {  	_ =	shalt  }
0x51: {  	_ =	shalt  }
0x52: {  	_ =	shalt  }
0x53: {  	_ =	shalt  }
0x54: {  	_ =	shalt  }
0x55: {  	_ =	shalt  }
0x56: {  	_ =	shalt  }
0x57: {  	_ =	shalt  }
0x58: {  	_ =	shalt  }
0x59: {  	_ =	shalt  }
0x5a: {  	_ =	shalt  }
0x5b: {  	_ =	shalt  }
0x5c: {  	_ =	shalt  }
0x5d: {  	_ =	shalt  }
0x5e: {  	_ =	shalt  }
0x5f: {  	_ =	shalt  }
0x60: {  	_ =	shalt  }
0x61: {  	_ =	shalt  }
0x62: {  	_ =	shalt  }
0x63: {  	_ =	shalt  }
0x64: {  	_ =	shalt  }
0x65: {  	_ =	shalt  }
0x66: {  	_ =	shalt  }
0x67: {  	_ =	shalt  }
0x68: {  	_ =	shalt  }
0x69: {  	_ =	shalt  }
0x6a: {  	_ =	shalt  }
0x6b: {  	_ =	shalt  }
0x6c: {  	_ =	shalt  }
0x6d: {  	_ =	shalt  }
0x6e: {  	_ =	shalt  }
0x6f: {  	_ =	shalt  }
0x70: {  	_ =	shalt  }
0x71: {  	_ =	shalt  }
0x72: {  	_ =	shalt  }
0x73: {  	_ =	shalt  }
0x74: {  	_ =	shalt  }
0x75: {  	_ =	shalt  }
0x76: {  	_ =	shalt  }
0x77: {  	_ =	shalt  }
0x78: {  	_ =	shalt  }
0x79: {  	_ =	shalt  }
0x7a: {  	_ =	shalt  }
0x7b: {  	_ =	shalt  }
0x7c: {  	_ =	shalt  }
0x7d: {  	_ =	shalt  }
0x7e: {  	_ =	shalt  }
0x7f: {  	_ =	shalt  }
0x80: {  	_ =	shalt  }
0x81: {  	_ =	shalt  }
0x82: {  	_ =	shalt  }
0x83: {  	_ =	shalt  }
0x84: {  	_ =	shalt  }
0x85: {  	_ =	shalt  }
0x86: {  	_ =	shalt  }
0x87: {  	_ =	shalt  }
.Lfunc_end0:
.L_simem_size_0:
called_computation.2_lowered:
.L_overlay_start_0:
0x88: {  	s2 =	sld [smem:$0x3FD9]  }
0x89: {  	s3 =	sld [smem:$0x3FFE];
	_ =	sdelay $0x1  }
0x8a: {  	s1 =	srdreg.scid  }
0x8b: {  	s0 =	sand.u32 $0x1, s1  }
0x8c: {  	s14 =	sshll.u32 s0, $0xA;
	s2 =	sadd.s32 s3, s2  }
0x8d: {  	s2 =	sadd.s32 s2, s14  }
0x8e: {  	[smem:$0x3FC1] =	sst s2  }
0x8f: {  	_ = 	snop  }
0x90: {  	s2 =	sld [smem:$0x3FD0];
	_ =	sdelay $0x2  }
0x91: {  	s15 =	simm.s32 $0xB;
	s4 =	simm.s32 $0x10  }
0x92: {  	[smem:s4], [sflag:s15] =	dma.local [hbm:s2], $0x1  }
0x93: {  	_ =	swait.eq [sflag:s15], $0x1  }
0x94: {  	[sflag:s15] =	ssyncset.done $0x0  }
0x95: {  	[sflag:s15] =	ssyncadd.s32 $0xFFFFFFFF  }
0x96: {  	s16 =	sld [smem:$0x10];
	(tm) =	ssettm $0x1  }
0x97: {  	s17 =	sld [smem:$0x3FFB];
	_ =	sdelay $0x3  }
0x98: {  	_ =	strace s17  }
0x99: {  	s3 =	sld [smem:$0x3FFC];
	_ =	sdelay $0x3  }
0x9a: {  	_ =	strace s3  }
0x9b: {  	s3 =	sld [smem:$0x3FFD];
	_ =	sdelay $0x3  }
0x9c: {  	_ =	strace s3  }
0x9d: {  	_ =	strace $0x8FFFFFFF  }
0x9e: {  	s18 =	sld [smem:$0x3FDB];
	_ =	sdelay $0x1  }
0x9f: {  	s19 =	simm.s32 $_scs_section_size  }
0xa0: {  	s5 =	simm.s32 $_size__tile_overlayer_lowered;
	s6 =	simm.s32 $_tile_overlayer_lowered  }
0xa1: {  	s22 =	simm.s32 $0x1BFF;
	s21 =	sshll.u32 s6, $0x1;
	s3 =	sadd.s32 s19, s18  }
0xa2: {  	s7 =	simm.s32 $0x0;
	s20 =	sshll.u32 s5, $0x1;
	s5 =	sadd.s32 s21, s3  }
0xa3: {  	[timem:s7], [sflag:s22] =	dma.local [hbm:s5], s20  }
0xa4: {  	_ =	swait.ge [sflag:s22], s20  }
0xa5: {  	s4 =	ssub.s32 $0x0, s20;
	[sflag:s22] =	ssyncset.done $0x0  }
0xa6: {  	[sflag:s22] =	ssyncadd.s32 s4;
	_ =	sdelay $0x1  }
0xa7: {  	s23 =	simm.s32 $0x1B8B  }
0xa8: {  	_ =	swait.ge [sflag:s23], $0x1  }
0xa9: {  	[sflag:s23] =	ssyncset.done $0x0  }
0xaa: {  	s25 =	simm.s32 $0x1B8E;
	s24 =	sld [smem:$0x3FFE];
	[sflag:s23] =	ssyncadd.s32 $0xFFFFFFFF  }
0xab: {  	s26 =	simm.s32 $execute0_lowered;
	[smem:$0x3FD2] =	sst s25  }
0xac: {  	s5 =	sshll.u32 s26, $0x1;
	_ =	strace $0x8000004C;
	[dreg:$0x1] =	wrdreg $0xFFFFFFFF  }
0xad: {  	s28 =	simm.s32 $_size_execute0_lowered;
	s3 =	sadd.s32 s3, s5;
	[dreg:$0x0] =	wrdreg $0x0  }
0xae: {  	s5 =	sshll.u32 s28, $0x1;
	[dreg:$0x2] =	wrdreg s3  }
0xaf: {  	[dreg:$0x3] =	wrdreg s5  }
0xb0: {  	[dreg:$0x4] =	wrdreg $0xC0  }
0xb1: {  	_ =	task [dreg:s7], $0x5FFFF  }
0xb2: {  	[dreg:$0x1] =	wrdreg $0xFFFFFFFF  }
0xb3: {  	[dreg:$0x0] =	wrdreg $0x60  }
0xb4: {  	[dreg:$0x2] =	wrdreg s24  }
0xb5: {  	[dreg:$0x3] =	wrdreg s16  }
0xb6: {  	[dreg:$0x4] =	wrdreg $0x0  }
0xb7: {  	[dreg:$0x5] =	wrdreg $0x9  }
0xb8: {  	_ =	task.clear_ibuf [dreg:s7], $0x6FFFF;
	_ =	strace $0x9000004C  }
0xb9: {  	s29 =	simm.s32 $0x9;
	_ =	strace $0x8000004E  }
0xba: {  	_ =	swait.ge [sflag:s29], $0x1  }
0xbb: {  	[sflag:s29] =	ssyncadd.s32 $0xFFFFFFFF  }
0xbc: {  	_ =	strace $0x9000004E  }
0xbd: {  	_ =	sfence  }
0xbe: {  	s30 =	sld [smem:$0x0];
	_ =	sdelay $0x2  }
0xbf: {  	s31 =	sshll.u32 s1, $0xD;
	s1 =	sshrl.u32 s1, $0x2  }
0xc0: {  	s3 =	sand.u32 $0x4000, s31;
	s1 =	sadd.s32 s1, s30  }
0xc1: {  	s0 =	sor.u32 s3, s0;
	s1 =	sshll.u32 s1, $0x11  }
0xc2: {  	s0 =	sor.u32 s1, s0  }
0xc3: {  	s0 =	sadd.s32 $0x8F2B, s0  }
0xc4: {  	[sflag:s0] =	ssyncadd.remote.s32 $0x1  }
0xc5: {  	_ =	sfence.sel $0xFFFF  }
0xc6: {  	[dreg:$0x0] =	wrdreg $0xFFFFFFFF;
	(pc) =	sbr.abs _section_cstart, $3  }
0xc7: {  	[dreg:$0x1] =	wrdreg $0xFFFFFFFF  }
0xc8: {  	_ =	task.clear_ibuf [dreg:s7], $0x2FFFF;
	_ =	strace $0x9FFFFFFF  }
0xc9: {  	(tm) =	ssettm $0x7FFFFFFF  }
tec
execute0_lowered:
.L_overlay_start_1:
0x0: {  	(tag) =	ssettag $0x1  }
0x1: {  	s0 =	rddreg [dreg:$0x0]  }
0x2: {  	s1 =	rddreg [dreg:$0x1]  }
0x3: {  	s2 =	rddreg [dreg:$0x2]  }
0x4: {  	s3 =	simm.s32 $0x0;
	s16 =	stileid.u32;
	s10 =	srdreg.scid  }
0x5: {  	s18 =	simm.s32 $0x1FF80;
	[smem:$0x7FF] =	sst s3;
	s5 =	sadd.s32 $0x96600, s0  }
0x6: {  	s6 =	sadd.s32 $0x48200, s0;
	s7 =	sadd.s32 $0x17000, s0;
	s4 =	smul.u32 $0x2780, s16  }
0x7: {  	s8 =	sadd.s32 $0x3000, s0;
	s9 =	sadd.s32 $0xD000, s0;
	s12 =	smul.u32 $0x4F000, s16  }
0x8: {  	s10 =	sand.u32 $0x1, s10;
	s13 =	sadd.s32 $0xE4A00, s0;
	s15 =	smul.u32 $0x5000, s16  }
0x9: {  	s19 =	smul.u32 $0x278, s16;
	p1 =	seq.s32 s16, $0xF;
	s31 =	sadd.s32 $0x128400, s2  }
0xa: {  	s16 =	simm.s32 $0x1BF00;
	_ =	strace $0x8000004D;
	s21 =	smul.u32 $0x2720, s10  }
0xb: {  	s11 =	ssub.s32 $0x2, s10;
	s25 =	smul.u32 $0x139000, s10;
	p0 =	seq.s32 s10, $0x0  }
0xc: {  	[dreg:$0x12] =	wrdreg s31;
	s10 =	simm.s32 $0x40;
	s4 =	sadd.s32 s4, s0  }
0xd: {  	s14 =	sshrl.u32 s11, $0x1;
	s12 =	sshrl.u32 s12, $0x2;
	s0 =	sadd.s32 $0x46080, s0  }
0xe: {  	s20 =	sshrl.u32 s15, $0x3;
	s12 =	sadd.s32 s12, s2;
	[dreg:$0x6] =	wrdreg s0  }
0xf: {  	s11 =	ssub.s32 s11, s14;
	s4 =	sadd.s32 $0x21000, s4;
	[dreg:$0x4] =	wrdreg s12  }
0x10: {  	s22 =	sadd.s32 s7, s20;
	s23 =	sadd.s32 s1, s20;
	[dreg:$0x5] =	wrdreg s4  }
0x11: {  	s24 =	sadd.s32 s8, s20;
	s17 =	sadd.s32 s9, s20;
	[dreg:$0x7] =	wrdreg s22  }
0x12: {  	s14 =	sadd.s32 s19, s21;
	s0 =	sshrl.u32 s25, $0x3;
	[dreg:$0x8] =	wrdreg s23  }
0x13: {  	s19 =	simm.s32 $0x1DF00;
	v0 =	vmov s21;
	s21 =	simm.s32 $0x6;
	[dreg:$0x9] =	wrdreg s24  }
0x14: {  	[dreg:$0xa] =	wrdreg s17;
	s4 =	sor.u32 $0x8, s20;
	s14 =	sshll.u32 s14, $0x4  }
0x15: {  	s0 =	sadd.s32 s13, s0;
	s22 =	sor.u32 $0x80, s15;
	s30 =	smax.u32 s11, $0x1  }
0x16: {  	s23 =	sor.u32 $0xC0, s15;
	s26 =	sadd.s32 s7, s4;
	[dreg:$0x11] =	wrdreg s30  }
0x17: {  	s11 =	simm.s32 $0x2;
	s14 =	sadd.s32 s13, s14;
	[dreg:$0xb] =	wrdreg s26  }
.Ltmp0:
0x18: {  	s28 =	sadd.s32 s1, s4;
	[dreg:$0xc] =	wrdreg s14;
	(pc) =	sbr.rel .LBB2_1-.Ltmp0, $4  }
0x19: {  	s15 =	simm.s32 $0x1FF00;
	s29 =	sadd.s32 s8, s4;
	[dreg:$0xd] =	wrdreg s28  }
0x1a: {  	s17 =	simm.s32 $0x4;
	s4 =	sadd.s32 s9, s4;
	[dreg:$0xe] =	wrdreg s29  }
0x1b: {  	s0 =	sadd.s32 $0x25080, s0;
	s13 =	simm.s32 $0x0;
	[dreg:$0xf] =	wrdreg s4  }
0x1c: {  	[dreg:$0x10] =	wrdreg s0;
	s0 =	simm.s32 $0x13980;
	s14 =	simm.s32 $0x3  }
.LBB2_8:
0x1d: {  	s4 =	simm.s32 $0x5  }
0x1e: {  	_ =	swait.ge [sflag:s4], $0x2000  }
0x1f: {  	[sflag:s4] =	ssyncset.done $0x0  }
0x20: {  	[sflag:s4] =	ssyncadd.s32 $0xFFFFE000  }
0x21: {  	_ =	swait.ge [sflag:s21], $0x2000  }
0x22: {  	[sflag:s21] =	ssyncset.done $0x0  }
0x23: {  	[sflag:s21] =	ssyncadd.s32 $0xFFFFE000  }
0x24: {  	[bflag:$0x0] =	sbarrier.arrive $0xFFFF  }
0x25: {  	s12 =	rddreg [dreg:$0x10]  }
0x26: {  	s4 =	simm.s32 @p1 $0x1FC7;
	s13 =	rddreg [dreg:$0x14]  }
0x27: {  	[hbm:s12], [sflag:s4] =	dma.local @p1 [spmem:s13], $0x2180  }
0x28: {  	s4 =	simm.s32 @p1 $0x7  }
0x29: {  	_ =	swait.ge @p1 [sflag:s4], $0x2180  }
0x2a: {  	s12 =	rddreg [dreg:$0x15]  }
0x2b: {  	[sflag:s4] =	ssyncset.done @p1 $0x0;
	s13 =	rddreg [dreg:$0x16]  }
0x2c: {  	[sflag:s4] =	ssyncadd.s32 @p1 $0xFFFFDE80;
	s4 =	rddreg [dreg:$0xc]  }
0x2d: {  	[hbm:s4], [sflag:s12] =	dma.local @!p1 [spmem:s13], $0x2780  }
0x2e: {  	s4 =	simm.s32 @!p1 $0x7  }
0x2f: {  	_ =	swait.ge @!p1 [sflag:s4], $0x2780  }
0x30: {  	s30 =	rddreg [dreg:$0x13]  }
0x31: {  	s31 =	rddreg [dreg:$0x11];
	s13 =	sadd.s32 $0x1, s30  }
0x32: {  	p2 =	sne.s32 s13, s31  }
.Ltmp1:
0x33: {  	_ = 	snop;
	(pc) =	sbr.rel @!p2 .LBB2_9-.Ltmp1, $3  }
0x34: {  	_ =	sdelay $0x1  }
0x35: {  	[sflag:s4] =	ssyncset.done @!p1 $0x0  }
0x36: {  	[sflag:s4] =	ssyncadd.s32 @!p1 $0xFFFFD880  }
.LBB2_1:
0x37: {  	[dreg:$0x13] =	wrdreg s13  }
0x38: {  	s4 =	rddreg [dreg:$0x12]  }
0x39: {  	s12 =	rddreg [dreg:$0x6];
	s13 =	sshrl.u32 @p1 s4, $0x3  }
0x3a: {  	s4 =	simm.s32 @p1 $0x1FC7;
	[dreg:$0x14] =	wrdreg s13  }
0x3b: {  	[spmem:s13], [sflag:s4] =	dma.local @p1 [hbm:s12], $0x2180  }
0x3c: {  	s4 =	simm.s32 @p1 $0x7  }
0x3d: {  	s12 =	stileid.u32;
	_ =	swait.ge @p1 [sflag:s4], $0x2180  }
0x3e: {  	s12 =	sshll.u32 @!p1 s12, $0x6;
	[sflag:s4] =	ssyncset.done @p1 $0x0  }
0x3f: {  	s12 =	sor.u32 @!p1 $0x1C07, s12;
	[sflag:s4] =	ssyncadd.s32 @p1 $0xFFFFDE80;
	s4 =	rddreg [dreg:$0x4]  }
0x40: {  	[dreg:$0x15] =	wrdreg s12  }
0x41: {  	s13 =	sshrl.u32 @!p1 s4, $0x3;
	s4 =	rddreg [dreg:$0x5]  }
0x42: {  	[dreg:$0x16] =	wrdreg s13  }
0x43: {  	[spmem:s13], [sflag:s12] =	dma.local @!p1 [hbm:s4], $0x2780  }
0x44: {  	s4 =	simm.s32 @!p1 $0x7  }
0x45: {  	_ =	swait.ge @!p1 [sflag:s4], $0x2780  }
0x46: {  	[sflag:s4] =	ssyncset.done @!p1 $0x0  }
0x47: {  	[sflag:s4] =	ssyncadd.s32 @!p1 $0xFFFFD880  }
0x48: {  	[bflag:$0x0] =	sbarrier.arrive $0xFFFF  }
0x49: {  	s12 =	simm.s32 $0x13900;
	s20 =	rddreg [dreg:$0x7]  }
0x4a: {  	[tilespmem:s12], [sflag:$0x1] =	stream.linear.gather [hbm4b:s20+s3], $0x40, $0x38;
	v63 =	vld [tilespmem:$0x0]  }
0x4b: {  	s25 =	simm.s32 $0x13A00;
	s24 =	rddreg [dreg:$0x8]  }
0x4c: {  	[tilespmem:s25], [sflag:$0x1] =	stream.linear.gather [hbm4b:s24+s3], $0x40, $0x38;
	v63 =	vld [tilespmem:$0x0]  }
0x4d: {  	s28 =	simm.s32 $0x13B00;
	s26 =	rddreg [dreg:$0x9]  }
0x4e: {  	[tilespmem:s28], [sflag:$0x1] =	stream.linear.gather [hbm4b:s26+s3], $0x40, $0x38;
	v63 =	vld [tilespmem:$0x0]  }
0x4f: {  	s30 =	simm.s32 $0x13C00;
	s29 =	rddreg [dreg:$0xa]  }
0x50: {  	[tilespmem:s30], [sflag:$0x1] =	stream.linear.gather [hbm4b:s29+s3], $0x40, $0x38;
	v63 =	vld [tilespmem:$0x0]  }
0x51: {  	s31 =	rddreg [dreg:$0xb]  }
0x52: {  	[tilespmem:s0], [sflag:$0x2] =	stream.linear.gather [hbm4b:s31+s3], $0x40, $0x38;
	v63 =	vld [tilespmem:$0x0]  }
0x53: {  	s13 =	rddreg [dreg:$0xd];
	s20 =	simm.s32 $0x13A80  }
0x54: {  	[tilespmem:s20], [sflag:$0x2] =	stream.linear.gather [hbm4b:s13+s3], $0x40, $0x38;
	v63 =	vld [tilespmem:$0x0]  }
0x55: {  	s24 =	rddreg [dreg:$0xe];
	s25 =	simm.s32 $0x13B80  }
0x56: {  	[tilespmem:s25], [sflag:$0x2] =	stream.linear.gather [hbm4b:s24+s3], $0x40, $0x38;
	v63 =	vld [tilespmem:$0x0]  }
0x57: {  	s26 =	rddreg [dreg:$0xf];
	s28 =	simm.s32 $0x13C80;
	s29 =	simm.s32 $0x1  }
0x58: {  	[tilespmem:s28], [sflag:$0x2] =	stream.linear.gather [hbm4b:s26+s3], $0x40, $0x38;
	v63 =	vld [tilespmem:$0x0]  }
0x59: {  	_ =	swait.ge [sflag:s29], $0x40  }
0x5a: {  	[sflag:s29] =	ssyncset.done $0x0  }
0x5b: {  	[sflag:s29] =	ssyncadd.s32 $0xFFFFFFC0  }
0x5c: {  	_ =	swait.ge [sflag:s29], $0x40  }
0x5d: {  	[sflag:s29] =	ssyncset.done $0x0  }
0x5e: {  	[sflag:s29] =	ssyncadd.s32 $0xFFFFFFC0  }
0x5f: {  	_ =	swait.ge [sflag:s29], $0x40  }
0x60: {  	[sflag:s29] =	ssyncset.done $0x0  }
0x61: {  	[sflag:s29] =	ssyncadd.s32 $0xFFFFFFC0  }
0x62: {  	_ =	swait.ge [sflag:s29], $0x40  }
0x63: {  	[sflag:s29] =	ssyncset.done $0x0  }
0x64: {  	[sflag:s29] =	ssyncadd.s32 $0xFFFFFFC0  }
0x65: {  	v1 =	vld [tilespmem:$0x13900]  }
0x66: {  	v2 =	vld [tilespmem:$0x13910]  }
0x67: {  	v3 =	vld [tilespmem:$0x13920]  }
0x68: {  	v4 =	vld [tilespmem:$0x13930];
	_ =	sdelay $0x1  }
0x69: {  	v1 =	vadd.s32 v0, v1  }
0x6a: {  	[tilespmem:$0x13900] =	vst v1;
	v1 =	vadd.s32 v0, v2  }
0x6b: {  	[tilespmem:$0x13910] =	vst v1;
	v1 =	vadd.s32 v0, v3  }
0x6c: {  	[tilespmem:$0x13920] =	vst v1;
	v1 =	vadd.s32 v0, v4  }
0x6d: {  	s30 =	simm.s32 $0x13F00;
	[tilespmem:$0x13930] =	vst v1  }
0x6e: {  	[tilespmem:s30], [sflag:$0x3] =	stream.indirect.gather [hbm4b:s5+s10], $0x80, s12, s10, $0xb8;
	v63 =	vld [tilespmem:$0x0]  }
0x6f: {  	s31 =	simm.s32 $0x17F00;
	s20 =	simm.s32 $0x0  }
0x70: {  	[tilespmem:s31], [sflag:$0x3] =	stream.indirect.gather [hbm4b:s6+s10], $0x80, s12, s10, $0xb8;
	v63 =	vld [tilespmem:$0x0]  }
.LBB2_2:
0x71: {  	_ =	swait.ge [sflag:s11], $0x40  }
0x72: {  	[sflag:s11] =	ssyncset.done $0x0  }
0x73: {  	[sflag:s11] =	ssyncadd.s32 $0xFFFFFFC0  }
0x74: {  	_ =	swait.ge [sflag:s11], $0x40  }
0x75: {  	[sflag:s11] =	ssyncset.done $0x0  }
0x76: {  	[sflag:s11] =	ssyncadd.s32 $0xFFFFFFC0  }
0x77: {  	_ =	swait.ge [sflag:s11], $0x40  }
0x78: {  	[sflag:s11] =	ssyncset.done $0x0  }
0x79: {  	[sflag:s11] =	ssyncadd.s32 $0xFFFFFFC0  }
0x7a: {  	_ =	swait.ge [sflag:s11], $0x40  }
0x7b: {  	[sflag:s11] =	ssyncset.done $0x0  }
0x7c: {  	[sflag:s11] =	ssyncadd.s32 $0xFFFFFFC0  }
0x7d: {  	v1 =	vld [tilespmem:$0x13980]  }
0x7e: {  	v2 =	vld [tilespmem:$0x13990]  }
0x7f: {  	v3 =	vld [tilespmem:$0x139A0]  }
0x80: {  	v4 =	vld [tilespmem:$0x139B0];
	_ =	sdelay $0x1  }
0x81: {  	v1 =	vadd.s32 v0, v1  }
0x82: {  	[tilespmem:$0x13980] =	vst v1;
	v1 =	vadd.s32 v0, v2  }
0x83: {  	[tilespmem:$0x13990] =	vst v1;
	v1 =	vadd.s32 v0, v3  }
0x84: {  	[tilespmem:$0x139A0] =	vst v1;
	v1 =	vadd.s32 v0, v4  }
0x85: {  	s4 =	simm.s32 $0x15F00;
	p2 =	seq.s32 s20, $0x0;
	[tilespmem:$0x139B0] =	vst v1  }
0x86: {  	[tilespmem:s4], [sflag:$0x4] =	stream.indirect.gather [hbm4b:s5+s10], $0x80, s0, s10, $0xb8;
	v63 =	vld [tilespmem:$0x0]  }
0x87: {  	s13 =	simm.s32 $0x19F00;
	s4 =	simm.s32 @!p2 $0x5  }
0x88: {  	[tilespmem:s13], [sflag:$0x4] =	stream.indirect.gather [hbm4b:s6+s10], $0x80, s0, s10, $0xb8;
	v63 =	vld [tilespmem:$0x0]  }
0x89: {  	_ =	swait.ge @!p2 [sflag:s4], $0x2000  }
0x8a: {  	[sflag:s4] =	ssyncset.done @!p2 $0x0  }
0x8b: {  	[sflag:s4] =	ssyncadd.s32 @!p2 $0xFFFFE000  }
0x8c: {  	_ =	swait.ge [sflag:s14], $0x2000  }
0x8d: {  	[sflag:s14] =	ssyncset.done $0x0  }
0x8e: {  	[sflag:s14] =	ssyncadd.s32 $0xFFFFE000  }
0x8f: {  	_ =	swait.ge [sflag:s14], $0x2000  }
0x90: {  	[sflag:s14] =	ssyncset.done $0x0  }
0x91: {  	[sflag:s14] =	ssyncadd.s32 $0xFFFFE000  }
0x92: {  	v1 =	vld [tilespmem:$0x13C00]  }
0x93: {  	v2 =	vld [tilespmem:$0x13B00]  }
0x94: {  	v3 =	vld [tilespmem:$0x13C10]  }
0x95: {  	v4 =	vld [tilespmem:$0x13B10]  }
0x96: {  	v5 =	vld [tilespmem:$0x13C20]  }
0x97: {  	v7 =	vld [tilespmem:$0x13B20];
	v6 =	vsub.f32 $0.0e+00, v1  }
0x98: {  	v8 =	vld [tilespmem:$0x13C30];
	v1 =	vpsel p0, v2, v1  }
0x99: {  	[tilespmem:$0x13D00] =	vst v1;
	v1 =	vpsel p0, v6, v2;
	v2 =	vsub.f32 $0.0e+00, v3;
	v6 =	vld [tilespmem:$0x13B30]  }
0x9a: {  	[tilespmem:$0x13E00] =	vst v1;
	v1 =	vpsel p0, v4, v3  }
0x9b: {  	[tilespmem:$0x13D10] =	vst v1;
	v1 =	vpsel p0, v2, v4;
	v2 =	vsub.f32 $0.0e+00, v5  }
0x9c: {  	[tilespmem:$0x13E10] =	vst v1;
	v1 =	vpsel p0, v7, v5  }
0x9d: {  	[tilespmem:$0x13D20] =	vst v1;
	v1 =	vpsel p0, v2, v7;
	v2 =	vsub.f32 $0.0e+00, v8  }
0x9e: {  	[tilespmem:$0x13E20] =	vst v1;
	v1 =	vpsel p0, v6, v8  }
0x9f: {  	[tilespmem:$0x13D30] =	vst v1;
	v1 =	vpsel p0, v2, v6  }
0xa0: {  	s25 =	simm.s32 $0x14000;
	[tilespmem:$0x13E30] =	vst v1  }
0xa1: {  	s24 =	simm.s32 $0x13D02;
	v1 =	vld [tilespmem:s25+$0x80]  }
0xa2: {  	s12 =	simm.s32 $0x13E02;
	v14 =	vld.msk [tilespmem:s24+$0x1 ss:$0x0], $0xffff  }
0xa3: {  	s31 =	simm.s32 $0x18000;
	v15 =	vld.msk [tilespmem:s12+$0x1 ss:$0x0], $0xffff  }
0xa4: {  	v2 =	vld [tilespmem:s31+$0x80];
	_ =	sdelay $0x4  }
0xa5: {  	v1 =	vmul.f32 v1, v14;
	v2 =	vmul.f32 v2, v15;
	_ =	sdelay $0x1  }
0xa6: {  	v11 =	vld.msk [tilespmem:s24+$0xFFFFFFFE ss:$0x0], $0xffff;
	v1 =	vadd.f32 v2, v1  }
0xa7: {  	s26 =	simm.s32 $0x1C000;
	v12 =	vld.msk [tilespmem:s24+$0xFFFFFFFF ss:$0x0], $0xffff  }
0xa8: {  	v13 =	vld.msk [tilespmem:s12+$0xFFFFFFFF ss:$0x0], $0xffff;
	[tilespmem:s26+$0x80] =	vst v1  }
0xa9: {  	v2 =	vld [tilespmem:s25+$0x90]  }
0xaa: {  	v3 =	vld [tilespmem:s31+$0x90]  }
0xab: {  	v4 =	vld [tilespmem:s25+$0xFFFFFF80]  }
0xac: {  	v5 =	vld [tilespmem:s31+$0xFFFFFF80]  }
0xad: {  	v16 =	vld.msk [tilespmem:s12+$0xFFFFFFFE ss:$0x0], $0xffff  }
0xae: {  	v10 =	vld.msk [tilespmem:s24+$0x0 ss:$0x0], $0xffff  }
0xaf: {  	v6 =	vld [tilespmem:s31+$0xFFFFFF00];
	v2 =	vmul.f32 v2, v14;
	v3 =	vmul.f32 v3, v15  }
0xb0: {  	v7 =	vld [tilespmem:s25+$0xFFFFFF00]  }
0xb1: {  	v8 =	vld [tilespmem:s31+$0x0];
	v4 =	vmul.f32 v4, v12;
	v5 =	vmul.f32 v5, v13;
	v2 =	vadd.f32 v3, v2  }
0xb2: {  	v1 =	vld.msk [tilespmem:s12+$0x0 ss:$0x0], $0xffff  }
0xb3: {  	v4 =	vadd.f32 v5, v4;
	v3 =	vld [tilespmem:s25+$0x0];
	[tilespmem:s26+$0x90] =	vst v2  }
0xb4: {  	v2 =	vld [tilespmem:s25+$0xA0]  }
0xb5: {  	[tilespmem:s26+$0xFFFFFF80] =	vst v4;
	v4 =	vld [tilespmem:s31+$0xA0]  }
0xb6: {  	v5 =	vmul.f32 v6, v16;
	v6 =	vmul.f32 v7, v11;
	v7 =	vld [tilespmem:s25+$0xFFFFFF90]  }
0xb7: {  	v9 =	vld [tilespmem:s31+$0xFFFFFF90]  }
0xb8: {  	v5 =	vadd.f32 v5, v6;
	v8 =	vmul.f32 v8, v1;
	v3 =	vmul.f32 v3, v10;
	_ =	sdelay $0x1  }
0xb9: {  	[tilespmem:s26+$0xFFFFFF00] =	vst v5;
	v3 =	vadd.f32 v8, v3;
	v2 =	vmul.f32 v2, v14;
	v4 =	vmul.f32 v4, v15  }
0xba: {  	v5 =	vld [tilespmem:s25+$0xFFFFFF10]  }
0xbb: {  	v6 =	vmul.f32 v7, v12;
	v7 =	vmul.f32 v9, v13;
	[tilespmem:s26+$0x0] =	vst v3;
	v3 =	vld [tilespmem:s31+$0xFFFFFF10];
	v2 =	vadd.f32 v4, v2  }
0xbc: {  	v4 =	vld [tilespmem:s25+$0x10]  }
0xbd: {  	v6 =	vadd.f32 v7, v6;
	v8 =	vld [tilespmem:s31+$0x10];
	[tilespmem:s26+$0xA0] =	vst v2  }
0xbe: {  	v2 =	vld [tilespmem:s25+$0xB0]  }
0xbf: {  	[tilespmem:s26+$0xFFFFFF90] =	vst v6;
	v6 =	vld [tilespmem:s31+$0xB0]  }
0xc0: {  	v5 =	vmul.f32 v5, v11;
	v7 =	vld [tilespmem:s25+$0xFFFFFFA0];
	v3 =	vmul.f32 v3, v16  }
0xc1: {  	v9 =	vld [tilespmem:s31+$0xFFFFFFA0]  }
0xc2: {  	v4 =	vmul.f32 v4, v10;
	v8 =	vmul.f32 v8, v1;
	v3 =	vadd.f32 v3, v5;
	_ =	sdelay $0x1  }
0xc3: {  	v4 =	vadd.f32 v8, v4;
	[tilespmem:s26+$0xFFFFFF10] =	vst v3;
	v2 =	vmul.f32 v2, v14;
	v3 =	vmul.f32 v6, v15  }
0xc4: {  	v5 =	vld [tilespmem:s25+$0xFFFFFF20]  }
0xc5: {  	v6 =	vmul.f32 v7, v12;
	v7 =	vmul.f32 v9, v13;
	[tilespmem:s26+$0x10] =	vst v4;
	v4 =	vld [tilespmem:s31+$0xFFFFFF20];
	v2 =	vadd.f32 v3, v2  }
0xc6: {  	v3 =	vld [tilespmem:s25+$0x20]  }
0xc7: {  	v8 =	vld [tilespmem:s31+$0x20];
	v6 =	vadd.f32 v7, v6;
	[tilespmem:s26+$0xB0] =	vst v2  }
0xc8: {  	v2 =	vld [tilespmem:s25+$0xC0]  }
0xc9: {  	[tilespmem:s26+$0xFFFFFFA0] =	vst v6;
	v6 =	vld [tilespmem:s31+$0xC0]  }
0xca: {  	v7 =	vld [tilespmem:s25+$0xFFFFFFB0];
	v5 =	vmul.f32 v5, v11;
	v4 =	vmul.f32 v4, v16  }
0xcb: {  	v9 =	vld [tilespmem:s31+$0xFFFFFFB0]  }
0xcc: {  	v3 =	vmul.f32 v3, v10;
	v4 =	vadd.f32 v4, v5;
	v5 =	vmul.f32 v8, v1;
	_ =	sdelay $0x1  }
0xcd: {  	[tilespmem:s26+$0xFFFFFF20] =	vst v4;
	v3 =	vadd.f32 v5, v3;
	v2 =	vmul.f32 v2, v14;
	v4 =	vmul.f32 v6, v15  }
0xce: {  	v5 =	vld [tilespmem:s25+$0xFFFFFF30]  }
0xcf: {  	v6 =	vld [tilespmem:s31+$0xFFFFFF30];
	[tilespmem:s26+$0x20] =	vst v3;
	v3 =	vmul.f32 v7, v12;
	v7 =	vmul.f32 v9, v13;
	v2 =	vadd.f32 v4, v2  }
0xd0: {  	v4 =	vld [tilespmem:s25+$0x30]  }
0xd1: {  	v8 =	vld [tilespmem:s31+$0x30];
	v3 =	vadd.f32 v7, v3;
	[tilespmem:s26+$0xC0] =	vst v2  }
0xd2: {  	v2 =	vld [tilespmem:s25+$0xD0]  }
0xd3: {  	[tilespmem:s26+$0xFFFFFFB0] =	vst v3;
	v3 =	vld [tilespmem:s31+$0xD0];
	_ =	sdelay $0x1  }
0xd4: {  	v5 =	vmul.f32 v5, v11;
	v6 =	vmul.f32 v6, v16;
	v7 =	vld [tilespmem:s25+$0xFFFFFFC0]  }
0xd5: {  	s30 =	simm.s32 $0x18200;
	v9 =	vld [tilespmem:s31+$0xFFFFFFC0]  }
0xd6: {  	s28 =	simm.s32 $0x14200;
	v26 =	vld [tilespmem:s30+$0xFFFFFF00];
	v4 =	vmul.f32 v4, v10;
	v5 =	vadd.f32 v6, v5;
	v6 =	vmul.f32 v8, v1  }
0xd7: {  	v28 =	vld [tilespmem:s28+$0xFFFFFF80];
	v2 =	vmul.f32 v2, v14;
	v3 =	vmul.f32 v3, v15  }
0xd8: {  	v8 =	vld [tilespmem:s30+$0x80];
	[tilespmem:s26+$0xFFFFFF30] =	vst v5;
	v4 =	vadd.f32 v6, v4  }
0xd9: {  	v19 =	vld [tilespmem:s25+$0xFFFFFF40];
	v2 =	vadd.f32 v3, v2  }
0xda: {  	v20 =	vld [tilespmem:s31+$0xFFFFFF40];
	[tilespmem:s26+$0x30] =	vst v4;
	v4 =	vmul.f32 v7, v12;
	v5 =	vmul.f32 v9, v13  }
0xdb: {  	v7 =	vld [tilespmem:s28+$0x80];
	[tilespmem:s26+$0xD0] =	vst v2  }
0xdc: {  	v3 =	vadd.f32 v5, v4;
	v4 =	vld [tilespmem:s25+$0xE0]  }
0xdd: {  	v5 =	vld [tilespmem:s31+$0xE0]  }
0xde: {  	v21 =	vld [tilespmem:s25+$0x40]  }
0xdf: {  	s24 =	simm.s32 $0x13D06;
	v22 =	vld [tilespmem:s31+$0x40]  }
0xe0: {  	s29 =	simm.s32 $0x13E06;
	v2 =	vld.msk [tilespmem:s24+$0x1 ss:$0x0], $0xffff  }
0xe1: {  	[tilespmem:s26+$0xFFFFFFC0] =	vst v3;
	v3 =	vld.msk [tilespmem:s29+$0x1 ss:$0x0], $0xffff  }
0xe2: {  	v29 =	vld [tilespmem:s30+$0xFFFFFF80];
	v4 =	vmul.f32 v4, v14;
	v6 =	vmul.f32 v5, v15  }
0xe3: {  	v35 =	vld [tilespmem:s28+$0x0];
	v19 =	vmul.f32 v19, v11;
	v20 =	vmul.f32 v20, v16  }
0xe4: {  	v30 =	vld [tilespmem:s30+$0x0];
	v9 =	vadd.f32 v6, v4  }
0xe5: {  	v23 =	vld [tilespmem:s25+$0xFFFFFFD0];
	v21 =	vmul.f32 v21, v10;
	v19 =	vadd.f32 v20, v19;
	v20 =	vmul.f32 v22, v1  }
0xe6: {  	v24 =	vld [tilespmem:s31+$0xFFFFFFD0];
	v25 =	vmul.f32 v8, v3;
	[tilespmem:s26+$0xE0] =	vst v9;
	v9 =	vmul.f32 v7, v2  }
0xe7: {  	[tilespmem:s26+$0xFFFFFF40] =	vst v19;
	v19 =	vadd.f32 v20, v21;
	v20 =	vld [tilespmem:s28+$0xFFFFFF00]  }
0xe8: {  	v5 =	vld.msk [tilespmem:s24+$0xFFFFFFFE ss:$0x0], $0xffff;
	v25 =	vadd.f32 v25, v9  }
0xe9: {  	s4 =	simm.s32 $0x1C200;
	v8 =	vld.msk [tilespmem:s29+$0xFFFFFFFF ss:$0x0], $0xffff  }
0xea: {  	v38 =	vld [tilespmem:s25+$0xFFFFFF50];
	[tilespmem:s4+$0x80] =	vst v25  }
0xeb: {  	v25 =	vld [tilespmem:s28+$0x90]  }
0xec: {  	v27 =	vld [tilespmem:s30+$0x90]  }
0xed: {  	v40 =	vld [tilespmem:s31+$0xFFFFFF50]  }
0xee: {  	v4 =	vld.msk [tilespmem:s24+$0xFFFFFFFF ss:$0x0], $0xffff  }
0xef: {  	[tilespmem:s26+$0x40] =	vst v19;
	v6 =	vld.msk [tilespmem:s29+$0xFFFFFFFE ss:$0x0], $0xffff  }
0xf0: {  	v41 =	vld [tilespmem:s25+$0x50]  }
0xf1: {  	v7 =	vld.msk [tilespmem:s24+$0x0 ss:$0x0], $0xffff;
	v36 =	vmul.f32 v25, v2;
	v37 =	vmul.f32 v27, v3  }
0xf2: {  	v9 =	vld.msk [tilespmem:s29+$0x0 ss:$0x0], $0xffff  }
0xf3: {  	v43 =	vld [tilespmem:s31+$0x50];
	v39 =	vmul.f32 v29, v8;
	v19 =	vmul.f32 v28, v4;
	v21 =	vadd.f32 v37, v36  }
0xf4: {  	v17 =	vld [tilespmem:s25+$0xF0]  }
0xf5: {  	v18 =	vld [tilespmem:s31+$0xF0];
	v20 =	vmul.f32 v20, v5;
	v26 =	vmul.f32 v26, v6;
	v19 =	vadd.f32 v39, v19;
	[tilespmem:s4+$0x90] =	vst v21  }
0xf6: {  	v44 =	vld [tilespmem:s28+$0xA0]  }
0xf7: {  	v22 =	vmul.f32 v35, v7;
	v20 =	vadd.f32 v26, v20;
	v42 =	vmul.f32 v30, v9;
	[tilespmem:s4+$0xFFFFFF80] =	vst v19;
	v45 =	vld [tilespmem:s30+$0xA0]  }
0xf8: {  	v46 =	vld [tilespmem:s28+$0xFFFFFF90]  }
0xf9: {  	v48 =	vmul.f32 v24, v13;
	[tilespmem:s4+$0xFFFFFF00] =	vst v20;
	v20 =	vmul.f32 v23, v12;
	v47 =	vld [tilespmem:s30+$0xFFFFFF90];
	v19 =	vadd.f32 v42, v22  }
0xfa: {  	v50 =	vld [tilespmem:s28+$0xFFFFFF10];
	v27 =	vmul.f32 v38, v11;
	v25 =	vmul.f32 v40, v16  }
0xfb: {  	v51 =	vld [tilespmem:s30+$0xFFFFFF10];
	v20 =	vadd.f32 v48, v20;
	[tilespmem:s4+$0x0] =	vst v19  }
0xfc: {  	v19 =	vld [tilespmem:s28+$0x10];
	v49 =	vadd.f32 v25, v27;
	v30 =	vmul.f32 v44, v2;
	v22 =	vmul.f32 v45, v3  }
0xfd: {  	[tilespmem:s26+$0xFFFFFFD0] =	vst v20;
	v52 =	vld [tilespmem:s30+$0x10]  }
0xfe: {  	v56 =	vld [tilespmem:s25+$0xFFFFFFE0];
	v53 =	vmul.f32 v46, v4;
	v54 =	vmul.f32 v47, v8;
	[tilespmem:s26+$0xFFFFFF50] =	vst v49;
	v22 =	vadd.f32 v22, v30  }
0xff: {  	v55 =	vld [tilespmem:s25+$0xFFFFFF60]  }
0x100: {  	v25 =	vmul.f32 v50, v5;
	v57 =	vmul.f32 v51, v6;
	v20 =	vld [tilespmem:s31+$0xFFFFFF60];
	v24 =	vadd.f32 v54, v53;
	[tilespmem:s4+$0xA0] =	vst v22  }
0x101: {  	v58 =	vld [tilespmem:s28+$0xB0]  }
0x102: {  	v25 =	vadd.f32 v57, v25;
	[tilespmem:s4+$0xFFFFFF90] =	vst v24;
	v19 =	vmul.f32 v19, v7;
	v23 =	vmul.f32 v52, v9;
	v59 =	vld [tilespmem:s30+$0xB0]  }
0x103: {  	v60 =	vld [tilespmem:s28+$0xFFFFFFA0]  }
0x104: {  	[tilespmem:s4+$0xFFFFFF10] =	vst v25;
	v61 =	vld [tilespmem:s30+$0xFFFFFFA0];
	v19 =	vadd.f32 v23, v19  }
0x105: {  	v29 =	vmul.f32 v41, v10;
	v21 =	vmul.f32 v43, v1;
	v25 =	vld [tilespmem:s28+$0xFFFFFF20]  }
0x106: {  	[tilespmem:s4+$0x10] =	vst v19;
	v19 =	vld [tilespmem:s30+$0xFFFFFF20]  }
0x107: {  	v62 =	vld [tilespmem:s31+$0xFFFFFFE0];
	v21 =	vadd.f32 v21, v29;
	v27 =	vmul.f32 v58, v2;
	v24 =	vmul.f32 v59, v3  }
0x108: {  	v33 =	vld [tilespmem:s28+$0x20]  }
0x109: {  	[tilespmem:s26+$0x50] =	vst v21;
	v36 =	vld [tilespmem:s30+$0x20];
	v34 =	vmul.f32 v60, v4;
	v35 =	vmul.f32 v61, v8;
	v24 =	vadd.f32 v24, v27  }
0x10a: {  	v37 =	vld [tilespmem:s25+$0x60];
	v28 =	vmul.f32 v55, v11;
	v20 =	vmul.f32 v20, v16  }
0x10b: {  	v38 =	vld [tilespmem:s31+$0x60];
	v25 =	vmul.f32 v25, v5;
	v21 =	vadd.f32 v35, v34;
	v19 =	vmul.f32 v19, v6;
	[tilespmem:s4+$0xB0] =	vst v24  }
0x10c: {  	v20 =	vadd.f32 v20, v28;
	v39 =	vld [tilespmem:s28+$0xC0]  }
0x10d: {  	[tilespmem:s4+$0xFFFFFFA0] =	vst v21;
	v19 =	vadd.f32 v19, v25;
	v40 =	vld [tilespmem:s30+$0xC0]  }
0x10e: {  	[tilespmem:s26+$0xFFFFFF60] =	vst v20;
	v41 =	vmul.f32 v33, v7;
	v43 =	vmul.f32 v36, v9;
	v42 =	vld [tilespmem:s28+$0xFFFFFFB0]  }
0x10f: {  	v20 =	vld [tilespmem:s30+$0xFFFFFFB0];
	[tilespmem:s4+$0xFFFFFF20] =	vst v19  }
0x110: {  	v19 =	vadd.f32 v43, v41;
	v45 =	vld [tilespmem:s28+$0xFFFFFF30]  }
0x111: {  	v23 =	vmul.f32 v62, v13;
	v22 =	vmul.f32 v56, v12;
	v46 =	vld [tilespmem:s30+$0xFFFFFF30]  }
0x112: {  	v44 =	vld [tilespmem:s25+$0xFFFFFF70];
	[tilespmem:s4+$0x20] =	vst v19;
	v19 =	vmul.f32 v39, v2;
	v21 =	vmul.f32 v40, v3  }
0x113: {  	v22 =	vadd.f32 v23, v22;
	v47 =	vld [tilespmem:s28+$0x30]  }
0x114: {  	v25 =	vmul.f32 v42, v4;
	v20 =	vmul.f32 v20, v8;
	v48 =	vld [tilespmem:s30+$0x30];
	v19 =	vadd.f32 v21, v19  }
0x115: {  	v49 =	vld [tilespmem:s31+$0xFFFFFF70];
	[tilespmem:s26+$0xFFFFFFE0] =	vst v22  }
0x116: {  	v56 =	vld [tilespmem:s31+$0xFFFFFFF0];
	v20 =	vadd.f32 v20, v25;
	v50 =	vmul.f32 v45, v5;
	v51 =	vmul.f32 v46, v6;
	[tilespmem:s4+$0xC0] =	vst v19  }
0x117: {  	v52 =	vld [tilespmem:s28+$0xD0]  }
0x118: {  	[tilespmem:s4+$0xFFFFFFB0] =	vst v20;
	v22 =	vadd.f32 v51, v50;
	v20 =	vld [tilespmem:s30+$0xD0]  }
0x119: {  	v23 =	vmul.f32 v47, v7;
	v53 =	vld [tilespmem:s28+$0xFFFFFFC0];
	v26 =	vmul.f32 v48, v9  }
0x11a: {  	v54 =	vld [tilespmem:s30+$0xFFFFFFC0];
	[tilespmem:s4+$0xFFFFFF30] =	vst v22  }
0x11b: {  	v27 =	vmul.f32 v37, v10;
	v24 =	vmul.f32 v38, v1;
	v55 =	vadd.f32 v26, v23;
	v57 =	vld [tilespmem:s28+$0xFFFFFF40]  }
0x11c: {  	v19 =	vld [tilespmem:s25+$0xFFFFFFF0]  }
0x11d: {  	v24 =	vadd.f32 v24, v27;
	v58 =	vld [tilespmem:s30+$0xFFFFFF40];
	[tilespmem:s4+$0x30] =	vst v55;
	v59 =	vmul.f32 v52, v2;
	v20 =	vmul.f32 v20, v3  }
0x11e: {  	v14 =	vmul.f32 v17, v14;
	v15 =	vmul.f32 v18, v15;
	v17 =	vld [tilespmem:s28+$0x40]  }
0x11f: {  	[tilespmem:s26+$0x60] =	vst v24;
	v18 =	vmul.f32 v53, v4;
	v60 =	vmul.f32 v54, v8;
	v61 =	vld [tilespmem:s30+$0x40];
	v20 =	vadd.f32 v20, v59  }
0x120: {  	v14 =	vadd.f32 v15, v14;
	v15 =	vmul.f32 v44, v11;
	v16 =	vmul.f32 v49, v16;
	v62 =	vld [tilespmem:s25+$0x70]  }
0x121: {  	v11 =	vld [tilespmem:s31+$0x70];
	v18 =	vadd.f32 v60, v18;
	v12 =	vmul.f32 v19, v12;
	v19 =	vmul.f32 v56, v13;
	[tilespmem:s4+$0xD0] =	vst v20  }
0x122: {  	[tilespmem:s26+$0xF0] =	vst v14;
	v15 =	vadd.f32 v16, v15;
	v16 =	vmul.f32 v57, v5;
	v20 =	vmul.f32 v58, v6;
	v13 =	vld [tilespmem:s28+$0xE0]  }
0x123: {  	[tilespmem:s4+$0xFFFFFFC0] =	vst v18;
	v12 =	vadd.f32 v19, v12;
	v14 =	vld [tilespmem:s30+$0xE0]  }
0x124: {  	s13 =	simm.s32 $0x14400;
	[tilespmem:s26+$0xFFFFFF70] =	vst v15;
	v17 =	vmul.f32 v17, v7;
	v15 =	vld [tilespmem:s28+$0xFFFFFFD0];
	v19 =	vmul.f32 v61, v9;
	v18 =	vadd.f32 v20, v16  }
0x125: {  	s12 =	simm.s32 $0x4;
	s31 =	simm.s32 $0x18200;
	s25 =	sshll.u32 s20, $0x7;
	[tilespmem:s26+$0xFFFFFFF0] =	vst v12;
	v12 =	vmul.f32 v62, v10;
	v16 =	vld [tilespmem:s30+$0xFFFFFFD0]  }
.LBB2_3:
0x126: {  	v10 =	vld [tilespmem:s13+$0x80];
	[tilespmem:s4+$0xFFFFFF40] =	vst v18;
	v17 =	vadd.f32 v19, v17;
	s24 =	sadd.s32 $0x4, s24;
	v11 =	vmul.f32 v11, v1;
	v1 =	vmov v9  }
0x127: {  	s29 =	sadd.s32 $0x4, s29;
	v18 =	vld.msk [tilespmem:s24+$0x1 ss:$0x0], $0xffff  }
0x128: {  	s30 =	sadd.s32 $0x200, s30;
	v9 =	vmul.f32 v13, v2;
	v19 =	vld.msk [tilespmem:s29+$0x1 ss:$0x0], $0xffff;
	[tilespmem:s4+$0x40] =	vst v17;
	v13 =	vmul.f32 v14, v3;
	v11 =	vadd.f32 v11, v12  }
0x129: {  	v17 =	vld [tilespmem:s30+$0x80];
	v15 =	vmul.f32 v15, v4  }
0x12a: {  	v14 =	vld.msk [tilespmem:s24+$0xFFFFFFFE ss:$0x0], $0xffff;
	v16 =	vmul.f32 v16, v8;
	v9 =	vadd.f32 v13, v9;
	[tilespmem:s26+$0x70] =	vst v11;
	s26 =	smov.u32 s4  }
0x12b: {  	v13 =	vld.msk [tilespmem:s29+$0xFFFFFFFE ss:$0x0], $0xffff  }
0x12c: {  	v12 =	vld.msk [tilespmem:s24+$0xFFFFFFFF ss:$0x0], $0xffff;
	v11 =	vadd.f32 v16, v15;
	[tilespmem:s4+$0xE0] =	vst v9  }
0x12d: {  	v15 =	vld [tilespmem:s28+$0xF0]  }
0x12e: {  	v9 =	vmul.f32 v10, v18;
	v16 =	vmul.f32 v17, v19;
	[tilespmem:s4+$0xFFFFFFD0] =	vst v11;
	v17 =	vld [tilespmem:s31+$0xF0]  }
0x12f: {  	s12 =	sadd.s32 $0x4, s12;
	v11 =	vld.msk [tilespmem:s29+$0xFFFFFFFF ss:$0x0], $0xffff  }
0x130: {  	p2 =	slt.u32 s12, $0x3C;
	v10 =	vld.msk [tilespmem:s24+$0x0 ss:$0x0], $0xffff;
	v16 =	vadd.f32 v16, v9  }
0x131: {  	s4 =	sadd.s32 $0x200, s4;
	v9 =	vld.msk [tilespmem:s29+$0x0 ss:$0x0], $0xffff  }
0x132: {  	v20 =	vld [tilespmem:s30+$0xFFFFFF00];
	[tilespmem:s4+$0x80] =	vst v16  }
0x133: {  	v15 =	vmul.f32 v15, v2;
	v2 =	vmovc v18;
	v16 =	vld [tilespmem:s13+$0x90];
	v17 =	vmul.f32 v17, v3;
	v3 =	vmov v19  }
0x134: {  	v18 =	vld [tilespmem:s30+$0x90]  }
0x135: {  	v19 =	vld [tilespmem:s13+$0xFFFFFF80];
	v15 =	vadd.f32 v17, v15  }
0x136: {  	v17 =	vld [tilespmem:s30+$0xFFFFFF80]  }
0x137: {  	v20 =	vmul.f32 v20, v13;
	v21 =	vld [tilespmem:s13+$0x0];
	[tilespmem:s26+$0xF0] =	vst v15  }
0x138: {  	v15 =	vld [tilespmem:s30+$0x0]  }
0x139: {  	v16 =	vmul.f32 v16, v2;
	v22 =	vld [tilespmem:s13+$0xFFFFFF00];
	v18 =	vmul.f32 v18, v3  }
0x13a: {  	v19 =	vmul.f32 v19, v12;
	v23 =	vld [tilespmem:s28+$0xFFFFFF50]  }
0x13b: {  	v17 =	vmul.f32 v17, v11;
	v16 =	vadd.f32 v18, v16;
	v18 =	vld [tilespmem:s31+$0xFFFFFF50]  }
0x13c: {  	v21 =	vmul.f32 v21, v10;
	v24 =	vld [tilespmem:s28+$0x50]  }
0x13d: {  	v17 =	vadd.f32 v17, v19;
	v15 =	vmul.f32 v15, v9;
	[tilespmem:s4+$0x90] =	vst v16;
	v16 =	vld [tilespmem:s31+$0x50]  }
0x13e: {  	v19 =	vmul.f32 v22, v14;
	v22 =	vld [tilespmem:s13+$0xA0]  }
0x13f: {  	[tilespmem:s4+$0xFFFFFF80] =	vst v17;
	v15 =	vadd.f32 v15, v21;
	v17 =	vld [tilespmem:s30+$0xA0];
	v21 =	vmul.f32 v23, v5  }
0x140: {  	v19 =	vadd.f32 v20, v19;
	v20 =	vld [tilespmem:s13+$0xFFFFFF90];
	v18 =	vmul.f32 v18, v6  }
0x141: {  	v23 =	vld [tilespmem:s30+$0xFFFFFF90];
	[tilespmem:s4+$0x0] =	vst v15;
	v15 =	vmul.f32 v24, v7  }
0x142: {  	[tilespmem:s4+$0xFFFFFF00] =	vst v19;
	v19 =	vld [tilespmem:s13+$0x10];
	v18 =	vadd.f32 v18, v21;
	v16 =	vmul.f32 v16, v1  }
0x143: {  	v21 =	vld [tilespmem:s13+$0xFFFFFF10]  }
0x144: {  	v22 =	vmul.f32 v22, v2;
	v24 =	vld [tilespmem:s30+$0xFFFFFF10];
	v17 =	vmul.f32 v17, v3;
	[tilespmem:s26+$0xFFFFFF50] =	vst v18;
	v15 =	vadd.f32 v16, v15  }
0x145: {  	v16 =	vmul.f32 v20, v12;
	v18 =	vld [tilespmem:s30+$0x10]  }
0x146: {  	v20 =	vmul.f32 v23, v11;
	v17 =	vadd.f32 v17, v22;
	v22 =	vld [tilespmem:s28+$0xFFFFFF60];
	[tilespmem:s26+$0x50] =	vst v15  }
0x147: {  	v15 =	vmul.f32 v19, v10;
	v19 =	vld [tilespmem:s31+$0xFFFFFF60]  }
0x148: {  	v21 =	vmul.f32 v21, v14;
	v16 =	vadd.f32 v20, v16;
	[tilespmem:s4+$0xA0] =	vst v17;
	v17 =	vld [tilespmem:s28+$0xFFFFFFE0]  }
0x149: {  	v20 =	vmul.f32 v24, v13;
	v23 =	vld [tilespmem:s13+$0xB0]  }
0x14a: {  	[tilespmem:s4+$0xFFFFFF90] =	vst v16;
	v16 =	vmul.f32 v18, v9;
	v18 =	vld [tilespmem:s30+$0xB0]  }
0x14b: {  	v20 =	vadd.f32 v20, v21;
	v21 =	vld [tilespmem:s13+$0xFFFFFFA0];
	v22 =	vmul.f32 v22, v5  }
0x14c: {  	v24 =	vld [tilespmem:s30+$0xFFFFFFA0];
	v15 =	vadd.f32 v16, v15;
	v16 =	vmul.f32 v19, v6  }
0x14d: {  	[tilespmem:s4+$0xFFFFFF10] =	vst v20;
	v17 =	vmul.f32 v17, v4;
	v19 =	vld [tilespmem:s31+$0xFFFFFFE0]  }
0x14e: {  	v20 =	vld [tilespmem:s13+$0xFFFFFF20];
	[tilespmem:s4+$0x10] =	vst v15;
	v15 =	vadd.f32 v16, v22  }
0x14f: {  	v22 =	vmul.f32 v23, v2;
	v16 =	vld [tilespmem:s30+$0xFFFFFF20];
	v18 =	vmul.f32 v18, v3  }
0x150: {  	v21 =	vmul.f32 v21, v12;
	v23 =	vld [tilespmem:s13+$0x20];
	[tilespmem:s26+$0xFFFFFF60] =	vst v15  }
0x151: {  	v15 =	vmul.f32 v24, v11;
	v24 =	vld [tilespmem:s30+$0x20];
	v18 =	vadd.f32 v18, v22  }
0x152: {  	v19 =	vmul.f32 v19, v8;
	v22 =	vld [tilespmem:s28+$0x60]  }
0x153: {  	v20 =	vmul.f32 v20, v14;
	v15 =	vadd.f32 v15, v21;
	[tilespmem:s4+$0xB0] =	vst v18;
	v18 =	vld [tilespmem:s31+$0x60]  }
0x154: {  	v16 =	vmul.f32 v16, v13;
	v21 =	vld [tilespmem:s13+$0xC0];
	v17 =	vadd.f32 v19, v17  }
0x155: {  	[tilespmem:s4+$0xFFFFFFA0] =	vst v15;
	v15 =	vmul.f32 v23, v10;
	v19 =	vld [tilespmem:s30+$0xC0]  }
0x156: {  	v16 =	vadd.f32 v16, v20;
	v20 =	vld [tilespmem:s13+$0xFFFFFFB0];
	v23 =	vmul.f32 v24, v9;
	[tilespmem:s26+$0xFFFFFFE0] =	vst v17  }
0x157: {  	v17 =	vld [tilespmem:s30+$0xFFFFFFB0];
	v22 =	vmul.f32 v22, v7  }
0x158: {  	[tilespmem:s4+$0xFFFFFF20] =	vst v16;
	v15 =	vadd.f32 v23, v15;
	v16 =	vld [tilespmem:s28+$0xFFFFFF70];
	v18 =	vmul.f32 v18, v1  }
0x159: {  	v23 =	vld [tilespmem:s13+$0xFFFFFF30]  }
0x15a: {  	v24 =	vld [tilespmem:s30+$0xFFFFFF30];
	[tilespmem:s4+$0x20] =	vst v15;
	v15 =	vmul.f32 v21, v2;
	v19 =	vmul.f32 v19, v3;
	v18 =	vadd.f32 v18, v22  }
0x15b: {  	v20 =	vmul.f32 v20, v12;
	v21 =	vld [tilespmem:s13+$0x30]  }
0x15c: {  	v17 =	vmul.f32 v17, v11;
	v22 =	vld [tilespmem:s30+$0x30];
	v15 =	vadd.f32 v19, v15;
	[tilespmem:s26+$0x60] =	vst v18  }
0x15d: {  	v16 =	vmul.f32 v16, v5;
	v18 =	vld [tilespmem:s31+$0xFFFFFF70];
	v5 =	vmov v14  }
0x15e: {  	v14 =	vmul.f32 v23, v5;
	v17 =	vadd.f32 v17, v20;
	[tilespmem:s4+$0xC0] =	vst v15;
	v15 =	vld [tilespmem:s28+$0xFFFFFFF0]  }
0x15f: {  	v19 =	vmul.f32 v24, v13;
	v20 =	vld [tilespmem:s13+$0xD0]  }
0x160: {  	[tilespmem:s4+$0xFFFFFFB0] =	vst v17;
	v17 =	vmul.f32 v21, v10;
	v21 =	vld [tilespmem:s30+$0xD0]  }
0x161: {  	v14 =	vadd.f32 v19, v14;
	v19 =	vld [tilespmem:s13+$0xFFFFFFC0];
	v22 =	vmul.f32 v22, v9  }
0x162: {  	v23 =	vld [tilespmem:s30+$0xFFFFFFC0];
	v18 =	vmul.f32 v18, v6;
	v6 =	vmov v13  }
0x163: {  	[tilespmem:s4+$0xFFFFFF30] =	vst v14;
	v13 =	vadd.f32 v22, v17;
	v14 =	vmul.f32 v15, v4;
	v15 =	vld [tilespmem:s31+$0xFFFFFFF0];
	v4 =	vmov v12  }
0x164: {  	v12 =	vld [tilespmem:s13+$0xFFFFFF40];
	v16 =	vadd.f32 v18, v16  }
0x165: {  	v17 =	vld [tilespmem:s30+$0xFFFFFF40];
	[tilespmem:s4+$0x30] =	vst v13;
	v13 =	vmul.f32 v20, v2;
	v18 =	vmul.f32 v21, v3  }
0x166: {  	v19 =	vmul.f32 v19, v4;
	v20 =	vld [tilespmem:s13+$0x40];
	[tilespmem:s26+$0xFFFFFF70] =	vst v16  }
0x167: {  	v16 =	vmul.f32 v23, v11;
	v21 =	vld [tilespmem:s30+$0x40];
	v13 =	vadd.f32 v18, v13  }
0x168: {  	v15 =	vmul.f32 v15, v8;
	v22 =	vld [tilespmem:s28+$0x70];
	v8 =	vmov v11;
	s28 =	smov.u32 s13  }
.Ltmp2:
0x169: {  	v12 =	vmul.f32 v12, v5;
	v16 =	vadd.f32 v16, v19;
	[tilespmem:s4+$0xD0] =	vst v13;
	v11 =	vld [tilespmem:s31+$0x70];
	s31 =	smov.u32 s30;
	(pc) =	sbr.rel @p2 .LBB2_3-.Ltmp2, $4  }
0x16a: {  	v18 =	vmul.f32 v17, v6;
	v13 =	vld [tilespmem:s13+$0xE0];
	v23 =	vadd.f32 v15, v14  }
0x16b: {  	[tilespmem:s4+$0xFFFFFFC0] =	vst v16;
	v17 =	vmul.f32 v20, v10;
	v14 =	vld [tilespmem:s30+$0xE0]  }
0x16c: {  	v18 =	vadd.f32 v18, v12;
	v15 =	vld [tilespmem:s13+$0xFFFFFFD0];
	v19 =	vmul.f32 v21, v9;
	[tilespmem:s26+$0xFFFFFFF0] =	vst v23  }
0x16d: {  	s13 =	sadd.s32 $0x200, s13;
	v16 =	vld [tilespmem:s30+$0xFFFFFFD0];
	v12 =	vmul.f32 v22, v7;
	v7 =	vmov v10  }
0x16e: {  	[tilespmem:s4+$0xFFFFFF40] =	vst v18  }
0x16f: {  	v10 =	vld [tilespmem:s28+$0xFFFFFF50]  }
0x170: {  	v17 =	vadd.f32 v19, v17;
	v18 =	vld [tilespmem:s31+$0xFFFFFF50];
	_ =	sdelay $0x1  }
0x171: {  	[tilespmem:s4+$0x40] =	vst v17  }
0x172: {  	v17 =	vld [tilespmem:s28+$0x50]  }
0x173: {  	v19 =	vld [tilespmem:s31+$0x50]  }
0x174: {  	v10 =	vmul.f32 v10, v5;
	v18 =	vmul.f32 v18, v6;
	_ =	sdelay $0x1  }
0x175: {  	v15 =	vmul.f32 v15, v4;
	v16 =	vmul.f32 v16, v8;
	v10 =	vadd.f32 v18, v10;
	_ =	sdelay $0x1  }
0x176: {  	v15 =	vadd.f32 v16, v15;
	v16 =	vmul.f32 v17, v7;
	v17 =	vmul.f32 v19, v9;
	[tilespmem:s4+$0xFFFFFF50] =	vst v10  }
0x177: {  	v10 =	vld [tilespmem:s28+$0xFFFFFF60]  }
0x178: {  	[tilespmem:s4+$0xFFFFFFD0] =	vst v15;
	v15 =	vadd.f32 v17, v16;
	v16 =	vld [tilespmem:s31+$0xFFFFFF60]  }
0x179: {  	v17 =	vld [tilespmem:s28+$0xFFFFFFE0]  }
0x17a: {  	[tilespmem:s4+$0x50] =	vst v15;
	v15 =	vld [tilespmem:s31+$0xFFFFFFE0]  }
0x17b: {  	v13 =	vmul.f32 v13, v2;
	v14 =	vmul.f32 v14, v3;
	v18 =	vld [tilespmem:s28+$0x60]  }
0x17c: {  	v19 =	vld [tilespmem:s31+$0x60]  }
0x17d: {  	v13 =	vadd.f32 v14, v13;
	v10 =	vmul.f32 v10, v5;
	v14 =	vmul.f32 v16, v6;
	_ =	sdelay $0x1  }
0x17e: {  	[tilespmem:s4+$0xE0] =	vst v13;
	v13 =	vmul.f32 v17, v4;
	v10 =	vadd.f32 v14, v10;
	v14 =	vmul.f32 v15, v8  }
0x17f: {  	v16 =	vld [tilespmem:s31+$0xF0]  }
0x180: {  	v15 =	vld [tilespmem:s28+$0xF0];
	[tilespmem:s4+$0xFFFFFF60] =	vst v10;
	v10 =	vadd.f32 v14, v13;
	v13 =	vmul.f32 v18, v7;
	v14 =	vmul.f32 v19, v9  }
0x181: {  	v17 =	vld [tilespmem:s28+$0xFFFFFF70]  }
0x182: {  	[tilespmem:s4+$0xFFFFFFE0] =	vst v10;
	v10 =	vadd.f32 v14, v13;
	v13 =	vld [tilespmem:s31+$0xFFFFFF70]  }
0x183: {  	v14 =	vld [tilespmem:s28+$0xFFFFFFF0]  }
0x184: {  	[tilespmem:s4+$0x60] =	vst v10;
	v10 =	vld [tilespmem:s31+$0xFFFFFFF0]  }
0x185: {  	v18 =	vld [tilespmem:s28+$0x70]  }
0x186: {  	v19 =	vld [tilespmem:s31+$0x70]  }
0x187: {  	v1 =	vmul.f32 v11, v1  }
0x188: {  	v3 =	vmul.f32 v16, v3;
	v2 =	vmul.f32 v15, v2  }
0x189: {  	v1 =	vadd.f32 v1, v12;
	v5 =	vmul.f32 v17, v5;
	v6 =	vmul.f32 v13, v6  }
0x18a: {  	v2 =	vadd.f32 v3, v2;
	v3 =	vmul.f32 v14, v4;
	v4 =	vmul.f32 v10, v8  }
0x18b: {  	[tilespmem:s26+$0x70] =	vst v1;
	v1 =	vadd.f32 v6, v5;
	v5 =	vmul.f32 v18, v7;
	v6 =	vmul.f32 v19, v9  }
0x18c: {  	[tilespmem:s4+$0xF0] =	vst v2;
	v2 =	vadd.f32 v4, v3  }
0x18d: {  	[tilespmem:s4+$0xFFFFFF70] =	vst v1;
	v1 =	vadd.f32 v6, v5  }
0x18e: {  	[tilespmem:s4+$0xFFFFFFF0] =	vst v2  }
0x18f: {  	[tilespmem:s4+$0x70] =	vst v1  }
0x190: {  	v1 =	vld [tilespmem:$0x13A00]  }
0x191: {  	v2 =	vld [tilespmem:$0x13A10]  }
0x192: {  	v3 =	vld [tilespmem:$0x13A20]  }
0x193: {  	v4 =	vld [tilespmem:$0x13A30];
	_ =	sdelay $0x1  }
0x194: {  	[tilespmem:$0x1FF00] =	vst v1  }
0x195: {  	p2 =	seq.s32 s20, $0x9F;
	[tilespmem:$0x1FF10] =	vst v2  }
0x196: {  	s4 =	sadd.s32 @!p2 s25, s22;
	[tilespmem:$0x1FF20] =	vst v3  }
0x197: {  	s4 =	sshrl.u32 @!p2 s4, $0x3;
	[tilespmem:$0x1FF30] =	vst v4  }
0x198: {  	[spmem:s2] =	stream.indirect.scatter.add.f32 [tilespmem:s16], [sflag:$0x5], $0x80, s15, s10, $0xb8;
	v63 =	vld [tilespmem:$0x0]  }
0x199: {  	s13 =	simm.s32 @!p2 $0x0;
	s24 =	simm.s32 @!p2 $0x13900;
	s12 =	sadd.s32 @!p2 s7, s4  }
0x19a: {  	[tilespmem:s24], [sflag:$0x1] =	stream.linear.gather @!p2 [hbm4b:s12+s13], $0x40, $0x38;
	v63 =	vld [tilespmem:$0x0]  }
0x19b: {  	s26 =	simm.s32 @!p2 $0x13A00;
	s12 =	sadd.s32 @!p2 s1, s4  }
0x19c: {  	[tilespmem:s26], [sflag:$0x1] =	stream.linear.gather @!p2 [hbm4b:s12+s13], $0x40, $0x38;
	v63 =	vld [tilespmem:$0x0]  }
0x19d: {  	s12 =	sadd.s32 @!p2 s8, s4;
	s26 =	simm.s32 @!p2 $0x13B00  }
0x19e: {  	[tilespmem:s26], [sflag:$0x1] =	stream.linear.gather @!p2 [hbm4b:s12+s13], $0x40, $0x38;
	v63 =	vld [tilespmem:$0x0]  }
0x19f: {  	s4 =	sadd.s32 @!p2 s9, s4;
	s12 =	simm.s32 @!p2 $0x13C00  }
0x1a0: {  	[tilespmem:s12], [sflag:$0x1] =	stream.linear.gather @!p2 [hbm4b:s4+s13], $0x40, $0x38;
	v63 =	vld [tilespmem:$0x0]  }
0x1a1: {  	s4 =	simm.s32 @!p2 $0x1  }
0x1a2: {  	_ =	swait.ge @!p2 [sflag:s4], $0x40  }
0x1a3: {  	[sflag:s4] =	ssyncset.done @!p2 $0x0  }
0x1a4: {  	[sflag:s4] =	ssyncadd.s32 @!p2 $0xFFFFFFC0  }
0x1a5: {  	_ =	swait.ge @!p2 [sflag:s4], $0x40  }
0x1a6: {  	[sflag:s4] =	ssyncset.done @!p2 $0x0  }
0x1a7: {  	[sflag:s4] =	ssyncadd.s32 @!p2 $0xFFFFFFC0  }
0x1a8: {  	_ =	swait.ge @!p2 [sflag:s4], $0x40  }
0x1a9: {  	[sflag:s4] =	ssyncset.done @!p2 $0x0  }
0x1aa: {  	[sflag:s4] =	ssyncadd.s32 @!p2 $0xFFFFFFC0  }
0x1ab: {  	_ =	swait.ge @!p2 [sflag:s4], $0x40  }
0x1ac: {  	[sflag:s4] =	ssyncset.done @!p2 $0x0  }
0x1ad: {  	[sflag:s4] =	ssyncadd.s32 @!p2 $0xFFFFFFC0  }
0x1ae: {  	v1 =	vld @!p2 [tilespmem:$0x13900]  }
0x1af: {  	v2 =	vld @!p2 [tilespmem:$0x13910]  }
0x1b0: {  	v3 =	vld @!p2 [tilespmem:$0x13920]  }
0x1b1: {  	v4 =	vld @!p2 [tilespmem:$0x13930];
	_ =	sdelay $0x1  }
0x1b2: {  	v1 =	vadd.s32 @!p2 v0, v1  }
0x1b3: {  	[tilespmem:$0x13900] =	vst @!p2 v1;
	v1 =	vadd.s32 @!p2 v0, v2  }
0x1b4: {  	[tilespmem:$0x13910] =	vst @!p2 v1;
	v1 =	vadd.s32 @!p2 v0, v3  }
0x1b5: {  	[tilespmem:$0x13920] =	vst @!p2 v1;
	v1 =	vadd.s32 @!p2 v0, v4  }
0x1b6: {  	p3 =	seq.s32 @!p2 s20, $0x0;
	s12 =	simm.s32 @!p2 $0x13F00;
	s4 =	simm.s32 @!p2 $0x40;
	[tilespmem:$0x13930] =	vst @!p2 v1  }
0x1b7: {  	[tilespmem:s12], [sflag:$0x3] =	stream.indirect.gather @!p2 [hbm4b:s5+s4], $0x80, s24, s4, $0xb8;
	v63 =	vld [tilespmem:$0x0]  }
0x1b8: {  	p3 =	por p2, !p3;
	s12 =	simm.s32 @!p2 $0x17F00  }
0x1b9: {  	[tilespmem:s12], [sflag:$0x3] =	stream.indirect.gather @!p2 [hbm4b:s6+s4], $0x80, s24, s4, $0xb8;
	v63 =	vld [tilespmem:$0x0]  }
0x1ba: {  	_ =	swait.ge @p3 [sflag:s21], $0x2000  }
0x1bb: {  	[sflag:s21] =	ssyncset.done @p3 $0x0  }
0x1bc: {  	[sflag:s21] =	ssyncadd.s32 @p3 $0xFFFFE000  }
0x1bd: {  	_ =	swait.ge [sflag:s17], $0x2000  }
0x1be: {  	[sflag:s17] =	ssyncset.done $0x0  }
0x1bf: {  	[sflag:s17] =	ssyncadd.s32 $0xFFFFE000  }
0x1c0: {  	_ =	swait.ge [sflag:s17], $0x2000  }
0x1c1: {  	[sflag:s17] =	ssyncset.done $0x0  }
0x1c2: {  	[sflag:s17] =	ssyncadd.s32 $0xFFFFE000  }
0x1c3: {  	v1 =	vld [tilespmem:$0x13C80]  }
0x1c4: {  	v2 =	vld [tilespmem:$0x13B80]  }
0x1c5: {  	v3 =	vld [tilespmem:$0x13C90]  }
0x1c6: {  	v4 =	vld [tilespmem:$0x13B90]  }
0x1c7: {  	v5 =	vld [tilespmem:$0x13CA0]  }
0x1c8: {  	v7 =	vld [tilespmem:$0x13BA0];
	v6 =	vsub.f32 $0.0e+00, v1  }
0x1c9: {  	v8 =	vld [tilespmem:$0x13CB0];
	v1 =	vpsel p0, v2, v1  }
0x1ca: {  	[tilespmem:$0x13D80] =	vst v1;
	v1 =	vpsel p0, v6, v2;
	v2 =	vsub.f32 $0.0e+00, v3;
	v6 =	vld [tilespmem:$0x13BB0]  }
0x1cb: {  	[tilespmem:$0x13E80] =	vst v1;
	v1 =	vpsel p0, v4, v3  }
0x1cc: {  	[tilespmem:$0x13D90] =	vst v1;
	v1 =	vpsel p0, v2, v4;
	v2 =	vsub.f32 $0.0e+00, v5  }
0x1cd: {  	[tilespmem:$0x13E90] =	vst v1;
	v1 =	vpsel p0, v7, v5  }
0x1ce: {  	[tilespmem:$0x13DA0] =	vst v1;
	v1 =	vpsel p0, v2, v7;
	v2 =	vsub.f32 $0.0e+00, v8  }
0x1cf: {  	[tilespmem:$0x13EA0] =	vst v1;
	v1 =	vpsel p0, v6, v8  }
0x1d0: {  	[tilespmem:$0x13DB0] =	vst v1;
	v1 =	vpsel p0, v2, v6  }
0x1d1: {  	s31 =	simm.s32 $0x16000;
	[tilespmem:$0x13EB0] =	vst v1  }
0x1d2: {  	s13 =	simm.s32 $0x13D82;
	v1 =	vld [tilespmem:s31+$0x80]  }
0x1d3: {  	s24 =	simm.s32 $0x13E82;
	v14 =	vld.msk [tilespmem:s13+$0x1 ss:$0x0], $0xffff  }
0x1d4: {  	s12 =	simm.s32 $0x1A000;
	v15 =	vld.msk [tilespmem:s24+$0x1 ss:$0x0], $0xffff  }
0x1d5: {  	v2 =	vld [tilespmem:s12+$0x80];
	_ =	sdelay $0x4  }
0x1d6: {  	v1 =	vmul.f32 v1, v14;
	v2 =	vmul.f32 v2, v15;
	_ =	sdelay $0x1  }
0x1d7: {  	v11 =	vld.msk [tilespmem:s13+$0xFFFFFFFE ss:$0x0], $0xffff;
	v1 =	vadd.f32 v2, v1  }
0x1d8: {  	s26 =	simm.s32 $0x1E000;
	v12 =	vld.msk [tilespmem:s13+$0xFFFFFFFF ss:$0x0], $0xffff  }
0x1d9: {  	v13 =	vld.msk [tilespmem:s24+$0xFFFFFFFF ss:$0x0], $0xffff;
	[tilespmem:s26+$0x80] =	vst v1  }
0x1da: {  	v2 =	vld [tilespmem:s31+$0x90]  }
0x1db: {  	v3 =	vld [tilespmem:s12+$0x90]  }
0x1dc: {  	v4 =	vld [tilespmem:s31+$0xFFFFFF80]  }
0x1dd: {  	v5 =	vld [tilespmem:s12+$0xFFFFFF80]  }
0x1de: {  	v16 =	vld.msk [tilespmem:s24+$0xFFFFFFFE ss:$0x0], $0xffff  }
0x1df: {  	v10 =	vld.msk [tilespmem:s13+$0x0 ss:$0x0], $0xffff  }
0x1e0: {  	v6 =	vld [tilespmem:s12+$0xFFFFFF00];
	v2 =	vmul.f32 v2, v14;
	v3 =	vmul.f32 v3, v15  }
0x1e1: {  	v7 =	vld [tilespmem:s31+$0xFFFFFF00]  }
0x1e2: {  	v8 =	vld [tilespmem:s12+$0x0];
	v4 =	vmul.f32 v4, v12;
	v5 =	vmul.f32 v5, v13;
	v2 =	vadd.f32 v3, v2  }
0x1e3: {  	v1 =	vld.msk [tilespmem:s24+$0x0 ss:$0x0], $0xffff  }
0x1e4: {  	v4 =	vadd.f32 v5, v4;
	v3 =	vld [tilespmem:s31+$0x0];
	[tilespmem:s26+$0x90] =	vst v2  }
0x1e5: {  	v2 =	vld [tilespmem:s31+$0xA0]  }
0x1e6: {  	[tilespmem:s26+$0xFFFFFF80] =	vst v4;
	v4 =	vld [tilespmem:s12+$0xA0]  }
0x1e7: {  	v5 =	vmul.f32 v6, v16;
	v6 =	vmul.f32 v7, v11;
	v7 =	vld [tilespmem:s31+$0xFFFFFF90]  }
0x1e8: {  	v9 =	vld [tilespmem:s12+$0xFFFFFF90]  }
0x1e9: {  	v5 =	vadd.f32 v5, v6;
	v8 =	vmul.f32 v8, v1;
	v3 =	vmul.f32 v3, v10;
	_ =	sdelay $0x1  }
0x1ea: {  	[tilespmem:s26+$0xFFFFFF00] =	vst v5;
	v3 =	vadd.f32 v8, v3;
	v2 =	vmul.f32 v2, v14;
	v4 =	vmul.f32 v4, v15  }
0x1eb: {  	v5 =	vld [tilespmem:s31+$0xFFFFFF10]  }
0x1ec: {  	v6 =	vmul.f32 v7, v12;
	v7 =	vmul.f32 v9, v13;
	[tilespmem:s26+$0x0] =	vst v3;
	v3 =	vld [tilespmem:s12+$0xFFFFFF10];
	v2 =	vadd.f32 v4, v2  }
0x1ed: {  	v4 =	vld [tilespmem:s31+$0x10]  }
0x1ee: {  	v6 =	vadd.f32 v7, v6;
	v8 =	vld [tilespmem:s12+$0x10];
	[tilespmem:s26+$0xA0] =	vst v2  }
0x1ef: {  	v2 =	vld [tilespmem:s31+$0xB0]  }
0x1f0: {  	[tilespmem:s26+$0xFFFFFF90] =	vst v6;
	v6 =	vld [tilespmem:s12+$0xB0]  }
0x1f1: {  	v5 =	vmul.f32 v5, v11;
	v7 =	vld [tilespmem:s31+$0xFFFFFFA0];
	v3 =	vmul.f32 v3, v16  }
0x1f2: {  	v9 =	vld [tilespmem:s12+$0xFFFFFFA0]  }
0x1f3: {  	v4 =	vmul.f32 v4, v10;
	v8 =	vmul.f32 v8, v1;
	v3 =	vadd.f32 v3, v5;
	_ =	sdelay $0x1  }
0x1f4: {  	v4 =	vadd.f32 v8, v4;
	[tilespmem:s26+$0xFFFFFF10] =	vst v3;
	v2 =	vmul.f32 v2, v14;
	v3 =	vmul.f32 v6, v15  }
0x1f5: {  	v5 =	vld [tilespmem:s31+$0xFFFFFF20]  }
0x1f6: {  	v6 =	vmul.f32 v7, v12;
	v7 =	vmul.f32 v9, v13;
	[tilespmem:s26+$0x10] =	vst v4;
	v4 =	vld [tilespmem:s12+$0xFFFFFF20];
	v2 =	vadd.f32 v3, v2  }
0x1f7: {  	v3 =	vld [tilespmem:s31+$0x20]  }
0x1f8: {  	v8 =	vld [tilespmem:s12+$0x20];
	v6 =	vadd.f32 v7, v6;
	[tilespmem:s26+$0xB0] =	vst v2  }
0x1f9: {  	v2 =	vld [tilespmem:s31+$0xC0]  }
0x1fa: {  	[tilespmem:s26+$0xFFFFFFA0] =	vst v6;
	v6 =	vld [tilespmem:s12+$0xC0]  }
0x1fb: {  	v7 =	vld [tilespmem:s31+$0xFFFFFFB0];
	v5 =	vmul.f32 v5, v11;
	v4 =	vmul.f32 v4, v16  }
0x1fc: {  	v9 =	vld [tilespmem:s12+$0xFFFFFFB0]  }
0x1fd: {  	v3 =	vmul.f32 v3, v10;
	v4 =	vadd.f32 v4, v5;
	v5 =	vmul.f32 v8, v1;
	_ =	sdelay $0x1  }
0x1fe: {  	[tilespmem:s26+$0xFFFFFF20] =	vst v4;
	v3 =	vadd.f32 v5, v3;
	v2 =	vmul.f32 v2, v14;
	v4 =	vmul.f32 v6, v15  }
0x1ff: {  	v5 =	vld [tilespmem:s31+$0xFFFFFF30]  }
0x200: {  	v6 =	vld [tilespmem:s12+$0xFFFFFF30];
	[tilespmem:s26+$0x20] =	vst v3;
	v3 =	vmul.f32 v7, v12;
	v7 =	vmul.f32 v9, v13;
	v2 =	vadd.f32 v4, v2  }
0x201: {  	v4 =	vld [tilespmem:s31+$0x30]  }
0x202: {  	v8 =	vld [tilespmem:s12+$0x30];
	v3 =	vadd.f32 v7, v3;
	[tilespmem:s26+$0xC0] =	vst v2  }
0x203: {  	v2 =	vld [tilespmem:s31+$0xD0]  }
0x204: {  	[tilespmem:s26+$0xFFFFFFB0] =	vst v3;
	v3 =	vld [tilespmem:s12+$0xD0];
	_ =	sdelay $0x1  }
0x205: {  	v5 =	vmul.f32 v5, v11;
	v6 =	vmul.f32 v6, v16;
	v7 =	vld [tilespmem:s31+$0xFFFFFFC0]  }
0x206: {  	s30 =	simm.s32 $0x1A200;
	v9 =	vld [tilespmem:s12+$0xFFFFFFC0]  }
0x207: {  	s28 =	simm.s32 $0x16200;
	v26 =	vld [tilespmem:s30+$0xFFFFFF00];
	v4 =	vmul.f32 v4, v10;
	v5 =	vadd.f32 v6, v5;
	v6 =	vmul.f32 v8, v1  }
0x208: {  	v28 =	vld [tilespmem:s28+$0xFFFFFF80];
	v2 =	vmul.f32 v2, v14;
	v3 =	vmul.f32 v3, v15  }
0x209: {  	v8 =	vld [tilespmem:s30+$0x80];
	[tilespmem:s26+$0xFFFFFF30] =	vst v5;
	v4 =	vadd.f32 v6, v4  }
0x20a: {  	v19 =	vld [tilespmem:s31+$0xFFFFFF40];
	v2 =	vadd.f32 v3, v2  }
0x20b: {  	v20 =	vld [tilespmem:s12+$0xFFFFFF40];
	[tilespmem:s26+$0x30] =	vst v4;
	v4 =	vmul.f32 v7, v12;
	v5 =	vmul.f32 v9, v13  }
0x20c: {  	v7 =	vld [tilespmem:s28+$0x80];
	[tilespmem:s26+$0xD0] =	vst v2  }
0x20d: {  	v3 =	vadd.f32 v5, v4;
	v4 =	vld [tilespmem:s31+$0xE0]  }
0x20e: {  	v5 =	vld [tilespmem:s12+$0xE0]  }
0x20f: {  	v21 =	vld [tilespmem:s31+$0x40]  }
0x210: {  	s24 =	simm.s32 $0x13D86;
	v22 =	vld [tilespmem:s12+$0x40]  }
0x211: {  	s29 =	simm.s32 $0x13E86;
	v2 =	vld.msk [tilespmem:s24+$0x1 ss:$0x0], $0xffff  }
0x212: {  	[tilespmem:s26+$0xFFFFFFC0] =	vst v3;
	v3 =	vld.msk [tilespmem:s29+$0x1 ss:$0x0], $0xffff  }
0x213: {  	v29 =	vld [tilespmem:s30+$0xFFFFFF80];
	v4 =	vmul.f32 v4, v14;
	v6 =	vmul.f32 v5, v15  }
0x214: {  	v35 =	vld [tilespmem:s28+$0x0];
	v19 =	vmul.f32 v19, v11;
	v20 =	vmul.f32 v20, v16  }
0x215: {  	v30 =	vld [tilespmem:s30+$0x0];
	v9 =	vadd.f32 v6, v4  }
0x216: {  	v23 =	vld [tilespmem:s31+$0xFFFFFFD0];
	v21 =	vmul.f32 v21, v10;
	v19 =	vadd.f32 v20, v19;
	v20 =	vmul.f32 v22, v1  }
0x217: {  	v24 =	vld [tilespmem:s12+$0xFFFFFFD0];
	v25 =	vmul.f32 v8, v3;
	[tilespmem:s26+$0xE0] =	vst v9;
	v9 =	vmul.f32 v7, v2  }
0x218: {  	[tilespmem:s26+$0xFFFFFF40] =	vst v19;
	v19 =	vadd.f32 v20, v21;
	v20 =	vld [tilespmem:s28+$0xFFFFFF00]  }
0x219: {  	v5 =	vld.msk [tilespmem:s24+$0xFFFFFFFE ss:$0x0], $0xffff;
	v25 =	vadd.f32 v25, v9  }
0x21a: {  	s4 =	simm.s32 $0x1E200;
	v8 =	vld.msk [tilespmem:s29+$0xFFFFFFFF ss:$0x0], $0xffff  }
0x21b: {  	v38 =	vld [tilespmem:s31+$0xFFFFFF50];
	[tilespmem:s4+$0x80] =	vst v25  }
0x21c: {  	v25 =	vld [tilespmem:s28+$0x90]  }
0x21d: {  	v27 =	vld [tilespmem:s30+$0x90]  }
0x21e: {  	v40 =	vld [tilespmem:s12+$0xFFFFFF50]  }
0x21f: {  	v4 =	vld.msk [tilespmem:s24+$0xFFFFFFFF ss:$0x0], $0xffff  }
0x220: {  	[tilespmem:s26+$0x40] =	vst v19;
	v6 =	vld.msk [tilespmem:s29+$0xFFFFFFFE ss:$0x0], $0xffff  }
0x221: {  	v41 =	vld [tilespmem:s31+$0x50]  }
0x222: {  	v7 =	vld.msk [tilespmem:s24+$0x0 ss:$0x0], $0xffff;
	v36 =	vmul.f32 v25, v2;
	v37 =	vmul.f32 v27, v3  }
0x223: {  	v9 =	vld.msk [tilespmem:s29+$0x0 ss:$0x0], $0xffff  }
0x224: {  	v43 =	vld [tilespmem:s12+$0x50];
	v39 =	vmul.f32 v29, v8;
	v19 =	vmul.f32 v28, v4;
	v21 =	vadd.f32 v37, v36  }
0x225: {  	v17 =	vld [tilespmem:s31+$0xF0]  }
0x226: {  	v18 =	vld [tilespmem:s12+$0xF0];
	v20 =	vmul.f32 v20, v5;
	v26 =	vmul.f32 v26, v6;
	v19 =	vadd.f32 v39, v19;
	[tilespmem:s4+$0x90] =	vst v21  }
0x227: {  	v44 =	vld [tilespmem:s28+$0xA0]  }
0x228: {  	v22 =	vmul.f32 v35, v7;
	v20 =	vadd.f32 v26, v20;
	v42 =	vmul.f32 v30, v9;
	[tilespmem:s4+$0xFFFFFF80] =	vst v19;
	v45 =	vld [tilespmem:s30+$0xA0]  }
0x229: {  	v46 =	vld [tilespmem:s28+$0xFFFFFF90]  }
0x22a: {  	v48 =	vmul.f32 v24, v13;
	[tilespmem:s4+$0xFFFFFF00] =	vst v20;
	v20 =	vmul.f32 v23, v12;
	v47 =	vld [tilespmem:s30+$0xFFFFFF90];
	v19 =	vadd.f32 v42, v22  }
0x22b: {  	v50 =	vld [tilespmem:s28+$0xFFFFFF10];
	v27 =	vmul.f32 v38, v11;
	v25 =	vmul.f32 v40, v16  }
0x22c: {  	v51 =	vld [tilespmem:s30+$0xFFFFFF10];
	v20 =	vadd.f32 v48, v20;
	[tilespmem:s4+$0x0] =	vst v19  }
0x22d: {  	v19 =	vld [tilespmem:s28+$0x10];
	v49 =	vadd.f32 v25, v27;
	v30 =	vmul.f32 v44, v2;
	v22 =	vmul.f32 v45, v3  }
0x22e: {  	[tilespmem:s26+$0xFFFFFFD0] =	vst v20;
	v52 =	vld [tilespmem:s30+$0x10]  }
0x22f: {  	v56 =	vld [tilespmem:s31+$0xFFFFFFE0];
	v53 =	vmul.f32 v46, v4;
	v54 =	vmul.f32 v47, v8;
	[tilespmem:s26+$0xFFFFFF50] =	vst v49;
	v22 =	vadd.f32 v22, v30  }
0x230: {  	v55 =	vld [tilespmem:s31+$0xFFFFFF60]  }
0x231: {  	v25 =	vmul.f32 v50, v5;
	v57 =	vmul.f32 v51, v6;
	v20 =	vld [tilespmem:s12+$0xFFFFFF60];
	v24 =	vadd.f32 v54, v53;
	[tilespmem:s4+$0xA0] =	vst v22  }
0x232: {  	v58 =	vld [tilespmem:s28+$0xB0]  }
0x233: {  	v25 =	vadd.f32 v57, v25;
	[tilespmem:s4+$0xFFFFFF90] =	vst v24;
	v19 =	vmul.f32 v19, v7;
	v23 =	vmul.f32 v52, v9;
	v59 =	vld [tilespmem:s30+$0xB0]  }
0x234: {  	v60 =	vld [tilespmem:s28+$0xFFFFFFA0]  }
0x235: {  	[tilespmem:s4+$0xFFFFFF10] =	vst v25;
	v61 =	vld [tilespmem:s30+$0xFFFFFFA0];
	v19 =	vadd.f32 v23, v19  }
0x236: {  	v29 =	vmul.f32 v41, v10;
	v21 =	vmul.f32 v43, v1;
	v25 =	vld [tilespmem:s28+$0xFFFFFF20]  }
0x237: {  	[tilespmem:s4+$0x10] =	vst v19;
	v19 =	vld [tilespmem:s30+$0xFFFFFF20]  }
0x238: {  	v62 =	vld [tilespmem:s12+$0xFFFFFFE0];
	v21 =	vadd.f32 v21, v29;
	v27 =	vmul.f32 v58, v2;
	v24 =	vmul.f32 v59, v3  }
0x239: {  	v33 =	vld [tilespmem:s28+$0x20]  }
0x23a: {  	[tilespmem:s26+$0x50] =	vst v21;
	v36 =	vld [tilespmem:s30+$0x20];
	v34 =	vmul.f32 v60, v4;
	v35 =	vmul.f32 v61, v8;
	v24 =	vadd.f32 v24, v27  }
0x23b: {  	v37 =	vld [tilespmem:s31+$0x60];
	v28 =	vmul.f32 v55, v11;
	v20 =	vmul.f32 v20, v16  }
0x23c: {  	v38 =	vld [tilespmem:s12+$0x60];
	v25 =	vmul.f32 v25, v5;
	v21 =	vadd.f32 v35, v34;
	v19 =	vmul.f32 v19, v6;
	[tilespmem:s4+$0xB0] =	vst v24  }
0x23d: {  	v20 =	vadd.f32 v20, v28;
	v39 =	vld [tilespmem:s28+$0xC0]  }
0x23e: {  	[tilespmem:s4+$0xFFFFFFA0] =	vst v21;
	v19 =	vadd.f32 v19, v25;
	v40 =	vld [tilespmem:s30+$0xC0]  }
0x23f: {  	[tilespmem:s26+$0xFFFFFF60] =	vst v20;
	v41 =	vmul.f32 v33, v7;
	v43 =	vmul.f32 v36, v9;
	v42 =	vld [tilespmem:s28+$0xFFFFFFB0]  }
0x240: {  	v20 =	vld [tilespmem:s30+$0xFFFFFFB0];
	[tilespmem:s4+$0xFFFFFF20] =	vst v19  }
0x241: {  	v19 =	vadd.f32 v43, v41;
	v45 =	vld [tilespmem:s28+$0xFFFFFF30]  }
0x242: {  	v23 =	vmul.f32 v62, v13;
	v22 =	vmul.f32 v56, v12;
	v46 =	vld [tilespmem:s30+$0xFFFFFF30]  }
0x243: {  	v44 =	vld [tilespmem:s31+$0xFFFFFF70];
	[tilespmem:s4+$0x20] =	vst v19;
	v19 =	vmul.f32 v39, v2;
	v21 =	vmul.f32 v40, v3  }
0x244: {  	v22 =	vadd.f32 v23, v22;
	v47 =	vld [tilespmem:s28+$0x30]  }
0x245: {  	v25 =	vmul.f32 v42, v4;
	v20 =	vmul.f32 v20, v8;
	v48 =	vld [tilespmem:s30+$0x30];
	v19 =	vadd.f32 v21, v19  }
0x246: {  	v49 =	vld [tilespmem:s12+$0xFFFFFF70];
	[tilespmem:s26+$0xFFFFFFE0] =	vst v22  }
0x247: {  	v56 =	vld [tilespmem:s12+$0xFFFFFFF0];
	v20 =	vadd.f32 v20, v25;
	v50 =	vmul.f32 v45, v5;
	v51 =	vmul.f32 v46, v6;
	[tilespmem:s4+$0xC0] =	vst v19  }
0x248: {  	v52 =	vld [tilespmem:s28+$0xD0]  }
0x249: {  	[tilespmem:s4+$0xFFFFFFB0] =	vst v20;
	v22 =	vadd.f32 v51, v50;
	v20 =	vld [tilespmem:s30+$0xD0]  }
0x24a: {  	v23 =	vmul.f32 v47, v7;
	v53 =	vld [tilespmem:s28+$0xFFFFFFC0];
	v26 =	vmul.f32 v48, v9  }
0x24b: {  	v54 =	vld [tilespmem:s30+$0xFFFFFFC0];
	[tilespmem:s4+$0xFFFFFF30] =	vst v22  }
0x24c: {  	v27 =	vmul.f32 v37, v10;
	v24 =	vmul.f32 v38, v1;
	v55 =	vadd.f32 v26, v23;
	v57 =	vld [tilespmem:s28+$0xFFFFFF40]  }
0x24d: {  	v19 =	vld [tilespmem:s31+$0xFFFFFFF0]  }
0x24e: {  	v24 =	vadd.f32 v24, v27;
	v58 =	vld [tilespmem:s30+$0xFFFFFF40];
	[tilespmem:s4+$0x30] =	vst v55;
	v59 =	vmul.f32 v52, v2;
	v20 =	vmul.f32 v20, v3  }
0x24f: {  	v14 =	vmul.f32 v17, v14;
	v15 =	vmul.f32 v18, v15;
	v17 =	vld [tilespmem:s28+$0x40]  }
0x250: {  	[tilespmem:s26+$0x60] =	vst v24;
	v18 =	vmul.f32 v53, v4;
	v60 =	vmul.f32 v54, v8;
	v61 =	vld [tilespmem:s30+$0x40];
	v20 =	vadd.f32 v20, v59  }
0x251: {  	v14 =	vadd.f32 v15, v14;
	v15 =	vmul.f32 v44, v11;
	v16 =	vmul.f32 v49, v16;
	v62 =	vld [tilespmem:s31+$0x70]  }
0x252: {  	v11 =	vld [tilespmem:s12+$0x70];
	v18 =	vadd.f32 v60, v18;
	v12 =	vmul.f32 v19, v12;
	v19 =	vmul.f32 v56, v13;
	[tilespmem:s4+$0xD0] =	vst v20  }
0x253: {  	[tilespmem:s26+$0xF0] =	vst v14;
	v15 =	vadd.f32 v16, v15;
	v16 =	vmul.f32 v57, v5;
	v20 =	vmul.f32 v58, v6;
	v13 =	vld [tilespmem:s28+$0xE0]  }
0x254: {  	[tilespmem:s4+$0xFFFFFFC0] =	vst v18;
	v12 =	vadd.f32 v19, v12;
	v14 =	vld [tilespmem:s30+$0xE0]  }
0x255: {  	[tilespmem:s26+$0xFFFFFF70] =	vst v15;
	v17 =	vmul.f32 v17, v7;
	v15 =	vld [tilespmem:s28+$0xFFFFFFD0];
	v19 =	vmul.f32 v61, v9;
	v18 =	vadd.f32 v20, v16  }
0x256: {  	s13 =	simm.s32 $0x16400;
	s12 =	simm.s32 $0x4;
	s31 =	simm.s32 $0x1A200;
	[tilespmem:s26+$0xFFFFFFF0] =	vst v12;
	v12 =	vmul.f32 v62, v10;
	v16 =	vld [tilespmem:s30+$0xFFFFFFD0]  }
.LBB2_5:
0x257: {  	v10 =	vld [tilespmem:s13+$0x80];
	[tilespmem:s4+$0xFFFFFF40] =	vst v18;
	v17 =	vadd.f32 v19, v17;
	s24 =	sadd.s32 $0x4, s24;
	v11 =	vmul.f32 v11, v1;
	v1 =	vmov v9  }
0x258: {  	s29 =	sadd.s32 $0x4, s29;
	v18 =	vld.msk [tilespmem:s24+$0x1 ss:$0x0], $0xffff  }
0x259: {  	s30 =	sadd.s32 $0x200, s30;
	v9 =	vmul.f32 v13, v2;
	v19 =	vld.msk [tilespmem:s29+$0x1 ss:$0x0], $0xffff;
	[tilespmem:s4+$0x40] =	vst v17;
	v13 =	vmul.f32 v14, v3;
	v11 =	vadd.f32 v11, v12  }
0x25a: {  	v17 =	vld [tilespmem:s30+$0x80];
	v15 =	vmul.f32 v15, v4  }
0x25b: {  	v14 =	vld.msk [tilespmem:s24+$0xFFFFFFFE ss:$0x0], $0xffff;
	v16 =	vmul.f32 v16, v8;
	v9 =	vadd.f32 v13, v9;
	[tilespmem:s26+$0x70] =	vst v11;
	s26 =	smov.u32 s4  }
0x25c: {  	v13 =	vld.msk [tilespmem:s29+$0xFFFFFFFE ss:$0x0], $0xffff  }
0x25d: {  	v12 =	vld.msk [tilespmem:s24+$0xFFFFFFFF ss:$0x0], $0xffff;
	v11 =	vadd.f32 v16, v15;
	[tilespmem:s4+$0xE0] =	vst v9  }
0x25e: {  	v15 =	vld [tilespmem:s28+$0xF0]  }
0x25f: {  	v9 =	vmul.f32 v10, v18;
	v16 =	vmul.f32 v17, v19;
	[tilespmem:s4+$0xFFFFFFD0] =	vst v11;
	v17 =	vld [tilespmem:s31+$0xF0]  }
0x260: {  	s12 =	sadd.s32 $0x4, s12;
	v11 =	vld.msk [tilespmem:s29+$0xFFFFFFFF ss:$0x0], $0xffff  }
0x261: {  	p3 =	slt.u32 s12, $0x3C;
	v10 =	vld.msk [tilespmem:s24+$0x0 ss:$0x0], $0xffff;
	v16 =	vadd.f32 v16, v9  }
0x262: {  	s4 =	sadd.s32 $0x200, s4;
	v9 =	vld.msk [tilespmem:s29+$0x0 ss:$0x0], $0xffff  }
0x263: {  	v20 =	vld [tilespmem:s30+$0xFFFFFF00];
	[tilespmem:s4+$0x80] =	vst v16  }
0x264: {  	v15 =	vmul.f32 v15, v2;
	v2 =	vmovc v18;
	v16 =	vld [tilespmem:s13+$0x90];
	v17 =	vmul.f32 v17, v3;
	v3 =	vmov v19  }
0x265: {  	v18 =	vld [tilespmem:s30+$0x90]  }
0x266: {  	v19 =	vld [tilespmem:s13+$0xFFFFFF80];
	v15 =	vadd.f32 v17, v15  }
0x267: {  	v17 =	vld [tilespmem:s30+$0xFFFFFF80]  }
0x268: {  	v20 =	vmul.f32 v20, v13;
	v21 =	vld [tilespmem:s13+$0x0];
	[tilespmem:s26+$0xF0] =	vst v15  }
0x269: {  	v15 =	vld [tilespmem:s30+$0x0]  }
0x26a: {  	v16 =	vmul.f32 v16, v2;
	v22 =	vld [tilespmem:s13+$0xFFFFFF00];
	v18 =	vmul.f32 v18, v3  }
0x26b: {  	v19 =	vmul.f32 v19, v12;
	v23 =	vld [tilespmem:s28+$0xFFFFFF50]  }
0x26c: {  	v17 =	vmul.f32 v17, v11;
	v16 =	vadd.f32 v18, v16;
	v18 =	vld [tilespmem:s31+$0xFFFFFF50]  }
0x26d: {  	v21 =	vmul.f32 v21, v10;
	v24 =	vld [tilespmem:s28+$0x50]  }
0x26e: {  	v17 =	vadd.f32 v17, v19;
	v15 =	vmul.f32 v15, v9;
	[tilespmem:s4+$0x90] =	vst v16;
	v16 =	vld [tilespmem:s31+$0x50]  }
0x26f: {  	v19 =	vmul.f32 v22, v14;
	v22 =	vld [tilespmem:s13+$0xA0]  }
0x270: {  	[tilespmem:s4+$0xFFFFFF80] =	vst v17;
	v15 =	vadd.f32 v15, v21;
	v17 =	vld [tilespmem:s30+$0xA0];
	v21 =	vmul.f32 v23, v5  }
0x271: {  	v19 =	vadd.f32 v20, v19;
	v20 =	vld [tilespmem:s13+$0xFFFFFF90];
	v18 =	vmul.f32 v18, v6  }
0x272: {  	v23 =	vld [tilespmem:s30+$0xFFFFFF90];
	[tilespmem:s4+$0x0] =	vst v15;
	v15 =	vmul.f32 v24, v7  }
0x273: {  	[tilespmem:s4+$0xFFFFFF00] =	vst v19;
	v19 =	vld [tilespmem:s13+$0x10];
	v18 =	vadd.f32 v18, v21;
	v16 =	vmul.f32 v16, v1  }
0x274: {  	v21 =	vld [tilespmem:s13+$0xFFFFFF10]  }
0x275: {  	v22 =	vmul.f32 v22, v2;
	v24 =	vld [tilespmem:s30+$0xFFFFFF10];
	v17 =	vmul.f32 v17, v3;
	[tilespmem:s26+$0xFFFFFF50] =	vst v18;
	v15 =	vadd.f32 v16, v15  }
0x276: {  	v16 =	vmul.f32 v20, v12;
	v18 =	vld [tilespmem:s30+$0x10]  }
0x277: {  	v20 =	vmul.f32 v23, v11;
	v17 =	vadd.f32 v17, v22;
	v22 =	vld [tilespmem:s28+$0xFFFFFF60];
	[tilespmem:s26+$0x50] =	vst v15  }
0x278: {  	v15 =	vmul.f32 v19, v10;
	v19 =	vld [tilespmem:s31+$0xFFFFFF60]  }
0x279: {  	v21 =	vmul.f32 v21, v14;
	v16 =	vadd.f32 v20, v16;
	[tilespmem:s4+$0xA0] =	vst v17;
	v17 =	vld [tilespmem:s28+$0xFFFFFFE0]  }
0x27a: {  	v20 =	vmul.f32 v24, v13;
	v23 =	vld [tilespmem:s13+$0xB0]  }
0x27b: {  	[tilespmem:s4+$0xFFFFFF90] =	vst v16;
	v16 =	vmul.f32 v18, v9;
	v18 =	vld [tilespmem:s30+$0xB0]  }
0x27c: {  	v20 =	vadd.f32 v20, v21;
	v21 =	vld [tilespmem:s13+$0xFFFFFFA0];
	v22 =	vmul.f32 v22, v5  }
0x27d: {  	v24 =	vld [tilespmem:s30+$0xFFFFFFA0];
	v15 =	vadd.f32 v16, v15;
	v16 =	vmul.f32 v19, v6  }
0x27e: {  	[tilespmem:s4+$0xFFFFFF10] =	vst v20;
	v17 =	vmul.f32 v17, v4;
	v19 =	vld [tilespmem:s31+$0xFFFFFFE0]  }
0x27f: {  	v20 =	vld [tilespmem:s13+$0xFFFFFF20];
	[tilespmem:s4+$0x10] =	vst v15;
	v15 =	vadd.f32 v16, v22  }
0x280: {  	v22 =	vmul.f32 v23, v2;
	v16 =	vld [tilespmem:s30+$0xFFFFFF20];
	v18 =	vmul.f32 v18, v3  }
0x281: {  	v21 =	vmul.f32 v21, v12;
	v23 =	vld [tilespmem:s13+$0x20];
	[tilespmem:s26+$0xFFFFFF60] =	vst v15  }
0x282: {  	v15 =	vmul.f32 v24, v11;
	v24 =	vld [tilespmem:s30+$0x20];
	v18 =	vadd.f32 v18, v22  }
0x283: {  	v19 =	vmul.f32 v19, v8;
	v22 =	vld [tilespmem:s28+$0x60]  }
0x284: {  	v20 =	vmul.f32 v20, v14;
	v15 =	vadd.f32 v15, v21;
	[tilespmem:s4+$0xB0] =	vst v18;
	v18 =	vld [tilespmem:s31+$0x60]  }
0x285: {  	v16 =	vmul.f32 v16, v13;
	v21 =	vld [tilespmem:s13+$0xC0];
	v17 =	vadd.f32 v19, v17  }
0x286: {  	[tilespmem:s4+$0xFFFFFFA0] =	vst v15;
	v15 =	vmul.f32 v23, v10;
	v19 =	vld [tilespmem:s30+$0xC0]  }
0x287: {  	v16 =	vadd.f32 v16, v20;
	v20 =	vld [tilespmem:s13+$0xFFFFFFB0];
	v23 =	vmul.f32 v24, v9;
	[tilespmem:s26+$0xFFFFFFE0] =	vst v17  }
0x288: {  	v17 =	vld [tilespmem:s30+$0xFFFFFFB0];
	v22 =	vmul.f32 v22, v7  }
0x289: {  	[tilespmem:s4+$0xFFFFFF20] =	vst v16;
	v15 =	vadd.f32 v23, v15;
	v16 =	vld [tilespmem:s28+$0xFFFFFF70];
	v18 =	vmul.f32 v18, v1  }
0x28a: {  	v23 =	vld [tilespmem:s13+$0xFFFFFF30]  }
0x28b: {  	v24 =	vld [tilespmem:s30+$0xFFFFFF30];
	[tilespmem:s4+$0x20] =	vst v15;
	v15 =	vmul.f32 v21, v2;
	v19 =	vmul.f32 v19, v3;
	v18 =	vadd.f32 v18, v22  }
0x28c: {  	v20 =	vmul.f32 v20, v12;
	v21 =	vld [tilespmem:s13+$0x30]  }
0x28d: {  	v17 =	vmul.f32 v17, v11;
	v22 =	vld [tilespmem:s30+$0x30];
	v15 =	vadd.f32 v19, v15;
	[tilespmem:s26+$0x60] =	vst v18  }
0x28e: {  	v16 =	vmul.f32 v16, v5;
	v18 =	vld [tilespmem:s31+$0xFFFFFF70];
	v5 =	vmov v14  }
0x28f: {  	v14 =	vmul.f32 v23, v5;
	v17 =	vadd.f32 v17, v20;
	[tilespmem:s4+$0xC0] =	vst v15;
	v15 =	vld [tilespmem:s28+$0xFFFFFFF0]  }
0x290: {  	v19 =	vmul.f32 v24, v13;
	v20 =	vld [tilespmem:s13+$0xD0]  }
0x291: {  	[tilespmem:s4+$0xFFFFFFB0] =	vst v17;
	v17 =	vmul.f32 v21, v10;
	v21 =	vld [tilespmem:s30+$0xD0]  }
0x292: {  	v14 =	vadd.f32 v19, v14;
	v19 =	vld [tilespmem:s13+$0xFFFFFFC0];
	v22 =	vmul.f32 v22, v9  }
0x293: {  	v23 =	vld [tilespmem:s30+$0xFFFFFFC0];
	v18 =	vmul.f32 v18, v6;
	v6 =	vmov v13  }
0x294: {  	[tilespmem:s4+$0xFFFFFF30] =	vst v14;
	v13 =	vadd.f32 v22, v17;
	v14 =	vmul.f32 v15, v4;
	v15 =	vld [tilespmem:s31+$0xFFFFFFF0];
	v4 =	vmov v12  }
0x295: {  	v12 =	vld [tilespmem:s13+$0xFFFFFF40];
	v16 =	vadd.f32 v18, v16  }
0x296: {  	v17 =	vld [tilespmem:s30+$0xFFFFFF40];
	[tilespmem:s4+$0x30] =	vst v13;
	v13 =	vmul.f32 v20, v2;
	v18 =	vmul.f32 v21, v3  }
0x297: {  	v19 =	vmul.f32 v19, v4;
	v20 =	vld [tilespmem:s13+$0x40];
	[tilespmem:s26+$0xFFFFFF70] =	vst v16  }
0x298: {  	v16 =	vmul.f32 v23, v11;
	v21 =	vld [tilespmem:s30+$0x40];
	v13 =	vadd.f32 v18, v13  }
0x299: {  	v15 =	vmul.f32 v15, v8;
	v22 =	vld [tilespmem:s28+$0x70];
	v8 =	vmov v11;
	s28 =	smov.u32 s13  }
.Ltmp3:
0x29a: {  	v12 =	vmul.f32 v12, v5;
	v16 =	vadd.f32 v16, v19;
	[tilespmem:s4+$0xD0] =	vst v13;
	v11 =	vld [tilespmem:s31+$0x70];
	s31 =	smov.u32 s30;
	(pc) =	sbr.rel @p3 .LBB2_5-.Ltmp3, $4  }
0x29b: {  	v18 =	vmul.f32 v17, v6;
	v13 =	vld [tilespmem:s13+$0xE0];
	v23 =	vadd.f32 v15, v14  }
0x29c: {  	[tilespmem:s4+$0xFFFFFFC0] =	vst v16;
	v17 =	vmul.f32 v20, v10;
	v14 =	vld [tilespmem:s30+$0xE0]  }
0x29d: {  	v18 =	vadd.f32 v18, v12;
	v15 =	vld [tilespmem:s13+$0xFFFFFFD0];
	v19 =	vmul.f32 v21, v9;
	[tilespmem:s26+$0xFFFFFFF0] =	vst v23  }
0x29e: {  	s13 =	sadd.s32 $0x200, s13;
	v16 =	vld [tilespmem:s30+$0xFFFFFFD0];
	v12 =	vmul.f32 v22, v7;
	v7 =	vmov v10  }
0x29f: {  	[tilespmem:s4+$0xFFFFFF40] =	vst v18;
	v17 =	vadd.f32 v19, v17  }
0x2a0: {  	v10 =	vld [tilespmem:s28+$0xFFFFFF50]  }
0x2a1: {  	v18 =	vld [tilespmem:s31+$0xFFFFFF50];
	[tilespmem:s4+$0x40] =	vst v17  }
0x2a2: {  	v17 =	vld [tilespmem:s28+$0x50]  }
0x2a3: {  	v33 =	vld [tilespmem:s31+$0x50]  }
0x2a4: {  	v15 =	vmul.f32 v15, v4;
	v16 =	vmul.f32 v16, v8;
	_ =	sdelay $0x1  }
0x2a5: {  	v10 =	vmul.f32 v10, v5;
	v18 =	vmul.f32 v18, v6;
	v15 =	vadd.f32 v16, v15;
	_ =	sdelay $0x1  }
0x2a6: {  	v10 =	vadd.f32 v18, v10;
	v34 =	vmul.f32 v17, v7;
	v35 =	vmul.f32 v33, v9;
	[tilespmem:s4+$0xFFFFFFD0] =	vst v15  }
0x2a7: {  	v38 =	vld [tilespmem:s28+$0xFFFFFFE0]  }
0x2a8: {  	v39 =	vld [tilespmem:s31+$0xFFFFFFE0];
	[tilespmem:s4+$0xFFFFFF50] =	vst v10;
	v36 =	vadd.f32 v35, v34  }
0x2a9: {  	v10 =	vld [tilespmem:s28+$0xFFFFFF60]  }
0x2aa: {  	v37 =	vld [tilespmem:s31+$0xFFFFFF60];
	[tilespmem:s4+$0x50] =	vst v36  }
0x2ab: {  	v13 =	vmul.f32 v13, v2;
	v14 =	vmul.f32 v14, v3;
	v40 =	vld [tilespmem:s28+$0x60]  }
0x2ac: {  	v41 =	vld [tilespmem:s31+$0x60]  }
0x2ad: {  	v13 =	vadd.f32 v14, v13;
	v43 =	vmul.f32 v38, v4;
	v44 =	vmul.f32 v39, v8;
	_ =	sdelay $0x1  }
0x2ae: {  	[tilespmem:s4+$0xE0] =	vst v13;
	v10 =	vmul.f32 v10, v5;
	v42 =	vmul.f32 v37, v6;
	v47 =	vadd.f32 v44, v43  }
0x2af: {  	v45 =	vld [tilespmem:s28+$0xF0]  }
0x2b0: {  	v46 =	vld [tilespmem:s31+$0xF0];
	v10 =	vadd.f32 v42, v10;
	v48 =	vmul.f32 v40, v7;
	v49 =	vmul.f32 v41, v9;
	[tilespmem:s4+$0xFFFFFFE0] =	vst v47  }
0x2b1: {  	v53 =	vld [tilespmem:s28+$0xFFFFFFF0]  }
0x2b2: {  	v54 =	vld [tilespmem:s31+$0xFFFFFFF0];
	[tilespmem:s4+$0xFFFFFF60] =	vst v10;
	v51 =	vadd.f32 v49, v48  }
0x2b3: {  	v50 =	vld [tilespmem:s28+$0xFFFFFF70]  }
0x2b4: {  	v52 =	vld [tilespmem:s31+$0xFFFFFF70];
	[tilespmem:s4+$0x60] =	vst v51  }
0x2b5: {  	v55 =	vld [tilespmem:s28+$0x70]  }
0x2b6: {  	v56 =	vld [tilespmem:s31+$0x70]  }
0x2b7: {  	v1 =	vmul.f32 v11, v1  }
0x2b8: {  	v2 =	vmul.f32 v45, v2;
	v3 =	vmul.f32 v46, v3  }
0x2b9: {  	v1 =	vadd.f32 v1, v12;
	v57 =	vmul.f32 v50, v5;
	v58 =	vmul.f32 v52, v6  }
0x2ba: {  	v2 =	vadd.f32 v3, v2;
	v3 =	vmul.f32 v53, v4;
	v59 =	vmul.f32 v54, v8  }
0x2bb: {  	[tilespmem:s26+$0x70] =	vst v1;
	v1 =	vadd.f32 v58, v57;
	v60 =	vmul.f32 v55, v7;
	v61 =	vmul.f32 v56, v9  }
0x2bc: {  	[tilespmem:s4+$0xF0] =	vst v2;
	v2 =	vadd.f32 v59, v3  }
0x2bd: {  	[tilespmem:s4+$0xFFFFFF70] =	vst v1;
	v1 =	vadd.f32 v61, v60  }
0x2be: {  	[tilespmem:s4+$0xFFFFFFF0] =	vst v2  }
0x2bf: {  	[tilespmem:s4+$0x70] =	vst v1  }
0x2c0: {  	v1 =	vld [tilespmem:$0x13A80]  }
0x2c1: {  	v2 =	vld [tilespmem:$0x13A90]  }
0x2c2: {  	v3 =	vld [tilespmem:$0x13AA0]  }
0x2c3: {  	v62 =	vld [tilespmem:$0x13AB0];
	_ =	sdelay $0x1  }
.Ltmp4:
0x2c4: {  	[tilespmem:$0x1FF80] =	vst v1;
	(pc) =	sbr.rel @p2 .LBB2_8-.Ltmp4, $4  }
0x2c5: {  	[tilespmem:$0x1FF90] =	vst v2  }
0x2c6: {  	[tilespmem:$0x1FFA0] =	vst v3  }
0x2c7: {  	[tilespmem:$0x1FFB0] =	vst v62  }
0x2c8: {  	[spmem:s2] =	stream.indirect.scatter.add.f32 [tilespmem:s19], [sflag:$0x6], $0x80, s18, s10, $0xb8;
	v63 =	vld [tilespmem:$0x0]  }
0x2c9: {  	s4 =	sadd.s32 s25, s23  }
0x2ca: {  	s4 =	sshrl.u32 s4, $0x3  }
0x2cb: {  	s12 =	sadd.s32 s7, s4  }
0x2cc: {  	[tilespmem:s0], [sflag:$0x2] =	stream.linear.gather [hbm4b:s12+s3], $0x40, $0x38;
	v63 =	vld [tilespmem:$0x0]  }
0x2cd: {  	s13 =	simm.s32 $0x13A80;
	s28 =	sadd.s32 s1, s4  }
0x2ce: {  	[tilespmem:s13], [sflag:$0x2] =	stream.linear.gather [hbm4b:s28+s3], $0x40, $0x38;
	v63 =	vld [tilespmem:$0x0]  }
.Ltmp5:
0x2cf: {  	_ = 	snop;
	(pc) =	sbr.rel .LBB2_2-.Ltmp5, $4  }
0x2d0: {  	s30 =	simm.s32 $0x13B80;
	s29 =	sadd.s32 s8, s4  }
0x2d1: {  	[tilespmem:s30], [sflag:$0x2] =	stream.linear.gather [hbm4b:s29+s3], $0x40, $0x38;
	v63 =	vld [tilespmem:$0x0]  }
0x2d2: {  	s31 =	simm.s32 $0x13C80;
	s20 =	sadd.s32 $0x1, s20;
	s4 =	sadd.s32 s9, s4  }
0x2d3: {  	[tilespmem:s31], [sflag:$0x2] =	stream.linear.gather [hbm4b:s4+s3], $0x40, $0x38;
	v63 =	vld [tilespmem:$0x0]  }
.LBB2_9:
0x2d4: {  	_ =	sfence.sel $0x180000  }
0x2d5: {  	[bflag:$0x0] =	sbarrier.arrive $0xFFFF  }
0x2d6: {  	_ =	strace $0x9000004D  }
0x2d7: {  	s0 =	stileid.u32;
	[bflag:$0x2] =	sbarrier.arrive $0xFFFF  }
0x2d8: {  	p0 =	sne.s32 s0, $0x0;
	s0 =	rddreg [dreg:$0x3]  }
0x2d9: {  	s0 =	sadd.s32 @!p0 $0x100000, s0  }
0x2da: {  	[sflag:s0] =	ssyncadd.tile.s32 @!p0 $0x1;
	_ =	shalt  }
.Lfunc_end2:
_tile_overlayer_lowered:
.L_overlay_start_2:
0x2db: {  	(tag) =	ssettag $0x2  }
0x2dc: {  	s0 =	rddreg [dreg:$0x0];
	s2 =	stileid.u32  }
0x2dd: {  	s1 =	rddreg [dreg:$0x1];
	p0 =	sne.s32 s2, $0x0  }
0x2de: {  	s3 =	rddreg [dreg:$0x2];
	[bflag:$0x3] =	sbarrier.arrive $0xFFFF;
	s2 =	simm.s32 @!p0 $0x1C07  }
0x2df: {  	[timem:s3], [sflag:s2] =	dma.local @!p0 [hbm:s0], s1  }
0x2e0: {  	s0 =	simm.s32 @!p0 $0x7  }
0x2e1: {  	_ =	swait.ge @!p0 [sflag:s0], s1  }
0x2e2: {  	s1 =	ssub.s32 @!p0 $0x0, s1;
	[sflag:s0] =	ssyncset.done @!p0 $0x0  }
0x2e3: {  	[sflag:s0] =	ssyncadd.s32 @!p0 s1  }
0x2e4: {  	[bflag:$0x3] =	sbarrier.arrive $0xFFFF  }
0x2e5: {  	_ =	shalt  }

// kernel: kernel.7.cloned.1.call-start
scs
__scs_entry_jumppad:
0x0: {  	(pc) =	sbr.rel $0x88, $3  }
0x1: {  	(tag) =	ssettag $0x0;
	lr =	simm.s32 $0x1  }
0x2: {  	[smem:$0x3F9A] =	sst lr;
	_ =	strace $0xD0000000  }
0x3: {  	_ = 	snop  }
0x4: {  	_ = 	snop  }
0x5: {  	_ = 	snop  }
0x6: {  	_ = 	snop  }
0x7: {  	_ = 	snop  }
__scs_overlays_trampoline_lowered:
0x8: {  	[smem:$0x3FA9] =	sst s0  }
0x9: {  	[smem:$0x3FAA] =	sst s1  }
0xa: {  	[smem:$0x3FAB] =	sst s2  }
0xb: {  	[smem:$0x3FAC] =	sst s3  }
0xc: {  	[smem:$0x3FAD] =	sst s4  }
0xd: {  	[smem:$0x3FAE] =	sst s5  }
0xe: {  	[smem:$0x3FAF] =	sst s6  }
0xf: {  	[smem:$0x3FB0] =	sst s7  }
0x10: {  	[smem:$0x3FB1] =	sst s8  }
0x11: {  	[smem:$0x3FB2] =	sst s9;
	s0 =	simm.s32 @!p0 $0x0  }
0x12: {  	s1 =	sld [smem:$0x3F98];
	s0 =	simm.s32 @p0 $0x1  }
0x13: {  	[smem:$0x3FB3] =	sst s0;
	s0 =	simm.s32 @!p1 $0x0  }
0x14: {  	s2 =	sld [smem:$0x3F97];
	s0 =	simm.s32 @p1 $0x1  }
0x15: {  	[smem:$0x3FB4] =	sst s0;
	s0 =	simm.s32 @!p2 $0x0  }
0x16: {  	s3 =	sld [smem:$0x3FDB];
	s0 =	simm.s32 @p2 $0x1  }
0x17: {  	s4 =	simm.s32 $0x1BF5;
	[smem:$0x3FB6] =	sst s0  }
0x18: {  	s0 =	sld [smem:$0x3F99];
	_ =	swait.ge [sflag:s4], $0x0  }
0x19: {  	s7 =	sld [smem:$0x3F9A]  }
0x1a: {  	s8 =	sadd.s32 $0xFFFFE003, lr  }
0x1b: {  	s9 =	sadd.s32 $0xFFFFFEF7, lr;
	s5 =	simm.s32 $0xFFFFFFFF;
	p2 =	slt.u32 s8, $0xFFFFF086  }
0x1c: {  	p1 =	slt.u32 s9, $0xF7A;
	s5 =	simm.s32 @!p2 $0x0  }
0x1d: {  	s5 =	simm.s32 @p1 $0x1;
	p0 =	seq.s32 s7, s2  }
0x1e: {  	s7 =	smul.u32 @!p0 $0xF7A, s2;
	p2 =	seq.s32 @!p0 s5, $0x0  }
0x1f: {  	s9 =	smul.u32 $0xF7A, s1;
	s8 =	simm.s32 @!p0 $0x1BF5;
	p2 =	por !p2, p0  }
0x20: {  	[sflag:s8] =	ssyncset.s32 @!p0 $0xFFFFF086;
	s6 =	sadd.s32 @!p0 s3, s7;
	s7 =	simm.s32 @!p0 $0x108  }
0x21: {  	s3 =	sadd.s32 s3, s9;
	s6 =	sadd.s32 @!p0 $0x88, s6;
	s7 =	simm.s32 @p2 $0x1082  }
0x22: {  	[simem:s7], [sflag:s8] =	dma.local @!p0 [hbm:s6], $0xF7A  }
0x23: {  	s9 =	sor.u32 $0xD0000000, s2;
	s6 =	simm.s32 $0x108;
	_ =	swait.ge @!p0 [sflag:s8], $0x0  }
0x24: {  	s3 =	sadd.s32 $0x88, s3;
	s6 =	simm.s32 @!p1 $0x1082;
	[sflag:s4] =	ssyncset.s32 $0xFFFFF086  }
0x25: {  	[simem:s6], [sflag:s4] =	dma.local [hbm:s3], $0xF7A  }
0x26: {  	[smem:$0x3F9A] =	sst s1;
	(tag) =	ssettag s2;
	_ =	strace s9  }
0x27: {  	s1 =	sld [smem:$0x3FAA]  }
0x28: {  	s2 =	sld [smem:$0x3FAB]  }
0x29: {  	s4 =	sld [smem:$0x3FAD]  }
0x2a: {  	p0 =	seq.s32 s5, $0x0;
	s5 =	sld [smem:$0x3FAE]  }
0x2b: {  	s6 =	sld [smem:$0x3FAF]  }
0x2c: {  	s7 =	sld [smem:$0x3FB0]  }
0x2d: {  	s3 =	simm.s32 $0x108;
	s8 =	sld [smem:$0x3FB1]  }
0x2e: {  	s3 =	simm.s32 @!p0 $0x1082;
	s9 =	sld [smem:$0x3FB2]  }
0x2f: {  	lr =	sadd.s32 s0, s3;
	s0 =	sld [smem:$0x3FA9]  }
0x30: {  	s3 =	sld [smem:$0x3FAC]  }
0x31: {  	[smem:$0x3FB5] =	sst s10  }
0x32: {  	s10 =	sld [smem:$0x3FB3];
	_ =	sdelay $0x3  }
0x33: {  	p0 =	seq.s32 s10, $0x1;
	s10 =	sld [smem:$0x3FB5];
	_ =	sdelay $0x3  }
0x34: {  	[smem:$0x3FB5] =	sst s10  }
0x35: {  	s10 =	sld [smem:$0x3FB4];
	_ =	sdelay $0x3  }
0x36: {  	p1 =	seq.s32 s10, $0x1;
	s10 =	sld [smem:$0x3FB5];
	_ =	sdelay $0x3  }
0x37: {  	[smem:$0x3FB5] =	sst s10  }
0x38: {  	s10 =	sld [smem:$0x3FB6]  }
0x39: {  	_ = 	snop;
	(pc) =	sbr.ind lr, $3  }
0x3a: {  	_ = 	snop  }
0x3b: {  	_ = 	snop  }
0x3c: {  	p2 =	seq.s32 s10, $0x1;
	s10 =	sld [smem:$0x3FB5]  }
0x3d: {  	_ =	shalt  }
0x3e: {  	_ =	shalt  }
0x3f: {  	_ =	shalt  }
0x40: {  	_ =	shalt  }
0x41: {  	_ =	shalt  }
0x42: {  	_ =	shalt  }
0x43: {  	_ =	shalt  }
0x44: {  	_ =	shalt  }
0x45: {  	_ =	shalt  }
0x46: {  	_ =	shalt  }
0x47: {  	_ =	shalt  }
0x48: {  	_ =	shalt  }
0x49: {  	_ =	shalt  }
0x4a: {  	_ =	shalt  }
0x4b: {  	_ =	shalt  }
0x4c: {  	_ =	shalt  }
0x4d: {  	_ =	shalt  }
0x4e: {  	_ =	shalt  }
0x4f: {  	_ =	shalt  }
0x50: {  	_ =	shalt  }
0x51: {  	_ =	shalt  }
0x52: {  	_ =	shalt  }
0x53: {  	_ =	shalt  }
0x54: {  	_ =	shalt  }
0x55: {  	_ =	shalt  }
0x56: {  	_ =	shalt  }
0x57: {  	_ =	shalt  }
0x58: {  	_ =	shalt  }
0x59: {  	_ =	shalt  }
0x5a: {  	_ =	shalt  }
0x5b: {  	_ =	shalt  }
0x5c: {  	_ =	shalt  }
0x5d: {  	_ =	shalt  }
0x5e: {  	_ =	shalt  }
0x5f: {  	_ =	shalt  }
0x60: {  	_ =	shalt  }
0x61: {  	_ =	shalt  }
0x62: {  	_ =	shalt  }
0x63: {  	_ =	shalt  }
0x64: {  	_ =	shalt  }
0x65: {  	_ =	shalt  }
0x66: {  	_ =	shalt  }
0x67: {  	_ =	shalt  }
0x68: {  	_ =	shalt  }
0x69: {  	_ =	shalt  }
0x6a: {  	_ =	shalt  }
0x6b: {  	_ =	shalt  }
0x6c: {  	_ =	shalt  }
0x6d: {  	_ =	shalt  }
0x6e: {  	_ =	shalt  }
0x6f: {  	_ =	shalt  }
0x70: {  	_ =	shalt  }
0x71: {  	_ =	shalt  }
0x72: {  	_ =	shalt  }
0x73: {  	_ =	shalt  }
0x74: {  	_ =	shalt  }
0x75: {  	_ =	shalt  }
0x76: {  	_ =	shalt  }
0x77: {  	_ =	shalt  }
0x78: {  	_ =	shalt  }
0x79: {  	_ =	shalt  }
0x7a: {  	_ =	shalt  }
0x7b: {  	_ =	shalt  }
0x7c: {  	_ =	shalt  }
0x7d: {  	_ =	shalt  }
0x7e: {  	_ =	shalt  }
0x7f: {  	_ =	shalt  }
0x80: {  	_ =	shalt  }
0x81: {  	_ =	shalt  }
0x82: {  	_ =	shalt  }
0x83: {  	_ =	shalt  }
0x84: {  	_ =	shalt  }
0x85: {  	_ =	shalt  }
0x86: {  	_ =	shalt  }
0x87: {  	_ =	shalt  }
.Lfunc_end0:
.L_simem_size_0:
called_computation_lowered:
.L_overlay_start_0:
0x88: {  	s2 =	sld [smem:$0x3FD9]  }
0x89: {  	s3 =	sld [smem:$0x3FFE];
	_ =	sdelay $0x1  }
0x8a: {  	s1 =	srdreg.scid  }
0x8b: {  	s0 =	sand.u32 $0x1, s1  }
0x8c: {  	s15 =	sshll.u32 s0, $0xA;
	s2 =	sadd.s32 s3, s2  }
0x8d: {  	s2 =	sadd.s32 s2, s15  }
0x8e: {  	[smem:$0x3FC1] =	sst s2  }
0x8f: {  	_ = 	snop  }
0x90: {  	s2 =	sld [smem:$0x3FD0];
	_ =	sdelay $0x2  }
0x91: {  	s4 =	simm.s32 $0xB;
	s5 =	simm.s32 $0x10;
	s16 =	sld [smem:$0x3FC9]  }
0x92: {  	[smem:s5], [sflag:s4] =	dma.local [hbm:s2], $0x1  }
0x93: {  	_ =	swait.eq [sflag:s4], $0x1  }
0x94: {  	[sflag:s4] =	ssyncset.done $0x0  }
0x95: {  	[sflag:s4] =	ssyncadd.s32 $0xFFFFFFFF  }
0x96: {  	s17 =	sld [smem:$0x10];
	(tm) =	ssettm $0x1  }
0x97: {  	s18 =	sld [smem:$0x3FFB];
	_ =	sdelay $0x3  }
0x98: {  	_ =	strace s18  }
0x99: {  	s2 =	sld [smem:$0x3FFC];
	_ =	sdelay $0x3  }
0x9a: {  	_ =	strace s2  }
0x9b: {  	s2 =	sld [smem:$0x3FFD];
	_ =	sdelay $0x3  }
0x9c: {  	_ =	strace s2  }
0x9d: {  	_ =	strace $0x8FFFFFFF  }
0x9e: {  	s19 =	sld [smem:$0x3FDB];
	_ =	sdelay $0x1  }
0x9f: {  	s20 =	simm.s32 $_scs_section_size  }
0xa0: {  	s6 =	simm.s32 $_size__tile_overlayer_lowered;
	s7 =	simm.s32 $_tile_overlayer_lowered  }
0xa1: {  	s8 =	simm.s32 $0x1BFF;
	s21 =	sshll.u32 s7, $0x1;
	s5 =	sadd.s32 s20, s19  }
0xa2: {  	s22 =	simm.s32 $0x0;
	s6 =	sshll.u32 s6, $0x1;
	s7 =	sadd.s32 s21, s5  }
0xa3: {  	[timem:s22], [sflag:s8] =	dma.local [hbm:s7], s6  }
0xa4: {  	_ =	swait.ge [sflag:s8], s6  }
0xa5: {  	s6 =	ssub.s32 $0x0, s6;
	[sflag:s8] =	ssyncset.done $0x0  }
0xa6: {  	[sflag:s8] =	ssyncadd.s32 s6;
	_ =	sdelay $0x1  }
0xa7: {  	s23 =	simm.s32 $0x1B8B  }
0xa8: {  	_ =	swait.ge [sflag:s23], $0x1  }
0xa9: {  	[sflag:s23] =	ssyncset.done $0x0  }
0xaa: {  	[sflag:s23] =	ssyncadd.s32 $0xFFFFFFFF  }
0xab: {  	s6 =	sld [smem:$0x0]  }
0xac: {  	s7 =	sand.u32 $0xFFFFFFFE, s1  }
0xad: {  	p0 =	sne.s32 s1, s7  }
0xae: {  	s7 =	sshll.u32 @p0 s7, $0xE  }
0xaf: {  	s7 =	sadd.s32 @p0 $0x11B8D, s7;
	s8 =	sshll.u32 @p0 s6, $0x11  }
0xb0: {  	s7 =	sor.u32 @p0 s8, s7  }
0xb1: {  	[sflag:s7] =	ssyncadd.remote.s32 @p0 $0x1;
	_ =	sdelay $0x1  }
0xb2: {  	s7 =	simm.s32 @p0 $0x1B8D  }
0xb3: {  	_ =	swait.eq @p0 [sflag:s7], $0x1  }
0xb4: {  	[sflag:s7] =	ssyncadd.s32 @p0 $0xFFFFFFFF  }
0xb5: {  	s8 =	sshll.u32 @!p0 s1, $0xE  }
0xb6: {  	s8 =	sor.u32 @!p0 $0x4000, s8;
	s7 =	simm.s32 @!p0 $0x1B8D  }
0xb7: {  	s6 =	sshll.u32 @!p0 s6, $0x11;
	s8 =	sadd.s32 @!p0 $0x11B8D, s8;
	_ =	swait.eq @!p0 [sflag:s7], $0x1  }
0xb8: {  	s6 =	sor.u32 @!p0 s6, s8;
	[sflag:s7] =	ssyncadd.s32 @!p0 $0xFFFFFFFF  }
0xb9: {  	s25 =	simm.s32 $0x1B8E;
	s24 =	sld [smem:$0x3FFE];
	[sflag:s6] =	ssyncadd.remote.s32 @!p0 $0x1  }
0xba: {  	s26 =	simm.s32 $execute0_lowered;
	[smem:$0x3FD2] =	sst s25  }
0xbb: {  	s7 =	sshll.u32 s26, $0x1;
	_ =	strace $0x80000049;
	[dreg:$0x1] =	wrdreg $0xFFFFFFFF  }
0xbc: {  	s28 =	simm.s32 $_size_execute0_lowered;
	s5 =	sadd.s32 s5, s7;
	[dreg:$0x0] =	wrdreg $0x0  }
0xbd: {  	s7 =	sshll.u32 s28, $0x1;
	[dreg:$0x2] =	wrdreg s5  }
0xbe: {  	[dreg:$0x3] =	wrdreg s7  }
0xbf: {  	[dreg:$0x4] =	wrdreg $0xC0  }
0xc0: {  	_ =	task [dreg:s22], $0x5FFFF  }
0xc1: {  	[dreg:$0x1] =	wrdreg $0xFFFFFFFF  }
0xc2: {  	[dreg:$0x0] =	wrdreg $0x60  }
0xc3: {  	[dreg:$0x2] =	wrdreg s16  }
0xc4: {  	[dreg:$0x3] =	wrdreg s24  }
0xc5: {  	[dreg:$0x4] =	wrdreg s17  }
0xc6: {  	[dreg:$0x5] =	wrdreg $0x0  }
0xc7: {  	[dreg:$0x6] =	wrdreg $0x9  }
0xc8: {  	_ =	task.clear_ibuf [dreg:s22], $0x7FFFF;
	_ =	strace $0x90000049  }
0xc9: {  	s29 =	simm.s32 $0x9;
	_ =	strace $0x8000004B  }
0xca: {  	_ =	swait.ge [sflag:s29], $0x1  }
0xcb: {  	[sflag:s29] =	ssyncadd.s32 $0xFFFFFFFF  }
0xcc: {  	_ =	strace $0x9000004B  }
0xcd: {  	_ =	sfence  }
0xce: {  	s30 =	sld [smem:$0x0];
	_ =	sdelay $0x2  }
0xcf: {  	s31 =	sshll.u32 s1, $0xD;
	s1 =	sshrl.u32 s1, $0x2  }
0xd0: {  	s4 =	sand.u32 $0x4000, s31;
	s1 =	sadd.s32 s1, s30  }
0xd1: {  	s0 =	sor.u32 s4, s0;
	s1 =	sshll.u32 s1, $0x11  }
0xd2: {  	s0 =	sor.u32 s1, s0  }
0xd3: {  	s0 =	sadd.s32 $0x8F2B, s0  }
0xd4: {  	[sflag:s0] =	ssyncadd.remote.s32 $0x1  }
0xd5: {  	_ =	sfence.sel $0xFFFF  }
0xd6: {  	[dreg:$0x0] =	wrdreg $0xFFFFFFFF;
	(pc) =	sbr.abs _section_cstart, $3  }
0xd7: {  	[dreg:$0x1] =	wrdreg $0xFFFFFFFF  }
0xd8: {  	_ =	task.clear_ibuf [dreg:s22], $0x2FFFF;
	_ =	strace $0x9FFFFFFF  }
0xd9: {  	(tm) =	ssettm $0x7FFFFFFF  }
tec
execute0_lowered:
.L_overlay_start_1:
0x0: {  	(tag) =	ssettag $0x1  }
0x1: {  	s1 =	rddreg [dreg:$0x0]  }
0x2: {  	s0 =	rddreg [dreg:$0x1]  }
0x3: {  	s2 =	rddreg [dreg:$0x2]  }
0x4: {  	s3 =	rddreg [dreg:$0x3];
	s5 =	simm.s32 $0x0  }
0x5: {  	s16 =	stileid.u32;
	s4 =	srdreg.scid;
	s28 =	simm.s32 $0x13B30  }
0x6: {  	s29 =	simm.s32 $0x13B90;
	s30 =	simm.s32 $0x13BA0;
	s31 =	simm.s32 $0x13BB0  }
0x7: {  	[smem:$0x7FF] =	sst s5;
	s6 =	sadd.s32 $0x17000, s0;
	s9 =	smul.u32 $0x2780, s16  }
0x8: {  	s7 =	sadd.s32 $0x3000, s0;
	s4 =	sand.u32 $0x1, s4;
	s11 =	smul.u32 $0x4F000, s16  }
0x9: {  	s8 =	sadd.s32 $0xD000, s0;
	s14 =	smul.u32 $0x5000, s16;
	s15 =	sadd.s32 $0x96600, s0  }
0xa: {  	p0 =	seq.s32 s16, $0xF;
	_ =	strace $0x8000004A;
	s26 =	smul.u32 $0x27200, s4  }
0xb: {  	s10 =	ssub.s32 $0x2, s4;
	s18 =	smul.u32 $0x139000, s4;
	p1 =	seq.s32 s4, $0x0  }
0xc: {  	s12 =	sadd.s32 s9, s0;
	s13 =	sshrl.u32 s10, $0x1;
	s11 =	sshrl.u32 s11, $0x2  }
0xd: {  	s21 =	sshrl.u32 s14, $0x3;
	s0 =	sadd.s32 $0x46080, s0;
	s28 =	simm.s32 @!p1 $0x13C30  }
0xe: {  	s29 =	simm.s32 @!p1 $0x13C90;
	s11 =	sadd.s32 s11, s3;
	[dreg:$0x7] =	wrdreg s0  }
0xf: {  	s30 =	simm.s32 @!p1 $0x13CA0;
	s20 =	sadd.s32 $0x21000, s12;
	[dreg:$0x5] =	wrdreg s11  }
0x10: {  	s31 =	simm.s32 @!p1 $0x13CB0;
	s22 =	sadd.s32 s6, s21;
	[dreg:$0x6] =	wrdreg s20  }
0x11: {  	s10 =	ssub.s32 s10, s13;
	s23 =	sadd.s32 s2, s21;
	[dreg:$0x8] =	wrdreg s22  }
0x12: {  	s24 =	sadd.s32 s7, s21;
	s25 =	sor.u32 $0x8, s21;
	[dreg:$0x9] =	wrdreg s23  }
0x13: {  	s9 =	sadd.s32 s9, s26;
	[dreg:$0xa] =	wrdreg s24;
	s11 =	sadd.s32 s8, s21  }
0x14: {  	s26 =	simm.s32 $0x13B20;
	s17 =	sadd.s32 s6, s25;
	[dreg:$0xb] =	wrdreg s11  }
0x15: {  	s19 =	sadd.s32 s2, s25;
	s20 =	sadd.s32 s7, s25;
	[dreg:$0xc] =	wrdreg s17  }
0x16: {  	s0 =	sadd.s32 s8, s25;
	s21 =	sadd.s32 s15, s9;
	[dreg:$0xd] =	wrdreg s19  }
0x17: {  	s22 =	sshrl.u32 s18, $0x3;
	s23 =	smax.u32 s10, $0x1;
	[dreg:$0xe] =	wrdreg s20  }
0x18: {  	s25 =	simm.s32 $0x13B10;
	s26 =	simm.s32 @!p1 $0x13C20;
	[dreg:$0xf] =	wrdreg s0  }
0x19: {  	s24 =	sadd.s32 $0x128400, s3;
	s9 =	simm.s32 $0x13980;
	[dreg:$0x10] =	wrdreg s21  }
.Ltmp0:
0x1a: {  	s0 =	sadd.s32 s15, s22;
	s21 =	sor.u32 $0x80, s14;
	(pc) =	sbr.rel .LBB2_1-.Ltmp0, $4  }
0x1b: {  	s22 =	sor.u32 $0xC0, s14;
	[dreg:$0x12] =	wrdreg s23;
	s25 =	simm.s32 @!p1 $0x13C10  }
0x1c: {  	[dreg:$0x13] =	wrdreg s24;
	s14 =	simm.s32 $0x40;
	s15 =	simm.s32 $0x2  }
0x1d: {  	s17 =	simm.s32 $0x3;
	s20 =	simm.s32 $0x4;
	s0 =	sadd.s32 $0x25080, s0  }
0x1e: {  	s11 =	simm.s32 $0x0;
	[dreg:$0x11] =	wrdreg s0;
	s0 =	simm.s32 $0x6  }
.LBB2_8:
0x1f: {  	s4 =	simm.s32 $0x5  }
0x20: {  	_ =	swait.ge [sflag:s4], $0x2000  }
0x21: {  	[sflag:s4] =	ssyncset.done $0x0  }
0x22: {  	[sflag:s4] =	ssyncadd.s32 $0xFFFFE000  }
0x23: {  	_ =	swait.ge [sflag:s0], $0x2000  }
0x24: {  	[sflag:s0] =	ssyncset.done $0x0  }
0x25: {  	[sflag:s0] =	ssyncadd.s32 $0xFFFFE000  }
0x26: {  	[bflag:$0x0] =	sbarrier.arrive $0xFFFF  }
0x27: {  	s10 =	rddreg [dreg:$0x11]  }
0x28: {  	s4 =	simm.s32 @p0 $0x1FC7;
	s11 =	rddreg [dreg:$0x15]  }
0x29: {  	[hbm:s10], [sflag:s4] =	dma.local @p0 [spmem:s11], $0x2180  }
0x2a: {  	s4 =	simm.s32 @p0 $0x7  }
0x2b: {  	_ =	swait.ge @p0 [sflag:s4], $0x2180  }
0x2c: {  	s10 =	rddreg [dreg:$0x16]  }
0x2d: {  	[sflag:s4] =	ssyncset.done @p0 $0x0;
	s11 =	rddreg [dreg:$0x17]  }
0x2e: {  	[sflag:s4] =	ssyncadd.s32 @p0 $0xFFFFDE80;
	s4 =	rddreg [dreg:$0x10]  }
0x2f: {  	[hbm:s4], [sflag:s10] =	dma.local @!p0 [spmem:s11], $0x2780  }
0x30: {  	s4 =	simm.s32 @!p0 $0x7  }
0x31: {  	_ =	swait.ge @!p0 [sflag:s4], $0x2780  }
0x32: {  	s23 =	rddreg [dreg:$0x14]  }
0x33: {  	s24 =	rddreg [dreg:$0x12];
	s11 =	sadd.s32 $0x1, s23  }
0x34: {  	p2 =	sne.s32 s11, s24  }
.Ltmp1:
0x35: {  	_ = 	snop;
	(pc) =	sbr.rel @!p2 .LBB2_9-.Ltmp1, $3  }
0x36: {  	_ =	sdelay $0x1  }
0x37: {  	[sflag:s4] =	ssyncset.done @!p0 $0x0  }
0x38: {  	[sflag:s4] =	ssyncadd.s32 @!p0 $0xFFFFD880  }
.LBB2_1:
0x39: {  	[dreg:$0x14] =	wrdreg s11  }
0x3a: {  	s4 =	rddreg [dreg:$0x13]  }
0x3b: {  	s10 =	rddreg [dreg:$0x7];
	s11 =	sshrl.u32 @p0 s4, $0x3  }
0x3c: {  	s4 =	simm.s32 @p0 $0x1FC7;
	[dreg:$0x15] =	wrdreg s11  }
0x3d: {  	[spmem:s11], [sflag:s4] =	dma.local @p0 [hbm:s10], $0x2180  }
0x3e: {  	s4 =	simm.s32 @p0 $0x7  }
0x3f: {  	s10 =	stileid.u32;
	_ =	swait.ge @p0 [sflag:s4], $0x2180  }
0x40: {  	s10 =	sshll.u32 @!p0 s10, $0x6;
	[sflag:s4] =	ssyncset.done @p0 $0x0  }
0x41: {  	s10 =	sor.u32 @!p0 $0x1C07, s10;
	[sflag:s4] =	ssyncadd.s32 @p0 $0xFFFFDE80;
	s4 =	rddreg [dreg:$0x5]  }
0x42: {  	[dreg:$0x16] =	wrdreg s10  }
0x43: {  	s11 =	sshrl.u32 @!p0 s4, $0x3;
	s4 =	rddreg [dreg:$0x6]  }
0x44: {  	[dreg:$0x17] =	wrdreg s11  }
0x45: {  	[spmem:s11], [sflag:s10] =	dma.local @!p0 [hbm:s4], $0x2780  }
0x46: {  	s4 =	simm.s32 @!p0 $0x7  }
0x47: {  	_ =	swait.ge @!p0 [sflag:s4], $0x2780  }
0x48: {  	[sflag:s4] =	ssyncset.done @!p0 $0x0  }
0x49: {  	[sflag:s4] =	ssyncadd.s32 @!p0 $0xFFFFD880  }
0x4a: {  	[bflag:$0x0] =	sbarrier.arrive $0xFFFF  }
0x4b: {  	s10 =	simm.s32 $0x13900;
	s11 =	rddreg [dreg:$0x8]  }
0x4c: {  	[tilespmem:s10], [sflag:$0x1] =	stream.linear.gather [hbm4b:s11+s5], $0x40, $0x38;
	[tilespmem:$0x1BF00] =	vst v63  }
0x4d: {  	s13 =	simm.s32 $0x13A00;
	s12 =	rddreg [dreg:$0x9]  }
0x4e: {  	[tilespmem:s13], [sflag:$0x1] =	stream.linear.gather [hbm4b:s12+s5], $0x40, $0x38;
	[tilespmem:$0x1BF00] =	vst v63  }
0x4f: {  	s18 =	simm.s32 $0x13B00;
	s16 =	rddreg [dreg:$0xa]  }
0x50: {  	[tilespmem:s18], [sflag:$0x1] =	stream.linear.gather [hbm4b:s16+s5], $0x40, $0x38;
	[tilespmem:$0x1BF00] =	vst v63  }
0x51: {  	s23 =	simm.s32 $0x13C00;
	s19 =	rddreg [dreg:$0xb]  }
0x52: {  	[tilespmem:s23], [sflag:$0x1] =	stream.linear.gather [hbm4b:s19+s5], $0x40, $0x38;
	[tilespmem:$0x1BF00] =	vst v63  }
0x53: {  	s24 =	rddreg [dreg:$0xc]  }
0x54: {  	[tilespmem:s9], [sflag:$0x2] =	stream.linear.gather [hbm4b:s24+s5], $0x40, $0x38;
	[tilespmem:$0x1BF00] =	vst v63  }
0x55: {  	s11 =	rddreg [dreg:$0xd];
	s12 =	simm.s32 $0x13A80  }
0x56: {  	[tilespmem:s12], [sflag:$0x2] =	stream.linear.gather [hbm4b:s11+s5], $0x40, $0x38;
	[tilespmem:$0x1BF00] =	vst v63  }
0x57: {  	s13 =	rddreg [dreg:$0xe];
	s16 =	simm.s32 $0x13B80  }
0x58: {  	[tilespmem:s16], [sflag:$0x2] =	stream.linear.gather [hbm4b:s13+s5], $0x40, $0x38;
	[tilespmem:$0x1BF00] =	vst v63  }
0x59: {  	s18 =	rddreg [dreg:$0xf];
	s19 =	simm.s32 $0x13C80;
	s23 =	simm.s32 $0x1  }
0x5a: {  	[tilespmem:s19], [sflag:$0x2] =	stream.linear.gather [hbm4b:s18+s5], $0x40, $0x38;
	[tilespmem:$0x1BF00] =	vst v63  }
0x5b: {  	_ =	swait.ge [sflag:s23], $0x40  }
0x5c: {  	[sflag:s23] =	ssyncset.done $0x0  }
0x5d: {  	[sflag:s23] =	ssyncadd.s32 $0xFFFFFFC0  }
0x5e: {  	_ =	swait.ge [sflag:s23], $0x40  }
0x5f: {  	[sflag:s23] =	ssyncset.done $0x0  }
0x60: {  	[sflag:s23] =	ssyncadd.s32 $0xFFFFFFC0  }
0x61: {  	_ =	swait.ge [sflag:s23], $0x40  }
0x62: {  	[sflag:s23] =	ssyncset.done $0x0  }
0x63: {  	[sflag:s23] =	ssyncadd.s32 $0xFFFFFFC0  }
0x64: {  	_ =	swait.ge [sflag:s23], $0x40  }
0x65: {  	[sflag:s23] =	ssyncset.done $0x0  }
0x66: {  	s24 =	simm.s32 $0x13E00;
	s13 =	simm.s32 $0x0;
	[sflag:s23] =	ssyncadd.s32 $0xFFFFFFC0  }
0x67: {  	[tilespmem:s24], [sflag:$0x3] =	stream.indirect.gather [hbm4b:s1+s14], $0x80, s10, s14, $0xb8;
	[tilespmem:$0x1BF00] =	vst v63  }
.LBB2_2:
0x68: {  	_ =	swait.ge [sflag:s15], $0x40  }
0x69: {  	[sflag:s15] =	ssyncset.done $0x0  }
0x6a: {  	[sflag:s15] =	ssyncadd.s32 $0xFFFFFFC0  }
0x6b: {  	_ =	swait.ge [sflag:s15], $0x40  }
0x6c: {  	[sflag:s15] =	ssyncset.done $0x0  }
0x6d: {  	[sflag:s15] =	ssyncadd.s32 $0xFFFFFFC0  }
0x6e: {  	_ =	swait.ge [sflag:s15], $0x40  }
0x6f: {  	[sflag:s15] =	ssyncset.done $0x0  }
0x70: {  	[sflag:s15] =	ssyncadd.s32 $0xFFFFFFC0  }
0x71: {  	_ =	swait.ge [sflag:s15], $0x40  }
0x72: {  	[sflag:s15] =	ssyncset.done $0x0  }
0x73: {  	s4 =	simm.s32 $0x15E00;
	p2 =	seq.s32 s13, $0x0;
	[sflag:s15] =	ssyncadd.s32 $0xFFFFFFC0  }
0x74: {  	[tilespmem:s4], [sflag:$0x4] =	stream.indirect.gather [hbm4b:s1+s14], $0x80, s9, s14, $0xb8;
	[tilespmem:$0x1BF00] =	vst v63  }
0x75: {  	s4 =	simm.s32 @!p2 $0x5  }
0x76: {  	_ =	swait.ge @!p2 [sflag:s4], $0x2000  }
0x77: {  	[sflag:s4] =	ssyncset.done @!p2 $0x0  }
0x78: {  	[sflag:s4] =	ssyncadd.s32 @!p2 $0xFFFFE000  }
0x79: {  	_ =	swait.ge [sflag:s17], $0x2000  }
0x7a: {  	s4 =	simm.s32 $0x13B00;
	[sflag:s17] =	ssyncset.done $0x0  }
0x7b: {  	s4 =	simm.s32 @!p1 $0x13C00;
	[sflag:s17] =	ssyncadd.s32 $0xFFFFE000  }
0x7c: {  	v0 =	vld [tilespmem:s4+$0x0];
	_ =	sdelay $0x4  }
0x7d: {  	[tilespmem:$0x13D00] =	vst v0  }
0x7e: {  	v0 =	vld [tilespmem:s25+$0x0];
	_ =	sdelay $0x4  }
0x7f: {  	[tilespmem:$0x13D10] =	vst v0  }
0x80: {  	v0 =	vld [tilespmem:s26+$0x0];
	_ =	sdelay $0x4  }
0x81: {  	[tilespmem:$0x13D20] =	vst v0  }
0x82: {  	v0 =	vld [tilespmem:s28+$0x0];
	_ =	sdelay $0x4  }
0x83: {  	s18 =	simm.s32 $0x13D02;
	[tilespmem:$0x13D30] =	vst v0  }
0x84: {  	s24 =	simm.s32 $0x13F00;
	v4 =	vld.msk [tilespmem:s18+$0x1 ss:$0x0], $0xffff  }
0x85: {  	v0 =	vld [tilespmem:s24+$0x80]  }
0x86: {  	v10 =	vld.msk [tilespmem:s18+$0xFFFFFFFE ss:$0x0], $0xffff  }
0x87: {  	v3 =	vld [tilespmem:s24+$0xFFFFFF00]  }
0x88: {  	v9 =	vld.msk [tilespmem:s18+$0xFFFFFFFF ss:$0x0], $0xffff  }
0x89: {  	v7 =	vld.msk [tilespmem:s18+$0x0 ss:$0x0], $0xffff  }
0x8a: {  	v2 =	vld [tilespmem:s24+$0x0];
	v0 =	vmul.f32 v0, v4  }
0x8b: {  	s10 =	simm.s32 $0x17F00;
	v1 =	vld [tilespmem:s24+$0xFFFFFF80]  }
0x8c: {  	v3 =	vmul.f32 v3, v10;
	[tilespmem:s10+$0x80] =	vst v0  }
0x8d: {  	v0 =	vld [tilespmem:s24+$0x90]  }
0x8e: {  	[tilespmem:s10+$0xFFFFFF00] =	vst v3  }
0x8f: {  	v2 =	vmul.f32 v2, v7;
	v3 =	vld [tilespmem:s24+$0xFFFFFF10]  }
0x90: {  	v1 =	vmul.f32 v1, v9  }
0x91: {  	[tilespmem:s10+$0x0] =	vst v2  }
0x92: {  	[tilespmem:s10+$0xFFFFFF80] =	vst v1;
	v2 =	vld [tilespmem:s24+$0x10];
	v0 =	vmul.f32 v0, v4  }
0x93: {  	v1 =	vld [tilespmem:s24+$0xFFFFFF90]  }
0x94: {  	v3 =	vmul.f32 v3, v10;
	[tilespmem:s10+$0x90] =	vst v0  }
0x95: {  	v0 =	vld [tilespmem:s24+$0xA0]  }
0x96: {  	[tilespmem:s10+$0xFFFFFF10] =	vst v3  }
0x97: {  	v2 =	vmul.f32 v2, v7;
	v3 =	vld [tilespmem:s24+$0xFFFFFF20]  }
0x98: {  	s19 =	simm.s32 $0x13D06;
	v1 =	vmul.f32 v1, v9  }
0x99: {  	v8 =	vld.msk [tilespmem:s19+$0x1 ss:$0x0], $0xffff;
	[tilespmem:s10+$0x10] =	vst v2  }
0x9a: {  	[tilespmem:s10+$0xFFFFFF90] =	vst v1;
	v2 =	vld [tilespmem:s24+$0x20];
	v0 =	vmul.f32 v0, v4  }
0x9b: {  	s12 =	simm.s32 $0x14100;
	v1 =	vld [tilespmem:s24+$0xFFFFFFA0]  }
0x9c: {  	v11 =	vld [tilespmem:s12+$0x80];
	v3 =	vmul.f32 v3, v10;
	[tilespmem:s10+$0xA0] =	vst v0  }
0x9d: {  	v0 =	vld [tilespmem:s24+$0xB0]  }
0x9e: {  	v13 =	vld [tilespmem:s12+$0xFFFFFF80];
	[tilespmem:s10+$0xFFFFFF20] =	vst v3  }
0x9f: {  	v2 =	vmul.f32 v2, v7;
	v6 =	vld [tilespmem:s24+$0xFFFFFF30]  }
0xa0: {  	v15 =	vld [tilespmem:s12+$0xFFFFFF00];
	v1 =	vmul.f32 v1, v9  }
0xa1: {  	[tilespmem:s10+$0x20] =	vst v2;
	v2 =	vld.msk [tilespmem:s19+$0xFFFFFFFE ss:$0x0], $0xffff  }
0xa2: {  	v14 =	vld [tilespmem:s12+$0x0];
	[tilespmem:s10+$0xFFFFFFA0] =	vst v1;
	v0 =	vmul.f32 v0, v4  }
0xa3: {  	v11 =	vmul.f32 v11, v8;
	v5 =	vld [tilespmem:s24+$0xFFFFFFB0]  }
0xa4: {  	s11 =	simm.s32 $0x18100;
	v3 =	vld [tilespmem:s24+$0x30];
	v6 =	vmul.f32 v6, v10;
	[tilespmem:s10+$0xB0] =	vst v0  }
0xa5: {  	[tilespmem:s11+$0x80] =	vst v11;
	v12 =	vld [tilespmem:s24+$0xC0]  }
0xa6: {  	v15 =	vmul.f32 v15, v2;
	[tilespmem:s10+$0xFFFFFF30] =	vst v6;
	v6 =	vld [tilespmem:s12+$0x90]  }
0xa7: {  	v1 =	vld.msk [tilespmem:s19+$0xFFFFFFFF ss:$0x0], $0xffff  }
0xa8: {  	v5 =	vmul.f32 v5, v9;
	[tilespmem:s11+$0xFFFFFF00] =	vst v15;
	v0 =	vld.msk [tilespmem:s19+$0x0 ss:$0x0], $0xffff  }
0xa9: {  	v3 =	vmul.f32 v3, v7;
	v15 =	vld [tilespmem:s12+$0xFFFFFF10]  }
0xaa: {  	[tilespmem:s10+$0xFFFFFFB0] =	vst v5;
	v5 =	vld [tilespmem:s24+$0xFFFFFF40];
	v11 =	vmul.f32 v12, v4  }
0xab: {  	[tilespmem:s10+$0x30] =	vst v3;
	v6 =	vmul.f32 v6, v8  }
0xac: {  	v12 =	vld [tilespmem:s24+$0xFFFFFFC0];
	[tilespmem:s10+$0xC0] =	vst v11;
	v11 =	vmul.f32 v13, v1  }
0xad: {  	[tilespmem:s11+$0x90] =	vst v6;
	v13 =	vmul.f32 v14, v0;
	v14 =	vld [tilespmem:s24+$0x40]  }
0xae: {  	v15 =	vmul.f32 v15, v2;
	v3 =	vld [tilespmem:s24+$0xD0];
	[tilespmem:s11+$0xFFFFFF80] =	vst v11  }
0xaf: {  	v5 =	vmul.f32 v5, v10;
	[tilespmem:s11+$0x0] =	vst v13;
	v11 =	vld [tilespmem:s12+$0xFFFFFF90]  }
0xb0: {  	[tilespmem:s11+$0xFFFFFF10] =	vst v15;
	v13 =	vld [tilespmem:s12+$0x10]  }
0xb1: {  	[tilespmem:s10+$0xFFFFFF40] =	vst v5;
	v15 =	vld [tilespmem:s12+$0xFFFFFF20];
	v6 =	vmul.f32 v12, v9  }
0xb2: {  	v5 =	vmul.f32 v14, v7;
	v14 =	vld [tilespmem:s24+$0xFFFFFF50]  }
0xb3: {  	v12 =	vld [tilespmem:s12+$0xA0];
	[tilespmem:s10+$0xFFFFFFC0] =	vst v6;
	v3 =	vmul.f32 v3, v4  }
0xb4: {  	v6 =	vld [tilespmem:s24+$0xFFFFFFD0];
	[tilespmem:s10+$0x40] =	vst v5  }
0xb5: {  	[tilespmem:s10+$0xD0] =	vst v3;
	v3 =	vmul.f32 v11, v1;
	v5 =	vmul.f32 v13, v0;
	v13 =	vld [tilespmem:s24+$0x50]  }
0xb6: {  	v11 =	vld [tilespmem:s24+$0xE0]  }
0xb7: {  	[tilespmem:s11+$0xFFFFFF90] =	vst v3;
	v14 =	vmul.f32 v14, v10  }
0xb8: {  	[tilespmem:s11+$0x10] =	vst v5;
	v5 =	vmul.f32 v12, v8;
	v3 =	vld [tilespmem:s12+$0xFFFFFFA0]  }
0xb9: {  	v15 =	vmul.f32 v15, v2;
	v12 =	vld [tilespmem:s12+$0x20];
	[tilespmem:s10+$0xFFFFFF50] =	vst v14  }
0xba: {  	[tilespmem:s11+$0xA0] =	vst v5;
	v5 =	vmul.f32 v6, v9;
	v14 =	vld [tilespmem:s24+$0xFFFFFF60]  }
0xbb: {  	s18 =	simm.s32 $0x14300;
	[tilespmem:s11+$0xFFFFFF20] =	vst v15;
	v13 =	vmul.f32 v13, v7;
	v6 =	vmul.f32 v11, v4;
	v11 =	vld [tilespmem:s12+$0xB0]  }
0xbc: {  	v18 =	vld [tilespmem:s18+$0x80];
	[tilespmem:s10+$0xFFFFFFD0] =	vst v5  }
0xbd: {  	v5 =	vld [tilespmem:s24+$0xFFFFFFE0];
	[tilespmem:s10+$0x50] =	vst v13;
	v3 =	vmul.f32 v3, v1  }
0xbe: {  	[tilespmem:s10+$0xE0] =	vst v6;
	v12 =	vmul.f32 v12, v0;
	v13 =	vld [tilespmem:s24+$0x60]  }
0xbf: {  	v6 =	vld [tilespmem:s24+$0xF0];
	[tilespmem:s11+$0xFFFFFFA0] =	vst v3  }
0xc0: {  	[tilespmem:s11+$0x20] =	vst v12;
	v12 =	vmul.f32 v14, v10;
	v14 =	vld [tilespmem:s12+$0xFFFFFF30];
	v3 =	vmul.f32 v11, v8  }
0xc1: {  	v16 =	vld [tilespmem:s12+$0xFFFFFFB0]  }
0xc2: {  	v11 =	vld [tilespmem:s12+$0x30];
	[tilespmem:s11+$0xB0] =	vst v3  }
0xc3: {  	[tilespmem:s10+$0xFFFFFF60] =	vst v12;
	v15 =	vld [tilespmem:s12+$0xC0]  }
0xc4: {  	s23 =	simm.s32 $0x13D0A;
	v3 =	vmul.f32 v5, v9;
	v12 =	vld [tilespmem:s24+$0xFFFFFF70]  }
0xc5: {  	v5 =	vld.msk [tilespmem:s23+$0xFFFFFFFE ss:$0x0], $0xffff;
	v13 =	vmul.f32 v13, v7  }
0xc6: {  	v4 =	vmul.f32 v6, v4;
	[tilespmem:s10+$0xFFFFFFE0] =	vst v3;
	v3 =	vld.msk [tilespmem:s23+$0x1 ss:$0x0], $0xffff  }
0xc7: {  	v6 =	vld.msk [tilespmem:s23+$0xFFFFFFFF ss:$0x0], $0xffff;
	[tilespmem:s10+$0x60] =	vst v13;
	v14 =	vmul.f32 v14, v2  }
0xc8: {  	v17 =	vld [tilespmem:s24+$0xFFFFFFF0];
	[tilespmem:s10+$0xF0] =	vst v4;
	v15 =	vmul.f32 v15, v8  }
0xc9: {  	v16 =	vmul.f32 v16, v1;
	v4 =	vld.msk [tilespmem:s23+$0x0 ss:$0x0], $0xffff;
	[tilespmem:s11+$0xFFFFFF30] =	vst v14  }
0xca: {  	v11 =	vmul.f32 v11, v0;
	[tilespmem:s11+$0xC0] =	vst v15;
	v15 =	vld [tilespmem:s18+$0xFFFFFF80]  }
0xcb: {  	[tilespmem:s11+$0xFFFFFFB0] =	vst v16;
	v57 =	vmul.f32 v18, v3;
	v13 =	vld [tilespmem:s12+$0xD0]  }
0xcc: {  	s16 =	simm.s32 $0x18300;
	[tilespmem:s11+$0x30] =	vst v11;
	v11 =	vld [tilespmem:s18+$0x0];
	v10 =	vmul.f32 v12, v10  }
0xcd: {  	v12 =	vld [tilespmem:s18+$0xFFFFFF00];
	v9 =	vmul.f32 v17, v9;
	[tilespmem:s16+$0x80] =	vst v57  }
0xce: {  	[tilespmem:s10+$0xFFFFFF70] =	vst v10;
	v14 =	vld [tilespmem:s18+$0x90]  }
0xcf: {  	v10 =	vld [tilespmem:s12+$0xFFFFFF40];
	[tilespmem:s10+$0xFFFFFFF0] =	vst v9;
	v9 =	vmul.f32 v15, v6  }
0xd0: {  	v15 =	vld [tilespmem:s12+$0xFFFFFFC0];
	v13 =	vmul.f32 v13, v8  }
0xd1: {  	v58 =	vld [tilespmem:s12+$0x40];
	v11 =	vmul.f32 v11, v4;
	[tilespmem:s16+$0xFFFFFF80] =	vst v9  }
0xd2: {  	v12 =	vmul.f32 v12, v5;
	[tilespmem:s11+$0xD0] =	vst v13;
	v13 =	vld [tilespmem:s18+$0xFFFFFF90]  }
0xd3: {  	[tilespmem:s16+$0x0] =	vst v11;
	v11 =	vmul.f32 v14, v3;
	v9 =	vld [tilespmem:s12+$0xE0]  }
0xd4: {  	[tilespmem:s16+$0xFFFFFF00] =	vst v12;
	v10 =	vmul.f32 v10, v2;
	v12 =	vld [tilespmem:s18+$0x10]  }
0xd5: {  	v14 =	vld [tilespmem:s18+$0xFFFFFF10];
	[tilespmem:s16+$0x90] =	vst v11;
	v11 =	vmul.f32 v15, v1  }
0xd6: {  	[tilespmem:s11+$0xFFFFFF40] =	vst v10;
	v10 =	vmul.f32 v58, v0;
	v15 =	vld [tilespmem:s18+$0xA0]  }
0xd7: {  	v59 =	vld [tilespmem:s12+$0xFFFFFF50];
	[tilespmem:s11+$0xFFFFFFC0] =	vst v11;
	v11 =	vmul.f32 v13, v6  }
0xd8: {  	[tilespmem:s11+$0x40] =	vst v10;
	v13 =	vld [tilespmem:s12+$0xFFFFFFD0];
	v9 =	vmul.f32 v9, v8  }
0xd9: {  	v10 =	vmul.f32 v12, v4;
	v12 =	vld [tilespmem:s12+$0x50];
	[tilespmem:s16+$0xFFFFFF90] =	vst v11  }
0xda: {  	[tilespmem:s11+$0xE0] =	vst v9;
	v9 =	vmul.f32 v14, v5;
	v14 =	vld [tilespmem:s18+$0xFFFFFFA0]  }
0xdb: {  	[tilespmem:s16+$0x10] =	vst v10;
	v10 =	vmul.f32 v15, v3;
	v11 =	vld [tilespmem:s12+$0xF0]  }
0xdc: {  	v15 =	vmul.f32 v59, v2;
	[tilespmem:s16+$0xFFFFFF10] =	vst v9;
	v9 =	vld [tilespmem:s18+$0x20]  }
0xdd: {  	[tilespmem:s16+$0xA0] =	vst v10;
	v10 =	vmul.f32 v13, v1;
	v60 =	vld [tilespmem:s18+$0xFFFFFF20]  }
0xde: {  	v12 =	vmul.f32 v12, v0;
	[tilespmem:s11+$0xFFFFFF50] =	vst v15;
	v13 =	vld [tilespmem:s18+$0xB0]  }
0xdf: {  	v15 =	vld [tilespmem:s12+$0xFFFFFF60];
	[tilespmem:s11+$0xFFFFFFD0] =	vst v10;
	v10 =	vmul.f32 v14, v6  }
0xe0: {  	[tilespmem:s11+$0x50] =	vst v12;
	v14 =	vld [tilespmem:s12+$0xFFFFFFE0];
	v8 =	vmul.f32 v11, v8  }
0xe1: {  	v61 =	vld [tilespmem:s12+$0x60];
	v9 =	vmul.f32 v9, v4;
	[tilespmem:s16+$0xFFFFFFA0] =	vst v10  }
0xe2: {  	v62 =	vld [tilespmem:s24+$0x70];
	[tilespmem:s11+$0xF0] =	vst v8;
	v8 =	vmul.f32 v60, v5  }
0xe3: {  	v63 =	vld [tilespmem:s18+$0xFFFFFFB0];
	[tilespmem:s16+$0x20] =	vst v9;
	v9 =	vmul.f32 v13, v3  }
0xe4: {  	[tilespmem:s16+$0xFFFFFF20] =	vst v8;
	v12 =	vld [tilespmem:s18+$0x30];
	v8 =	vmul.f32 v15, v2  }
0xe5: {  	v11 =	vld [tilespmem:s18+$0xFFFFFF30];
	[tilespmem:s16+$0xB0] =	vst v9;
	v9 =	vmul.f32 v14, v1  }
0xe6: {  	v14 =	vmul.f32 v61, v0;
	v10 =	vld [tilespmem:s18+$0xC0];
	[tilespmem:s11+$0xFFFFFF60] =	vst v8  }
0xe7: {  	s4 =	simm.s32 $0x8;
	v8 =	vld [tilespmem:s12+$0xFFFFFF70];
	[tilespmem:s11+$0xFFFFFFE0] =	vst v9;
	v9 =	vmul.f32 v62, v7  }
0xe8: {  	s19 =	simm.s32 $0x14300;
	s24 =	sshll.u32 s13, $0x7;
	s23 =	simm.s32 $0x13D0E;
	v13 =	vmul.f32 v63, v6;
	[tilespmem:s11+$0x60] =	vst v14;
	v7 =	vld [tilespmem:s12+$0xFFFFFFF0]  }
.LBB2_3:
0xe9: {  	v14 =	vld.msk [tilespmem:s23+$0x1 ss:$0x0], $0xffff;
	s4 =	sadd.s32 $0x4, s4;
	v12 =	vmul.f32 v12, v4;
	s18 =	sadd.s32 $0x200, s18;
	[tilespmem:s10+$0x70] =	vst v9;
	s10 =	smov.u32 s11  }
0xea: {  	s11 =	smov.u32 s16;
	v9 =	vld [tilespmem:s18+$0x80];
	p2 =	slt.u32 s4, $0x3C;
	v11 =	vmul.f32 v11, v5;
	[tilespmem:s16+$0xFFFFFFB0] =	vst v13  }
0xeb: {  	v13 =	vld.msk [tilespmem:s23+$0xFFFFFFFE ss:$0x0], $0xffff;
	[tilespmem:s16+$0x30] =	vst v12;
	v10 =	vmul.f32 v10, v3  }
0xec: {  	v12 =	vld.msk [tilespmem:s23+$0xFFFFFFFF ss:$0x0], $0xffff;
	[tilespmem:s16+$0xFFFFFF30] =	vst v11;
	v8 =	vmul.f32 v8, v2;
	v2 =	vmov v5  }
0xed: {  	v15 =	vld.msk [tilespmem:s23+$0x0 ss:$0x0], $0xffff;
	[tilespmem:s16+$0xC0] =	vst v10;
	v5 =	vmul.f32 v7, v1;
	v1 =	vmov v6  }
0xee: {  	v7 =	vld [tilespmem:s19+$0xD0];
	[tilespmem:s10+$0xFFFFFF70] =	vst v8  }
0xef: {  	v8 =	vld [tilespmem:s18+$0xFFFFFF80];
	v16 =	vmul.f32 v9, v14;
	[tilespmem:s10+$0xFFFFFFF0] =	vst v5  }
0xf0: {  	s16 =	sadd.s32 $0x200, s16;
	v9 =	vld [tilespmem:s18+$0x0]  }
0xf1: {  	v10 =	vld [tilespmem:s18+$0xFFFFFF00];
	[tilespmem:s16+$0x80] =	vst v16;
	v5 =	vmov v13  }
0xf2: {  	v6 =	vmov v12;
	v11 =	vld [tilespmem:s18+$0x90]  }
0xf3: {  	v12 =	vld [tilespmem:s19+$0xFFFFFF40];
	v7 =	vmul.f32 v7, v3  }
0xf4: {  	v8 =	vmul.f32 v8, v6;
	v13 =	vld [tilespmem:s19+$0xFFFFFFC0]  }
0xf5: {  	v9 =	vmul.f32 v9, v15;
	v16 =	vld [tilespmem:s19+$0x40];
	[tilespmem:s11+$0xD0] =	vst v7  }
0xf6: {  	v7 =	vmul.f32 v10, v5;
	[tilespmem:s16+$0xFFFFFF80] =	vst v8;
	v8 =	vld [tilespmem:s19+$0xE0]  }
0xf7: {  	v10 =	vld [tilespmem:s18+$0xFFFFFF90];
	[tilespmem:s16+$0x0] =	vst v9;
	v9 =	vmul.f32 v11, v14  }
0xf8: {  	[tilespmem:s16+$0xFFFFFF00] =	vst v7;
	v7 =	vld [tilespmem:s18+$0x10];
	v11 =	vmul.f32 v12, v2  }
0xf9: {  	v12 =	vld [tilespmem:s18+$0xFFFFFF10];
	[tilespmem:s16+$0x90] =	vst v9;
	v9 =	vmul.f32 v13, v1  }
0xfa: {  	v13 =	vld [tilespmem:s18+$0xA0];
	[tilespmem:s11+$0xFFFFFF40] =	vst v11;
	v11 =	vmul.f32 v16, v4  }
0xfb: {  	v16 =	vld [tilespmem:s19+$0xFFFFFF50];
	[tilespmem:s11+$0xFFFFFFC0] =	vst v9;
	v8 =	vmul.f32 v8, v3  }
0xfc: {  	v9 =	vmul.f32 v10, v6;
	v10 =	vld [tilespmem:s19+$0xFFFFFFD0];
	[tilespmem:s11+$0x40] =	vst v11  }
0xfd: {  	v7 =	vmul.f32 v7, v15;
	v11 =	vld [tilespmem:s19+$0x50];
	[tilespmem:s11+$0xE0] =	vst v8  }
0xfe: {  	v8 =	vmul.f32 v12, v5;
	[tilespmem:s16+$0xFFFFFF90] =	vst v9;
	v9 =	vld [tilespmem:s19+$0xF0]  }
0xff: {  	v12 =	vld [tilespmem:s18+$0xFFFFFFA0];
	[tilespmem:s16+$0x10] =	vst v7;
	v7 =	vmul.f32 v13, v14  }
0x100: {  	[tilespmem:s16+$0xFFFFFF10] =	vst v8;
	v8 =	vld [tilespmem:s18+$0x20];
	v13 =	vmul.f32 v16, v2  }
0x101: {  	v16 =	vld [tilespmem:s18+$0xFFFFFF20];
	[tilespmem:s16+$0xA0] =	vst v7;
	v7 =	vmul.f32 v10, v1  }
0x102: {  	v10 =	vld [tilespmem:s18+$0xB0];
	[tilespmem:s11+$0xFFFFFF50] =	vst v13;
	v11 =	vmul.f32 v11, v4  }
0x103: {  	v13 =	vld [tilespmem:s19+$0xFFFFFF60];
	[tilespmem:s11+$0xFFFFFFD0] =	vst v7;
	v7 =	vmul.f32 v9, v3;
	v3 =	vmov v14  }
0x104: {  	v9 =	vmul.f32 v12, v6;
	v14 =	vld [tilespmem:s19+$0xFFFFFFE0];
	[tilespmem:s11+$0x50] =	vst v11  }
0x105: {  	v8 =	vmul.f32 v8, v15;
	v17 =	vld [tilespmem:s19+$0x60];
	[tilespmem:s11+$0xF0] =	vst v7  }
0x106: {  	v7 =	vmul.f32 v16, v5;
	[tilespmem:s16+$0xFFFFFFA0] =	vst v9;
	v9 =	vld [tilespmem:s12+$0x70];
	s12 =	smov.u32 s19;
	s19 =	smov.u32 s18  }
0x107: {  	v16 =	vld [tilespmem:s18+$0xFFFFFFB0];
	[tilespmem:s16+$0x20] =	vst v8;
	v8 =	vmul.f32 v10, v3  }
.Ltmp2:
0x108: {  	[tilespmem:s16+$0xFFFFFF20] =	vst v7;
	v12 =	vld [tilespmem:s18+$0x30];
	v7 =	vmul.f32 v13, v2;
	(pc) =	sbr.rel @p2 .LBB2_3-.Ltmp2, $4  }
0x109: {  	v11 =	vld [tilespmem:s18+$0xFFFFFF30];
	[tilespmem:s16+$0xB0] =	vst v8;
	v13 =	vmul.f32 v14, v1  }
0x10a: {  	v10 =	vld [tilespmem:s18+$0xC0];
	[tilespmem:s11+$0xFFFFFF60] =	vst v7;
	v14 =	vmul.f32 v17, v4  }
0x10b: {  	v8 =	vld [tilespmem:s12+$0xFFFFFF70];
	[tilespmem:s11+$0xFFFFFFE0] =	vst v13;
	v9 =	vmul.f32 v9, v0;
	v0 =	vmov v4;
	v4 =	vmov v15  }
0x10c: {  	s23 =	sadd.s32 $0x4, s23;
	v13 =	vmul.f32 v16, v6;
	v7 =	vld [tilespmem:s12+$0xFFFFFFF0];
	[tilespmem:s11+$0x60] =	vst v14  }
0x10d: {  	_ = 	snop  }
0x10e: {  	v11 =	vmul.f32 v11, v5;
	_ =	sdelay $0x1  }
0x10f: {  	v12 =	vmul.f32 v12, v4;
	[tilespmem:s16+$0xFFFFFF30] =	vst v11  }
0x110: {  	[tilespmem:s16+$0xFFFFFFB0] =	vst v13;
	v11 =	vld [tilespmem:s19+$0xFFFFFF40]  }
0x111: {  	[tilespmem:s16+$0x30] =	vst v12;
	v12 =	vld [tilespmem:s19+$0xFFFFFFC0]  }
0x112: {  	v13 =	vld [tilespmem:s19+$0x40]  }
0x113: {  	v10 =	vmul.f32 v10, v3;
	_ =	sdelay $0x1  }
0x114: {  	[tilespmem:s16+$0xC0] =	vst v10;
	v10 =	vmul.f32 v11, v5  }
0x115: {  	v12 =	vmul.f32 v12, v6;
	v11 =	vld [tilespmem:s19+$0xD0]  }
0x116: {  	[tilespmem:s16+$0xFFFFFF40] =	vst v10;
	v10 =	vmul.f32 v13, v4  }
0x117: {  	[tilespmem:s16+$0xFFFFFFC0] =	vst v12;
	v13 =	vld [tilespmem:s19+$0xFFFFFF50]  }
0x118: {  	v12 =	vld [tilespmem:s19+$0xFFFFFFD0];
	[tilespmem:s16+$0x40] =	vst v10  }
0x119: {  	v10 =	vld [tilespmem:s19+$0x50]  }
0x11a: {  	v11 =	vmul.f32 v11, v3;
	_ =	sdelay $0x1  }
0x11b: {  	[tilespmem:s16+$0xD0] =	vst v11;
	v11 =	vmul.f32 v13, v5  }
0x11c: {  	v12 =	vmul.f32 v12, v6;
	v13 =	vld [tilespmem:s19+$0xE0]  }
0x11d: {  	[tilespmem:s16+$0xFFFFFF50] =	vst v11;
	v10 =	vmul.f32 v10, v4  }
0x11e: {  	[tilespmem:s16+$0xFFFFFFD0] =	vst v12;
	v11 =	vld [tilespmem:s19+$0xFFFFFF60]  }
0x11f: {  	v12 =	vld [tilespmem:s19+$0xFFFFFFE0];
	[tilespmem:s16+$0x50] =	vst v10  }
0x120: {  	v10 =	vld [tilespmem:s19+$0x60]  }
0x121: {  	v13 =	vmul.f32 v13, v3;
	_ =	sdelay $0x1  }
0x122: {  	[tilespmem:s16+$0xE0] =	vst v13;
	v11 =	vmul.f32 v11, v5  }
0x123: {  	v12 =	vmul.f32 v12, v6;
	v13 =	vld [tilespmem:s19+$0xF0]  }
0x124: {  	[tilespmem:s16+$0xFFFFFF60] =	vst v11;
	v11 =	vld [tilespmem:s12+$0x70];
	v10 =	vmul.f32 v10, v4  }
0x125: {  	[tilespmem:s16+$0xFFFFFFE0] =	vst v12;
	v12 =	vld [tilespmem:s19+$0xFFFFFF70]  }
0x126: {  	v2 =	vmul.f32 v8, v2;
	v8 =	vld [tilespmem:s19+$0xFFFFFFF0];
	[tilespmem:s16+$0x60] =	vst v10  }
0x127: {  	[tilespmem:s10+$0x70] =	vst v9;
	v1 =	vmul.f32 v7, v1;
	v7 =	vld [tilespmem:s19+$0x70]  }
0x128: {  	[tilespmem:s11+$0xFFFFFF70] =	vst v2;
	v2 =	vmul.f32 v13, v3  }
0x129: {  	[tilespmem:s11+$0xFFFFFFF0] =	vst v1;
	v0 =	vmul.f32 v11, v0  }
0x12a: {  	[tilespmem:s16+$0xF0] =	vst v2;
	v1 =	vmul.f32 v12, v5  }
0x12b: {  	[tilespmem:s11+$0x70] =	vst v0;
	v0 =	vmul.f32 v8, v6  }
0x12c: {  	[tilespmem:s16+$0xFFFFFF70] =	vst v1;
	v1 =	vmul.f32 v7, v4  }
0x12d: {  	[tilespmem:s16+$0xFFFFFFF0] =	vst v0  }
0x12e: {  	[tilespmem:s16+$0x70] =	vst v1  }
0x12f: {  	v0 =	vld [tilespmem:$0x13A00]  }
0x130: {  	v1 =	vld [tilespmem:$0x13A10]  }
0x131: {  	v2 =	vld [tilespmem:$0x13A20]  }
0x132: {  	v3 =	vld [tilespmem:$0x13A30];
	_ =	sdelay $0x1  }
0x133: {  	[tilespmem:$0x1BE00] =	vst v0  }
0x134: {  	[tilespmem:$0x1BE10] =	vst v1  }
0x135: {  	[tilespmem:$0x1BE20] =	vst v2  }
0x136: {  	s4 =	simm.s32 $0x1BE00;
	p2 =	seq.s32 s13, $0x9F;
	s12 =	simm.s32 $0x17E00;
	[tilespmem:$0x1BE30] =	vst v3  }
0x137: {  	[spmem:s3] =	stream.indirect.scatter.add.f32 [tilespmem:s12], [sflag:$0x5], $0x80, s4, s14, $0xb8;
	[tilespmem:$0x1BF00] =	vst v63  }
0x138: {  	s4 =	sadd.s32 @!p2 s24, s21  }
0x139: {  	s4 =	sshrl.u32 @!p2 s4, $0x3  }
0x13a: {  	s11 =	simm.s32 @!p2 $0x0;
	s12 =	simm.s32 @!p2 $0x13900;
	s10 =	sadd.s32 @!p2 s6, s4  }
0x13b: {  	[tilespmem:s12], [sflag:$0x1] =	stream.linear.gather @!p2 [hbm4b:s10+s11], $0x40, $0x38;
	[tilespmem:$0x1BF00] =	vst v63  }
0x13c: {  	s16 =	simm.s32 @!p2 $0x13A00;
	s10 =	sadd.s32 @!p2 s2, s4  }
0x13d: {  	[tilespmem:s16], [sflag:$0x1] =	stream.linear.gather @!p2 [hbm4b:s10+s11], $0x40, $0x38;
	[tilespmem:$0x1BF00] =	vst v63  }
0x13e: {  	s10 =	sadd.s32 @!p2 s7, s4;
	s16 =	simm.s32 @!p2 $0x13B00  }
0x13f: {  	[tilespmem:s16], [sflag:$0x1] =	stream.linear.gather @!p2 [hbm4b:s10+s11], $0x40, $0x38;
	[tilespmem:$0x1BF00] =	vst v63  }
0x140: {  	s4 =	sadd.s32 @!p2 s8, s4;
	s10 =	simm.s32 @!p2 $0x13C00  }
0x141: {  	[tilespmem:s10], [sflag:$0x1] =	stream.linear.gather @!p2 [hbm4b:s4+s11], $0x40, $0x38;
	[tilespmem:$0x1BF00] =	vst v63  }
0x142: {  	s4 =	simm.s32 @!p2 $0x1  }
0x143: {  	_ =	swait.ge @!p2 [sflag:s4], $0x40  }
0x144: {  	[sflag:s4] =	ssyncset.done @!p2 $0x0  }
0x145: {  	[sflag:s4] =	ssyncadd.s32 @!p2 $0xFFFFFFC0  }
0x146: {  	_ =	swait.ge @!p2 [sflag:s4], $0x40  }
0x147: {  	[sflag:s4] =	ssyncset.done @!p2 $0x0  }
0x148: {  	[sflag:s4] =	ssyncadd.s32 @!p2 $0xFFFFFFC0  }
0x149: {  	_ =	swait.ge @!p2 [sflag:s4], $0x40  }
0x14a: {  	[sflag:s4] =	ssyncset.done @!p2 $0x0  }
0x14b: {  	[sflag:s4] =	ssyncadd.s32 @!p2 $0xFFFFFFC0  }
0x14c: {  	p3 =	seq.s32 @!p2 s13, $0x0;
	_ =	swait.ge @!p2 [sflag:s4], $0x40  }
0x14d: {  	p3 =	por p2, !p3;
	[sflag:s4] =	ssyncset.done @!p2 $0x0  }
0x14e: {  	s10 =	simm.s32 @!p2 $0x13E00;
	[sflag:s4] =	ssyncadd.s32 @!p2 $0xFFFFFFC0;
	s4 =	simm.s32 @!p2 $0x40  }
0x14f: {  	[tilespmem:s10], [sflag:$0x3] =	stream.indirect.gather @!p2 [hbm4b:s1+s4], $0x80, s12, s4, $0xb8;
	[tilespmem:$0x1BF00] =	vst v63  }
0x150: {  	_ =	swait.ge @p3 [sflag:s0], $0x2000  }
0x151: {  	[sflag:s0] =	ssyncset.done @p3 $0x0  }
0x152: {  	[sflag:s0] =	ssyncadd.s32 @p3 $0xFFFFE000  }
0x153: {  	_ =	swait.ge [sflag:s20], $0x2000  }
0x154: {  	s4 =	simm.s32 $0x13B80;
	[sflag:s20] =	ssyncset.done $0x0  }
0x155: {  	s4 =	simm.s32 @!p1 $0x13C80;
	[sflag:s20] =	ssyncadd.s32 $0xFFFFE000  }
0x156: {  	v0 =	vld [tilespmem:s4+$0x0];
	_ =	sdelay $0x4  }
0x157: {  	[tilespmem:$0x13D80] =	vst v0  }
0x158: {  	v0 =	vld [tilespmem:s29+$0x0];
	_ =	sdelay $0x4  }
0x159: {  	[tilespmem:$0x13D90] =	vst v0  }
0x15a: {  	v0 =	vld [tilespmem:s30+$0x0];
	_ =	sdelay $0x4  }
0x15b: {  	[tilespmem:$0x13DA0] =	vst v0  }
0x15c: {  	v0 =	vld [tilespmem:s31+$0x0];
	_ =	sdelay $0x4  }
0x15d: {  	s16 =	simm.s32 $0x13D82;
	[tilespmem:$0x13DB0] =	vst v0  }
0x15e: {  	s19 =	simm.s32 $0x15F00;
	v4 =	vld.msk [tilespmem:s16+$0x1 ss:$0x0], $0xffff  }
0x15f: {  	v0 =	vld [tilespmem:s19+$0x80]  }
0x160: {  	v10 =	vld.msk [tilespmem:s16+$0xFFFFFFFE ss:$0x0], $0xffff  }
0x161: {  	v3 =	vld [tilespmem:s19+$0xFFFFFF00]  }
0x162: {  	v9 =	vld.msk [tilespmem:s16+$0xFFFFFFFF ss:$0x0], $0xffff  }
0x163: {  	v7 =	vld.msk [tilespmem:s16+$0x0 ss:$0x0], $0xffff  }
0x164: {  	v2 =	vld [tilespmem:s19+$0x0];
	v0 =	vmul.f32 v0, v4  }
0x165: {  	s10 =	simm.s32 $0x19F00;
	v1 =	vld [tilespmem:s19+$0xFFFFFF80]  }
0x166: {  	v3 =	vmul.f32 v3, v10;
	[tilespmem:s10+$0x80] =	vst v0  }
0x167: {  	v0 =	vld [tilespmem:s19+$0x90]  }
0x168: {  	[tilespmem:s10+$0xFFFFFF00] =	vst v3  }
0x169: {  	v2 =	vmul.f32 v2, v7;
	v3 =	vld [tilespmem:s19+$0xFFFFFF10]  }
0x16a: {  	v1 =	vmul.f32 v1, v9  }
0x16b: {  	[tilespmem:s10+$0x0] =	vst v2  }
0x16c: {  	[tilespmem:s10+$0xFFFFFF80] =	vst v1;
	v2 =	vld [tilespmem:s19+$0x10];
	v0 =	vmul.f32 v0, v4  }
0x16d: {  	v1 =	vld [tilespmem:s19+$0xFFFFFF90]  }
0x16e: {  	v3 =	vmul.f32 v3, v10;
	[tilespmem:s10+$0x90] =	vst v0  }
0x16f: {  	v0 =	vld [tilespmem:s19+$0xA0]  }
0x170: {  	[tilespmem:s10+$0xFFFFFF10] =	vst v3  }
0x171: {  	v2 =	vmul.f32 v2, v7;
	v3 =	vld [tilespmem:s19+$0xFFFFFF20]  }
0x172: {  	s18 =	simm.s32 $0x13D86;
	v1 =	vmul.f32 v1, v9  }
0x173: {  	v8 =	vld.msk [tilespmem:s18+$0x1 ss:$0x0], $0xffff;
	[tilespmem:s10+$0x10] =	vst v2  }
0x174: {  	[tilespmem:s10+$0xFFFFFF90] =	vst v1;
	v2 =	vld [tilespmem:s19+$0x20];
	v0 =	vmul.f32 v0, v4  }
0x175: {  	s12 =	simm.s32 $0x16100;
	v1 =	vld [tilespmem:s19+$0xFFFFFFA0]  }
0x176: {  	v11 =	vld [tilespmem:s12+$0x80];
	v3 =	vmul.f32 v3, v10;
	[tilespmem:s10+$0xA0] =	vst v0  }
0x177: {  	v0 =	vld [tilespmem:s19+$0xB0]  }
0x178: {  	v13 =	vld [tilespmem:s12+$0xFFFFFF80];
	[tilespmem:s10+$0xFFFFFF20] =	vst v3  }
0x179: {  	v2 =	vmul.f32 v2, v7;
	v6 =	vld [tilespmem:s19+$0xFFFFFF30]  }
0x17a: {  	v15 =	vld [tilespmem:s12+$0xFFFFFF00];
	v1 =	vmul.f32 v1, v9  }
0x17b: {  	[tilespmem:s10+$0x20] =	vst v2;
	v2 =	vld.msk [tilespmem:s18+$0xFFFFFFFE ss:$0x0], $0xffff  }
0x17c: {  	v14 =	vld [tilespmem:s12+$0x0];
	[tilespmem:s10+$0xFFFFFFA0] =	vst v1;
	v0 =	vmul.f32 v0, v4  }
0x17d: {  	v11 =	vmul.f32 v11, v8;
	v5 =	vld [tilespmem:s19+$0xFFFFFFB0]  }
0x17e: {  	s11 =	simm.s32 $0x1A100;
	v3 =	vld [tilespmem:s19+$0x30];
	v6 =	vmul.f32 v6, v10;
	[tilespmem:s10+$0xB0] =	vst v0  }
0x17f: {  	[tilespmem:s11+$0x80] =	vst v11;
	v12 =	vld [tilespmem:s19+$0xC0]  }
0x180: {  	v15 =	vmul.f32 v15, v2;
	[tilespmem:s10+$0xFFFFFF30] =	vst v6;
	v6 =	vld [tilespmem:s12+$0x90]  }
0x181: {  	v1 =	vld.msk [tilespmem:s18+$0xFFFFFFFF ss:$0x0], $0xffff  }
0x182: {  	v5 =	vmul.f32 v5, v9;
	[tilespmem:s11+$0xFFFFFF00] =	vst v15;
	v0 =	vld.msk [tilespmem:s18+$0x0 ss:$0x0], $0xffff  }
0x183: {  	v3 =	vmul.f32 v3, v7;
	v15 =	vld [tilespmem:s12+$0xFFFFFF10]  }
0x184: {  	[tilespmem:s10+$0xFFFFFFB0] =	vst v5;
	v5 =	vld [tilespmem:s19+$0xFFFFFF40];
	v11 =	vmul.f32 v12, v4  }
0x185: {  	[tilespmem:s10+$0x30] =	vst v3;
	v6 =	vmul.f32 v6, v8  }
0x186: {  	v12 =	vld [tilespmem:s19+$0xFFFFFFC0];
	[tilespmem:s10+$0xC0] =	vst v11;
	v11 =	vmul.f32 v13, v1  }
0x187: {  	[tilespmem:s11+$0x90] =	vst v6;
	v13 =	vmul.f32 v14, v0;
	v14 =	vld [tilespmem:s19+$0x40]  }
0x188: {  	v15 =	vmul.f32 v15, v2;
	v3 =	vld [tilespmem:s19+$0xD0];
	[tilespmem:s11+$0xFFFFFF80] =	vst v11  }
0x189: {  	v5 =	vmul.f32 v5, v10;
	[tilespmem:s11+$0x0] =	vst v13;
	v11 =	vld [tilespmem:s12+$0xFFFFFF90]  }
0x18a: {  	[tilespmem:s11+$0xFFFFFF10] =	vst v15;
	v13 =	vld [tilespmem:s12+$0x10]  }
0x18b: {  	[tilespmem:s10+$0xFFFFFF40] =	vst v5;
	v15 =	vld [tilespmem:s12+$0xFFFFFF20];
	v6 =	vmul.f32 v12, v9  }
0x18c: {  	v5 =	vmul.f32 v14, v7;
	v14 =	vld [tilespmem:s19+$0xFFFFFF50]  }
0x18d: {  	v12 =	vld [tilespmem:s12+$0xA0];
	[tilespmem:s10+$0xFFFFFFC0] =	vst v6;
	v3 =	vmul.f32 v3, v4  }
0x18e: {  	v6 =	vld [tilespmem:s19+$0xFFFFFFD0];
	[tilespmem:s10+$0x40] =	vst v5  }
0x18f: {  	[tilespmem:s10+$0xD0] =	vst v3;
	v3 =	vmul.f32 v11, v1;
	v5 =	vmul.f32 v13, v0;
	v13 =	vld [tilespmem:s19+$0x50]  }
0x190: {  	v11 =	vld [tilespmem:s19+$0xE0]  }
0x191: {  	[tilespmem:s11+$0xFFFFFF90] =	vst v3;
	v14 =	vmul.f32 v14, v10  }
0x192: {  	[tilespmem:s11+$0x10] =	vst v5;
	v5 =	vmul.f32 v12, v8;
	v3 =	vld [tilespmem:s12+$0xFFFFFFA0]  }
0x193: {  	v15 =	vmul.f32 v15, v2;
	v12 =	vld [tilespmem:s12+$0x20];
	[tilespmem:s10+$0xFFFFFF50] =	vst v14  }
0x194: {  	[tilespmem:s11+$0xA0] =	vst v5;
	v5 =	vmul.f32 v6, v9;
	v14 =	vld [tilespmem:s19+$0xFFFFFF60]  }
0x195: {  	s18 =	simm.s32 $0x16300;
	[tilespmem:s11+$0xFFFFFF20] =	vst v15;
	v13 =	vmul.f32 v13, v7;
	v6 =	vmul.f32 v11, v4;
	v11 =	vld [tilespmem:s12+$0xB0]  }
0x196: {  	v18 =	vld [tilespmem:s18+$0x80];
	[tilespmem:s10+$0xFFFFFFD0] =	vst v5  }
0x197: {  	v5 =	vld [tilespmem:s19+$0xFFFFFFE0];
	[tilespmem:s10+$0x50] =	vst v13;
	v3 =	vmul.f32 v3, v1  }
0x198: {  	[tilespmem:s10+$0xE0] =	vst v6;
	v12 =	vmul.f32 v12, v0;
	v13 =	vld [tilespmem:s19+$0x60]  }
0x199: {  	v6 =	vld [tilespmem:s19+$0xF0];
	[tilespmem:s11+$0xFFFFFFA0] =	vst v3  }
0x19a: {  	[tilespmem:s11+$0x20] =	vst v12;
	v12 =	vmul.f32 v14, v10;
	v14 =	vld [tilespmem:s12+$0xFFFFFF30];
	v3 =	vmul.f32 v11, v8  }
0x19b: {  	v16 =	vld [tilespmem:s12+$0xFFFFFFB0]  }
0x19c: {  	v11 =	vld [tilespmem:s12+$0x30];
	[tilespmem:s11+$0xB0] =	vst v3  }
0x19d: {  	[tilespmem:s10+$0xFFFFFF60] =	vst v12;
	v15 =	vld [tilespmem:s12+$0xC0]  }
0x19e: {  	s23 =	simm.s32 $0x13D8A;
	v3 =	vmul.f32 v5, v9;
	v12 =	vld [tilespmem:s19+$0xFFFFFF70]  }
0x19f: {  	v5 =	vld.msk [tilespmem:s23+$0xFFFFFFFE ss:$0x0], $0xffff;
	v13 =	vmul.f32 v13, v7  }
0x1a0: {  	v4 =	vmul.f32 v6, v4;
	[tilespmem:s10+$0xFFFFFFE0] =	vst v3;
	v3 =	vld.msk [tilespmem:s23+$0x1 ss:$0x0], $0xffff  }
0x1a1: {  	v6 =	vld.msk [tilespmem:s23+$0xFFFFFFFF ss:$0x0], $0xffff;
	[tilespmem:s10+$0x60] =	vst v13;
	v14 =	vmul.f32 v14, v2  }
0x1a2: {  	v17 =	vld [tilespmem:s19+$0xFFFFFFF0];
	[tilespmem:s10+$0xF0] =	vst v4;
	v15 =	vmul.f32 v15, v8  }
0x1a3: {  	v16 =	vmul.f32 v16, v1;
	v4 =	vld.msk [tilespmem:s23+$0x0 ss:$0x0], $0xffff;
	[tilespmem:s11+$0xFFFFFF30] =	vst v14  }
0x1a4: {  	v11 =	vmul.f32 v11, v0;
	[tilespmem:s11+$0xC0] =	vst v15;
	v15 =	vld [tilespmem:s18+$0xFFFFFF80]  }
0x1a5: {  	[tilespmem:s11+$0xFFFFFFB0] =	vst v16;
	v57 =	vmul.f32 v18, v3;
	v13 =	vld [tilespmem:s12+$0xD0]  }
0x1a6: {  	s16 =	simm.s32 $0x1A300;
	[tilespmem:s11+$0x30] =	vst v11;
	v11 =	vld [tilespmem:s18+$0x0];
	v10 =	vmul.f32 v12, v10  }
0x1a7: {  	v12 =	vld [tilespmem:s18+$0xFFFFFF00];
	v9 =	vmul.f32 v17, v9;
	[tilespmem:s16+$0x80] =	vst v57  }
0x1a8: {  	[tilespmem:s10+$0xFFFFFF70] =	vst v10;
	v14 =	vld [tilespmem:s18+$0x90]  }
0x1a9: {  	v10 =	vld [tilespmem:s12+$0xFFFFFF40];
	[tilespmem:s10+$0xFFFFFFF0] =	vst v9;
	v9 =	vmul.f32 v15, v6  }
0x1aa: {  	v15 =	vld [tilespmem:s12+$0xFFFFFFC0];
	v13 =	vmul.f32 v13, v8  }
0x1ab: {  	v58 =	vld [tilespmem:s12+$0x40];
	v11 =	vmul.f32 v11, v4;
	[tilespmem:s16+$0xFFFFFF80] =	vst v9  }
0x1ac: {  	v12 =	vmul.f32 v12, v5;
	[tilespmem:s11+$0xD0] =	vst v13;
	v13 =	vld [tilespmem:s18+$0xFFFFFF90]  }
0x1ad: {  	[tilespmem:s16+$0x0] =	vst v11;
	v11 =	vmul.f32 v14, v3;
	v9 =	vld [tilespmem:s12+$0xE0]  }
0x1ae: {  	[tilespmem:s16+$0xFFFFFF00] =	vst v12;
	v10 =	vmul.f32 v10, v2;
	v12 =	vld [tilespmem:s18+$0x10]  }
0x1af: {  	v14 =	vld [tilespmem:s18+$0xFFFFFF10];
	[tilespmem:s16+$0x90] =	vst v11;
	v11 =	vmul.f32 v15, v1  }
0x1b0: {  	[tilespmem:s11+$0xFFFFFF40] =	vst v10;
	v10 =	vmul.f32 v58, v0;
	v15 =	vld [tilespmem:s18+$0xA0]  }
0x1b1: {  	v59 =	vld [tilespmem:s12+$0xFFFFFF50];
	[tilespmem:s11+$0xFFFFFFC0] =	vst v11;
	v11 =	vmul.f32 v13, v6  }
0x1b2: {  	[tilespmem:s11+$0x40] =	vst v10;
	v13 =	vld [tilespmem:s12+$0xFFFFFFD0];
	v9 =	vmul.f32 v9, v8  }
0x1b3: {  	v10 =	vmul.f32 v12, v4;
	v12 =	vld [tilespmem:s12+$0x50];
	[tilespmem:s16+$0xFFFFFF90] =	vst v11  }
0x1b4: {  	[tilespmem:s11+$0xE0] =	vst v9;
	v9 =	vmul.f32 v14, v5;
	v14 =	vld [tilespmem:s18+$0xFFFFFFA0]  }
0x1b5: {  	[tilespmem:s16+$0x10] =	vst v10;
	v10 =	vmul.f32 v15, v3;
	v11 =	vld [tilespmem:s12+$0xF0]  }
0x1b6: {  	v15 =	vmul.f32 v59, v2;
	[tilespmem:s16+$0xFFFFFF10] =	vst v9;
	v9 =	vld [tilespmem:s18+$0x20]  }
0x1b7: {  	[tilespmem:s16+$0xA0] =	vst v10;
	v10 =	vmul.f32 v13, v1;
	v60 =	vld [tilespmem:s18+$0xFFFFFF20]  }
0x1b8: {  	v12 =	vmul.f32 v12, v0;
	[tilespmem:s11+$0xFFFFFF50] =	vst v15;
	v13 =	vld [tilespmem:s18+$0xB0]  }
0x1b9: {  	v15 =	vld [tilespmem:s12+$0xFFFFFF60];
	[tilespmem:s11+$0xFFFFFFD0] =	vst v10;
	v10 =	vmul.f32 v14, v6  }
0x1ba: {  	[tilespmem:s11+$0x50] =	vst v12;
	v14 =	vld [tilespmem:s12+$0xFFFFFFE0];
	v8 =	vmul.f32 v11, v8  }
0x1bb: {  	v61 =	vld [tilespmem:s12+$0x60];
	v9 =	vmul.f32 v9, v4;
	[tilespmem:s16+$0xFFFFFFA0] =	vst v10  }
0x1bc: {  	v62 =	vld [tilespmem:s19+$0x70];
	[tilespmem:s11+$0xF0] =	vst v8;
	v8 =	vmul.f32 v60, v5  }
0x1bd: {  	v63 =	vld [tilespmem:s18+$0xFFFFFFB0];
	[tilespmem:s16+$0x20] =	vst v9;
	v9 =	vmul.f32 v13, v3  }
0x1be: {  	[tilespmem:s16+$0xFFFFFF20] =	vst v8;
	v12 =	vld [tilespmem:s18+$0x30];
	v8 =	vmul.f32 v15, v2  }
0x1bf: {  	v11 =	vld [tilespmem:s18+$0xFFFFFF30];
	[tilespmem:s16+$0xB0] =	vst v9;
	v9 =	vmul.f32 v14, v1  }
0x1c0: {  	v14 =	vmul.f32 v61, v0;
	v10 =	vld [tilespmem:s18+$0xC0];
	[tilespmem:s11+$0xFFFFFF60] =	vst v8  }
0x1c1: {  	v8 =	vld [tilespmem:s12+$0xFFFFFF70];
	[tilespmem:s11+$0xFFFFFFE0] =	vst v9;
	v9 =	vmul.f32 v62, v7  }
0x1c2: {  	s4 =	simm.s32 $0x8;
	s23 =	simm.s32 $0x13D8E;
	s19 =	simm.s32 $0x16300;
	v13 =	vmul.f32 v63, v6;
	[tilespmem:s11+$0x60] =	vst v14;
	v7 =	vld [tilespmem:s12+$0xFFFFFFF0]  }
.LBB2_5:
0x1c3: {  	v14 =	vld.msk [tilespmem:s23+$0x1 ss:$0x0], $0xffff;
	s4 =	sadd.s32 $0x4, s4;
	v12 =	vmul.f32 v12, v4;
	s18 =	sadd.s32 $0x200, s18;
	[tilespmem:s10+$0x70] =	vst v9;
	s10 =	smov.u32 s11  }
0x1c4: {  	s11 =	smov.u32 s16;
	v9 =	vld [tilespmem:s18+$0x80];
	p3 =	slt.u32 s4, $0x3C;
	v11 =	vmul.f32 v11, v5;
	[tilespmem:s16+$0xFFFFFFB0] =	vst v13  }
0x1c5: {  	v13 =	vld.msk [tilespmem:s23+$0xFFFFFFFE ss:$0x0], $0xffff;
	[tilespmem:s16+$0x30] =	vst v12;
	v10 =	vmul.f32 v10, v3  }
0x1c6: {  	v12 =	vld.msk [tilespmem:s23+$0xFFFFFFFF ss:$0x0], $0xffff;
	[tilespmem:s16+$0xFFFFFF30] =	vst v11;
	v8 =	vmul.f32 v8, v2;
	v2 =	vmov v5  }
0x1c7: {  	v15 =	vld.msk [tilespmem:s23+$0x0 ss:$0x0], $0xffff;
	[tilespmem:s16+$0xC0] =	vst v10;
	v5 =	vmul.f32 v7, v1;
	v1 =	vmov v6  }
0x1c8: {  	v7 =	vld [tilespmem:s19+$0xD0];
	[tilespmem:s10+$0xFFFFFF70] =	vst v8  }
0x1c9: {  	v8 =	vld [tilespmem:s18+$0xFFFFFF80];
	v16 =	vmul.f32 v9, v14;
	[tilespmem:s10+$0xFFFFFFF0] =	vst v5  }
0x1ca: {  	s16 =	sadd.s32 $0x200, s16;
	v9 =	vld [tilespmem:s18+$0x0]  }
0x1cb: {  	v10 =	vld [tilespmem:s18+$0xFFFFFF00];
	[tilespmem:s16+$0x80] =	vst v16;
	v5 =	vmov v13  }
0x1cc: {  	v6 =	vmov v12;
	v11 =	vld [tilespmem:s18+$0x90]  }
0x1cd: {  	v12 =	vld [tilespmem:s19+$0xFFFFFF40];
	v7 =	vmul.f32 v7, v3  }
0x1ce: {  	v8 =	vmul.f32 v8, v6;
	v13 =	vld [tilespmem:s19+$0xFFFFFFC0]  }
0x1cf: {  	v9 =	vmul.f32 v9, v15;
	v16 =	vld [tilespmem:s19+$0x40];
	[tilespmem:s11+$0xD0] =	vst v7  }
0x1d0: {  	v7 =	vmul.f32 v10, v5;
	[tilespmem:s16+$0xFFFFFF80] =	vst v8;
	v8 =	vld [tilespmem:s19+$0xE0]  }
0x1d1: {  	v10 =	vld [tilespmem:s18+$0xFFFFFF90];
	[tilespmem:s16+$0x0] =	vst v9;
	v9 =	vmul.f32 v11, v14  }
0x1d2: {  	[tilespmem:s16+$0xFFFFFF00] =	vst v7;
	v7 =	vld [tilespmem:s18+$0x10];
	v11 =	vmul.f32 v12, v2  }
0x1d3: {  	v12 =	vld [tilespmem:s18+$0xFFFFFF10];
	[tilespmem:s16+$0x90] =	vst v9;
	v9 =	vmul.f32 v13, v1  }
0x1d4: {  	v13 =	vld [tilespmem:s18+$0xA0];
	[tilespmem:s11+$0xFFFFFF40] =	vst v11;
	v11 =	vmul.f32 v16, v4  }
0x1d5: {  	v16 =	vld [tilespmem:s19+$0xFFFFFF50];
	[tilespmem:s11+$0xFFFFFFC0] =	vst v9;
	v8 =	vmul.f32 v8, v3  }
0x1d6: {  	v9 =	vmul.f32 v10, v6;
	v10 =	vld [tilespmem:s19+$0xFFFFFFD0];
	[tilespmem:s11+$0x40] =	vst v11  }
0x1d7: {  	v7 =	vmul.f32 v7, v15;
	v11 =	vld [tilespmem:s19+$0x50];
	[tilespmem:s11+$0xE0] =	vst v8  }
0x1d8: {  	v8 =	vmul.f32 v12, v5;
	[tilespmem:s16+$0xFFFFFF90] =	vst v9;
	v9 =	vld [tilespmem:s19+$0xF0]  }
0x1d9: {  	v12 =	vld [tilespmem:s18+$0xFFFFFFA0];
	[tilespmem:s16+$0x10] =	vst v7;
	v7 =	vmul.f32 v13, v14  }
0x1da: {  	[tilespmem:s16+$0xFFFFFF10] =	vst v8;
	v8 =	vld [tilespmem:s18+$0x20];
	v13 =	vmul.f32 v16, v2  }
0x1db: {  	v16 =	vld [tilespmem:s18+$0xFFFFFF20];
	[tilespmem:s16+$0xA0] =	vst v7;
	v7 =	vmul.f32 v10, v1  }
0x1dc: {  	v10 =	vld [tilespmem:s18+$0xB0];
	[tilespmem:s11+$0xFFFFFF50] =	vst v13;
	v11 =	vmul.f32 v11, v4  }
0x1dd: {  	v13 =	vld [tilespmem:s19+$0xFFFFFF60];
	[tilespmem:s11+$0xFFFFFFD0] =	vst v7;
	v7 =	vmul.f32 v9, v3;
	v3 =	vmov v14  }
0x1de: {  	v9 =	vmul.f32 v12, v6;
	v14 =	vld [tilespmem:s19+$0xFFFFFFE0];
	[tilespmem:s11+$0x50] =	vst v11  }
0x1df: {  	v8 =	vmul.f32 v8, v15;
	v17 =	vld [tilespmem:s19+$0x60];
	[tilespmem:s11+$0xF0] =	vst v7  }
0x1e0: {  	v7 =	vmul.f32 v16, v5;
	[tilespmem:s16+$0xFFFFFFA0] =	vst v9;
	v9 =	vld [tilespmem:s12+$0x70];
	s12 =	smov.u32 s19;
	s19 =	smov.u32 s18  }
0x1e1: {  	v16 =	vld [tilespmem:s18+$0xFFFFFFB0];
	[tilespmem:s16+$0x20] =	vst v8;
	v8 =	vmul.f32 v10, v3  }
.Ltmp3:
0x1e2: {  	[tilespmem:s16+$0xFFFFFF20] =	vst v7;
	v12 =	vld [tilespmem:s18+$0x30];
	v7 =	vmul.f32 v13, v2;
	(pc) =	sbr.rel @p3 .LBB2_5-.Ltmp3, $4  }
0x1e3: {  	v11 =	vld [tilespmem:s18+$0xFFFFFF30];
	[tilespmem:s16+$0xB0] =	vst v8;
	v13 =	vmul.f32 v14, v1  }
0x1e4: {  	v10 =	vld [tilespmem:s18+$0xC0];
	[tilespmem:s11+$0xFFFFFF60] =	vst v7;
	v14 =	vmul.f32 v17, v4  }
0x1e5: {  	v8 =	vld [tilespmem:s12+$0xFFFFFF70];
	[tilespmem:s11+$0xFFFFFFE0] =	vst v13;
	v9 =	vmul.f32 v9, v0;
	v0 =	vmov v4;
	v4 =	vmov v15  }
0x1e6: {  	s23 =	sadd.s32 $0x4, s23;
	v13 =	vmul.f32 v16, v6;
	v7 =	vld [tilespmem:s12+$0xFFFFFFF0];
	[tilespmem:s11+$0x60] =	vst v14  }
0x1e7: {  	v12 =	vmul.f32 v12, v4  }
0x1e8: {  	v11 =	vmul.f32 v11, v5;
	[tilespmem:s16+$0xFFFFFFB0] =	vst v13  }
0x1e9: {  	[tilespmem:s16+$0x30] =	vst v12;
	v47 =	vld [tilespmem:s19+$0xFFFFFFC0]  }
0x1ea: {  	[tilespmem:s16+$0xFFFFFF30] =	vst v11;
	v48 =	vld [tilespmem:s19+$0x40]  }
0x1eb: {  	v11 =	vld [tilespmem:s19+$0xFFFFFF40];
	_ =	sdelay $0x1  }
0x1ec: {  	v10 =	vmul.f32 v10, v3  }
0x1ed: {  	v12 =	vmul.f32 v47, v6  }
0x1ee: {  	[tilespmem:s16+$0xC0] =	vst v10;
	v51 =	vmul.f32 v48, v4  }
0x1ef: {  	v50 =	vld [tilespmem:s19+$0xD0];
	v49 =	vmul.f32 v11, v5;
	[tilespmem:s16+$0xFFFFFFC0] =	vst v12  }
0x1f0: {  	v12 =	vld [tilespmem:s19+$0xFFFFFFD0];
	[tilespmem:s16+$0x40] =	vst v51  }
0x1f1: {  	[tilespmem:s16+$0xFFFFFF40] =	vst v49;
	v10 =	vld [tilespmem:s19+$0x50]  }
0x1f2: {  	v52 =	vld [tilespmem:s19+$0xFFFFFF50];
	_ =	sdelay $0x1  }
0x1f3: {  	v11 =	vmul.f32 v50, v3  }
0x1f4: {  	v12 =	vmul.f32 v12, v6  }
0x1f5: {  	[tilespmem:s16+$0xD0] =	vst v11;
	v10 =	vmul.f32 v10, v4  }
0x1f6: {  	v54 =	vld [tilespmem:s19+$0xE0];
	v53 =	vmul.f32 v52, v5;
	[tilespmem:s16+$0xFFFFFFD0] =	vst v12  }
0x1f7: {  	v12 =	vld [tilespmem:s19+$0xFFFFFFE0];
	[tilespmem:s16+$0x50] =	vst v10  }
0x1f8: {  	[tilespmem:s16+$0xFFFFFF50] =	vst v53;
	v10 =	vld [tilespmem:s19+$0x60]  }
0x1f9: {  	v11 =	vld [tilespmem:s19+$0xFFFFFF60];
	_ =	sdelay $0x1  }
0x1fa: {  	v13 =	vmul.f32 v54, v3  }
0x1fb: {  	v12 =	vmul.f32 v12, v6  }
0x1fc: {  	v55 =	vld [tilespmem:s12+$0x70];
	[tilespmem:s16+$0xE0] =	vst v13;
	v10 =	vmul.f32 v10, v4  }
0x1fd: {  	v13 =	vld [tilespmem:s19+$0xF0];
	v11 =	vmul.f32 v11, v5;
	[tilespmem:s16+$0xFFFFFFE0] =	vst v12  }
0x1fe: {  	v57 =	vld [tilespmem:s19+$0xFFFFFFF0];
	[tilespmem:s16+$0x60] =	vst v10  }
0x1ff: {  	v2 =	vmul.f32 v8, v2;
	[tilespmem:s16+$0xFFFFFF60] =	vst v11;
	v58 =	vld [tilespmem:s19+$0x70]  }
0x200: {  	[tilespmem:s10+$0x70] =	vst v9;
	v1 =	vmul.f32 v7, v1;
	v56 =	vld [tilespmem:s19+$0xFFFFFF70]  }
0x201: {  	[tilespmem:s11+$0xFFFFFF70] =	vst v2;
	v0 =	vmul.f32 v55, v0  }
0x202: {  	[tilespmem:s11+$0xFFFFFFF0] =	vst v1;
	v59 =	vmul.f32 v13, v3  }
0x203: {  	[tilespmem:s11+$0x70] =	vst v0;
	v61 =	vmul.f32 v57, v6  }
0x204: {  	[tilespmem:s16+$0xF0] =	vst v59;
	v62 =	vmul.f32 v58, v4  }
0x205: {  	v60 =	vmul.f32 v56, v5;
	[tilespmem:s16+$0xFFFFFFF0] =	vst v61  }
0x206: {  	[tilespmem:s16+$0x70] =	vst v62  }
0x207: {  	[tilespmem:s16+$0xFFFFFF70] =	vst v60  }
0x208: {  	v0 =	vld [tilespmem:$0x13A80]  }
0x209: {  	v1 =	vld [tilespmem:$0x13A90]  }
0x20a: {  	v2 =	vld [tilespmem:$0x13AA0]  }
0x20b: {  	v63 =	vld [tilespmem:$0x13AB0];
	_ =	sdelay $0x1  }
.Ltmp4:
0x20c: {  	[tilespmem:$0x1BE80] =	vst v0;
	(pc) =	sbr.rel @p2 .LBB2_8-.Ltmp4, $4  }
0x20d: {  	[tilespmem:$0x1BE90] =	vst v1  }
0x20e: {  	[tilespmem:$0x1BEA0] =	vst v2  }
0x20f: {  	s4 =	simm.s32 $0x1BE80;
	s23 =	simm.s32 $0x19E00;
	[tilespmem:$0x1BEB0] =	vst v63  }
0x210: {  	[spmem:s3] =	stream.indirect.scatter.add.f32 [tilespmem:s23], [sflag:$0x6], $0x80, s4, s14, $0xb8;
	[tilespmem:$0x1BF00] =	vst v63  }
0x211: {  	s4 =	sadd.s32 s24, s22  }
0x212: {  	s4 =	sshrl.u32 s4, $0x3  }
0x213: {  	s10 =	sadd.s32 s6, s4  }
0x214: {  	[tilespmem:s9], [sflag:$0x2] =	stream.linear.gather [hbm4b:s10+s5], $0x40, $0x38;
	[tilespmem:$0x1BF00] =	vst v63  }
0x215: {  	s11 =	simm.s32 $0x13A80;
	s18 =	sadd.s32 s2, s4  }
0x216: {  	[tilespmem:s11], [sflag:$0x2] =	stream.linear.gather [hbm4b:s18+s5], $0x40, $0x38;
	[tilespmem:$0x1BF00] =	vst v63  }
.Ltmp5:
0x217: {  	_ = 	snop;
	(pc) =	sbr.rel .LBB2_2-.Ltmp5, $4  }
0x218: {  	s23 =	simm.s32 $0x13B80;
	s19 =	sadd.s32 s7, s4  }
0x219: {  	[tilespmem:s23], [sflag:$0x2] =	stream.linear.gather [hbm4b:s19+s5], $0x40, $0x38;
	[tilespmem:$0x1BF00] =	vst v63  }
0x21a: {  	s24 =	simm.s32 $0x13C80;
	s13 =	sadd.s32 $0x1, s13;
	s4 =	sadd.s32 s8, s4  }
0x21b: {  	[tilespmem:s24], [sflag:$0x2] =	stream.linear.gather [hbm4b:s4+s5], $0x40, $0x38;
	[tilespmem:$0x1BF00] =	vst v63  }
.LBB2_9:
0x21c: {  	_ =	sfence.sel $0x180000  }
0x21d: {  	[bflag:$0x0] =	sbarrier.arrive $0xFFFF  }
0x21e: {  	_ =	strace $0x9000004A  }
0x21f: {  	s0 =	stileid.u32;
	[bflag:$0x2] =	sbarrier.arrive $0xFFFF  }
0x220: {  	p0 =	sne.s32 s0, $0x0;
	s0 =	rddreg [dreg:$0x4]  }
0x221: {  	s0 =	sadd.s32 @!p0 $0x100000, s0  }
0x222: {  	[sflag:s0] =	ssyncadd.tile.s32 @!p0 $0x1;
	_ =	shalt  }
.Lfunc_end2:
_tile_overlayer_lowered:
.L_overlay_start_2:
0x223: {  	(tag) =	ssettag $0x2  }
0x224: {  	s0 =	rddreg [dreg:$0x0];
	s2 =	stileid.u32  }
0x225: {  	s1 =	rddreg [dreg:$0x1];
	p0 =	sne.s32 s2, $0x0  }
0x226: {  	s3 =	rddreg [dreg:$0x2];
	[bflag:$0x3] =	sbarrier.arrive $0xFFFF;
	s2 =	simm.s32 @!p0 $0x1C07  }
0x227: {  	[timem:s3], [sflag:s2] =	dma.local @!p0 [hbm:s0], s1  }
0x228: {  	s0 =	simm.s32 @!p0 $0x7  }
0x229: {  	_ =	swait.ge @!p0 [sflag:s0], s1  }
0x22a: {  	s1 =	ssub.s32 @!p0 $0x0, s1;
	[sflag:s0] =	ssyncset.done @!p0 $0x0  }
0x22b: {  	[sflag:s0] =	ssyncadd.s32 @!p0 s1  }
0x22c: {  	[bflag:$0x3] =	sbarrier.arrive $0xFFFF  }
0x22d: {  	_ =	shalt  }

</sc_bundles>
